<compile_context>
chip_gen: v7x
topology: tpu7x:2x2x1
jax: 0.10.2.dev20260603
libtpu: 0.0.44.dev20260713+nightly
codegen_flags: <defaults>
</compile_context>

<pallas_src>
import functools

import jax
import jax.numpy as jnp
from jax import lax
from jax.experimental import pallas as pl
from jax.experimental.pallas import tpu as pltpu
from jax.experimental.pallas import tpu_sc as plsc

N_NODES = 10000
EMBED = 128
E = 320000
B = 1024
L = 50

NC = 2
NS = 16
NW = NC * NS

NP = 10112
ROWS_PER_TILE = NP // NS
HCH = 80
CPW = E // (NW * HCH)
IDS = B * L
IDS_PER_W = IDS // NW
ACH = 80
A_CPW = IDS_PER_W // ACH
BPW = B // NW

_mesh = plsc.VectorSubcoreMesh(
    core_axis_name="c", subcore_axis_name="s", num_cores=NC, num_subcores=NS)


def _zero_vmem(buf, rows, cols):
  z = jnp.zeros((16,), jnp.float32)

  def body(i, _):
    for j in range(cols // 16):
      buf[i, pl.ds(j * 16, 16)] = z
    return 0

  lax.fori_loop(0, rows, body, 0)


def _hop_body(h_hbm, src_hbm, dst_hbm, p_out, idx_s, idx_d, rows, zbuf, acc,
              sem_f, sem_g, sem_s):
  c = lax.axis_index("c")
  s = lax.axis_index("s")
  base = s * ROWS_PER_TILE

  _zero_vmem(zbuf, 16, EMBED)

  def zcopy(k, _):
    pltpu.sync_copy(zbuf, acc.at[pl.ds(base + k * 16, 16)])
    return 0

  lax.fori_loop(0, 39, zcopy, 0)
  pltpu.sync_copy(zbuf.at[pl.ds(0, 8)], acc.at[pl.ds(base + 624, 8)])
  plsc.subcore_barrier()

  wid = s * NC + c
  ebase = wid * (CPW * HCH)

  def start_fetch(j):
    b = j & 3
    off = ebase + j * HCH
    pltpu.async_copy(src_hbm.at[pl.ds(off, HCH)], idx_s.at[b], sem_f.at[b])
    pltpu.async_copy(dst_hbm.at[pl.ds(off, HCH)], idx_d.at[b], sem_f.at[b])

  def wait_fetch(j):
    b = j & 3
    pltpu.make_async_copy(src_hbm.at[pl.ds(0, HCH)], idx_s.at[b],
                          sem_f.at[b]).wait()
    pltpu.make_async_copy(dst_hbm.at[pl.ds(0, HCH)], idx_d.at[b],
                          sem_f.at[b]).wait()

  def start_gather(j):
    pltpu.async_copy(h_hbm.at[idx_s.at[j & 3]], rows.at[j & 1],
                     sem_g.at[j & 1])

  def wait_gather(j):
    pltpu.make_async_copy(h_hbm.at[idx_s.at[j & 3]], rows.at[j & 1],
                          sem_g.at[j & 1]).wait()

  def start_scatter(j):
    pltpu.async_copy(rows.at[j & 1], acc.at[idx_d.at[j & 3]],
                     sem_s.at[j & 1], add=True)

  def wait_scatter(j):
    pltpu.make_async_copy(rows.at[j & 1], acc.at[idx_d.at[j & 3]],
                          sem_s.at[j & 1]).wait()

  start_fetch(0)
  start_fetch(1)
  wait_fetch(0)
  start_gather(0)

  def body(j, _):
    wait_gather(j)
    start_scatter(j)

    @pl.when(j + 2 < CPW)
    def _():
      start_fetch(j + 2)

    @pl.when(j + 1 < CPW)
    def _():
      @pl.when(j >= 1)
      def _():
        wait_scatter(j - 1)

      wait_fetch(j + 1)
      start_gather(j + 1)

    return 0

  lax.fori_loop(0, CPW, body, 0)
  wait_scatter(CPW - 2)
  wait_scatter(CPW - 1)
  plsc.subcore_barrier()

  pltpu.sync_copy(acc.at[pl.ds(base, ROWS_PER_TILE)],
                  p_out.at[c, pl.ds(base, ROWS_PER_TILE)])


_hop = pl.kernel(
    _hop_body,
    out_type=jax.ShapeDtypeStruct((NC, NP, EMBED), jnp.float32),
    mesh=_mesh,
    scratch_types=[
        pltpu.VMEM((4, HCH), jnp.int32),
        pltpu.VMEM((4, HCH), jnp.int32),
        pltpu.VMEM((2, HCH, EMBED), jnp.float32),
        pltpu.VMEM((16, EMBED), jnp.float32),
        pltpu.VMEM_SHARED((NP, EMBED), jnp.float32),
        pltpu.SemaphoreType.DMA((4,)),
        pltpu.SemaphoreType.DMA((2,)),
        pltpu.SemaphoreType.DMA((2,)),
    ],
)


NPD = 10240
DEG_PER_TILE = NPD // NS
E_PW = E // NW


def _deg_body(dst_hbm, degp_out, idxbuf, cnt, loc, stage, sem):
  del sem
  c = lax.axis_index("c")
  s = lax.axis_index("s")
  wid = s * NC + c

  z = jnp.zeros((16,), jnp.float32)

  def zb(i, _):
    cnt[pl.ds(i * 16, 16)] = z
    return 0

  lax.fori_loop(0, NPD // 16, zb, 0)

  pltpu.sync_copy(dst_hbm.at[pl.ds(wid * E_PW, E_PW)], idxbuf)
  one = jnp.ones((16,), jnp.float32)

  def hb(k, _):
    idx = idxbuf[pl.ds(k * 16, 16)]
    plsc.addupdate_scatter(cnt, [idx], one)
    return 0

  lax.fori_loop(0, E_PW // 16, hb, 0)

  pltpu.sync_copy(cnt, stage.at[s])
  plsc.subcore_barrier()
  for r in range(NS):
    pltpu.sync_copy(stage.at[r, pl.ds(s * DEG_PER_TILE, DEG_PER_TILE)],
                    loc.at[r])

  def sb(k, _):
    acc16 = loc[0, pl.ds(k * 16, 16)]
    for r in range(1, NS):
      acc16 = acc16 + loc[r, pl.ds(k * 16, 16)]
    cnt[pl.ds(k * 16, 16)] = acc16
    return 0

  lax.fori_loop(0, DEG_PER_TILE // 16, sb, 0)
  pltpu.sync_copy(cnt.at[pl.ds(0, DEG_PER_TILE)],
                  degp_out.at[c, pl.ds(s * DEG_PER_TILE, DEG_PER_TILE)])


_deg = pl.kernel(
    _deg_body,
    out_type=jax.ShapeDtypeStruct((NC, NPD), jnp.float32),
    mesh=_mesh,
    compiler_params=pltpu.CompilerParams(needs_layout_passes=False),
    scratch_types=[
        pltpu.VMEM((E_PW,), jnp.int32),
        pltpu.VMEM((NPD,), jnp.float32),
        pltpu.VMEM((NS, DEG_PER_TILE), jnp.float32),
        pltpu.VMEM_SHARED((NS, NPD), jnp.float32),
        pltpu.SemaphoreType.DMA,
    ],
)


def _attend_body(g_hbm, ids_hbm, bidx_hbm, num_out, idx_s, idx_d, rows,
                 zbuf, acc, sem_f, sem_g, sem_s):
  c = lax.axis_index("c")
  s = lax.axis_index("s")
  wid = s * NC + c
  obase = wid * BPW
  ebase = wid * IDS_PER_W

  _zero_vmem(zbuf, 16, EMBED)
  for k in range(4):
    pltpu.sync_copy(zbuf, acc.at[pl.ds(s * 64 + k * 16, 16)])
  plsc.subcore_barrier()

  def start_fetch(j):
    b = j & 3
    off = ebase + j * ACH
    pltpu.async_copy(ids_hbm.at[pl.ds(off, ACH)], idx_s.at[b], sem_f.at[b])
    pltpu.async_copy(bidx_hbm.at[pl.ds(off, ACH)], idx_d.at[b], sem_f.at[b])

  def wait_fetch(j):
    b = j & 3
    pltpu.make_async_copy(ids_hbm.at[pl.ds(0, ACH)], idx_s.at[b],
                          sem_f.at[b]).wait()
    pltpu.make_async_copy(bidx_hbm.at[pl.ds(0, ACH)], idx_d.at[b],
                          sem_f.at[b]).wait()

  def start_gather(j):
    pltpu.async_copy(g_hbm.at[idx_s.at[j & 3]], rows.at[j & 1],
                     sem_g.at[j & 1])

  def wait_gather(j):
    pltpu.make_async_copy(g_hbm.at[idx_s.at[j & 3]], rows.at[j & 1],
                          sem_g.at[j & 1]).wait()

  def start_scatter(j):
    pltpu.async_copy(rows.at[j & 1], acc.at[idx_d.at[j & 3]],
                     sem_s.at[j & 1], add=True)

  def wait_scatter(j):
    pltpu.make_async_copy(rows.at[j & 1], acc.at[idx_d.at[j & 3]],
                          sem_s.at[j & 1]).wait()

  start_fetch(0)
  start_fetch(1)
  wait_fetch(0)
  start_gather(0)

  def body(j, _):
    wait_gather(j)
    start_scatter(j)

    @pl.when(j + 2 < A_CPW)
    def _():
      start_fetch(j + 2)

    @pl.when(j + 1 < A_CPW)
    def _():
      @pl.when(j >= 1)
      def _():
        wait_scatter(j - 1)

      wait_fetch(j + 1)
      start_gather(j + 1)

    return 0

  lax.fori_loop(0, A_CPW, body, 0)
  wait_scatter(A_CPW - 2)
  wait_scatter(A_CPW - 1)
  plsc.subcore_barrier()

  pltpu.sync_copy(acc.at[pl.ds(obase, BPW)], num_out.at[pl.ds(obase, BPW)])


_attend = pl.kernel(
    _attend_body,
    out_type=jax.ShapeDtypeStruct((B, EMBED), jnp.float32),
    mesh=_mesh,
    scratch_types=[
        pltpu.VMEM((4, ACH), jnp.int32),
        pltpu.VMEM((4, ACH), jnp.int32),
        pltpu.VMEM((2, ACH, EMBED), jnp.float32),
        pltpu.VMEM((16, EMBED), jnp.float32),
        pltpu.VMEM_SHARED((B, EMBED), jnp.float32),
        pltpu.SemaphoreType.DMA((4,)),
        pltpu.SemaphoreType.DMA((2,)),
        pltpu.SemaphoreType.DMA((2,)),
    ],
)


def _den_body(etab_hbm, ids_hbm, bidx_hbm, den_out, etab, idsall, bidxall,
              denacc, sem):
  del sem
  c = lax.axis_index("c")
  s = lax.axis_index("s")
  wid = s * NC + c
  obase = wid * BPW
  ebase = wid * IDS_PER_W

  z = jnp.zeros((16,), jnp.float32)

  def zd(i, _):
    denacc[pl.ds(i * 16, 16)] = z
    return 0

  lax.fori_loop(0, B // 16, zd, 0)
  pltpu.sync_copy(etab_hbm, etab)
  pltpu.sync_copy(ids_hbm.at[pl.ds(ebase, IDS_PER_W)], idsall)
  pltpu.sync_copy(bidx_hbm.at[pl.ds(ebase, IDS_PER_W)], bidxall)

  def dsum(k, _):
    iv = idsall[pl.ds(k * 16, 16)]
    bv = bidxall[pl.ds(k * 16, 16)]
    ev = plsc.load_gather(etab, [iv])
    plsc.addupdate_scatter(denacc, [bv], ev)
    return 0

  lax.fori_loop(0, IDS_PER_W // 16, dsum, 0)
  pltpu.sync_copy(denacc.at[pl.ds(obase, BPW)],
                  den_out.at[pl.ds(obase, BPW)])


_den = pl.kernel(
    _den_body,
    out_type=jax.ShapeDtypeStruct((B,), jnp.float32),
    mesh=_mesh,
    compiler_params=pltpu.CompilerParams(needs_layout_passes=False),
    scratch_types=[
        pltpu.VMEM((NP,), jnp.float32),
        pltpu.VMEM((IDS_PER_W,), jnp.int32),
        pltpu.VMEM((IDS_PER_W,), jnp.int32),
        pltpu.VMEM((B,), jnp.float32),
        pltpu.SemaphoreType.DMA,
    ],
)


def _div_body(num_ref, den_ref, out_ref):
  out_ref[...] = num_ref[...] / den_ref[...]


_findiv = pl.pallas_call(
    _div_body,
    grid=(1,),
    in_specs=[
        pl.BlockSpec((B, EMBED), lambda i: (0, 0)),
        pl.BlockSpec((B, 1), lambda i: (0, 0)),
    ],
    out_specs=pl.BlockSpec((B, EMBED), lambda i: (0, 0)),
    out_shape=jax.ShapeDtypeStruct((B, EMBED), jnp.float32),
)



_CB = 632


def _combine_body(add_raw, p_ref, dp_ref, *rest):
  if add_raw:
    raw_ref, out_ref = rest
  else:
    (out_ref,) = rest
  acc = p_ref[0] + p_ref[1]
  deg = dp_ref[0] + dp_ref[1]
  deg = jnp.maximum(deg, 1.0)
  h = acc / deg
  if add_raw:
    h = h + raw_ref[...]
  out_ref[...] = h


def _make_combine(add_raw):
  in_specs = [
      pl.BlockSpec((NC, _CB, EMBED), lambda i: (0, i, 0)),
      pl.BlockSpec((NC, _CB, 1), lambda i: (0, i, 0)),
  ]
  if add_raw:
    in_specs.append(pl.BlockSpec((_CB, EMBED), lambda i: (i, 0)))
  return pl.pallas_call(
      functools.partial(_combine_body, add_raw),
      grid=(NP // _CB,),
      in_specs=in_specs,
      out_specs=pl.BlockSpec((_CB, EMBED), lambda i: (i, 0)),
      out_shape=jax.ShapeDtypeStruct((NP, EMBED), jnp.float32),
  )


def _fuse3_body(p_ref, dp_ref, emb_ref, w_ref, b_ref, wa_ref, v_ref, out_g,
                out_e):
  acc = p_ref[0] + p_ref[1]
  deg = jnp.maximum(dp_ref[0] + dp_ref[1], 1.0)
  hsum = acc / deg + emb_ref[...]
  feat = jnp.maximum(
      jnp.dot(hsum, w_ref[...], precision=lax.Precision.HIGHEST) +
      b_ref[...], 0.0)
  t = jnp.tanh(jnp.dot(feat, wa_ref[...], precision=lax.Precision.HIGHEST))
  sc = jnp.sum(t * v_ref[...], axis=1, keepdims=True)
  e = jnp.exp(sc)
  out_g[...] = feat * e
  out_e[...] = e


_fuse3 = pl.pallas_call(
    _fuse3_body,
    grid=(NP // _CB,),
    in_specs=[
        pl.BlockSpec((NC, _CB, EMBED), lambda i: (0, i, 0)),
        pl.BlockSpec((NC, _CB, 1), lambda i: (0, i, 0)),
        pl.BlockSpec((_CB, EMBED), lambda i: (i, 0)),
        pl.BlockSpec((EMBED, EMBED), lambda i: (0, 0)),
        pl.BlockSpec((1, EMBED), lambda i: (0, 0)),
        pl.BlockSpec((EMBED, EMBED), lambda i: (0, 0)),
        pl.BlockSpec((1, EMBED), lambda i: (0, 0)),
    ],
    out_specs=[
        pl.BlockSpec((_CB, EMBED), lambda i: (i, 0)),
        pl.BlockSpec((_CB, 1), lambda i: (i, 0)),
    ],
    out_shape=[
        jax.ShapeDtypeStruct((NP, EMBED), jnp.float32),
        jax.ShapeDtypeStruct((NP, 1), jnp.float32),
    ],
)


def kernel(node_ids, edge_index, embed_table, weight, bias, W_att, v_att):
  src = edge_index[0]
  dst = edge_index[1]
  embed_pad = jnp.pad(embed_table, ((0, NP - N_NODES), (0, 0)))

  comb1 = _make_combine(False)

  degp = _deg(dst).reshape(NC, NPD, 1)
  p1 = _hop(embed_pad, src, dst)
  h1 = comb1(p1, degp)
  p2 = _hop(h1, src, dst)
  g, ecol = _fuse3(p2, degp, embed_pad, weight, bias.reshape(1, EMBED),
                   W_att, v_att.reshape(1, EMBED))

  ids = node_ids.reshape(-1)
  bidx = jnp.arange(B * L, dtype=jnp.int32) // L
  num = _attend(g, ids, bidx)
  den = _den(ecol.reshape(NP), ids, bidx)
  return _findiv(num, den.reshape(B, 1))

# --- scband reference (transcript-rebuilt; emitter-appended) ---
"""Pipeline reference for scband-graph-model-68676527063669 (READ-ONLY COPY).

The authoritative reference and input builder live on the scoring server;
editing this copy changes nothing except your own understanding.
"""

import jax, jax.numpy as jnp
import numpy as np

N_NODES = 10000
K_HOP = 2
EMBED = 128


def setup_inputs(seed: int = 0) -> dict:
    key = jax.random.key(seed)
    ks = jax.random.split(key, 8)
    node_ids = jax.random.randint(ks[0], (1024, 50), 0, N_NODES, dtype=jnp.int32)
    edge_index = jax.random.randint(ks[1], (2, 320000), 0, N_NODES, dtype=jnp.int32)
    embed_table = jax.random.normal(ks[2], (N_NODES, EMBED), dtype=jnp.float32) * 0.02
    weight = jax.random.normal(ks[3], (EMBED, EMBED), dtype=jnp.float32) * 0.05
    bias = jax.random.normal(ks[4], (EMBED,), dtype=jnp.float32) * 0.05
    W_att = jax.random.normal(ks[5], (EMBED, EMBED), dtype=jnp.float32) * 0.05
    v_att = jax.random.normal(ks[6], (EMBED,), dtype=jnp.float32) * 0.05
    return {
        "node_ids": node_ids,
        "edge_index": edge_index,
        "embed_table": embed_table,
        "weight": weight,
        "bias": bias,
        "W_att": W_att,
        "v_att": v_att,
    }


def reference(node_ids, edge_index, embed_table, weight, bias, W_att, v_att):
    src = edge_index[0]
    dst = edge_index[1]
    e = src.shape[0]
    # degree for mean aggregation
    deg = jax.ops.segment_sum(jnp.ones((e,), dtype=jnp.float32), dst, num_segments=N_NODES)
    deg = jnp.clip(deg, 1.0, None)
    # k-hop mean neighbor aggregation over the full graph (GraphAggregator)
    h = embed_table
    for _ in range(K_HOP):
        msg = jnp.take(h, src, axis=0)                      # gather  [E, d]
        agg = jax.ops.segment_sum(msg, dst, num_segments=N_NODES)  # scatter-add [N, d]
        h = agg / deg[:, None]
    # gather aggregated + raw embeddings for the behavior sequences
    agg_feat = jnp.take(h, node_ids, axis=0)                # [B, L, d]
    raw_feat = jnp.take(embed_table, node_ids, axis=0)      # [B, L, d]
    # _linear_transform: combine both feature streams, linear + relu
    feat = jnp.maximum(agg_feat @ weight + raw_feat @ weight + bias, 0.0)  # [B, L, d]
    # BehaviorAggregator: attention pooling over the behavior sequence
    scores = jnp.tanh(feat @ W_att) @ v_att                  # [B, L]
    attn = jax.nn.softmax(scores, axis=-1)
    out = jnp.einsum('bl,bld->bd', attn, feat)               # [B, d]
    return out

if __name__ == "__main__":
    import jax
    _d = setup_inputs()
    print(jax.jit(kernel)(*tuple(_d.values())))

</pallas_src>

<mosaic_0001>
#map = affine_map<(d0, d1) -> (0, 0)>
#map1 = affine_map<(d0, d1) -> (0)>
#map2 = affine_map<(d0, d1) -> (0, 0, 0)>
module attributes {stable_mosaic.version = 14 : i64} {
  func.func @_hop_body(%arg0: i32, %arg1: i32, %arg2: memref<10112x128xf32, #tpu.memory_space<hbm>>, %arg3: memref<320000xi32, #tpu.memory_space<hbm>>, %arg4: memref<320000xi32, #tpu.memory_space<hbm>>, %arg5: memref<2x10112x128xf32, #tpu.memory_space<hbm>>, %arg6: memref<4x80xi32, #tpu.memory_space<vmem>>, %arg7: memref<4x80xi32, #tpu.memory_space<vmem>>, %arg8: memref<2x80x128xf32, #tpu.memory_space<vmem>>, %arg9: memref<16x128xf32, #tpu.memory_space<vmem>>, %arg10: memref<10112x128xf32, #tpu.memory_space<vmem_shared>>, %arg11: memref<4x!tpu.dma_semaphore, #tpu.memory_space<semaphore_mem>>, %arg12: memref<2x!tpu.dma_semaphore, #tpu.memory_space<semaphore_mem>>, %arg13: memref<2x!tpu.dma_semaphore, #tpu.memory_space<semaphore_mem>>) attributes {dimension_semantics = [#tpu.dimension_semantics<core_parallel>, #tpu.dimension_semantics<subcore_parallel>], iteration_bounds = array<i64: 2, 16>, scalar_prefetch = 0 : i64, scratch_operands = 8 : i64, tpu.core_type = #tpu.core_type<sc_vector_subcore>, window_params = [{transform_indices = #map}, {transform_indices = #map1}, {transform_indices = #map1}, {transform_indices = #map2}]} {
    %mul3A = arith.constant 632 : i32
    %mul3A_0 = arith.muli %arg1, %mul3A : i32
    %broadcast_in_dim3A = arith.constant 0.000000e+00 : f32
    %broadcast_in_dim3A_1 = vector.broadcast %broadcast_in_dim3A : f32 to vector<16xf32>
    %scan3A = arith.constant 0 : i32
    %scan3A_2 = arith.constant 0 : i32
    %scan3A_3 = arith.constant 16 : i32
    %scan3A_4 = arith.addi %scan3A_2, %scan3A_3 : i32
    %scan3A_5 = arith.constant 1 : i32
    %scan3A_6 = scf.for %scan3A_152 = %scan3A_2 to %scan3A_4 step %scan3A_5 iter_args(%scan3A_153 = %scan3A) -> (i32)  : i32 {
      %swap3A = arith.index_cast %scan3A_152 : i32 to index
      %swap3A_154 = arith.constant 0 : index
      %swap3A_155 = tpu.vector_load %arg9[%swap3A, %swap3A_154] {strides = array<i32>} : memref<16x128xf32, #tpu.memory_space<vmem>>, vector<1x16xf32>,
      %swap3A_156 = vector.shape_cast %swap3A_155 : vector<1x16xf32> to vector<16xf32>
      %swap3A_157 = vector.shape_cast %broadcast_in_dim3A_1 : vector<16xf32> to vector<1x16xf32>
      tpu.vector_store %arg9[%swap3A, %swap3A_154], %swap3A_157 {strides = array<i32>} : memref<16x128xf32, #tpu.memory_space<vmem>>, vector<1x16xf32>,
      %swap3A_158 = arith.index_cast %scan3A_152 : i32 to index
      %swap3A_159 = arith.constant 16 : index
      %swap3A_160 = tpu.vector_load %arg9[%swap3A_158, %swap3A_159] {strides = array<i32>} : memref<16x128xf32, #tpu.memory_space<vmem>>, vector<1x16xf32>,
      %swap3A_161 = vector.shape_cast %swap3A_160 : vector<1x16xf32> to vector<16xf32>
      %swap3A_162 = vector.shape_cast %broadcast_in_dim3A_1 : vector<16xf32> to vector<1x16xf32>
      tpu.vector_store %arg9[%swap3A_158, %swap3A_159], %swap3A_162 {strides = array<i32>} : memref<16x128xf32, #tpu.memory_space<vmem>>, vector<1x16xf32>,
      %swap3A_163 = arith.index_cast %scan3A_152 : i32 to index
      %swap3A_164 = arith.constant 32 : index
      %swap3A_165 = tpu.vector_load %arg9[%swap3A_163, %swap3A_164] {strides = array<i32>} : memref<16x128xf32, #tpu.memory_space<vmem>>, vector<1x16xf32>,
      %swap3A_166 = vector.shape_cast %swap3A_165 : vector<1x16xf32> to vector<16xf32>
      %swap3A_167 = vector.shape_cast %broadcast_in_dim3A_1 : vector<16xf32> to vector<1x16xf32>
      tpu.vector_store %arg9[%swap3A_163, %swap3A_164], %swap3A_167 {strides = array<i32>} : memref<16x128xf32, #tpu.memory_space<vmem>>, vector<1x16xf32>,
      %swap3A_168 = arith.index_cast %scan3A_152 : i32 to index
      %swap3A_169 = arith.constant 48 : index
      %swap3A_170 = tpu.vector_load %arg9[%swap3A_168, %swap3A_169] {strides = array<i32>} : memref<16x128xf32, #tpu.memory_space<vmem>>, vector<1x16xf32>,
      %swap3A_171 = vector.shape_cast %swap3A_170 : vector<1x16xf32> to vector<16xf32>
      %swap3A_172 = vector.shape_cast %broadcast_in_dim3A_1 : vector<16xf32> to vector<1x16xf32>
      tpu.vector_store %arg9[%swap3A_168, %swap3A_169], %swap3A_172 {strides = array<i32>} : memref<16x128xf32, #tpu.memory_space<vmem>>, vector<1x16xf32>,
      %swap3A_173 = arith.index_cast %scan3A_152 : i32 to index
      %swap3A_174 = arith.constant 64 : index
      %swap3A_175 = tpu.vector_load %arg9[%swap3A_173, %swap3A_174] {strides = array<i32>} : memref<16x128xf32, #tpu.memory_space<vmem>>, vector<1x16xf32>,
      %swap3A_176 = vector.shape_cast %swap3A_175 : vector<1x16xf32> to vector<16xf32>
      %swap3A_177 = vector.shape_cast %broadcast_in_dim3A_1 : vector<16xf32> to vector<1x16xf32>
      tpu.vector_store %arg9[%swap3A_173, %swap3A_174], %swap3A_177 {strides = array<i32>} : memref<16x128xf32, #tpu.memory_space<vmem>>, vector<1x16xf32>,
      %swap3A_178 = arith.index_cast %scan3A_152 : i32 to index
      %swap3A_179 = arith.constant 80 : index
      %swap3A_180 = tpu.vector_load %arg9[%swap3A_178, %swap3A_179] {strides = array<i32>} : memref<16x128xf32, #tpu.memory_space<vmem>>, vector<1x16xf32>,
      %swap3A_181 = vector.shape_cast %swap3A_180 : vector<1x16xf32> to vector<16xf32>
      %swap3A_182 = vector.shape_cast %broadcast_in_dim3A_1 : vector<16xf32> to vector<1x16xf32>
      tpu.vector_store %arg9[%swap3A_178, %swap3A_179], %swap3A_182 {strides = array<i32>} : memref<16x128xf32, #tpu.memory_space<vmem>>, vector<1x16xf32>,
      %swap3A_183 = arith.index_cast %scan3A_152 : i32 to index
      %swap3A_184 = arith.constant 96 : index
      %swap3A_185 = tpu.vector_load %arg9[%swap3A_183, %swap3A_184] {strides = array<i32>} : memref<16x128xf32, #tpu.memory_space<vmem>>, vector<1x16xf32>,
      %swap3A_186 = vector.shape_cast %swap3A_185 : vector<1x16xf32> to vector<16xf32>
      %swap3A_187 = vector.shape_cast %broadcast_in_dim3A_1 : vector<16xf32> to vector<1x16xf32>
      tpu.vector_store %arg9[%swap3A_183, %swap3A_184], %swap3A_187 {strides = array<i32>} : memref<16x128xf32, #tpu.memory_space<vmem>>, vector<1x16xf32>,
      %swap3A_188 = arith.index_cast %scan3A_152 : i32 to index
      %swap3A_189 = arith.constant 112 : index
      %swap3A_190 = tpu.vector_load %arg9[%swap3A_188, %swap3A_189] {strides = array<i32>} : memref<16x128xf32, #tpu.memory_space<vmem>>, vector<1x16xf32>,
      %swap3A_191 = vector.shape_cast %swap3A_190 : vector<1x16xf32> to vector<16xf32>
      %swap3A_192 = vector.shape_cast %broadcast_in_dim3A_1 : vector<16xf32> to vector<1x16xf32>
      tpu.vector_store %arg9[%swap3A_188, %swap3A_189], %swap3A_192 {strides = array<i32>} : memref<16x128xf32, #tpu.memory_space<vmem>>, vector<1x16xf32>,
      %scan3A_193 = arith.constant 0 : i32
      scf.yield %scan3A_193 : i32
    }
    %scan3A_7 = arith.constant 16 : i32
    %scan3A_8 = arith.constant 0 : i32
    %scan3A_9 = arith.constant 0 : i32
    %scan3A_10 = arith.constant 39 : i32
    %scan3A_11 = arith.addi %scan3A_9, %scan3A_10 : i32
    %scan3A_12 = arith.constant 1 : i32
    %scan3A_13 = scf.for %scan3A_152 = %scan3A_9 to %scan3A_11 step %scan3A_12 iter_args(%scan3A_153 = %scan3A_8) -> (i32)  : i32 {
      %mul3A_154 = arith.constant 16 : i32
      %mul3A_155 = arith.muli %scan3A_152, %mul3A_154 : i32
      %add3A_156 = arith.addi %mul3A_0, %mul3A_155 : i32
      "tpu.region"() ({
        %run_scoped3A = tpu.sem_alloc : memref<!tpu.dma_semaphore, #tpu.memory_space<semaphore_mem>>
        %dma_start3A_158 = arith.constant 0 : i32
        %dma_start3A_159 = tpu.memref_slice %arg10[%add3A_156, %dma_start3A_158] : memref<10112x128xf32, #tpu.memory_space<vmem_shared>> -> memref<16x128xf32, #tpu.memory_space<vmem_shared>>
        %dma_start3A_160 = arith.constant 0 : i32
        %dma_start3A_161 = tpu.memref_slice %arg10[%add3A_156, %dma_start3A_160] : memref<10112x128xf32, #tpu.memory_space<vmem_shared>> -> memref<16x128xf32, #tpu.memory_space<vmem_shared>>
        tpu.enqueue_dma source(%arg9 : memref<16x128xf32, #tpu.memory_space<vmem>>) target(%dma_start3A_161 : memref<16x128xf32, #tpu.memory_space<vmem_shared>>) target_semaphore(%run_scoped3A : memref<!tpu.dma_semaphore, #tpu.memory_space<semaphore_mem>>)
        %dma_wait3A_162 = arith.constant 0 : i32
        %dma_wait3A_163 = tpu.memref_slice %arg10[%add3A_156, %dma_wait3A_162] : memref<10112x128xf32, #tpu.memory_space<vmem_shared>> -> memref<16x128xf32, #tpu.memory_space<vmem_shared>>
        %dma_wait3A_164 = arith.constant 0 : i32
        %dma_wait3A_165 = tpu.memref_slice %arg10[%add3A_156, %dma_wait3A_164] : memref<10112x128xf32, #tpu.memory_space<vmem_shared>> -> memref<16x128xf32, #tpu.memory_space<vmem_shared>>
        tpu.wait_dma2 semaphore(%run_scoped3A : memref<!tpu.dma_semaphore, #tpu.memory_space<semaphore_mem>>) src(%arg9 : memref<16x128xf32, #tpu.memory_space<vmem>>) dst(%dma_wait3A_165 : memref<16x128xf32, #tpu.memory_space<vmem_shared>>)
        tpu.yield
      }) : () -> ()
      %scan3A_157 = arith.constant 0 : i32
      scf.yield %scan3A_157 : i32
    }
    %scan3A_14 = arith.constant 39 : i32
    %add3A = arith.constant 624 : i32
    %add3A_15 = arith.addi %mul3A_0, %add3A : i32
    "tpu.region"() ({
      %run_scoped3A = tpu.sem_alloc : memref<!tpu.dma_semaphore, #tpu.memory_space<semaphore_mem>>
      %dma_start3A_152 = arith.constant 0 : i32
      %dma_start3A_153 = arith.constant 0 : i32
      %dma_start3A_154 = tpu.memref_slice %arg9[%dma_start3A_152, %dma_start3A_153] : memref<16x128xf32, #tpu.memory_space<vmem>> -> memref<8x128xf32, #tpu.memory_space<vmem>>
      %dma_start3A_155 = arith.constant 0 : i32
      %dma_start3A_156 = tpu.memref_slice %arg10[%add3A_15, %dma_start3A_155] : memref<10112x128xf32, #tpu.memory_space<vmem_shared>> -> memref<8x128xf32, #tpu.memory_space<vmem_shared>>
      %dma_start3A_157 = arith.constant 0 : i32
      %dma_start3A_158 = tpu.memref_slice %arg10[%add3A_15, %dma_start3A_157] : memref<10112x128xf32, #tpu.memory_space<vmem_shared>> -> memref<8x128xf32, #tpu.memory_space<vmem_shared>>
      %dma_start3A_159 = arith.constant 0 : i32
      %dma_start3A_160 = arith.constant 0 : i32
      %dma_start3A_161 = tpu.memref_slice %arg9[%dma_start3A_159, %dma_start3A_160] : memref<16x128xf32, #tpu.memory_space<vmem>> -> memref<8x128xf32, #tpu.memory_space<vmem>>
      tpu.enqueue_dma source(%dma_start3A_161 : memref<8x128xf32, #tpu.memory_space<vmem>>) target(%dma_start3A_158 : memref<8x128xf32, #tpu.memory_space<vmem_shared>>) target_semaphore(%run_scoped3A : memref<!tpu.dma_semaphore, #tpu.memory_space<semaphore_mem>>)
      %dma_wait3A_162 = arith.constant 0 : i32
      %dma_wait3A_163 = arith.constant 0 : i32
      %dma_wait3A_164 = tpu.memref_slice %arg9[%dma_wait3A_162, %dma_wait3A_163] : memref<16x128xf32, #tpu.memory_space<vmem>> -> memref<8x128xf32, #tpu.memory_space<vmem>>
      %dma_wait3A_165 = arith.constant 0 : i32
      %dma_wait3A_166 = tpu.memref_slice %arg10[%add3A_15, %dma_wait3A_165] : memref<10112x128xf32, #tpu.memory_space<vmem_shared>> -> memref<8x128xf32, #tpu.memory_space<vmem_shared>>
      %dma_wait3A_167 = arith.constant 0 : i32
      %dma_wait3A_168 = tpu.memref_slice %arg10[%add3A_15, %dma_wait3A_167] : memref<10112x128xf32, #tpu.memory_space<vmem_shared>> -> memref<8x128xf32, #tpu.memory_space<vmem_shared>>
      %dma_wait3A_169 = arith.constant 0 : i32
      %dma_wait3A_170 = arith.constant 0 : i32
      %dma_wait3A_171 = tpu.memref_slice %arg9[%dma_wait3A_169, %dma_wait3A_170] : memref<16x128xf32, #tpu.memory_space<vmem>> -> memref<8x128xf32, #tpu.memory_space<vmem>>
      tpu.wait_dma2 semaphore(%run_scoped3A : memref<!tpu.dma_semaphore, #tpu.memory_space<semaphore_mem>>) src(%dma_wait3A_171 : memref<8x128xf32, #tpu.memory_space<vmem>>) dst(%dma_wait3A_168 : memref<8x128xf32, #tpu.memory_space<vmem_shared>>)
      tpu.yield
    }) : () -> ()
    %barrier3A = arith.constant 0 : index
    tpu.barrier barrier_id(%barrier3A)
    %mul3A_16 = arith.constant 2 : i32
    %mul3A_17 = arith.muli %arg1, %mul3A_16 : i32
    %add3A_18 = arith.addi %mul3A_17, %arg0 : i32
    %mul3A_19 = arith.constant 10000 : i32
    %mul3A_20 = arith.muli %add3A_18, %mul3A_19 : i32
    %add3A_21 = arith.constant 0 : i32
    %add3A_22 = arith.addi %mul3A_20, %add3A_21 : i32
    %dma_start3A = arith.constant 0 : i32
    %dma_start3A_23 = arith.constant 0 : i32
    %dma_start3A_24 = arith.constant 0 : i32
    %dma_start3A_25 = tpu.memref_slice %arg6[%dma_start3A, %dma_start3A_24] : memref<4x80xi32, #tpu.memory_space<vmem>> -> memref<1x80xi32, #tpu.memory_space<vmem>>
    %dma_start3A_26 = tpu.memref_squeeze %dma_start3A_25 : memref<1x80xi32, #tpu.memory_space<vmem>> -> memref<80xi32, #tpu.memory_space<vmem>>
    %dma_start3A_27 = tpu.memref_slice %arg3[%add3A_22] : memref<320000xi32, #tpu.memory_space<hbm>> -> memref<80xi32, #tpu.memory_space<hbm>>
    %dma_start3A_28 = tpu.memref_slice %arg11[%dma_start3A_23] : memref<4x!tpu.dma_semaphore, #tpu.memory_space<semaphore_mem>> -> memref<1x!tpu.dma_semaphore, #tpu.memory_space<semaphore_mem>>
    %dma_start3A_29 = tpu.memref_squeeze %dma_start3A_28 : memref<1x!tpu.dma_semaphore, #tpu.memory_space<semaphore_mem>> -> memref<!tpu.dma_semaphore, #tpu.memory_space<semaphore_mem>>
    %dma_start3A_30 = arith.constant 0 : i32
    %dma_start3A_31 = tpu.memref_slice %arg6[%dma_start3A, %dma_start3A_30] : memref<4x80xi32, #tpu.memory_space<vmem>> -> memref<1x80xi32, #tpu.memory_space<vmem>>
    %dma_start3A_32 = tpu.memref_squeeze %dma_start3A_31 : memref<1x80xi32, #tpu.memory_space<vmem>> -> memref<80xi32, #tpu.memory_space<vmem>>
    %dma_start3A_33 = tpu.memref_slice %arg3[%add3A_22] : memref<320000xi32, #tpu.memory_space<hbm>> -> memref<80xi32, #tpu.memory_space<hbm>>
    tpu.enqueue_dma source(%dma_start3A_33 : memref<80xi32, #tpu.memory_space<hbm>>) target(%dma_start3A_32 : memref<80xi32, #tpu.memory_space<vmem>>) target_semaphore(%dma_start3A_29 : memref<!tpu.dma_semaphore, #tpu.memory_space<semaphore_mem>>)
    %dma_start3A_34 = arith.constant 0 : i32
    %dma_start3A_35 = arith.constant 0 : i32
    %dma_start3A_36 = arith.constant 0 : i32
    %dma_start3A_37 = tpu.memref_slice %arg7[%dma_start3A_34, %dma_start3A_36] : memref<4x80xi32, #tpu.memory_space<vmem>> -> memref<1x80xi32, #tpu.memory_space<vmem>>
    %dma_start3A_38 = tpu.memref_squeeze %dma_start3A_37 : memref<1x80xi32, #tpu.memory_space<vmem>> -> memref<80xi32, #tpu.memory_space<vmem>>
    %dma_start3A_39 = tpu.memref_slice %arg4[%add3A_22] : memref<320000xi32, #tpu.memory_space<hbm>> -> memref<80xi32, #tpu.memory_space<hbm>>
    %dma_start3A_40 = tpu.memref_slice %arg11[%dma_start3A_35] : memref<4x!tpu.dma_semaphore, #tpu.memory_space<semaphore_mem>> -> memref<1x!tpu.dma_semaphore, #tpu.memory_space<semaphore_mem>>
    %dma_start3A_41 = tpu.memref_squeeze %dma_start3A_40 : memref<1x!tpu.dma_semaphore, #tpu.memory_space<semaphore_mem>> -> memref<!tpu.dma_semaphore, #tpu.memory_space<semaphore_mem>>
    %dma_start3A_42 = arith.constant 0 : i32
    %dma_start3A_43 = tpu.memref_slice %arg7[%dma_start3A_34, %dma_start3A_42] : memref<4x80xi32, #tpu.memory_space<vmem>> -> memref<1x80xi32, #tpu.memory_space<vmem>>
    %dma_start3A_44 = tpu.memref_squeeze %dma_start3A_43 : memref<1x80xi32, #tpu.memory_space<vmem>> -> memref<80xi32, #tpu.memory_space<vmem>>
    %dma_start3A_45 = tpu.memref_slice %arg4[%add3A_22] : memref<320000xi32, #tpu.memory_space<hbm>> -> memref<80xi32, #tpu.memory_space<hbm>>
    tpu.enqueue_dma source(%dma_start3A_45 : memref<80xi32, #tpu.memory_space<hbm>>) target(%dma_start3A_44 : memref<80xi32, #tpu.memory_space<vmem>>) target_semaphore(%dma_start3A_41 : memref<!tpu.dma_semaphore, #tpu.memory_space<semaphore_mem>>)
    %add3A_46 = arith.constant 80 : i32
    %add3A_47 = arith.addi %mul3A_20, %add3A_46 : i32
    %dma_start3A_48 = arith.constant 1 : i32
    %dma_start3A_49 = arith.constant 1 : i32
    %dma_start3A_50 = arith.constant 0 : i32
    %dma_start3A_51 = tpu.memref_slice %arg6[%dma_start3A_48, %dma_start3A_50] : memref<4x80xi32, #tpu.memory_space<vmem>> -> memref<1x80xi32, #tpu.memory_space<vmem>>
    %dma_start3A_52 = tpu.memref_squeeze %dma_start3A_51 : memref<1x80xi32, #tpu.memory_space<vmem>> -> memref<80xi32, #tpu.memory_space<vmem>>
    %dma_start3A_53 = tpu.memref_slice %arg3[%add3A_47] : memref<320000xi32, #tpu.memory_space<hbm>> -> memref<80xi32, #tpu.memory_space<hbm>>
    %dma_start3A_54 = tpu.memref_slice %arg11[%dma_start3A_49] : memref<4x!tpu.dma_semaphore, #tpu.memory_space<semaphore_mem>> -> memref<1x!tpu.dma_semaphore, #tpu.memory_space<semaphore_mem>>
    %dma_start3A_55 = tpu.memref_squeeze %dma_start3A_54 : memref<1x!tpu.dma_semaphore, #tpu.memory_space<semaphore_mem>> -> memref<!tpu.dma_semaphore, #tpu.memory_space<semaphore_mem>>
    %dma_start3A_56 = arith.constant 0 : i32
    %dma_start3A_57 = tpu.memref_slice %arg6[%dma_start3A_48, %dma_start3A_56] : memref<4x80xi32, #tpu.memory_space<vmem>> -> memref<1x80xi32, #tpu.memory_space<vmem>>
    %dma_start3A_58 = tpu.memref_squeeze %dma_start3A_57 : memref<1x80xi32, #tpu.memory_space<vmem>> -> memref<80xi32, #tpu.memory_space<vmem>>
    %dma_start3A_59 = tpu.memref_slice %arg3[%add3A_47] : memref<320000xi32, #tpu.memory_space<hbm>> -> memref<80xi32, #tpu.memory_space<hbm>>
    tpu.enqueue_dma source(%dma_start3A_59 : memref<80xi32, #tpu.memory_space<hbm>>) target(%dma_start3A_58 : memref<80xi32, #tpu.memory_space<vmem>>) target_semaphore(%dma_start3A_55 : memref<!tpu.dma_semaphore, #tpu.memory_space<semaphore_mem>>)
    %dma_start3A_60 = arith.constant 1 : i32
    %dma_start3A_61 = arith.constant 1 : i32
    %dma_start3A_62 = arith.constant 0 : i32
    %dma_start3A_63 = tpu.memref_slice %arg7[%dma_start3A_60, %dma_start3A_62] : memref<4x80xi32, #tpu.memory_space<vmem>> -> memref<1x80xi32, #tpu.memory_space<vmem>>
    %dma_start3A_64 = tpu.memref_squeeze %dma_start3A_63 : memref<1x80xi32, #tpu.memory_space<vmem>> -> memref<80xi32, #tpu.memory_space<vmem>>
    %dma_start3A_65 = tpu.memref_slice %arg4[%add3A_47] : memref<320000xi32, #tpu.memory_space<hbm>> -> memref<80xi32, #tpu.memory_space<hbm>>
    %dma_start3A_66 = tpu.memref_slice %arg11[%dma_start3A_61] : memref<4x!tpu.dma_semaphore, #tpu.memory_space<semaphore_mem>> -> memref<1x!tpu.dma_semaphore, #tpu.memory_space<semaphore_mem>>
    %dma_start3A_67 = tpu.memref_squeeze %dma_start3A_66 : memref<1x!tpu.dma_semaphore, #tpu.memory_space<semaphore_mem>> -> memref<!tpu.dma_semaphore, #tpu.memory_space<semaphore_mem>>
    %dma_start3A_68 = arith.constant 0 : i32
    %dma_start3A_69 = tpu.memref_slice %arg7[%dma_start3A_60, %dma_start3A_68] : memref<4x80xi32, #tpu.memory_space<vmem>> -> memref<1x80xi32, #tpu.memory_space<vmem>>
    %dma_start3A_70 = tpu.memref_squeeze %dma_start3A_69 : memref<1x80xi32, #tpu.memory_space<vmem>> -> memref<80xi32, #tpu.memory_space<vmem>>
    %dma_start3A_71 = tpu.memref_slice %arg4[%add3A_47] : memref<320000xi32, #tpu.memory_space<hbm>> -> memref<80xi32, #tpu.memory_space<hbm>>
    tpu.enqueue_dma source(%dma_start3A_71 : memref<80xi32, #tpu.memory_space<hbm>>) target(%dma_start3A_70 : memref<80xi32, #tpu.memory_space<vmem>>) target_semaphore(%dma_start3A_67 : memref<!tpu.dma_semaphore, #tpu.memory_space<semaphore_mem>>)
    %dma_wait3A = arith.constant 0 : i32
    %dma_wait3A_72 = arith.constant 0 : i32
    %dma_wait3A_73 = arith.constant 0 : i32
    %dma_wait3A_74 = tpu.memref_slice %arg6[%dma_wait3A, %dma_wait3A_73] : memref<4x80xi32, #tpu.memory_space<vmem>> -> memref<1x80xi32, #tpu.memory_space<vmem>>
    %dma_wait3A_75 = tpu.memref_squeeze %dma_wait3A_74 : memref<1x80xi32, #tpu.memory_space<vmem>> -> memref<80xi32, #tpu.memory_space<vmem>>
    %dma_wait3A_76 = arith.constant 0 : i32
    %dma_wait3A_77 = tpu.memref_slice %arg3[%dma_wait3A_76] : memref<320000xi32, #tpu.memory_space<hbm>> -> memref<80xi32, #tpu.memory_space<hbm>>
    %dma_wait3A_78 = tpu.memref_slice %arg11[%dma_wait3A_72] : memref<4x!tpu.dma_semaphore, #tpu.memory_space<semaphore_mem>> -> memref<1x!tpu.dma_semaphore, #tpu.memory_space<semaphore_mem>>
    %dma_wait3A_79 = tpu.memref_squeeze %dma_wait3A_78 : memref<1x!tpu.dma_semaphore, #tpu.memory_space<semaphore_mem>> -> memref<!tpu.dma_semaphore, #tpu.memory_space<semaphore_mem>>
    %dma_wait3A_80 = arith.constant 0 : i32
    %dma_wait3A_81 = tpu.memref_slice %arg6[%dma_wait3A, %dma_wait3A_80] : memref<4x80xi32, #tpu.memory_space<vmem>> -> memref<1x80xi32, #tpu.memory_space<vmem>>
    %dma_wait3A_82 = tpu.memref_squeeze %dma_wait3A_81 : memref<1x80xi32, #tpu.memory_space<vmem>> -> memref<80xi32, #tpu.memory_space<vmem>>
    %dma_wait3A_83 = arith.constant 0 : i32
    %dma_wait3A_84 = tpu.memref_slice %arg3[%dma_wait3A_83] : memref<320000xi32, #tpu.memory_space<hbm>> -> memref<80xi32, #tpu.memory_space<hbm>>
    tpu.wait_dma2 semaphore(%dma_wait3A_79 : memref<!tpu.dma_semaphore, #tpu.memory_space<semaphore_mem>>) src(%dma_wait3A_84 : memref<80xi32, #tpu.memory_space<hbm>>) dst(%dma_wait3A_82 : memref<80xi32, #tpu.memory_space<vmem>>)
    %dma_wait3A_85 = arith.constant 0 : i32
    %dma_wait3A_86 = arith.constant 0 : i32
    %dma_wait3A_87 = arith.constant 0 : i32
    %dma_wait3A_88 = tpu.memref_slice %arg7[%dma_wait3A_85, %dma_wait3A_87] : memref<4x80xi32, #tpu.memory_space<vmem>> -> memref<1x80xi32, #tpu.memory_space<vmem>>
    %dma_wait3A_89 = tpu.memref_squeeze %dma_wait3A_88 : memref<1x80xi32, #tpu.memory_space<vmem>> -> memref<80xi32, #tpu.memory_space<vmem>>
    %dma_wait3A_90 = arith.constant 0 : i32
    %dma_wait3A_91 = tpu.memref_slice %arg4[%dma_wait3A_90] : memref<320000xi32, #tpu.memory_space<hbm>> -> memref<80xi32, #tpu.memory_space<hbm>>
    %dma_wait3A_92 = tpu.memref_slice %arg11[%dma_wait3A_86] : memref<4x!tpu.dma_semaphore, #tpu.memory_space<semaphore_mem>> -> memref<1x!tpu.dma_semaphore, #tpu.memory_space<semaphore_mem>>
    %dma_wait3A_93 = tpu.memref_squeeze %dma_wait3A_92 : memref<1x!tpu.dma_semaphore, #tpu.memory_space<semaphore_mem>> -> memref<!tpu.dma_semaphore, #tpu.memory_space<semaphore_mem>>
    %dma_wait3A_94 = arith.constant 0 : i32
    %dma_wait3A_95 = tpu.memref_slice %arg7[%dma_wait3A_85, %dma_wait3A_94] : memref<4x80xi32, #tpu.memory_space<vmem>> -> memref<1x80xi32, #tpu.memory_space<vmem>>
    %dma_wait3A_96 = tpu.memref_squeeze %dma_wait3A_95 : memref<1x80xi32, #tpu.memory_space<vmem>> -> memref<80xi32, #tpu.memory_space<vmem>>
    %dma_wait3A_97 = arith.constant 0 : i32
    %dma_wait3A_98 = tpu.memref_slice %arg4[%dma_wait3A_97] : memref<320000xi32, #tpu.memory_space<hbm>> -> memref<80xi32, #tpu.memory_space<hbm>>
    tpu.wait_dma2 semaphore(%dma_wait3A_93 : memref<!tpu.dma_semaphore, #tpu.memory_space<semaphore_mem>>) src(%dma_wait3A_98 : memref<80xi32, #tpu.memory_space<hbm>>) dst(%dma_wait3A_96 : memref<80xi32, #tpu.memory_space<vmem>>)
    %dma_start3A_99 = arith.constant 0 : i32
    %dma_start3A_100 = arith.constant 0 : i32
    %dma_start3A_101 = arith.constant 0 : i32
    %dma_start3A_102 = arith.constant 0 : i32
    %dma_start3A_103 = arith.constant 0 : i32
    %dma_start3A_104 = tpu.memref_slice %arg8[%dma_start3A_100, %dma_start3A_102, %dma_start3A_103] : memref<2x80x128xf32, #tpu.memory_space<vmem>> -> memref<1x80x128xf32, #tpu.memory_space<vmem>>
    %dma_start3A_105 = tpu.memref_squeeze %dma_start3A_104 : memref<1x80x128xf32, #tpu.memory_space<vmem>> -> memref<80x128xf32, #tpu.memory_space<vmem>>
    %dma_start3A_106 = arith.constant 0 : i32
    %dma_start3A_107 = tpu.memref_slice %arg6[%dma_start3A_99, %dma_start3A_106] : memref<4x80xi32, #tpu.memory_space<vmem>> -> memref<1x80xi32, #tpu.memory_space<vmem>>
    %dma_start3A_108 = tpu.memref_squeeze %dma_start3A_107 : memref<1x80xi32, #tpu.memory_space<vmem>> -> memref<80xi32, #tpu.memory_space<vmem>>
    %dma_start3A_109 = arith.constant 0 : i32
    %dma_start3A_110 = arith.constant 0 : i32
    %dma_start3A_111 = tpu.memref_slice %arg2[%dma_start3A_109, %dma_start3A_110] : memref<10112x128xf32, #tpu.memory_space<hbm>> -> memref<10112x128xf32, #tpu.memory_space<hbm>>
    %dma_start3A_112 = tpu.memref_slice %arg12[%dma_start3A_101] : memref<2x!tpu.dma_semaphore, #tpu.memory_space<semaphore_mem>> -> memref<1x!tpu.dma_semaphore, #tpu.memory_space<semaphore_mem>>
    %dma_start3A_113 = tpu.memref_squeeze %dma_start3A_112 : memref<1x!tpu.dma_semaphore, #tpu.memory_space<semaphore_mem>> -> memref<!tpu.dma_semaphore, #tpu.memory_space<semaphore_mem>>
    tpu.enqueue_indirect_dma source(%dma_start3A_111 : memref<10112x128xf32, #tpu.memory_space<hbm>>) target(%dma_start3A_105 : memref<80x128xf32, #tpu.memory_space<vmem>>) offsets(%dma_start3A_108 : memref<80xi32, #tpu.memory_space<vmem>>) semaphore(%dma_start3A_113 : memref<!tpu.dma_semaphore, #tpu.memory_space<semaphore_mem>>)
    %scan3A_114 = arith.constant 0 : i32
    %scan3A_115 = arith.constant 0 : i32
    %scan3A_116 = arith.constant 125 : i32
    %scan3A_117 = arith.addi %scan3A_115, %scan3A_116 : i32
    %scan3A_118 = arith.constant 1 : i32
    %scan3A_119 = scf.for %scan3A_152 = %scan3A_115 to %scan3A_117 step %scan3A_118 iter_args(%scan3A_153 = %scan3A_114) -> (i32)  : i32 {
      %and3A = arith.constant 3 : i32
      %and3A_154 = arith.andi %scan3A_152, %and3A : i32
      %and3A_155 = arith.constant 1 : i32
      %and3A_156 = arith.andi %scan3A_152, %and3A_155 : i32
      %and3A_157 = arith.constant 1 : i32
      %and3A_158 = arith.andi %scan3A_152, %and3A_157 : i32
      %dma_wait3A_159 = arith.constant 0 : i32
      %dma_wait3A_160 = arith.constant 0 : i32
      %dma_wait3A_161 = tpu.memref_slice %arg8[%and3A_156, %dma_wait3A_159, %dma_wait3A_160] : memref<2x80x128xf32, #tpu.memory_space<vmem>> -> memref<1x80x128xf32, #tpu.memory_space<vmem>>
      %dma_wait3A_162 = tpu.memref_squeeze %dma_wait3A_161 : memref<1x80x128xf32, #tpu.memory_space<vmem>> -> memref<80x128xf32, #tpu.memory_space<vmem>>
      %dma_wait3A_163 = arith.constant 0 : i32
      %dma_wait3A_164 = tpu.memref_slice %arg6[%and3A_154, %dma_wait3A_163] : memref<4x80xi32, #tpu.memory_space<vmem>> -> memref<1x80xi32, #tpu.memory_space<vmem>>
      %dma_wait3A_165 = tpu.memref_squeeze %dma_wait3A_164 : memref<1x80xi32, #tpu.memory_space<vmem>> -> memref<80xi32, #tpu.memory_space<vmem>>
      %dma_wait3A_166 = arith.constant 0 : i32
      %dma_wait3A_167 = arith.constant 0 : i32
      %dma_wait3A_168 = tpu.memref_slice %arg2[%dma_wait3A_166, %dma_wait3A_167] : memref<10112x128xf32, #tpu.memory_space<hbm>> -> memref<10112x128xf32, #tpu.memory_space<hbm>>
      %dma_wait3A_169 = tpu.memref_slice %arg12[%and3A_158] : memref<2x!tpu.dma_semaphore, #tpu.memory_space<semaphore_mem>> -> memref<1x!tpu.dma_semaphore, #tpu.memory_space<semaphore_mem>>
      %dma_wait3A_170 = tpu.memref_squeeze %dma_wait3A_169 : memref<1x!tpu.dma_semaphore, #tpu.memory_space<semaphore_mem>> -> memref<!tpu.dma_semaphore, #tpu.memory_space<semaphore_mem>>
      tpu.wait_indirect_dma semaphore(%dma_wait3A_170 : memref<!tpu.dma_semaphore, #tpu.memory_space<semaphore_mem>>) src(%dma_wait3A_168 : memref<10112x128xf32, #tpu.memory_space<hbm>>) dst(%dma_wait3A_162 : memref<80x128xf32, #tpu.memory_space<vmem>>)
      %and3A_171 = arith.constant 1 : i32
      %and3A_172 = arith.andi %scan3A_152, %and3A_171 : i32
      %and3A_173 = arith.constant 3 : i32
      %and3A_174 = arith.andi %scan3A_152, %and3A_173 : i32
      %and3A_175 = arith.constant 1 : i32
      %and3A_176 = arith.andi %scan3A_152, %and3A_175 : i32
      %dma_start3A_177 = arith.constant 0 : i32
      %dma_start3A_178 = arith.constant 0 : i32
      %dma_start3A_179 = tpu.memref_slice %arg8[%and3A_172, %dma_start3A_177, %dma_start3A_178] : memref<2x80x128xf32, #tpu.memory_space<vmem>> -> memref<1x80x128xf32, #tpu.memory_space<vmem>>
      %dma_start3A_180 = tpu.memref_squeeze %dma_start3A_179 : memref<1x80x128xf32, #tpu.memory_space<vmem>> -> memref<80x128xf32, #tpu.memory_space<vmem>>
      %dma_start3A_181 = arith.constant 0 : i32
      %dma_start3A_182 = tpu.memref_slice %arg7[%and3A_174, %dma_start3A_181] : memref<4x80xi32, #tpu.memory_space<vmem>> -> memref<1x80xi32, #tpu.memory_space<vmem>>
      %dma_start3A_183 = tpu.memref_squeeze %dma_start3A_182 : memref<1x80xi32, #tpu.memory_space<vmem>> -> memref<80xi32, #tpu.memory_space<vmem>>
      %dma_start3A_184 = arith.constant 0 : i32
      %dma_start3A_185 = arith.constant 0 : i32
      %dma_start3A_186 = tpu.memref_slice %arg10[%dma_start3A_184, %dma_start3A_185] : memref<10112x128xf32, #tpu.memory_space<vmem_shared>> -> memref<10112x128xf32, #tpu.memory_space<vmem_shared>>
      %dma_start3A_187 = tpu.memref_slice %arg13[%and3A_176] : memref<2x!tpu.dma_semaphore, #tpu.memory_space<semaphore_mem>> -> memref<1x!tpu.dma_semaphore, #tpu.memory_space<semaphore_mem>>
      %dma_start3A_188 = tpu.memref_squeeze %dma_start3A_187 : memref<1x!tpu.dma_semaphore, #tpu.memory_space<semaphore_mem>> -> memref<!tpu.dma_semaphore, #tpu.memory_space<semaphore_mem>>
      tpu.enqueue_indirect_dma source(%dma_start3A_180 : memref<80x128xf32, #tpu.memory_space<vmem>>) target(%dma_start3A_186 : memref<10112x128xf32, #tpu.memory_space<vmem_shared>>) offsets(%dma_start3A_183 : memref<80xi32, #tpu.memory_space<vmem>>) semaphore(%dma_start3A_188 : memref<!tpu.dma_semaphore, #tpu.memory_space<semaphore_mem>>) {add = true}
      %add3A_189 = arith.constant 2 : i32
      %add3A_190 = arith.addi %scan3A_152, %add3A_189 : i32
      %lt3A = arith.constant 125 : i32
      %lt3A_191 = arith.cmpi slt, %add3A_190, %lt3A : i32
      %convert_element_type3A = arith.extui %lt3A_191 : i1 to i32
      %cond3A = arith.constant 0 : i32
      %cond3A_192 = arith.cmpi ne, %convert_element_type3A, %cond3A : i32
      scf.if %cond3A_192 {
        %add3A_201 = arith.constant 2 : i32
        %add3A_202 = arith.addi %scan3A_152, %add3A_201 : i32
        %and3A_203 = arith.constant 3 : i32
        %and3A_204 = arith.andi %add3A_202, %and3A_203 : i32
        %mul3A_205 = arith.constant 80 : i32
        %mul3A_206 = arith.muli %add3A_202, %mul3A_205 : i32
        %add3A_207 = arith.addi %mul3A_20, %mul3A_206 : i32
        %dma_start3A_208 = arith.constant 0 : i32
        %dma_start3A_209 = tpu.memref_slice %arg6[%and3A_204, %dma_start3A_208] : memref<4x80xi32, #tpu.memory_space<vmem>> -> memref<1x80xi32, #tpu.memory_space<vmem>>
        %dma_start3A_210 = tpu.memref_squeeze %dma_start3A_209 : memref<1x80xi32, #tpu.memory_space<vmem>> -> memref<80xi32, #tpu.memory_space<vmem>>
        %dma_start3A_211 = tpu.memref_slice %arg3[%add3A_207] : memref<320000xi32, #tpu.memory_space<hbm>> -> memref<80xi32, #tpu.memory_space<hbm>>
        %dma_start3A_212 = tpu.memref_slice %arg11[%and3A_204] : memref<4x!tpu.dma_semaphore, #tpu.memory_space<semaphore_mem>> -> memref<1x!tpu.dma_semaphore, #tpu.memory_space<semaphore_mem>>
        %dma_start3A_213 = tpu.memref_squeeze %dma_start3A_212 : memref<1x!tpu.dma_semaphore, #tpu.memory_space<semaphore_mem>> -> memref<!tpu.dma_semaphore, #tpu.memory_space<semaphore_mem>>
        %dma_start3A_214 = arith.constant 0 : i32
        %dma_start3A_215 = tpu.memref_slice %arg6[%and3A_204, %dma_start3A_214] : memref<4x80xi32, #tpu.memory_space<vmem>> -> memref<1x80xi32, #tpu.memory_space<vmem>>
        %dma_start3A_216 = tpu.memref_squeeze %dma_start3A_215 : memref<1x80xi32, #tpu.memory_space<vmem>> -> memref<80xi32, #tpu.memory_space<vmem>>
        %dma_start3A_217 = tpu.memref_slice %arg3[%add3A_207] : memref<320000xi32, #tpu.memory_space<hbm>> -> memref<80xi32, #tpu.memory_space<hbm>>
        tpu.enqueue_dma source(%dma_start3A_217 : memref<80xi32, #tpu.memory_space<hbm>>) target(%dma_start3A_216 : memref<80xi32, #tpu.memory_space<vmem>>) target_semaphore(%dma_start3A_213 : memref<!tpu.dma_semaphore, #tpu.memory_space<semaphore_mem>>)
        %dma_start3A_218 = arith.constant 0 : i32
        %dma_start3A_219 = tpu.memref_slice %arg7[%and3A_204, %dma_start3A_218] : memref<4x80xi32, #tpu.memory_space<vmem>> -> memref<1x80xi32, #tpu.memory_space<vmem>>
        %dma_start3A_220 = tpu.memref_squeeze %dma_start3A_219 : memref<1x80xi32, #tpu.memory_space<vmem>> -> memref<80xi32, #tpu.memory_space<vmem>>
        %dma_start3A_221 = tpu.memref_slice %arg4[%add3A_207] : memref<320000xi32, #tpu.memory_space<hbm>> -> memref<80xi32, #tpu.memory_space<hbm>>
        %dma_start3A_222 = tpu.memref_slice %arg11[%and3A_204] : memref<4x!tpu.dma_semaphore, #tpu.memory_space<semaphore_mem>> -> memref<1x!tpu.dma_semaphore, #tpu.memory_space<semaphore_mem>>
        %dma_start3A_223 = tpu.memref_squeeze %dma_start3A_222 : memref<1x!tpu.dma_semaphore, #tpu.memory_space<semaphore_mem>> -> memref<!tpu.dma_semaphore, #tpu.memory_space<semaphore_mem>>
        %dma_start3A_224 = arith.constant 0 : i32
        %dma_start3A_225 = tpu.memref_slice %arg7[%and3A_204, %dma_start3A_224] : memref<4x80xi32, #tpu.memory_space<vmem>> -> memref<1x80xi32, #tpu.memory_space<vmem>>
        %dma_start3A_226 = tpu.memref_squeeze %dma_start3A_225 : memref<1x80xi32, #tpu.memory_space<vmem>> -> memref<80xi32, #tpu.memory_space<vmem>>
        %dma_start3A_227 = tpu.memref_slice %arg4[%add3A_207] : memref<320000xi32, #tpu.memory_space<hbm>> -> memref<80xi32, #tpu.memory_space<hbm>>
        tpu.enqueue_dma source(%dma_start3A_227 : memref<80xi32, #tpu.memory_space<hbm>>) target(%dma_start3A_226 : memref<80xi32, #tpu.memory_space<vmem>>) target_semaphore(%dma_start3A_223 : memref<!tpu.dma_semaphore, #tpu.memory_space<semaphore_mem>>)
      } else {
      }
      %add3A_193 = arith.constant 1 : i32
      %add3A_194 = arith.addi %scan3A_152, %add3A_193 : i32
      %lt3A_195 = arith.constant 125 : i32
      %lt3A_196 = arith.cmpi slt, %add3A_194, %lt3A_195 : i32
      %convert_element_type3A_197 = arith.extui %lt3A_196 : i1 to i32
      %cond3A_198 = arith.constant 0 : i32
      %cond3A_199 = arith.cmpi ne, %convert_element_type3A_197, %cond3A_198 : i32
      scf.if %cond3A_199 {
        %ge3A = arith.constant 1 : i32
        %ge3A_201 = arith.cmpi sge, %scan3A_152, %ge3A : i32
        %convert_element_type3A_202 = arith.extui %ge3A_201 : i1 to i32
        %cond3A_203 = arith.constant 0 : i32
        %cond3A_204 = arith.cmpi ne, %convert_element_type3A_202, %cond3A_203 : i32
        scf.if %cond3A_204 {
          %sub3A = arith.constant 1 : i32
          %sub3A_253 = arith.subi %scan3A_152, %sub3A : i32
          %and3A_254 = arith.constant 1 : i32
          %and3A_255 = arith.andi %sub3A_253, %and3A_254 : i32
          %and3A_256 = arith.constant 3 : i32
          %and3A_257 = arith.andi %sub3A_253, %and3A_256 : i32
          %and3A_258 = arith.constant 1 : i32
          %and3A_259 = arith.andi %sub3A_253, %and3A_258 : i32
          %dma_wait3A_260 = arith.constant 0 : i32
          %dma_wait3A_261 = arith.constant 0 : i32
          %dma_wait3A_262 = tpu.memref_slice %arg8[%and3A_255, %dma_wait3A_260, %dma_wait3A_261] : memref<2x80x128xf32, #tpu.memory_space<vmem>> -> memref<1x80x128xf32, #tpu.memory_space<vmem>>
          %dma_wait3A_263 = tpu.memref_squeeze %dma_wait3A_262 : memref<1x80x128xf32, #tpu.memory_space<vmem>> -> memref<80x128xf32, #tpu.memory_space<vmem>>
          %dma_wait3A_264 = arith.constant 0 : i32
          %dma_wait3A_265 = tpu.memref_slice %arg7[%and3A_257, %dma_wait3A_264] : memref<4x80xi32, #tpu.memory_space<vmem>> -> memref<1x80xi32, #tpu.memory_space<vmem>>
          %dma_wait3A_266 = tpu.memref_squeeze %dma_wait3A_265 : memref<1x80xi32, #tpu.memory_space<vmem>> -> memref<80xi32, #tpu.memory_space<vmem>>
          %dma_wait3A_267 = arith.constant 0 : i32
          %dma_wait3A_268 = arith.constant 0 : i32
          %dma_wait3A_269 = tpu.memref_slice %arg10[%dma_wait3A_267, %dma_wait3A_268] : memref<10112x128xf32, #tpu.memory_space<vmem_shared>> -> memref<10112x128xf32, #tpu.memory_space<vmem_shared>>
          %dma_wait3A_270 = tpu.memref_slice %arg13[%and3A_259] : memref<2x!tpu.dma_semaphore, #tpu.memory_space<semaphore_mem>> -> memref<1x!tpu.dma_semaphore, #tpu.memory_space<semaphore_mem>>
          %dma_wait3A_271 = tpu.memref_squeeze %dma_wait3A_270 : memref<1x!tpu.dma_semaphore, #tpu.memory_space<semaphore_mem>> -> memref<!tpu.dma_semaphore, #tpu.memory_space<semaphore_mem>>
          tpu.wait_indirect_dma semaphore(%dma_wait3A_271 : memref<!tpu.dma_semaphore, #tpu.memory_space<semaphore_mem>>) src(%dma_wait3A_263 : memref<80x128xf32, #tpu.memory_space<vmem>>) dst(%dma_wait3A_269 : memref<10112x128xf32, #tpu.memory_space<vmem_shared>>)
        } else {
        }
        %add3A_205 = arith.constant 1 : i32
        %add3A_206 = arith.addi %scan3A_152, %add3A_205 : i32
        %and3A_207 = arith.constant 3 : i32
        %and3A_208 = arith.andi %add3A_206, %and3A_207 : i32
        %dma_wait3A_209 = arith.constant 0 : i32
        %dma_wait3A_210 = tpu.memref_slice %arg6[%and3A_208, %dma_wait3A_209] : memref<4x80xi32, #tpu.memory_space<vmem>> -> memref<1x80xi32, #tpu.memory_space<vmem>>
        %dma_wait3A_211 = tpu.memref_squeeze %dma_wait3A_210 : memref<1x80xi32, #tpu.memory_space<vmem>> -> memref<80xi32, #tpu.memory_space<vmem>>
        %dma_wait3A_212 = arith.constant 0 : i32
        %dma_wait3A_213 = tpu.memref_slice %arg3[%dma_wait3A_212] : memref<320000xi32, #tpu.memory_space<hbm>> -> memref<80xi32, #tpu.memory_space<hbm>>
        %dma_wait3A_214 = tpu.memref_slice %arg11[%and3A_208] : memref<4x!tpu.dma_semaphore, #tpu.memory_space<semaphore_mem>> -> memref<1x!tpu.dma_semaphore, #tpu.memory_space<semaphore_mem>>
        %dma_wait3A_215 = tpu.memref_squeeze %dma_wait3A_214 : memref<1x!tpu.dma_semaphore, #tpu.memory_space<semaphore_mem>> -> memref<!tpu.dma_semaphore, #tpu.memory_space<semaphore_mem>>
        %dma_wait3A_216 = arith.constant 0 : i32
        %dma_wait3A_217 = tpu.memref_slice %arg6[%and3A_208, %dma_wait3A_216] : memref<4x80xi32, #tpu.memory_space<vmem>> -> memref<1x80xi32, #tpu.memory_space<vmem>>
        %dma_wait3A_218 = tpu.memref_squeeze %dma_wait3A_217 : memref<1x80xi32, #tpu.memory_space<vmem>> -> memref<80xi32, #tpu.memory_space<vmem>>
        %dma_wait3A_219 = arith.constant 0 : i32
        %dma_wait3A_220 = tpu.memref_slice %arg3[%dma_wait3A_219] : memref<320000xi32, #tpu.memory_space<hbm>> -> memref<80xi32, #tpu.memory_space<hbm>>
        tpu.wait_dma2 semaphore(%dma_wait3A_215 : memref<!tpu.dma_semaphore, #tpu.memory_space<semaphore_mem>>) src(%dma_wait3A_220 : memref<80xi32, #tpu.memory_space<hbm>>) dst(%dma_wait3A_218 : memref<80xi32, #tpu.memory_space<vmem>>)
        %dma_wait3A_221 = arith.constant 0 : i32
        %dma_wait3A_222 = tpu.memref_slice %arg7[%and3A_208, %dma_wait3A_221] : memref<4x80xi32, #tpu.memory_space<vmem>> -> memref<1x80xi32, #tpu.memory_space<vmem>>
        %dma_wait3A_223 = tpu.memref_squeeze %dma_wait3A_222 : memref<1x80xi32, #tpu.memory_space<vmem>> -> memref<80xi32, #tpu.memory_space<vmem>>
        %dma_wait3A_224 = arith.constant 0 : i32
        %dma_wait3A_225 = tpu.memref_slice %arg4[%dma_wait3A_224] : memref<320000xi32, #tpu.memory_space<hbm>> -> memref<80xi32, #tpu.memory_space<hbm>>
        %dma_wait3A_226 = tpu.memref_slice %arg11[%and3A_208] : memref<4x!tpu.dma_semaphore, #tpu.memory_space<semaphore_mem>> -> memref<1x!tpu.dma_semaphore, #tpu.memory_space<semaphore_mem>>
        %dma_wait3A_227 = tpu.memref_squeeze %dma_wait3A_226 : memref<1x!tpu.dma_semaphore, #tpu.memory_space<semaphore_mem>> -> memref<!tpu.dma_semaphore, #tpu.memory_space<semaphore_mem>>
        %dma_wait3A_228 = arith.constant 0 : i32
        %dma_wait3A_229 = tpu.memref_slice %arg7[%and3A_208, %dma_wait3A_228] : memref<4x80xi32, #tpu.memory_space<vmem>> -> memref<1x80xi32, #tpu.memory_space<vmem>>
        %dma_wait3A_230 = tpu.memref_squeeze %dma_wait3A_229 : memref<1x80xi32, #tpu.memory_space<vmem>> -> memref<80xi32, #tpu.memory_space<vmem>>
        %dma_wait3A_231 = arith.constant 0 : i32
        %dma_wait3A_232 = tpu.memref_slice %arg4[%dma_wait3A_231] : memref<320000xi32, #tpu.memory_space<hbm>> -> memref<80xi32, #tpu.memory_space<hbm>>
        tpu.wait_dma2 semaphore(%dma_wait3A_227 : memref<!tpu.dma_semaphore, #tpu.memory_space<semaphore_mem>>) src(%dma_wait3A_232 : memref<80xi32, #tpu.memory_space<hbm>>) dst(%dma_wait3A_230 : memref<80xi32, #tpu.memory_space<vmem>>)
        %add3A_233 = arith.constant 1 : i32
        %add3A_234 = arith.addi %scan3A_152, %add3A_233 : i32
        %and3A_235 = arith.constant 3 : i32
        %and3A_236 = arith.andi %add3A_234, %and3A_235 : i32
        %and3A_237 = arith.constant 1 : i32
        %and3A_238 = arith.andi %add3A_234, %and3A_237 : i32
        %and3A_239 = arith.constant 1 : i32
        %and3A_240 = arith.andi %add3A_234, %and3A_239 : i32
        %dma_start3A_241 = arith.constant 0 : i32
        %dma_start3A_242 = arith.constant 0 : i32
        %dma_start3A_243 = tpu.memref_slice %arg8[%and3A_238, %dma_start3A_241, %dma_start3A_242] : memref<2x80x128xf32, #tpu.memory_space<vmem>> -> memref<1x80x128xf32, #tpu.memory_space<vmem>>
        %dma_start3A_244 = tpu.memref_squeeze %dma_start3A_243 : memref<1x80x128xf32, #tpu.memory_space<vmem>> -> memref<80x128xf32, #tpu.memory_space<vmem>>
        %dma_start3A_245 = arith.constant 0 : i32
        %dma_start3A_246 = tpu.memref_slice %arg6[%and3A_236, %dma_start3A_245] : memref<4x80xi32, #tpu.memory_space<vmem>> -> memref<1x80xi32, #tpu.memory_space<vmem>>
        %dma_start3A_247 = tpu.memref_squeeze %dma_start3A_246 : memref<1x80xi32, #tpu.memory_space<vmem>> -> memref<80xi32, #tpu.memory_space<vmem>>
        %dma_start3A_248 = arith.constant 0 : i32
        %dma_start3A_249 = arith.constant 0 : i32
        %dma_start3A_250 = tpu.memref_slice %arg2[%dma_start3A_248, %dma_start3A_249] : memref<10112x128xf32, #tpu.memory_space<hbm>> -> memref<10112x128xf32, #tpu.memory_space<hbm>>
        %dma_start3A_251 = tpu.memref_slice %arg12[%and3A_240] : memref<2x!tpu.dma_semaphore, #tpu.memory_space<semaphore_mem>> -> memref<1x!tpu.dma_semaphore, #tpu.memory_space<semaphore_mem>>
        %dma_start3A_252 = tpu.memref_squeeze %dma_start3A_251 : memref<1x!tpu.dma_semaphore, #tpu.memory_space<semaphore_mem>> -> memref<!tpu.dma_semaphore, #tpu.memory_space<semaphore_mem>>
        tpu.enqueue_indirect_dma source(%dma_start3A_250 : memref<10112x128xf32, #tpu.memory_space<hbm>>) target(%dma_start3A_244 : memref<80x128xf32, #tpu.memory_space<vmem>>) offsets(%dma_start3A_247 : memref<80xi32, #tpu.memory_space<vmem>>) semaphore(%dma_start3A_252 : memref<!tpu.dma_semaphore, #tpu.memory_space<semaphore_mem>>)
      } else {
      }
      %scan3A_200 = arith.constant 0 : i32
      scf.yield %scan3A_200 : i32
    }
    %scan3A_120 = arith.constant 125 : i32
    %dma_wait3A_121 = arith.constant 1 : i32
    %dma_wait3A_122 = arith.constant 3 : i32
    %dma_wait3A_123 = arith.constant 1 : i32
    %dma_wait3A_124 = arith.constant 0 : i32
    %dma_wait3A_125 = arith.constant 0 : i32
    %dma_wait3A_126 = tpu.memref_slice %arg8[%dma_wait3A_121, %dma_wait3A_124, %dma_wait3A_125] : memref<2x80x128xf32, #tpu.memory_space<vmem>> -> memref<1x80x128xf32, #tpu.memory_space<vmem>>
    %dma_wait3A_127 = tpu.memref_squeeze %dma_wait3A_126 : memref<1x80x128xf32, #tpu.memory_space<vmem>> -> memref<80x128xf32, #tpu.memory_space<vmem>>
    %dma_wait3A_128 = arith.constant 0 : i32
    %dma_wait3A_129 = tpu.memref_slice %arg7[%dma_wait3A_122, %dma_wait3A_128] : memref<4x80xi32, #tpu.memory_space<vmem>> -> memref<1x80xi32, #tpu.memory_space<vmem>>
    %dma_wait3A_130 = tpu.memref_squeeze %dma_wait3A_129 : memref<1x80xi32, #tpu.memory_space<vmem>> -> memref<80xi32, #tpu.memory_space<vmem>>
    %dma_wait3A_131 = arith.constant 0 : i32
    %dma_wait3A_132 = arith.constant 0 : i32
    %dma_wait3A_133 = tpu.memref_slice %arg10[%dma_wait3A_131, %dma_wait3A_132] : memref<10112x128xf32, #tpu.memory_space<vmem_shared>> -> memref<10112x128xf32, #tpu.memory_space<vmem_shared>>
    %dma_wait3A_134 = tpu.memref_slice %arg13[%dma_wait3A_123] : memref<2x!tpu.dma_semaphore, #tpu.memory_space<semaphore_mem>> -> memref<1x!tpu.dma_semaphore, #tpu.memory_space<semaphore_mem>>
    %dma_wait3A_135 = tpu.memref_squeeze %dma_wait3A_134 : memref<1x!tpu.dma_semaphore, #tpu.memory_space<semaphore_mem>> -> memref<!tpu.dma_semaphore, #tpu.memory_space<semaphore_mem>>
    tpu.wait_indirect_dma semaphore(%dma_wait3A_135 : memref<!tpu.dma_semaphore, #tpu.memory_space<semaphore_mem>>) src(%dma_wait3A_127 : memref<80x128xf32, #tpu.memory_space<vmem>>) dst(%dma_wait3A_133 : memref<10112x128xf32, #tpu.memory_space<vmem_shared>>)
    %dma_wait3A_136 = arith.constant 0 : i32
    %dma_wait3A_137 = arith.constant 0 : i32
    %dma_wait3A_138 = arith.constant 0 : i32
    %dma_wait3A_139 = arith.constant 0 : i32
    %dma_wait3A_140 = arith.constant 0 : i32
    %dma_wait3A_141 = tpu.memref_slice %arg8[%dma_wait3A_136, %dma_wait3A_139, %dma_wait3A_140] : memref<2x80x128xf32, #tpu.memory_space<vmem>> -> memref<1x80x128xf32, #tpu.memory_space<vmem>>
    %dma_wait3A_142 = tpu.memref_squeeze %dma_wait3A_141 : memref<1x80x128xf32, #tpu.memory_space<vmem>> -> memref<80x128xf32, #tpu.memory_space<vmem>>
    %dma_wait3A_143 = arith.constant 0 : i32
    %dma_wait3A_144 = tpu.memref_slice %arg7[%dma_wait3A_137, %dma_wait3A_143] : memref<4x80xi32, #tpu.memory_space<vmem>> -> memref<1x80xi32, #tpu.memory_space<vmem>>
    %dma_wait3A_145 = tpu.memref_squeeze %dma_wait3A_144 : memref<1x80xi32, #tpu.memory_space<vmem>> -> memref<80xi32, #tpu.memory_space<vmem>>
    %dma_wait3A_146 = arith.constant 0 : i32
    %dma_wait3A_147 = arith.constant 0 : i32
    %dma_wait3A_148 = tpu.memref_slice %arg10[%dma_wait3A_146, %dma_wait3A_147] : memref<10112x128xf32, #tpu.memory_space<vmem_shared>> -> memref<10112x128xf32, #tpu.memory_space<vmem_shared>>
    %dma_wait3A_149 = tpu.memref_slice %arg13[%dma_wait3A_138] : memref<2x!tpu.dma_semaphore, #tpu.memory_space<semaphore_mem>> -> memref<1x!tpu.dma_semaphore, #tpu.memory_space<semaphore_mem>>
    %dma_wait3A_150 = tpu.memref_squeeze %dma_wait3A_149 : memref<1x!tpu.dma_semaphore, #tpu.memory_space<semaphore_mem>> -> memref<!tpu.dma_semaphore, #tpu.memory_space<semaphore_mem>>
    tpu.wait_indirect_dma semaphore(%dma_wait3A_150 : memref<!tpu.dma_semaphore, #tpu.memory_space<semaphore_mem>>) src(%dma_wait3A_142 : memref<80x128xf32, #tpu.memory_space<vmem>>) dst(%dma_wait3A_148 : memref<10112x128xf32, #tpu.memory_space<vmem_shared>>)
    %barrier3A_151 = arith.constant 0 : index
    tpu.barrier barrier_id(%barrier3A_151)
    "tpu.region"() ({
      %run_scoped3A = tpu.sem_alloc : memref<!tpu.dma_semaphore, #tpu.memory_space<semaphore_mem>>
      %dma_start3A_152 = arith.constant 0 : i32
      %dma_start3A_153 = tpu.memref_slice %arg5[%arg0, %mul3A_0, %dma_start3A_152] : memref<2x10112x128xf32, #tpu.memory_space<hbm>> -> memref<1x632x128xf32, #tpu.memory_space<hbm>>
      %dma_start3A_154 = tpu.memref_squeeze %dma_start3A_153 : memref<1x632x128xf32, #tpu.memory_space<hbm>> -> memref<632x128xf32, #tpu.memory_space<hbm>>
      %dma_start3A_155 = arith.constant 0 : i32
      %dma_start3A_156 = tpu.memref_slice %arg10[%mul3A_0, %dma_start3A_155] : memref<10112x128xf32, #tpu.memory_space<vmem_shared>> -> memref<632x128xf32, #tpu.memory_space<vmem_shared>>
      tpu.enqueue_dma source(%dma_start3A_156 : memref<632x128xf32, #tpu.memory_space<vmem_shared>>) target(%dma_start3A_154 : memref<632x128xf32, #tpu.memory_space<hbm>>) target_semaphore(%run_scoped3A : memref<!tpu.dma_semaphore, #tpu.memory_space<semaphore_mem>>)
      %dma_wait3A_157 = arith.constant 0 : i32
      %dma_wait3A_158 = tpu.memref_slice %arg5[%arg0, %mul3A_0, %dma_wait3A_157] : memref<2x10112x128xf32, #tpu.memory_space<hbm>> -> memref<1x632x128xf32, #tpu.memory_space<hbm>>
      %dma_wait3A_159 = tpu.memref_squeeze %dma_wait3A_158 : memref<1x632x128xf32, #tpu.memory_space<hbm>> -> memref<632x128xf32, #tpu.memory_space<hbm>>
      %dma_wait3A_160 = arith.constant 0 : i32
      %dma_wait3A_161 = tpu.memref_slice %arg10[%mul3A_0, %dma_wait3A_160] : memref<10112x128xf32, #tpu.memory_space<vmem_shared>> -> memref<632x128xf32, #tpu.memory_space<vmem_shared>>
      tpu.wait_dma2 semaphore(%run_scoped3A : memref<!tpu.dma_semaphore, #tpu.memory_space<semaphore_mem>>) src(%dma_wait3A_161 : memref<632x128xf32, #tpu.memory_space<vmem_shared>>) dst(%dma_wait3A_159 : memref<632x128xf32, #tpu.memory_space<hbm>>)
      tpu.yield
    }) : () -> ()
    return
  }
}

#map = affine_map<(d0, d1) -> (0)>
#map1 = affine_map<(d0, d1) -> (0, 0)>
module attributes {stable_mosaic.version = 14 : i64} {
  func.func @_deg_body(%arg0: i32, %arg1: i32, %arg2: memref<320000xi32, #tpu.memory_space<hbm>>, %arg3: memref<2x10240xf32, #tpu.memory_space<hbm>>, %arg4: memref<10000xi32, #tpu.memory_space<vmem>>, %arg5: memref<10240xf32, #tpu.memory_space<vmem>>, %arg6: memref<16x640xf32, #tpu.memory_space<vmem>>, %arg7: memref<16x10240xf32, #tpu.memory_space<vmem_shared>>, %arg8: memref<!tpu.dma_semaphore, #tpu.memory_space<semaphore_mem>>) attributes {dimension_semantics = [#tpu.dimension_semantics<core_parallel>, #tpu.dimension_semantics<subcore_parallel>], iteration_bounds = array<i64: 2, 16>, scalar_prefetch = 0 : i64, scratch_operands = 5 : i64, tpu.core_type = #tpu.core_type<sc_vector_subcore>, window_params = [{transform_indices = #map}, {transform_indices = #map1}]} {
    %mul3A = arith.constant 2 : i32
    %mul3A_0 = arith.muli %arg1, %mul3A : i32
    %add3A = arith.addi %mul3A_0, %arg0 : i32
    %broadcast_in_dim3A = arith.constant 0.000000e+00 : f32
    %broadcast_in_dim3A_1 = vector.broadcast %broadcast_in_dim3A : f32 to vector<16xf32>
    %scan3A = arith.constant 0 : i32
    %scan3A_2 = arith.constant 0 : i32
    %scan3A_3 = arith.constant 640 : i32
    %scan3A_4 = arith.addi %scan3A_2, %scan3A_3 : i32
    %scan3A_5 = arith.constant 1 : i32
    %scan3A_6 = scf.for %scan3A_91 = %scan3A_2 to %scan3A_4 step %scan3A_5 iter_args(%scan3A_92 = %scan3A) -> (i32)  : i32 {
      %mul3A_93 = arith.constant 16 : i32
      %mul3A_94 = arith.muli %scan3A_91, %mul3A_93 : i32
      %swap3A = arith.index_cast %mul3A_94 : i32 to index
      %swap3A_95 = tpu.vector_load %arg5[%swap3A] {strides = array<i32>} : memref<10240xf32, #tpu.memory_space<vmem>>, vector<16xf32>,
      tpu.vector_store %arg5[%swap3A], %broadcast_in_dim3A_1 {strides = array<i32>} : memref<10240xf32, #tpu.memory_space<vmem>>, vector<16xf32>,
      %scan3A_96 = arith.constant 0 : i32
      scf.yield %scan3A_96 : i32
    }
    %scan3A_7 = arith.constant 640 : i32
    %mul3A_8 = arith.constant 10000 : i32
    %mul3A_9 = arith.muli %add3A, %mul3A_8 : i32
    "tpu.region"() ({
      %run_scoped3A_91 = tpu.sem_alloc : memref<!tpu.dma_semaphore, #tpu.memory_space<semaphore_mem>>
      %dma_start3A = tpu.memref_slice %arg2[%mul3A_9] : memref<320000xi32, #tpu.memory_space<hbm>> -> memref<10000xi32, #tpu.memory_space<hbm>>
      %dma_start3A_92 = tpu.memref_slice %arg2[%mul3A_9] : memref<320000xi32, #tpu.memory_space<hbm>> -> memref<10000xi32, #tpu.memory_space<hbm>>
      tpu.enqueue_dma source(%dma_start3A_92 : memref<10000xi32, #tpu.memory_space<hbm>>) target(%arg4 : memref<10000xi32, #tpu.memory_space<vmem>>) target_semaphore(%run_scoped3A_91 : memref<!tpu.dma_semaphore, #tpu.memory_space<semaphore_mem>>)
      %dma_wait3A = tpu.memref_slice %arg2[%mul3A_9] : memref<320000xi32, #tpu.memory_space<hbm>> -> memref<10000xi32, #tpu.memory_space<hbm>>
      %dma_wait3A_93 = tpu.memref_slice %arg2[%mul3A_9] : memref<320000xi32, #tpu.memory_space<hbm>> -> memref<10000xi32, #tpu.memory_space<hbm>>
      tpu.wait_dma2 semaphore(%run_scoped3A_91 : memref<!tpu.dma_semaphore, #tpu.memory_space<semaphore_mem>>) src(%dma_wait3A_93 : memref<10000xi32, #tpu.memory_space<hbm>>) dst(%arg4 : memref<10000xi32, #tpu.memory_space<vmem>>)
      tpu.yield
    }) : () -> ()
    %broadcast_in_dim3A_10 = arith.constant 1.000000e+00 : f32
    %broadcast_in_dim3A_11 = vector.broadcast %broadcast_in_dim3A_10 : f32 to vector<16xf32>
    %scan3A_12 = arith.constant 0 : i32
    %scan3A_13 = arith.constant 0 : i32
    %scan3A_14 = arith.constant 625 : i32
    %scan3A_15 = arith.addi %scan3A_13, %scan3A_14 : i32
    %scan3A_16 = arith.constant 1 : i32
    %scan3A_17 = scf.for %scan3A_91 = %scan3A_13 to %scan3A_15 step %scan3A_16 iter_args(%scan3A_92 = %scan3A_12) -> (i32)  : i32 {
      %mul3A_93 = arith.constant 16 : i32
      %mul3A_94 = arith.muli %scan3A_91, %mul3A_93 : i32
      %get3A = arith.index_cast %mul3A_94 : i32 to index
      %get3A_95 = tpu.vector_load %arg4[%get3A] {strides = array<i32>} : memref<10000xi32, #tpu.memory_space<vmem>>, vector<16xi32>,
      tpu.vector_store_idx %arg5[%get3A_95], %broadcast_in_dim3A_11 {add = true} : memref<10240xf32, #tpu.memory_space<vmem>>[vector<16xi32>], vector<16xf32>,
      %scan3A_96 = arith.constant 0 : i32
      scf.yield %scan3A_96 : i32
    }
    %scan3A_18 = arith.constant 625 : i32
    "tpu.region"() ({
      %run_scoped3A_91 = tpu.sem_alloc : memref<!tpu.dma_semaphore, #tpu.memory_space<semaphore_mem>>
      %dma_start3A = arith.constant 0 : i32
      %dma_start3A_92 = tpu.memref_slice %arg7[%arg1, %dma_start3A] : memref<16x10240xf32, #tpu.memory_space<vmem_shared>> -> memref<1x10240xf32, #tpu.memory_space<vmem_shared>>
      %dma_start3A_93 = tpu.memref_squeeze %dma_start3A_92 : memref<1x10240xf32, #tpu.memory_space<vmem_shared>> -> memref<10240xf32, #tpu.memory_space<vmem_shared>>
      %dma_start3A_94 = arith.constant 0 : i32
      %dma_start3A_95 = tpu.memref_slice %arg7[%arg1, %dma_start3A_94] : memref<16x10240xf32, #tpu.memory_space<vmem_shared>> -> memref<1x10240xf32, #tpu.memory_space<vmem_shared>>
      %dma_start3A_96 = tpu.memref_squeeze %dma_start3A_95 : memref<1x10240xf32, #tpu.memory_space<vmem_shared>> -> memref<10240xf32, #tpu.memory_space<vmem_shared>>
      tpu.enqueue_dma source(%arg5 : memref<10240xf32, #tpu.memory_space<vmem>>) target(%dma_start3A_96 : memref<10240xf32, #tpu.memory_space<vmem_shared>>) target_semaphore(%run_scoped3A_91 : memref<!tpu.dma_semaphore, #tpu.memory_space<semaphore_mem>>)
      %dma_wait3A = arith.constant 0 : i32
      %dma_wait3A_97 = tpu.memref_slice %arg7[%arg1, %dma_wait3A] : memref<16x10240xf32, #tpu.memory_space<vmem_shared>> -> memref<1x10240xf32, #tpu.memory_space<vmem_shared>>
      %dma_wait3A_98 = tpu.memref_squeeze %dma_wait3A_97 : memref<1x10240xf32, #tpu.memory_space<vmem_shared>> -> memref<10240xf32, #tpu.memory_space<vmem_shared>>
      %dma_wait3A_99 = arith.constant 0 : i32
      %dma_wait3A_100 = tpu.memref_slice %arg7[%arg1, %dma_wait3A_99] : memref<16x10240xf32, #tpu.memory_space<vmem_shared>> -> memref<1x10240xf32, #tpu.memory_space<vmem_shared>>
      %dma_wait3A_101 = tpu.memref_squeeze %dma_wait3A_100 : memref<1x10240xf32, #tpu.memory_space<vmem_shared>> -> memref<10240xf32, #tpu.memory_space<vmem_shared>>
      tpu.wait_dma2 semaphore(%run_scoped3A_91 : memref<!tpu.dma_semaphore, #tpu.memory_space<semaphore_mem>>) src(%arg5 : memref<10240xf32, #tpu.memory_space<vmem>>) dst(%dma_wait3A_101 : memref<10240xf32, #tpu.memory_space<vmem_shared>>)
      tpu.yield
    }) : () -> ()
    %barrier3A = arith.constant 0 : index
    tpu.barrier barrier_id(%barrier3A)
    %mul3A_19 = arith.constant 640 : i32
    %mul3A_20 = arith.muli %arg1, %mul3A_19 : i32
    %run_scoped3A = arith.constant 0 : i32
    %run_scoped3A_21 = arith.constant 0 : i32
    "tpu.region"() ({
      %run_scoped3A_91 = tpu.sem_alloc : memref<!tpu.dma_semaphore, #tpu.memory_space<semaphore_mem>>
      %dma_start3A = arith.constant 0 : i32
      %dma_start3A_92 = tpu.memref_slice %arg6[%run_scoped3A_21, %dma_start3A] : memref<16x640xf32, #tpu.memory_space<vmem>> -> memref<1x640xf32, #tpu.memory_space<vmem>>
      %dma_start3A_93 = tpu.memref_squeeze %dma_start3A_92 : memref<1x640xf32, #tpu.memory_space<vmem>> -> memref<640xf32, #tpu.memory_space<vmem>>
      %dma_start3A_94 = tpu.memref_slice %arg7[%run_scoped3A, %mul3A_20] : memref<16x10240xf32, #tpu.memory_space<vmem_shared>> -> memref<1x640xf32, #tpu.memory_space<vmem_shared>>
      %dma_start3A_95 = tpu.memref_squeeze %dma_start3A_94 : memref<1x640xf32, #tpu.memory_space<vmem_shared>> -> memref<640xf32, #tpu.memory_space<vmem_shared>>
      %dma_start3A_96 = arith.constant 0 : i32
      %dma_start3A_97 = tpu.memref_slice %arg6[%run_scoped3A_21, %dma_start3A_96] : memref<16x640xf32, #tpu.memory_space<vmem>> -> memref<1x640xf32, #tpu.memory_space<vmem>>
      %dma_start3A_98 = tpu.memref_squeeze %dma_start3A_97 : memref<1x640xf32, #tpu.memory_space<vmem>> -> memref<640xf32, #tpu.memory_space<vmem>>
      %dma_start3A_99 = tpu.memref_slice %arg7[%run_scoped3A, %mul3A_20] : memref<16x10240xf32, #tpu.memory_space<vmem_shared>> -> memref<1x640xf32, #tpu.memory_space<vmem_shared>>
      %dma_start3A_100 = tpu.memref_squeeze %dma_start3A_99 : memref<1x640xf32, #tpu.memory_space<vmem_shared>> -> memref<640xf32, #tpu.memory_space<vmem_shared>>
      tpu.enqueue_dma source(%dma_start3A_100 : memref<640xf32, #tpu.memory_space<vmem_shared>>) target(%dma_start3A_98 : memref<640xf32, #tpu.memory_space<vmem>>) target_semaphore(%run_scoped3A_91 : memref<!tpu.dma_semaphore, #tpu.memory_space<semaphore_mem>>)
      %dma_wait3A = arith.constant 0 : i32
      %dma_wait3A_101 = tpu.memref_slice %arg6[%run_scoped3A_21, %dma_wait3A] : memref<16x640xf32, #tpu.memory_space<vmem>> -> memref<1x640xf32, #tpu.memory_space<vmem>>
      %dma_wait3A_102 = tpu.memref_squeeze %dma_wait3A_101 : memref<1x640xf32, #tpu.memory_space<vmem>> -> memref<640xf32, #tpu.memory_space<vmem>>
      %dma_wait3A_103 = tpu.memref_slice %arg7[%run_scoped3A, %mul3A_20] : memref<16x10240xf32, #tpu.memory_space<vmem_shared>> -> memref<1x640xf32, #tpu.memory_space<vmem_shared>>
      %dma_wait3A_104 = tpu.memref_squeeze %dma_wait3A_103 : memref<1x640xf32, #tpu.memory_space<vmem_shared>> -> memref<640xf32, #tpu.memory_space<vmem_shared>>
      %dma_wait3A_105 = arith.constant 0 : i32
      %dma_wait3A_106 = tpu.memref_slice %arg6[%run_scoped3A_21, %dma_wait3A_105] : memref<16x640xf32, #tpu.memory_space<vmem>> -> memref<1x640xf32, #tpu.memory_space<vmem>>
      %dma_wait3A_107 = tpu.memref_squeeze %dma_wait3A_106 : memref<1x640xf32, #tpu.memory_space<vmem>> -> memref<640xf32, #tpu.memory_space<vmem>>
      %dma_wait3A_108 = tpu.memref_slice %arg7[%run_scoped3A, %mul3A_20] : memref<16x10240xf32, #tpu.memory_space<vmem_shared>> -> memref<1x640xf32, #tpu.memory_space<vmem_shared>>
      %dma_wait3A_109 = tpu.memref_squeeze %dma_wait3A_108 : memref<1x640xf32, #tpu.memory_space<vmem_shared>> -> memref<640xf32, #tpu.memory_space<vmem_shared>>
      tpu.wait_dma2 semaphore(%run_scoped3A_91 : memref<!tpu.dma_semaphore, #tpu.memory_space<semaphore_mem>>) src(%dma_wait3A_109 : memref<640xf32, #tpu.memory_space<vmem_shared>>) dst(%dma_wait3A_107 : memref<640xf32, #tpu.memory_space<vmem>>)
      tpu.yield
    }) : () -> ()
    %mul3A_22 = arith.constant 640 : i32
    %mul3A_23 = arith.muli %arg1, %mul3A_22 : i32
    %run_scoped3A_24 = arith.constant 1 : i32
    %run_scoped3A_25 = arith.constant 1 : i32
    "tpu.region"() ({
      %run_scoped3A_91 = tpu.sem_alloc : memref<!tpu.dma_semaphore, #tpu.memory_space<semaphore_mem>>
      %dma_start3A = arith.constant 0 : i32
      %dma_start3A_92 = tpu.memref_slice %arg6[%run_scoped3A_25, %dma_start3A] : memref<16x640xf32, #tpu.memory_space<vmem>> -> memref<1x640xf32, #tpu.memory_space<vmem>>
      %dma_start3A_93 = tpu.memref_squeeze %dma_start3A_92 : memref<1x640xf32, #tpu.memory_space<vmem>> -> memref<640xf32, #tpu.memory_space<vmem>>
      %dma_start3A_94 = tpu.memref_slice %arg7[%run_scoped3A_24, %mul3A_23] : memref<16x10240xf32, #tpu.memory_space<vmem_shared>> -> memref<1x640xf32, #tpu.memory_space<vmem_shared>>
      %dma_start3A_95 = tpu.memref_squeeze %dma_start3A_94 : memref<1x640xf32, #tpu.memory_space<vmem_shared>> -> memref<640xf32, #tpu.memory_space<vmem_shared>>
      %dma_start3A_96 = arith.constant 0 : i32
      %dma_start3A_97 = tpu.memref_slice %arg6[%run_scoped3A_25, %dma_start3A_96] : memref<16x640xf32, #tpu.memory_space<vmem>> -> memref<1x640xf32, #tpu.memory_space<vmem>>
      %dma_start3A_98 = tpu.memref_squeeze %dma_start3A_97 : memref<1x640xf32, #tpu.memory_space<vmem>> -> memref<640xf32, #tpu.memory_space<vmem>>
      %dma_start3A_99 = tpu.memref_slice %arg7[%run_scoped3A_24, %mul3A_23] : memref<16x10240xf32, #tpu.memory_space<vmem_shared>> -> memref<1x640xf32, #tpu.memory_space<vmem_shared>>
      %dma_start3A_100 = tpu.memref_squeeze %dma_start3A_99 : memref<1x640xf32, #tpu.memory_space<vmem_shared>> -> memref<640xf32, #tpu.memory_space<vmem_shared>>
      tpu.enqueue_dma source(%dma_start3A_100 : memref<640xf32, #tpu.memory_space<vmem_shared>>) target(%dma_start3A_98 : memref<640xf32, #tpu.memory_space<vmem>>) target_semaphore(%run_scoped3A_91 : memref<!tpu.dma_semaphore, #tpu.memory_space<semaphore_mem>>)
      %dma_wait3A = arith.constant 0 : i32
      %dma_wait3A_101 = tpu.memref_slice %arg6[%run_scoped3A_25, %dma_wait3A] : memref<16x640xf32, #tpu.memory_space<vmem>> -> memref<1x640xf32, #tpu.memory_space<vmem>>
      %dma_wait3A_102 = tpu.memref_squeeze %dma_wait3A_101 : memref<1x640xf32, #tpu.memory_space<vmem>> -> memref<640xf32, #tpu.memory_space<vmem>>
      %dma_wait3A_103 = tpu.memref_slice %arg7[%run_scoped3A_24, %mul3A_23] : memref<16x10240xf32, #tpu.memory_space<vmem_shared>> -> memref<1x640xf32, #tpu.memory_space<vmem_shared>>
      %dma_wait3A_104 = tpu.memref_squeeze %dma_wait3A_103 : memref<1x640xf32, #tpu.memory_space<vmem_shared>> -> memref<640xf32, #tpu.memory_space<vmem_shared>>
      %dma_wait3A_105 = arith.constant 0 : i32
      %dma_wait3A_106 = tpu.memref_slice %arg6[%run_scoped3A_25, %dma_wait3A_105] : memref<16x640xf32, #tpu.memory_space<vmem>> -> memref<1x640xf32, #tpu.memory_space<vmem>>
      %dma_wait3A_107 = tpu.memref_squeeze %dma_wait3A_106 : memref<1x640xf32, #tpu.memory_space<vmem>> -> memref<640xf32, #tpu.memory_space<vmem>>
      %dma_wait3A_108 = tpu.memref_slice %arg7[%run_scoped3A_24, %mul3A_23] : memref<16x10240xf32, #tpu.memory_space<vmem_shared>> -> memref<1x640xf32, #tpu.memory_space<vmem_shared>>
      %dma_wait3A_109 = tpu.memref_squeeze %dma_wait3A_108 : memref<1x640xf32, #tpu.memory_space<vmem_shared>> -> memref<640xf32, #tpu.memory_space<vmem_shared>>
      tpu.wait_dma2 semaphore(%run_scoped3A_91 : memref<!tpu.dma_semaphore, #tpu.memory_space<semaphore_mem>>) src(%dma_wait3A_109 : memref<640xf32, #tpu.memory_space<vmem_shared>>) dst(%dma_wait3A_107 : memref<640xf32, #tpu.memory_space<vmem>>)
      tpu.yield
    }) : () -> ()
    %mul3A_26 = arith.constant 640 : i32
    %mul3A_27 = arith.muli %arg1, %mul3A_26 : i32
    %run_scoped3A_28 = arith.constant 2 : i32
    %run_scoped3A_29 = arith.constant 2 : i32
    "tpu.region"() ({
      %run_scoped3A_91 = tpu.sem_alloc : memref<!tpu.dma_semaphore, #tpu.memory_space<semaphore_mem>>
      %dma_start3A = arith.constant 0 : i32
      %dma_start3A_92 = tpu.memref_slice %arg6[%run_scoped3A_29, %dma_start3A] : memref<16x640xf32, #tpu.memory_space<vmem>> -> memref<1x640xf32, #tpu.memory_space<vmem>>
      %dma_start3A_93 = tpu.memref_squeeze %dma_start3A_92 : memref<1x640xf32, #tpu.memory_space<vmem>> -> memref<640xf32, #tpu.memory_space<vmem>>
      %dma_start3A_94 = tpu.memref_slice %arg7[%run_scoped3A_28, %mul3A_27] : memref<16x10240xf32, #tpu.memory_space<vmem_shared>> -> memref<1x640xf32, #tpu.memory_space<vmem_shared>>
      %dma_start3A_95 = tpu.memref_squeeze %dma_start3A_94 : memref<1x640xf32, #tpu.memory_space<vmem_shared>> -> memref<640xf32, #tpu.memory_space<vmem_shared>>
      %dma_start3A_96 = arith.constant 0 : i32
      %dma_start3A_97 = tpu.memref_slice %arg6[%run_scoped3A_29, %dma_start3A_96] : memref<16x640xf32, #tpu.memory_space<vmem>> -> memref<1x640xf32, #tpu.memory_space<vmem>>
      %dma_start3A_98 = tpu.memref_squeeze %dma_start3A_97 : memref<1x640xf32, #tpu.memory_space<vmem>> -> memref<640xf32, #tpu.memory_space<vmem>>
      %dma_start3A_99 = tpu.memref_slice %arg7[%run_scoped3A_28, %mul3A_27] : memref<16x10240xf32, #tpu.memory_space<vmem_shared>> -> memref<1x640xf32, #tpu.memory_space<vmem_shared>>
      %dma_start3A_100 = tpu.memref_squeeze %dma_start3A_99 : memref<1x640xf32, #tpu.memory_space<vmem_shared>> -> memref<640xf32, #tpu.memory_space<vmem_shared>>
      tpu.enqueue_dma source(%dma_start3A_100 : memref<640xf32, #tpu.memory_space<vmem_shared>>) target(%dma_start3A_98 : memref<640xf32, #tpu.memory_space<vmem>>) target_semaphore(%run_scoped3A_91 : memref<!tpu.dma_semaphore, #tpu.memory_space<semaphore_mem>>)
      %dma_wait3A = arith.constant 0 : i32
      %dma_wait3A_101 = tpu.memref_slice %arg6[%run_scoped3A_29, %dma_wait3A] : memref<16x640xf32, #tpu.memory_space<vmem>> -> memref<1x640xf32, #tpu.memory_space<vmem>>
      %dma_wait3A_102 = tpu.memref_squeeze %dma_wait3A_101 : memref<1x640xf32, #tpu.memory_space<vmem>> -> memref<640xf32, #tpu.memory_space<vmem>>
      %dma_wait3A_103 = tpu.memref_slice %arg7[%run_scoped3A_28, %mul3A_27] : memref<16x10240xf32, #tpu.memory_space<vmem_shared>> -> memref<1x640xf32, #tpu.memory_space<vmem_shared>>
      %dma_wait3A_104 = tpu.memref_squeeze %dma_wait3A_103 : memref<1x640xf32, #tpu.memory_space<vmem_shared>> -> memref<640xf32, #tpu.memory_space<vmem_shared>>
      %dma_wait3A_105 = arith.constant 0 : i32
      %dma_wait3A_106 = tpu.memref_slice %arg6[%run_scoped3A_29, %dma_wait3A_105] : memref<16x640xf32, #tpu.memory_space<vmem>> -> memref<1x640xf32, #tpu.memory_space<vmem>>
      %dma_wait3A_107 = tpu.memref_squeeze %dma_wait3A_106 : memref<1x640xf32, #tpu.memory_space<vmem>> -> memref<640xf32, #tpu.memory_space<vmem>>
      %dma_wait3A_108 = tpu.memref_slice %arg7[%run_scoped3A_28, %mul3A_27] : memref<16x10240xf32, #tpu.memory_space<vmem_shared>> -> memref<1x640xf32, #tpu.memory_space<vmem_shared>>
      %dma_wait3A_109 = tpu.memref_squeeze %dma_wait3A_108 : memref<1x640xf32, #tpu.memory_space<vmem_shared>> -> memref<640xf32, #tpu.memory_space<vmem_shared>>
      tpu.wait_dma2 semaphore(%run_scoped3A_91 : memref<!tpu.dma_semaphore, #tpu.memory_space<semaphore_mem>>) src(%dma_wait3A_109 : memref<640xf32, #tpu.memory_space<vmem_shared>>) dst(%dma_wait3A_107 : memref<640xf32, #tpu.memory_space<vmem>>)
      tpu.yield
    }) : () -> ()
    %mul3A_30 = arith.constant 640 : i32
    %mul3A_31 = arith.muli %arg1, %mul3A_30 : i32
    %run_scoped3A_32 = arith.constant 3 : i32
    %run_scoped3A_33 = arith.constant 3 : i32
    "tpu.region"() ({
      %run_scoped3A_91 = tpu.sem_alloc : memref<!tpu.dma_semaphore, #tpu.memory_space<semaphore_mem>>
      %dma_start3A = arith.constant 0 : i32
      %dma_start3A_92 = tpu.memref_slice %arg6[%run_scoped3A_33, %dma_start3A] : memref<16x640xf32, #tpu.memory_space<vmem>> -> memref<1x640xf32, #tpu.memory_space<vmem>>
      %dma_start3A_93 = tpu.memref_squeeze %dma_start3A_92 : memref<1x640xf32, #tpu.memory_space<vmem>> -> memref<640xf32, #tpu.memory_space<vmem>>
      %dma_start3A_94 = tpu.memref_slice %arg7[%run_scoped3A_32, %mul3A_31] : memref<16x10240xf32, #tpu.memory_space<vmem_shared>> -> memref<1x640xf32, #tpu.memory_space<vmem_shared>>
      %dma_start3A_95 = tpu.memref_squeeze %dma_start3A_94 : memref<1x640xf32, #tpu.memory_space<vmem_shared>> -> memref<640xf32, #tpu.memory_space<vmem_shared>>
      %dma_start3A_96 = arith.constant 0 : i32
      %dma_start3A_97 = tpu.memref_slice %arg6[%run_scoped3A_33, %dma_start3A_96] : memref<16x640xf32, #tpu.memory_space<vmem>> -> memref<1x640xf32, #tpu.memory_space<vmem>>
      %dma_start3A_98 = tpu.memref_squeeze %dma_start3A_97 : memref<1x640xf32, #tpu.memory_space<vmem>> -> memref<640xf32, #tpu.memory_space<vmem>>
      %dma_start3A_99 = tpu.memref_slice %arg7[%run_scoped3A_32, %mul3A_31] : memref<16x10240xf32, #tpu.memory_space<vmem_shared>> -> memref<1x640xf32, #tpu.memory_space<vmem_shared>>
      %dma_start3A_100 = tpu.memref_squeeze %dma_start3A_99 : memref<1x640xf32, #tpu.memory_space<vmem_shared>> -> memref<640xf32, #tpu.memory_space<vmem_shared>>
      tpu.enqueue_dma source(%dma_start3A_100 : memref<640xf32, #tpu.memory_space<vmem_shared>>) target(%dma_start3A_98 : memref<640xf32, #tpu.memory_space<vmem>>) target_semaphore(%run_scoped3A_91 : memref<!tpu.dma_semaphore, #tpu.memory_space<semaphore_mem>>)
      %dma_wait3A = arith.constant 0 : i32
      %dma_wait3A_101 = tpu.memref_slice %arg6[%run_scoped3A_33, %dma_wait3A] : memref<16x640xf32, #tpu.memory_space<vmem>> -> memref<1x640xf32, #tpu.memory_space<vmem>>
      %dma_wait3A_102 = tpu.memref_squeeze %dma_wait3A_101 : memref<1x640xf32, #tpu.memory_space<vmem>> -> memref<640xf32, #tpu.memory_space<vmem>>
      %dma_wait3A_103 = tpu.memref_slice %arg7[%run_scoped3A_32, %mul3A_31] : memref<16x10240xf32, #tpu.memory_space<vmem_shared>> -> memref<1x640xf32, #tpu.memory_space<vmem_shared>>
      %dma_wait3A_104 = tpu.memref_squeeze %dma_wait3A_103 : memref<1x640xf32, #tpu.memory_space<vmem_shared>> -> memref<640xf32, #tpu.memory_space<vmem_shared>>
      %dma_wait3A_105 = arith.constant 0 : i32
      %dma_wait3A_106 = tpu.memref_slice %arg6[%run_scoped3A_33, %dma_wait3A_105] : memref<16x640xf32, #tpu.memory_space<vmem>> -> memref<1x640xf32, #tpu.memory_space<vmem>>
      %dma_wait3A_107 = tpu.memref_squeeze %dma_wait3A_106 : memref<1x640xf32, #tpu.memory_space<vmem>> -> memref<640xf32, #tpu.memory_space<vmem>>
      %dma_wait3A_108 = tpu.memref_slice %arg7[%run_scoped3A_32, %mul3A_31] : memref<16x10240xf32, #tpu.memory_space<vmem_shared>> -> memref<1x640xf32, #tpu.memory_space<vmem_shared>>
      %dma_wait3A_109 = tpu.memref_squeeze %dma_wait3A_108 : memref<1x640xf32, #tpu.memory_space<vmem_shared>> -> memref<640xf32, #tpu.memory_space<vmem_shared>>
      tpu.wait_dma2 semaphore(%run_scoped3A_91 : memref<!tpu.dma_semaphore, #tpu.memory_space<semaphore_mem>>) src(%dma_wait3A_109 : memref<640xf32, #tpu.memory_space<vmem_shared>>) dst(%dma_wait3A_107 : memref<640xf32, #tpu.memory_space<vmem>>)
      tpu.yield
    }) : () -> ()
    %mul3A_34 = arith.constant 640 : i32
    %mul3A_35 = arith.muli %arg1, %mul3A_34 : i32
    %run_scoped3A_36 = arith.constant 4 : i32
    %run_scoped3A_37 = arith.constant 4 : i32
    "tpu.region"() ({
      %run_scoped3A_91 = tpu.sem_alloc : memref<!tpu.dma_semaphore, #tpu.memory_space<semaphore_mem>>
      %dma_start3A = arith.constant 0 : i32
      %dma_start3A_92 = tpu.memref_slice %arg6[%run_scoped3A_37, %dma_start3A] : memref<16x640xf32, #tpu.memory_space<vmem>> -> memref<1x640xf32, #tpu.memory_space<vmem>>
      %dma_start3A_93 = tpu.memref_squeeze %dma_start3A_92 : memref<1x640xf32, #tpu.memory_space<vmem>> -> memref<640xf32, #tpu.memory_space<vmem>>
      %dma_start3A_94 = tpu.memref_slice %arg7[%run_scoped3A_36, %mul3A_35] : memref<16x10240xf32, #tpu.memory_space<vmem_shared>> -> memref<1x640xf32, #tpu.memory_space<vmem_shared>>
      %dma_start3A_95 = tpu.memref_squeeze %dma_start3A_94 : memref<1x640xf32, #tpu.memory_space<vmem_shared>> -> memref<640xf32, #tpu.memory_space<vmem_shared>>
      %dma_start3A_96 = arith.constant 0 : i32
      %dma_start3A_97 = tpu.memref_slice %arg6[%run_scoped3A_37, %dma_start3A_96] : memref<16x640xf32, #tpu.memory_space<vmem>> -> memref<1x640xf32, #tpu.memory_space<vmem>>
      %dma_start3A_98 = tpu.memref_squeeze %dma_start3A_97 : memref<1x640xf32, #tpu.memory_space<vmem>> -> memref<640xf32, #tpu.memory_space<vmem>>
      %dma_start3A_99 = tpu.memref_slice %arg7[%run_scoped3A_36, %mul3A_35] : memref<16x10240xf32, #tpu.memory_space<vmem_shared>> -> memref<1x640xf32, #tpu.memory_space<vmem_shared>>
      %dma_start3A_100 = tpu.memref_squeeze %dma_start3A_99 : memref<1x640xf32, #tpu.memory_space<vmem_shared>> -> memref<640xf32, #tpu.memory_space<vmem_shared>>
      tpu.enqueue_dma source(%dma_start3A_100 : memref<640xf32, #tpu.memory_space<vmem_shared>>) target(%dma_start3A_98 : memref<640xf32, #tpu.memory_space<vmem>>) target_semaphore(%run_scoped3A_91 : memref<!tpu.dma_semaphore, #tpu.memory_space<semaphore_mem>>)
      %dma_wait3A = arith.constant 0 : i32
      %dma_wait3A_101 = tpu.memref_slice %arg6[%run_scoped3A_37, %dma_wait3A] : memref<16x640xf32, #tpu.memory_space<vmem>> -> memref<1x640xf32, #tpu.memory_space<vmem>>
      %dma_wait3A_102 = tpu.memref_squeeze %dma_wait3A_101 : memref<1x640xf32, #tpu.memory_space<vmem>> -> memref<640xf32, #tpu.memory_space<vmem>>
      %dma_wait3A_103 = tpu.memref_slice %arg7[%run_scoped3A_36, %mul3A_35] : memref<16x10240xf32, #tpu.memory_space<vmem_shared>> -> memref<1x640xf32, #tpu.memory_space<vmem_shared>>
      %dma_wait3A_104 = tpu.memref_squeeze %dma_wait3A_103 : memref<1x640xf32, #tpu.memory_space<vmem_shared>> -> memref<640xf32, #tpu.memory_space<vmem_shared>>
      %dma_wait3A_105 = arith.constant 0 : i32
      %dma_wait3A_106 = tpu.memref_slice %arg6[%run_scoped3A_37, %dma_wait3A_105] : memref<16x640xf32, #tpu.memory_space<vmem>> -> memref<1x640xf32, #tpu.memory_space<vmem>>
      %dma_wait3A_107 = tpu.memref_squeeze %dma_wait3A_106 : memref<1x640xf32, #tpu.memory_space<vmem>> -> memref<640xf32, #tpu.memory_space<vmem>>
      %dma_wait3A_108 = tpu.memref_slice %arg7[%run_scoped3A_36, %mul3A_35] : memref<16x10240xf32, #tpu.memory_space<vmem_shared>> -> memref<1x640xf32, #tpu.memory_space<vmem_shared>>
      %dma_wait3A_109 = tpu.memref_squeeze %dma_wait3A_108 : memref<1x640xf32, #tpu.memory_space<vmem_shared>> -> memref<640xf32, #tpu.memory_space<vmem_shared>>
      tpu.wait_dma2 semaphore(%run_scoped3A_91 : memref<!tpu.dma_semaphore, #tpu.memory_space<semaphore_mem>>) src(%dma_wait3A_109 : memref<640xf32, #tpu.memory_space<vmem_shared>>) dst(%dma_wait3A_107 : memref<640xf32, #tpu.memory_space<vmem>>)
      tpu.yield
    }) : () -> ()
    %mul3A_38 = arith.constant 640 : i32
    %mul3A_39 = arith.muli %arg1, %mul3A_38 : i32
    %run_scoped3A_40 = arith.constant 5 : i32
    %run_scoped3A_41 = arith.constant 5 : i32
    "tpu.region"() ({
      %run_scoped3A_91 = tpu.sem_alloc : memref<!tpu.dma_semaphore, #tpu.memory_space<semaphore_mem>>
      %dma_start3A = arith.constant 0 : i32
      %dma_start3A_92 = tpu.memref_slice %arg6[%run_scoped3A_41, %dma_start3A] : memref<16x640xf32, #tpu.memory_space<vmem>> -> memref<1x640xf32, #tpu.memory_space<vmem>>
      %dma_start3A_93 = tpu.memref_squeeze %dma_start3A_92 : memref<1x640xf32, #tpu.memory_space<vmem>> -> memref<640xf32, #tpu.memory_space<vmem>>
      %dma_start3A_94 = tpu.memref_slice %arg7[%run_scoped3A_40, %mul3A_39] : memref<16x10240xf32, #tpu.memory_space<vmem_shared>> -> memref<1x640xf32, #tpu.memory_space<vmem_shared>>
      %dma_start3A_95 = tpu.memref_squeeze %dma_start3A_94 : memref<1x640xf32, #tpu.memory_space<vmem_shared>> -> memref<640xf32, #tpu.memory_space<vmem_shared>>
      %dma_start3A_96 = arith.constant 0 : i32
      %dma_start3A_97 = tpu.memref_slice %arg6[%run_scoped3A_41, %dma_start3A_96] : memref<16x640xf32, #tpu.memory_space<vmem>> -> memref<1x640xf32, #tpu.memory_space<vmem>>
      %dma_start3A_98 = tpu.memref_squeeze %dma_start3A_97 : memref<1x640xf32, #tpu.memory_space<vmem>> -> memref<640xf32, #tpu.memory_space<vmem>>
      %dma_start3A_99 = tpu.memref_slice %arg7[%run_scoped3A_40, %mul3A_39] : memref<16x10240xf32, #tpu.memory_space<vmem_shared>> -> memref<1x640xf32, #tpu.memory_space<vmem_shared>>
      %dma_start3A_100 = tpu.memref_squeeze %dma_start3A_99 : memref<1x640xf32, #tpu.memory_space<vmem_shared>> -> memref<640xf32, #tpu.memory_space<vmem_shared>>
      tpu.enqueue_dma source(%dma_start3A_100 : memref<640xf32, #tpu.memory_space<vmem_shared>>) target(%dma_start3A_98 : memref<640xf32, #tpu.memory_space<vmem>>) target_semaphore(%run_scoped3A_91 : memref<!tpu.dma_semaphore, #tpu.memory_space<semaphore_mem>>)
      %dma_wait3A = arith.constant 0 : i32
      %dma_wait3A_101 = tpu.memref_slice %arg6[%run_scoped3A_41, %dma_wait3A] : memref<16x640xf32, #tpu.memory_space<vmem>> -> memref<1x640xf32, #tpu.memory_space<vmem>>
      %dma_wait3A_102 = tpu.memref_squeeze %dma_wait3A_101 : memref<1x640xf32, #tpu.memory_space<vmem>> -> memref<640xf32, #tpu.memory_space<vmem>>
      %dma_wait3A_103 = tpu.memref_slice %arg7[%run_scoped3A_40, %mul3A_39] : memref<16x10240xf32, #tpu.memory_space<vmem_shared>> -> memref<1x640xf32, #tpu.memory_space<vmem_shared>>
      %dma_wait3A_104 = tpu.memref_squeeze %dma_wait3A_103 : memref<1x640xf32, #tpu.memory_space<vmem_shared>> -> memref<640xf32, #tpu.memory_space<vmem_shared>>
      %dma_wait3A_105 = arith.constant 0 : i32
      %dma_wait3A_106 = tpu.memref_slice %arg6[%run_scoped3A_41, %dma_wait3A_105] : memref<16x640xf32, #tpu.memory_space<vmem>> -> memref<1x640xf32, #tpu.memory_space<vmem>>
      %dma_wait3A_107 = tpu.memref_squeeze %dma_wait3A_106 : memref<1x640xf32, #tpu.memory_space<vmem>> -> memref<640xf32, #tpu.memory_space<vmem>>
      %dma_wait3A_108 = tpu.memref_slice %arg7[%run_scoped3A_40, %mul3A_39] : memref<16x10240xf32, #tpu.memory_space<vmem_shared>> -> memref<1x640xf32, #tpu.memory_space<vmem_shared>>
      %dma_wait3A_109 = tpu.memref_squeeze %dma_wait3A_108 : memref<1x640xf32, #tpu.memory_space<vmem_shared>> -> memref<640xf32, #tpu.memory_space<vmem_shared>>
      tpu.wait_dma2 semaphore(%run_scoped3A_91 : memref<!tpu.dma_semaphore, #tpu.memory_space<semaphore_mem>>) src(%dma_wait3A_109 : memref<640xf32, #tpu.memory_space<vmem_shared>>) dst(%dma_wait3A_107 : memref<640xf32, #tpu.memory_space<vmem>>)
      tpu.yield
    }) : () -> ()
    %mul3A_42 = arith.constant 640 : i32
    %mul3A_43 = arith.muli %arg1, %mul3A_42 : i32
    %run_scoped3A_44 = arith.constant 6 : i32
    %run_scoped3A_45 = arith.constant 6 : i32
    "tpu.region"() ({
      %run_scoped3A_91 = tpu.sem_alloc : memref<!tpu.dma_semaphore, #tpu.memory_space<semaphore_mem>>
      %dma_start3A = arith.constant 0 : i32
      %dma_start3A_92 = tpu.memref_slice %arg6[%run_scoped3A_45, %dma_start3A] : memref<16x640xf32, #tpu.memory_space<vmem>> -> memref<1x640xf32, #tpu.memory_space<vmem>>
      %dma_start3A_93 = tpu.memref_squeeze %dma_start3A_92 : memref<1x640xf32, #tpu.memory_space<vmem>> -> memref<640xf32, #tpu.memory_space<vmem>>
      %dma_start3A_94 = tpu.memref_slice %arg7[%run_scoped3A_44, %mul3A_43] : memref<16x10240xf32, #tpu.memory_space<vmem_shared>> -> memref<1x640xf32, #tpu.memory_space<vmem_shared>>
      %dma_start3A_95 = tpu.memref_squeeze %dma_start3A_94 : memref<1x640xf32, #tpu.memory_space<vmem_shared>> -> memref<640xf32, #tpu.memory_space<vmem_shared>>
      %dma_start3A_96 = arith.constant 0 : i32
      %dma_start3A_97 = tpu.memref_slice %arg6[%run_scoped3A_45, %dma_start3A_96] : memref<16x640xf32, #tpu.memory_space<vmem>> -> memref<1x640xf32, #tpu.memory_space<vmem>>
      %dma_start3A_98 = tpu.memref_squeeze %dma_start3A_97 : memref<1x640xf32, #tpu.memory_space<vmem>> -> memref<640xf32, #tpu.memory_space<vmem>>
      %dma_start3A_99 = tpu.memref_slice %arg7[%run_scoped3A_44, %mul3A_43] : memref<16x10240xf32, #tpu.memory_space<vmem_shared>> -> memref<1x640xf32, #tpu.memory_space<vmem_shared>>
      %dma_start3A_100 = tpu.memref_squeeze %dma_start3A_99 : memref<1x640xf32, #tpu.memory_space<vmem_shared>> -> memref<640xf32, #tpu.memory_space<vmem_shared>>
      tpu.enqueue_dma source(%dma_start3A_100 : memref<640xf32, #tpu.memory_space<vmem_shared>>) target(%dma_start3A_98 : memref<640xf32, #tpu.memory_space<vmem>>) target_semaphore(%run_scoped3A_91 : memref<!tpu.dma_semaphore, #tpu.memory_space<semaphore_mem>>)
      %dma_wait3A = arith.constant 0 : i32
      %dma_wait3A_101 = tpu.memref_slice %arg6[%run_scoped3A_45, %dma_wait3A] : memref<16x640xf32, #tpu.memory_space<vmem>> -> memref<1x640xf32, #tpu.memory_space<vmem>>
      %dma_wait3A_102 = tpu.memref_squeeze %dma_wait3A_101 : memref<1x640xf32, #tpu.memory_space<vmem>> -> memref<640xf32, #tpu.memory_space<vmem>>
      %dma_wait3A_103 = tpu.memref_slice %arg7[%run_scoped3A_44, %mul3A_43] : memref<16x10240xf32, #tpu.memory_space<vmem_shared>> -> memref<1x640xf32, #tpu.memory_space<vmem_shared>>
      %dma_wait3A_104 = tpu.memref_squeeze %dma_wait3A_103 : memref<1x640xf32, #tpu.memory_space<vmem_shared>> -> memref<640xf32, #tpu.memory_space<vmem_shared>>
      %dma_wait3A_105 = arith.constant 0 : i32
      %dma_wait3A_106 = tpu.memref_slice %arg6[%run_scoped3A_45, %dma_wait3A_105] : memref<16x640xf32, #tpu.memory_space<vmem>> -> memref<1x640xf32, #tpu.memory_space<vmem>>
      %dma_wait3A_107 = tpu.memref_squeeze %dma_wait3A_106 : memref<1x640xf32, #tpu.memory_space<vmem>> -> memref<640xf32, #tpu.memory_space<vmem>>
      %dma_wait3A_108 = tpu.memref_slice %arg7[%run_scoped3A_44, %mul3A_43] : memref<16x10240xf32, #tpu.memory_space<vmem_shared>> -> memref<1x640xf32, #tpu.memory_space<vmem_shared>>
      %dma_wait3A_109 = tpu.memref_squeeze %dma_wait3A_108 : memref<1x640xf32, #tpu.memory_space<vmem_shared>> -> memref<640xf32, #tpu.memory_space<vmem_shared>>
      tpu.wait_dma2 semaphore(%run_scoped3A_91 : memref<!tpu.dma_semaphore, #tpu.memory_space<semaphore_mem>>) src(%dma_wait3A_109 : memref<640xf32, #tpu.memory_space<vmem_shared>>) dst(%dma_wait3A_107 : memref<640xf32, #tpu.memory_space<vmem>>)
      tpu.yield
    }) : () -> ()
    %mul3A_46 = arith.constant 640 : i32
    %mul3A_47 = arith.muli %arg1, %mul3A_46 : i32
    %run_scoped3A_48 = arith.constant 7 : i32
    %run_scoped3A_49 = arith.constant 7 : i32
    "tpu.region"() ({
      %run_scoped3A_91 = tpu.sem_alloc : memref<!tpu.dma_semaphore, #tpu.memory_space<semaphore_mem>>
      %dma_start3A = arith.constant 0 : i32
      %dma_start3A_92 = tpu.memref_slice %arg6[%run_scoped3A_49, %dma_start3A] : memref<16x640xf32, #tpu.memory_space<vmem>> -> memref<1x640xf32, #tpu.memory_space<vmem>>
      %dma_start3A_93 = tpu.memref_squeeze %dma_start3A_92 : memref<1x640xf32, #tpu.memory_space<vmem>> -> memref<640xf32, #tpu.memory_space<vmem>>
      %dma_start3A_94 = tpu.memref_slice %arg7[%run_scoped3A_48, %mul3A_47] : memref<16x10240xf32, #tpu.memory_space<vmem_shared>> -> memref<1x640xf32, #tpu.memory_space<vmem_shared>>
      %dma_start3A_95 = tpu.memref_squeeze %dma_start3A_94 : memref<1x640xf32, #tpu.memory_space<vmem_shared>> -> memref<640xf32, #tpu.memory_space<vmem_shared>>
      %dma_start3A_96 = arith.constant 0 : i32
      %dma_start3A_97 = tpu.memref_slice %arg6[%run_scoped3A_49, %dma_start3A_96] : memref<16x640xf32, #tpu.memory_space<vmem>> -> memref<1x640xf32, #tpu.memory_space<vmem>>
      %dma_start3A_98 = tpu.memref_squeeze %dma_start3A_97 : memref<1x640xf32, #tpu.memory_space<vmem>> -> memref<640xf32, #tpu.memory_space<vmem>>
      %dma_start3A_99 = tpu.memref_slice %arg7[%run_scoped3A_48, %mul3A_47] : memref<16x10240xf32, #tpu.memory_space<vmem_shared>> -> memref<1x640xf32, #tpu.memory_space<vmem_shared>>
      %dma_start3A_100 = tpu.memref_squeeze %dma_start3A_99 : memref<1x640xf32, #tpu.memory_space<vmem_shared>> -> memref<640xf32, #tpu.memory_space<vmem_shared>>
      tpu.enqueue_dma source(%dma_start3A_100 : memref<640xf32, #tpu.memory_space<vmem_shared>>) target(%dma_start3A_98 : memref<640xf32, #tpu.memory_space<vmem>>) target_semaphore(%run_scoped3A_91 : memref<!tpu.dma_semaphore, #tpu.memory_space<semaphore_mem>>)
      %dma_wait3A = arith.constant 0 : i32
      %dma_wait3A_101 = tpu.memref_slice %arg6[%run_scoped3A_49, %dma_wait3A] : memref<16x640xf32, #tpu.memory_space<vmem>> -> memref<1x640xf32, #tpu.memory_space<vmem>>
      %dma_wait3A_102 = tpu.memref_squeeze %dma_wait3A_101 : memref<1x640xf32, #tpu.memory_space<vmem>> -> memref<640xf32, #tpu.memory_space<vmem>>
      %dma_wait3A_103 = tpu.memref_slice %arg7[%run_scoped3A_48, %mul3A_47] : memref<16x10240xf32, #tpu.memory_space<vmem_shared>> -> memref<1x640xf32, #tpu.memory_space<vmem_shared>>
      %dma_wait3A_104 = tpu.memref_squeeze %dma_wait3A_103 : memref<1x640xf32, #tpu.memory_space<vmem_shared>> -> memref<640xf32, #tpu.memory_space<vmem_shared>>
      %dma_wait3A_105 = arith.constant 0 : i32
      %dma_wait3A_106 = tpu.memref_slice %arg6[%run_scoped3A_49, %dma_wait3A_105] : memref<16x640xf32, #tpu.memory_space<vmem>> -> memref<1x640xf32, #tpu.memory_space<vmem>>
      %dma_wait3A_107 = tpu.memref_squeeze %dma_wait3A_106 : memref<1x640xf32, #tpu.memory_space<vmem>> -> memref<640xf32, #tpu.memory_space<vmem>>
      %dma_wait3A_108 = tpu.memref_slice %arg7[%run_scoped3A_48, %mul3A_47] : memref<16x10240xf32, #tpu.memory_space<vmem_shared>> -> memref<1x640xf32, #tpu.memory_space<vmem_shared>>
      %dma_wait3A_109 = tpu.memref_squeeze %dma_wait3A_108 : memref<1x640xf32, #tpu.memory_space<vmem_shared>> -> memref<640xf32, #tpu.memory_space<vmem_shared>>
      tpu.wait_dma2 semaphore(%run_scoped3A_91 : memref<!tpu.dma_semaphore, #tpu.memory_space<semaphore_mem>>) src(%dma_wait3A_109 : memref<640xf32, #tpu.memory_space<vmem_shared>>) dst(%dma_wait3A_107 : memref<640xf32, #tpu.memory_space<vmem>>)
      tpu.yield
    }) : () -> ()
    %mul3A_50 = arith.constant 640 : i32
    %mul3A_51 = arith.muli %arg1, %mul3A_50 : i32
    %run_scoped3A_52 = arith.constant 8 : i32
    %run_scoped3A_53 = arith.constant 8 : i32
    "tpu.region"() ({
      %run_scoped3A_91 = tpu.sem_alloc : memref<!tpu.dma_semaphore, #tpu.memory_space<semaphore_mem>>
      %dma_start3A = arith.constant 0 : i32
      %dma_start3A_92 = tpu.memref_slice %arg6[%run_scoped3A_53, %dma_start3A] : memref<16x640xf32, #tpu.memory_space<vmem>> -> memref<1x640xf32, #tpu.memory_space<vmem>>
      %dma_start3A_93 = tpu.memref_squeeze %dma_start3A_92 : memref<1x640xf32, #tpu.memory_space<vmem>> -> memref<640xf32, #tpu.memory_space<vmem>>
      %dma_start3A_94 = tpu.memref_slice %arg7[%run_scoped3A_52, %mul3A_51] : memref<16x10240xf32, #tpu.memory_space<vmem_shared>> -> memref<1x640xf32, #tpu.memory_space<vmem_shared>>
      %dma_start3A_95 = tpu.memref_squeeze %dma_start3A_94 : memref<1x640xf32, #tpu.memory_space<vmem_shared>> -> memref<640xf32, #tpu.memory_space<vmem_shared>>
      %dma_start3A_96 = arith.constant 0 : i32
      %dma_start3A_97 = tpu.memref_slice %arg6[%run_scoped3A_53, %dma_start3A_96] : memref<16x640xf32, #tpu.memory_space<vmem>> -> memref<1x640xf32, #tpu.memory_space<vmem>>
      %dma_start3A_98 = tpu.memref_squeeze %dma_start3A_97 : memref<1x640xf32, #tpu.memory_space<vmem>> -> memref<640xf32, #tpu.memory_space<vmem>>
      %dma_start3A_99 = tpu.memref_slice %arg7[%run_scoped3A_52, %mul3A_51] : memref<16x10240xf32, #tpu.memory_space<vmem_shared>> -> memref<1x640xf32, #tpu.memory_space<vmem_shared>>
      %dma_start3A_100 = tpu.memref_squeeze %dma_start3A_99 : memref<1x640xf32, #tpu.memory_space<vmem_shared>> -> memref<640xf32, #tpu.memory_space<vmem_shared>>
      tpu.enqueue_dma source(%dma_start3A_100 : memref<640xf32, #tpu.memory_space<vmem_shared>>) target(%dma_start3A_98 : memref<640xf32, #tpu.memory_space<vmem>>) target_semaphore(%run_scoped3A_91 : memref<!tpu.dma_semaphore, #tpu.memory_space<semaphore_mem>>)
      %dma_wait3A = arith.constant 0 : i32
      %dma_wait3A_101 = tpu.memref_slice %arg6[%run_scoped3A_53, %dma_wait3A] : memref<16x640xf32, #tpu.memory_space<vmem>> -> memref<1x640xf32, #tpu.memory_space<vmem>>
      %dma_wait3A_102 = tpu.memref_squeeze %dma_wait3A_101 : memref<1x640xf32, #tpu.memory_space<vmem>> -> memref<640xf32, #tpu.memory_space<vmem>>
      %dma_wait3A_103 = tpu.memref_slice %arg7[%run_scoped3A_52, %mul3A_51] : memref<16x10240xf32, #tpu.memory_space<vmem_shared>> -> memref<1x640xf32, #tpu.memory_space<vmem_shared>>
      %dma_wait3A_104 = tpu.memref_squeeze %dma_wait3A_103 : memref<1x640xf32, #tpu.memory_space<vmem_shared>> -> memref<640xf32, #tpu.memory_space<vmem_shared>>
      %dma_wait3A_105 = arith.constant 0 : i32
      %dma_wait3A_106 = tpu.memref_slice %arg6[%run_scoped3A_53, %dma_wait3A_105] : memref<16x640xf32, #tpu.memory_space<vmem>> -> memref<1x640xf32, #tpu.memory_space<vmem>>
      %dma_wait3A_107 = tpu.memref_squeeze %dma_wait3A_106 : memref<1x640xf32, #tpu.memory_space<vmem>> -> memref<640xf32, #tpu.memory_space<vmem>>
      %dma_wait3A_108 = tpu.memref_slice %arg7[%run_scoped3A_52, %mul3A_51] : memref<16x10240xf32, #tpu.memory_space<vmem_shared>> -> memref<1x640xf32, #tpu.memory_space<vmem_shared>>
      %dma_wait3A_109 = tpu.memref_squeeze %dma_wait3A_108 : memref<1x640xf32, #tpu.memory_space<vmem_shared>> -> memref<640xf32, #tpu.memory_space<vmem_shared>>
      tpu.wait_dma2 semaphore(%run_scoped3A_91 : memref<!tpu.dma_semaphore, #tpu.memory_space<semaphore_mem>>) src(%dma_wait3A_109 : memref<640xf32, #tpu.memory_space<vmem_shared>>) dst(%dma_wait3A_107 : memref<640xf32, #tpu.memory_space<vmem>>)
      tpu.yield
    }) : () -> ()
    %mul3A_54 = arith.constant 640 : i32
    %mul3A_55 = arith.muli %arg1, %mul3A_54 : i32
    %run_scoped3A_56 = arith.constant 9 : i32
    %run_scoped3A_57 = arith.constant 9 : i32
    "tpu.region"() ({
      %run_scoped3A_91 = tpu.sem_alloc : memref<!tpu.dma_semaphore, #tpu.memory_space<semaphore_mem>>
      %dma_start3A = arith.constant 0 : i32
      %dma_start3A_92 = tpu.memref_slice %arg6[%run_scoped3A_57, %dma_start3A] : memref<16x640xf32, #tpu.memory_space<vmem>> -> memref<1x640xf32, #tpu.memory_space<vmem>>
      %dma_start3A_93 = tpu.memref_squeeze %dma_start3A_92 : memref<1x640xf32, #tpu.memory_space<vmem>> -> memref<640xf32, #tpu.memory_space<vmem>>
      %dma_start3A_94 = tpu.memref_slice %arg7[%run_scoped3A_56, %mul3A_55] : memref<16x10240xf32, #tpu.memory_space<vmem_shared>> -> memref<1x640xf32, #tpu.memory_space<vmem_shared>>
      %dma_start3A_95 = tpu.memref_squeeze %dma_start3A_94 : memref<1x640xf32, #tpu.memory_space<vmem_shared>> -> memref<640xf32, #tpu.memory_space<vmem_shared>>
      %dma_start3A_96 = arith.constant 0 : i32
      %dma_start3A_97 = tpu.memref_slice %arg6[%run_scoped3A_57, %dma_start3A_96] : memref<16x640xf32, #tpu.memory_space<vmem>> -> memref<1x640xf32, #tpu.memory_space<vmem>>
      %dma_start3A_98 = tpu.memref_squeeze %dma_start3A_97 : memref<1x640xf32, #tpu.memory_space<vmem>> -> memref<640xf32, #tpu.memory_space<vmem>>
      %dma_start3A_99 = tpu.memref_slice %arg7[%run_scoped3A_56, %mul3A_55] : memref<16x10240xf32, #tpu.memory_space<vmem_shared>> -> memref<1x640xf32, #tpu.memory_space<vmem_shared>>
      %dma_start3A_100 = tpu.memref_squeeze %dma_start3A_99 : memref<1x640xf32, #tpu.memory_space<vmem_shared>> -> memref<640xf32, #tpu.memory_space<vmem_shared>>
      tpu.enqueue_dma source(%dma_start3A_100 : memref<640xf32, #tpu.memory_space<vmem_shared>>) target(%dma_start3A_98 : memref<640xf32, #tpu.memory_space<vmem>>) target_semaphore(%run_scoped3A_91 : memref<!tpu.dma_semaphore, #tpu.memory_space<semaphore_mem>>)
      %dma_wait3A = arith.constant 0 : i32
      %dma_wait3A_101 = tpu.memref_slice %arg6[%run_scoped3A_57, %dma_wait3A] : memref<16x640xf32, #tpu.memory_space<vmem>> -> memref<1x640xf32, #tpu.memory_space<vmem>>
      %dma_wait3A_102 = tpu.memref_squeeze %dma_wait3A_101 : memref<1x640xf32, #tpu.memory_space<vmem>> -> memref<640xf32, #tpu.memory_space<vmem>>
      %dma_wait3A_103 = tpu.memref_slice %arg7[%run_scoped3A_56, %mul3A_55] : memref<16x10240xf32, #tpu.memory_space<vmem_shared>> -> memref<1x640xf32, #tpu.memory_space<vmem_shared>>
      %dma_wait3A_104 = tpu.memref_squeeze %dma_wait3A_103 : memref<1x640xf32, #tpu.memory_space<vmem_shared>> -> memref<640xf32, #tpu.memory_space<vmem_shared>>
      %dma_wait3A_105 = arith.constant 0 : i32
      %dma_wait3A_106 = tpu.memref_slice %arg6[%run_scoped3A_57, %dma_wait3A_105] : memref<16x640xf32, #tpu.memory_space<vmem>> -> memref<1x640xf32, #tpu.memory_space<vmem>>
      %dma_wait3A_107 = tpu.memref_squeeze %dma_wait3A_106 : memref<1x640xf32, #tpu.memory_space<vmem>> -> memref<640xf32, #tpu.memory_space<vmem>>
      %dma_wait3A_108 = tpu.memref_slice %arg7[%run_scoped3A_56, %mul3A_55] : memref<16x10240xf32, #tpu.memory_space<vmem_shared>> -> memref<1x640xf32, #tpu.memory_space<vmem_shared>>
      %dma_wait3A_109 = tpu.memref_squeeze %dma_wait3A_108 : memref<1x640xf32, #tpu.memory_space<vmem_shared>> -> memref<640xf32, #tpu.memory_space<vmem_shared>>
      tpu.wait_dma2 semaphore(%run_scoped3A_91 : memref<!tpu.dma_semaphore, #tpu.memory_space<semaphore_mem>>) src(%dma_wait3A_109 : memref<640xf32, #tpu.memory_space<vmem_shared>>) dst(%dma_wait3A_107 : memref<640xf32, #tpu.memory_space<vmem>>)
      tpu.yield
    }) : () -> ()
    %mul3A_58 = arith.constant 640 : i32
    %mul3A_59 = arith.muli %arg1, %mul3A_58 : i32
    %run_scoped3A_60 = arith.constant 10 : i32
    %run_scoped3A_61 = arith.constant 10 : i32
    "tpu.region"() ({
      %run_scoped3A_91 = tpu.sem_alloc : memref<!tpu.dma_semaphore, #tpu.memory_space<semaphore_mem>>
      %dma_start3A = arith.constant 0 : i32
      %dma_start3A_92 = tpu.memref_slice %arg6[%run_scoped3A_61, %dma_start3A] : memref<16x640xf32, #tpu.memory_space<vmem>> -> memref<1x640xf32, #tpu.memory_space<vmem>>
      %dma_start3A_93 = tpu.memref_squeeze %dma_start3A_92 : memref<1x640xf32, #tpu.memory_space<vmem>> -> memref<640xf32, #tpu.memory_space<vmem>>
      %dma_start3A_94 = tpu.memref_slice %arg7[%run_scoped3A_60, %mul3A_59] : memref<16x10240xf32, #tpu.memory_space<vmem_shared>> -> memref<1x640xf32, #tpu.memory_space<vmem_shared>>
      %dma_start3A_95 = tpu.memref_squeeze %dma_start3A_94 : memref<1x640xf32, #tpu.memory_space<vmem_shared>> -> memref<640xf32, #tpu.memory_space<vmem_shared>>
      %dma_start3A_96 = arith.constant 0 : i32
      %dma_start3A_97 = tpu.memref_slice %arg6[%run_scoped3A_61, %dma_start3A_96] : memref<16x640xf32, #tpu.memory_space<vmem>> -> memref<1x640xf32, #tpu.memory_space<vmem>>
      %dma_start3A_98 = tpu.memref_squeeze %dma_start3A_97 : memref<1x640xf32, #tpu.memory_space<vmem>> -> memref<640xf32, #tpu.memory_space<vmem>>
      %dma_start3A_99 = tpu.memref_slice %arg7[%run_scoped3A_60, %mul3A_59] : memref<16x10240xf32, #tpu.memory_space<vmem_shared>> -> memref<1x640xf32, #tpu.memory_space<vmem_shared>>
      %dma_start3A_100 = tpu.memref_squeeze %dma_start3A_99 : memref<1x640xf32, #tpu.memory_space<vmem_shared>> -> memref<640xf32, #tpu.memory_space<vmem_shared>>
      tpu.enqueue_dma source(%dma_start3A_100 : memref<640xf32, #tpu.memory_space<vmem_shared>>) target(%dma_start3A_98 : memref<640xf32, #tpu.memory_space<vmem>>) target_semaphore(%run_scoped3A_91 : memref<!tpu.dma_semaphore, #tpu.memory_space<semaphore_mem>>)
      %dma_wait3A = arith.constant 0 : i32
      %dma_wait3A_101 = tpu.memref_slice %arg6[%run_scoped3A_61, %dma_wait3A] : memref<16x640xf32, #tpu.memory_space<vmem>> -> memref<1x640xf32, #tpu.memory_space<vmem>>
      %dma_wait3A_102 = tpu.memref_squeeze %dma_wait3A_101 : memref<1x640xf32, #tpu.memory_space<vmem>> -> memref<640xf32, #tpu.memory_space<vmem>>
      %dma_wait3A_103 = tpu.memref_slice %arg7[%run_scoped3A_60, %mul3A_59] : memref<16x10240xf32, #tpu.memory_space<vmem_shared>> -> memref<1x640xf32, #tpu.memory_space<vmem_shared>>
      %dma_wait3A_104 = tpu.memref_squeeze %dma_wait3A_103 : memref<1x640xf32, #tpu.memory_space<vmem_shared>> -> memref<640xf32, #tpu.memory_space<vmem_shared>>
      %dma_wait3A_105 = arith.constant 0 : i32
      %dma_wait3A_106 = tpu.memref_slice %arg6[%run_scoped3A_61, %dma_wait3A_105] : memref<16x640xf32, #tpu.memory_space<vmem>> -> memref<1x640xf32, #tpu.memory_space<vmem>>
      %dma_wait3A_107 = tpu.memref_squeeze %dma_wait3A_106 : memref<1x640xf32, #tpu.memory_space<vmem>> -> memref<640xf32, #tpu.memory_space<vmem>>
      %dma_wait3A_108 = tpu.memref_slice %arg7[%run_scoped3A_60, %mul3A_59] : memref<16x10240xf32, #tpu.memory_space<vmem_shared>> -> memref<1x640xf32, #tpu.memory_space<vmem_shared>>
      %dma_wait3A_109 = tpu.memref_squeeze %dma_wait3A_108 : memref<1x640xf32, #tpu.memory_space<vmem_shared>> -> memref<640xf32, #tpu.memory_space<vmem_shared>>
      tpu.wait_dma2 semaphore(%run_scoped3A_91 : memref<!tpu.dma_semaphore, #tpu.memory_space<semaphore_mem>>) src(%dma_wait3A_109 : memref<640xf32, #tpu.memory_space<vmem_shared>>) dst(%dma_wait3A_107 : memref<640xf32, #tpu.memory_space<vmem>>)
      tpu.yield
    }) : () -> ()
    %mul3A_62 = arith.constant 640 : i32
    %mul3A_63 = arith.muli %arg1, %mul3A_62 : i32
    %run_scoped3A_64 = arith.constant 11 : i32
    %run_scoped3A_65 = arith.constant 11 : i32
    "tpu.region"() ({
      %run_scoped3A_91 = tpu.sem_alloc : memref<!tpu.dma_semaphore, #tpu.memory_space<semaphore_mem>>
      %dma_start3A = arith.constant 0 : i32
      %dma_start3A_92 = tpu.memref_slice %arg6[%run_scoped3A_65, %dma_start3A] : memref<16x640xf32, #tpu.memory_space<vmem>> -> memref<1x640xf32, #tpu.memory_space<vmem>>
      %dma_start3A_93 = tpu.memref_squeeze %dma_start3A_92 : memref<1x640xf32, #tpu.memory_space<vmem>> -> memref<640xf32, #tpu.memory_space<vmem>>
      %dma_start3A_94 = tpu.memref_slice %arg7[%run_scoped3A_64, %mul3A_63] : memref<16x10240xf32, #tpu.memory_space<vmem_shared>> -> memref<1x640xf32, #tpu.memory_space<vmem_shared>>
      %dma_start3A_95 = tpu.memref_squeeze %dma_start3A_94 : memref<1x640xf32, #tpu.memory_space<vmem_shared>> -> memref<640xf32, #tpu.memory_space<vmem_shared>>
      %dma_start3A_96 = arith.constant 0 : i32
      %dma_start3A_97 = tpu.memref_slice %arg6[%run_scoped3A_65, %dma_start3A_96] : memref<16x640xf32, #tpu.memory_space<vmem>> -> memref<1x640xf32, #tpu.memory_space<vmem>>
      %dma_start3A_98 = tpu.memref_squeeze %dma_start3A_97 : memref<1x640xf32, #tpu.memory_space<vmem>> -> memref<640xf32, #tpu.memory_space<vmem>>
      %dma_start3A_99 = tpu.memref_slice %arg7[%run_scoped3A_64, %mul3A_63] : memref<16x10240xf32, #tpu.memory_space<vmem_shared>> -> memref<1x640xf32, #tpu.memory_space<vmem_shared>>
      %dma_start3A_100 = tpu.memref_squeeze %dma_start3A_99 : memref<1x640xf32, #tpu.memory_space<vmem_shared>> -> memref<640xf32, #tpu.memory_space<vmem_shared>>
      tpu.enqueue_dma source(%dma_start3A_100 : memref<640xf32, #tpu.memory_space<vmem_shared>>) target(%dma_start3A_98 : memref<640xf32, #tpu.memory_space<vmem>>) target_semaphore(%run_scoped3A_91 : memref<!tpu.dma_semaphore, #tpu.memory_space<semaphore_mem>>)
      %dma_wait3A = arith.constant 0 : i32
      %dma_wait3A_101 = tpu.memref_slice %arg6[%run_scoped3A_65, %dma_wait3A] : memref<16x640xf32, #tpu.memory_space<vmem>> -> memref<1x640xf32, #tpu.memory_space<vmem>>
      %dma_wait3A_102 = tpu.memref_squeeze %dma_wait3A_101 : memref<1x640xf32, #tpu.memory_space<vmem>> -> memref<640xf32, #tpu.memory_space<vmem>>
      %dma_wait3A_103 = tpu.memref_slice %arg7[%run_scoped3A_64, %mul3A_63] : memref<16x10240xf32, #tpu.memory_space<vmem_shared>> -> memref<1x640xf32, #tpu.memory_space<vmem_shared>>
      %dma_wait3A_104 = tpu.memref_squeeze %dma_wait3A_103 : memref<1x640xf32, #tpu.memory_space<vmem_shared>> -> memref<640xf32, #tpu.memory_space<vmem_shared>>
      %dma_wait3A_105 = arith.constant 0 : i32
      %dma_wait3A_106 = tpu.memref_slice %arg6[%run_scoped3A_65, %dma_wait3A_105] : memref<16x640xf32, #tpu.memory_space<vmem>> -> memref<1x640xf32, #tpu.memory_space<vmem>>
      %dma_wait3A_107 = tpu.memref_squeeze %dma_wait3A_106 : memref<1x640xf32, #tpu.memory_space<vmem>> -> memref<640xf32, #tpu.memory_space<vmem>>
      %dma_wait3A_108 = tpu.memref_slice %arg7[%run_scoped3A_64, %mul3A_63] : memref<16x10240xf32, #tpu.memory_space<vmem_shared>> -> memref<1x640xf32, #tpu.memory_space<vmem_shared>>
      %dma_wait3A_109 = tpu.memref_squeeze %dma_wait3A_108 : memref<1x640xf32, #tpu.memory_space<vmem_shared>> -> memref<640xf32, #tpu.memory_space<vmem_shared>>
      tpu.wait_dma2 semaphore(%run_scoped3A_91 : memref<!tpu.dma_semaphore, #tpu.memory_space<semaphore_mem>>) src(%dma_wait3A_109 : memref<640xf32, #tpu.memory_space<vmem_shared>>) dst(%dma_wait3A_107 : memref<640xf32, #tpu.memory_space<vmem>>)
      tpu.yield
    }) : () -> ()
    %mul3A_66 = arith.constant 640 : i32
    %mul3A_67 = arith.muli %arg1, %mul3A_66 : i32
    %run_scoped3A_68 = arith.constant 12 : i32
    %run_scoped3A_69 = arith.constant 12 : i32
    "tpu.region"() ({
      %run_scoped3A_91 = tpu.sem_alloc : memref<!tpu.dma_semaphore, #tpu.memory_space<semaphore_mem>>
      %dma_start3A = arith.constant 0 : i32
      %dma_start3A_92 = tpu.memref_slice %arg6[%run_scoped3A_69, %dma_start3A] : memref<16x640xf32, #tpu.memory_space<vmem>> -> memref<1x640xf32, #tpu.memory_space<vmem>>
      %dma_start3A_93 = tpu.memref_squeeze %dma_start3A_92 : memref<1x640xf32, #tpu.memory_space<vmem>> -> memref<640xf32, #tpu.memory_space<vmem>>
      %dma_start3A_94 = tpu.memref_slice %arg7[%run_scoped3A_68, %mul3A_67] : memref<16x10240xf32, #tpu.memory_space<vmem_shared>> -> memref<1x640xf32, #tpu.memory_space<vmem_shared>>
      %dma_start3A_95 = tpu.memref_squeeze %dma_start3A_94 : memref<1x640xf32, #tpu.memory_space<vmem_shared>> -> memref<640xf32, #tpu.memory_space<vmem_shared>>
      %dma_start3A_96 = arith.constant 0 : i32
      %dma_start3A_97 = tpu.memref_slice %arg6[%run_scoped3A_69, %dma_start3A_96] : memref<16x640xf32, #tpu.memory_space<vmem>> -> memref<1x640xf32, #tpu.memory_space<vmem>>
      %dma_start3A_98 = tpu.memref_squeeze %dma_start3A_97 : memref<1x640xf32, #tpu.memory_space<vmem>> -> memref<640xf32, #tpu.memory_space<vmem>>
      %dma_start3A_99 = tpu.memref_slice %arg7[%run_scoped3A_68, %mul3A_67] : memref<16x10240xf32, #tpu.memory_space<vmem_shared>> -> memref<1x640xf32, #tpu.memory_space<vmem_shared>>
      %dma_start3A_100 = tpu.memref_squeeze %dma_start3A_99 : memref<1x640xf32, #tpu.memory_space<vmem_shared>> -> memref<640xf32, #tpu.memory_space<vmem_shared>>
      tpu.enqueue_dma source(%dma_start3A_100 : memref<640xf32, #tpu.memory_space<vmem_shared>>) target(%dma_start3A_98 : memref<640xf32, #tpu.memory_space<vmem>>) target_semaphore(%run_scoped3A_91 : memref<!tpu.dma_semaphore, #tpu.memory_space<semaphore_mem>>)
      %dma_wait3A = arith.constant 0 : i32
      %dma_wait3A_101 = tpu.memref_slice %arg6[%run_scoped3A_69, %dma_wait3A] : memref<16x640xf32, #tpu.memory_space<vmem>> -> memref<1x640xf32, #tpu.memory_space<vmem>>
      %dma_wait3A_102 = tpu.memref_squeeze %dma_wait3A_101 : memref<1x640xf32, #tpu.memory_space<vmem>> -> memref<640xf32, #tpu.memory_space<vmem>>
      %dma_wait3A_103 = tpu.memref_slice %arg7[%run_scoped3A_68, %mul3A_67] : memref<16x10240xf32, #tpu.memory_space<vmem_shared>> -> memref<1x640xf32, #tpu.memory_space<vmem_shared>>
      %dma_wait3A_104 = tpu.memref_squeeze %dma_wait3A_103 : memref<1x640xf32, #tpu.memory_space<vmem_shared>> -> memref<640xf32, #tpu.memory_space<vmem_shared>>
      %dma_wait3A_105 = arith.constant 0 : i32
      %dma_wait3A_106 = tpu.memref_slice %arg6[%run_scoped3A_69, %dma_wait3A_105] : memref<16x640xf32, #tpu.memory_space<vmem>> -> memref<1x640xf32, #tpu.memory_space<vmem>>
      %dma_wait3A_107 = tpu.memref_squeeze %dma_wait3A_106 : memref<1x640xf32, #tpu.memory_space<vmem>> -> memref<640xf32, #tpu.memory_space<vmem>>
      %dma_wait3A_108 = tpu.memref_slice %arg7[%run_scoped3A_68, %mul3A_67] : memref<16x10240xf32, #tpu.memory_space<vmem_shared>> -> memref<1x640xf32, #tpu.memory_space<vmem_shared>>
      %dma_wait3A_109 = tpu.memref_squeeze %dma_wait3A_108 : memref<1x640xf32, #tpu.memory_space<vmem_shared>> -> memref<640xf32, #tpu.memory_space<vmem_shared>>
      tpu.wait_dma2 semaphore(%run_scoped3A_91 : memref<!tpu.dma_semaphore, #tpu.memory_space<semaphore_mem>>) src(%dma_wait3A_109 : memref<640xf32, #tpu.memory_space<vmem_shared>>) dst(%dma_wait3A_107 : memref<640xf32, #tpu.memory_space<vmem>>)
      tpu.yield
    }) : () -> ()
    %mul3A_70 = arith.constant 640 : i32
    %mul3A_71 = arith.muli %arg1, %mul3A_70 : i32
    %run_scoped3A_72 = arith.constant 13 : i32
    %run_scoped3A_73 = arith.constant 13 : i32
    "tpu.region"() ({
      %run_scoped3A_91 = tpu.sem_alloc : memref<!tpu.dma_semaphore, #tpu.memory_space<semaphore_mem>>
      %dma_start3A = arith.constant 0 : i32
      %dma_start3A_92 = tpu.memref_slice %arg6[%run_scoped3A_73, %dma_start3A] : memref<16x640xf32, #tpu.memory_space<vmem>> -> memref<1x640xf32, #tpu.memory_space<vmem>>
      %dma_start3A_93 = tpu.memref_squeeze %dma_start3A_92 : memref<1x640xf32, #tpu.memory_space<vmem>> -> memref<640xf32, #tpu.memory_space<vmem>>
      %dma_start3A_94 = tpu.memref_slice %arg7[%run_scoped3A_72, %mul3A_71] : memref<16x10240xf32, #tpu.memory_space<vmem_shared>> -> memref<1x640xf32, #tpu.memory_space<vmem_shared>>
      %dma_start3A_95 = tpu.memref_squeeze %dma_start3A_94 : memref<1x640xf32, #tpu.memory_space<vmem_shared>> -> memref<640xf32, #tpu.memory_space<vmem_shared>>
      %dma_start3A_96 = arith.constant 0 : i32
      %dma_start3A_97 = tpu.memref_slice %arg6[%run_scoped3A_73, %dma_start3A_96] : memref<16x640xf32, #tpu.memory_space<vmem>> -> memref<1x640xf32, #tpu.memory_space<vmem>>
      %dma_start3A_98 = tpu.memref_squeeze %dma_start3A_97 : memref<1x640xf32, #tpu.memory_space<vmem>> -> memref<640xf32, #tpu.memory_space<vmem>>
      %dma_start3A_99 = tpu.memref_slice %arg7[%run_scoped3A_72, %mul3A_71] : memref<16x10240xf32, #tpu.memory_space<vmem_shared>> -> memref<1x640xf32, #tpu.memory_space<vmem_shared>>
      %dma_start3A_100 = tpu.memref_squeeze %dma_start3A_99 : memref<1x640xf32, #tpu.memory_space<vmem_shared>> -> memref<640xf32, #tpu.memory_space<vmem_shared>>
      tpu.enqueue_dma source(%dma_start3A_100 : memref<640xf32, #tpu.memory_space<vmem_shared>>) target(%dma_start3A_98 : memref<640xf32, #tpu.memory_space<vmem>>) target_semaphore(%run_scoped3A_91 : memref<!tpu.dma_semaphore, #tpu.memory_space<semaphore_mem>>)
      %dma_wait3A = arith.constant 0 : i32
      %dma_wait3A_101 = tpu.memref_slice %arg6[%run_scoped3A_73, %dma_wait3A] : memref<16x640xf32, #tpu.memory_space<vmem>> -> memref<1x640xf32, #tpu.memory_space<vmem>>
      %dma_wait3A_102 = tpu.memref_squeeze %dma_wait3A_101 : memref<1x640xf32, #tpu.memory_space<vmem>> -> memref<640xf32, #tpu.memory_space<vmem>>
      %dma_wait3A_103 = tpu.memref_slice %arg7[%run_scoped3A_72, %mul3A_71] : memref<16x10240xf32, #tpu.memory_space<vmem_shared>> -> memref<1x640xf32, #tpu.memory_space<vmem_shared>>
      %dma_wait3A_104 = tpu.memref_squeeze %dma_wait3A_103 : memref<1x640xf32, #tpu.memory_space<vmem_shared>> -> memref<640xf32, #tpu.memory_space<vmem_shared>>
      %dma_wait3A_105 = arith.constant 0 : i32
      %dma_wait3A_106 = tpu.memref_slice %arg6[%run_scoped3A_73, %dma_wait3A_105] : memref<16x640xf32, #tpu.memory_space<vmem>> -> memref<1x640xf32, #tpu.memory_space<vmem>>
      %dma_wait3A_107 = tpu.memref_squeeze %dma_wait3A_106 : memref<1x640xf32, #tpu.memory_space<vmem>> -> memref<640xf32, #tpu.memory_space<vmem>>
      %dma_wait3A_108 = tpu.memref_slice %arg7[%run_scoped3A_72, %mul3A_71] : memref<16x10240xf32, #tpu.memory_space<vmem_shared>> -> memref<1x640xf32, #tpu.memory_space<vmem_shared>>
      %dma_wait3A_109 = tpu.memref_squeeze %dma_wait3A_108 : memref<1x640xf32, #tpu.memory_space<vmem_shared>> -> memref<640xf32, #tpu.memory_space<vmem_shared>>
      tpu.wait_dma2 semaphore(%run_scoped3A_91 : memref<!tpu.dma_semaphore, #tpu.memory_space<semaphore_mem>>) src(%dma_wait3A_109 : memref<640xf32, #tpu.memory_space<vmem_shared>>) dst(%dma_wait3A_107 : memref<640xf32, #tpu.memory_space<vmem>>)
      tpu.yield
    }) : () -> ()
    %mul3A_74 = arith.constant 640 : i32
    %mul3A_75 = arith.muli %arg1, %mul3A_74 : i32
    %run_scoped3A_76 = arith.constant 14 : i32
    %run_scoped3A_77 = arith.constant 14 : i32
    "tpu.region"() ({
      %run_scoped3A_91 = tpu.sem_alloc : memref<!tpu.dma_semaphore, #tpu.memory_space<semaphore_mem>>
      %dma_start3A = arith.constant 0 : i32
      %dma_start3A_92 = tpu.memref_slice %arg6[%run_scoped3A_77, %dma_start3A] : memref<16x640xf32, #tpu.memory_space<vmem>> -> memref<1x640xf32, #tpu.memory_space<vmem>>
      %dma_start3A_93 = tpu.memref_squeeze %dma_start3A_92 : memref<1x640xf32, #tpu.memory_space<vmem>> -> memref<640xf32, #tpu.memory_space<vmem>>
      %dma_start3A_94 = tpu.memref_slice %arg7[%run_scoped3A_76, %mul3A_75] : memref<16x10240xf32, #tpu.memory_space<vmem_shared>> -> memref<1x640xf32, #tpu.memory_space<vmem_shared>>
      %dma_start3A_95 = tpu.memref_squeeze %dma_start3A_94 : memref<1x640xf32, #tpu.memory_space<vmem_shared>> -> memref<640xf32, #tpu.memory_space<vmem_shared>>
      %dma_start3A_96 = arith.constant 0 : i32
      %dma_start3A_97 = tpu.memref_slice %arg6[%run_scoped3A_77, %dma_start3A_96] : memref<16x640xf32, #tpu.memory_space<vmem>> -> memref<1x640xf32, #tpu.memory_space<vmem>>
      %dma_start3A_98 = tpu.memref_squeeze %dma_start3A_97 : memref<1x640xf32, #tpu.memory_space<vmem>> -> memref<640xf32, #tpu.memory_space<vmem>>
      %dma_start3A_99 = tpu.memref_slice %arg7[%run_scoped3A_76, %mul3A_75] : memref<16x10240xf32, #tpu.memory_space<vmem_shared>> -> memref<1x640xf32, #tpu.memory_space<vmem_shared>>
      %dma_start3A_100 = tpu.memref_squeeze %dma_start3A_99 : memref<1x640xf32, #tpu.memory_space<vmem_shared>> -> memref<640xf32, #tpu.memory_space<vmem_shared>>
      tpu.enqueue_dma source(%dma_start3A_100 : memref<640xf32, #tpu.memory_space<vmem_shared>>) target(%dma_start3A_98 : memref<640xf32, #tpu.memory_space<vmem>>) target_semaphore(%run_scoped3A_91 : memref<!tpu.dma_semaphore, #tpu.memory_space<semaphore_mem>>)
      %dma_wait3A = arith.constant 0 : i32
      %dma_wait3A_101 = tpu.memref_slice %arg6[%run_scoped3A_77, %dma_wait3A] : memref<16x640xf32, #tpu.memory_space<vmem>> -> memref<1x640xf32, #tpu.memory_space<vmem>>
      %dma_wait3A_102 = tpu.memref_squeeze %dma_wait3A_101 : memref<1x640xf32, #tpu.memory_space<vmem>> -> memref<640xf32, #tpu.memory_space<vmem>>
      %dma_wait3A_103 = tpu.memref_slice %arg7[%run_scoped3A_76, %mul3A_75] : memref<16x10240xf32, #tpu.memory_space<vmem_shared>> -> memref<1x640xf32, #tpu.memory_space<vmem_shared>>
      %dma_wait3A_104 = tpu.memref_squeeze %dma_wait3A_103 : memref<1x640xf32, #tpu.memory_space<vmem_shared>> -> memref<640xf32, #tpu.memory_space<vmem_shared>>
      %dma_wait3A_105 = arith.constant 0 : i32
      %dma_wait3A_106 = tpu.memref_slice %arg6[%run_scoped3A_77, %dma_wait3A_105] : memref<16x640xf32, #tpu.memory_space<vmem>> -> memref<1x640xf32, #tpu.memory_space<vmem>>
      %dma_wait3A_107 = tpu.memref_squeeze %dma_wait3A_106 : memref<1x640xf32, #tpu.memory_space<vmem>> -> memref<640xf32, #tpu.memory_space<vmem>>
      %dma_wait3A_108 = tpu.memref_slice %arg7[%run_scoped3A_76, %mul3A_75] : memref<16x10240xf32, #tpu.memory_space<vmem_shared>> -> memref<1x640xf32, #tpu.memory_space<vmem_shared>>
      %dma_wait3A_109 = tpu.memref_squeeze %dma_wait3A_108 : memref<1x640xf32, #tpu.memory_space<vmem_shared>> -> memref<640xf32, #tpu.memory_space<vmem_shared>>
      tpu.wait_dma2 semaphore(%run_scoped3A_91 : memref<!tpu.dma_semaphore, #tpu.memory_space<semaphore_mem>>) src(%dma_wait3A_109 : memref<640xf32, #tpu.memory_space<vmem_shared>>) dst(%dma_wait3A_107 : memref<640xf32, #tpu.memory_space<vmem>>)
      tpu.yield
    }) : () -> ()
    %mul3A_78 = arith.constant 640 : i32
    %mul3A_79 = arith.muli %arg1, %mul3A_78 : i32
    %run_scoped3A_80 = arith.constant 15 : i32
    %run_scoped3A_81 = arith.constant 15 : i32
    "tpu.region"() ({
      %run_scoped3A_91 = tpu.sem_alloc : memref<!tpu.dma_semaphore, #tpu.memory_space<semaphore_mem>>
      %dma_start3A = arith.constant 0 : i32
      %dma_start3A_92 = tpu.memref_slice %arg6[%run_scoped3A_81, %dma_start3A] : memref<16x640xf32, #tpu.memory_space<vmem>> -> memref<1x640xf32, #tpu.memory_space<vmem>>
      %dma_start3A_93 = tpu.memref_squeeze %dma_start3A_92 : memref<1x640xf32, #tpu.memory_space<vmem>> -> memref<640xf32, #tpu.memory_space<vmem>>
      %dma_start3A_94 = tpu.memref_slice %arg7[%run_scoped3A_80, %mul3A_79] : memref<16x10240xf32, #tpu.memory_space<vmem_shared>> -> memref<1x640xf32, #tpu.memory_space<vmem_shared>>
      %dma_start3A_95 = tpu.memref_squeeze %dma_start3A_94 : memref<1x640xf32, #tpu.memory_space<vmem_shared>> -> memref<640xf32, #tpu.memory_space<vmem_shared>>
      %dma_start3A_96 = arith.constant 0 : i32
      %dma_start3A_97 = tpu.memref_slice %arg6[%run_scoped3A_81, %dma_start3A_96] : memref<16x640xf32, #tpu.memory_space<vmem>> -> memref<1x640xf32, #tpu.memory_space<vmem>>
      %dma_start3A_98 = tpu.memref_squeeze %dma_start3A_97 : memref<1x640xf32, #tpu.memory_space<vmem>> -> memref<640xf32, #tpu.memory_space<vmem>>
      %dma_start3A_99 = tpu.memref_slice %arg7[%run_scoped3A_80, %mul3A_79] : memref<16x10240xf32, #tpu.memory_space<vmem_shared>> -> memref<1x640xf32, #tpu.memory_space<vmem_shared>>
      %dma_start3A_100 = tpu.memref_squeeze %dma_start3A_99 : memref<1x640xf32, #tpu.memory_space<vmem_shared>> -> memref<640xf32, #tpu.memory_space<vmem_shared>>
      tpu.enqueue_dma source(%dma_start3A_100 : memref<640xf32, #tpu.memory_space<vmem_shared>>) target(%dma_start3A_98 : memref<640xf32, #tpu.memory_space<vmem>>) target_semaphore(%run_scoped3A_91 : memref<!tpu.dma_semaphore, #tpu.memory_space<semaphore_mem>>)
      %dma_wait3A = arith.constant 0 : i32
      %dma_wait3A_101 = tpu.memref_slice %arg6[%run_scoped3A_81, %dma_wait3A] : memref<16x640xf32, #tpu.memory_space<vmem>> -> memref<1x640xf32, #tpu.memory_space<vmem>>
      %dma_wait3A_102 = tpu.memref_squeeze %dma_wait3A_101 : memref<1x640xf32, #tpu.memory_space<vmem>> -> memref<640xf32, #tpu.memory_space<vmem>>
      %dma_wait3A_103 = tpu.memref_slice %arg7[%run_scoped3A_80, %mul3A_79] : memref<16x10240xf32, #tpu.memory_space<vmem_shared>> -> memref<1x640xf32, #tpu.memory_space<vmem_shared>>
      %dma_wait3A_104 = tpu.memref_squeeze %dma_wait3A_103 : memref<1x640xf32, #tpu.memory_space<vmem_shared>> -> memref<640xf32, #tpu.memory_space<vmem_shared>>
      %dma_wait3A_105 = arith.constant 0 : i32
      %dma_wait3A_106 = tpu.memref_slice %arg6[%run_scoped3A_81, %dma_wait3A_105] : memref<16x640xf32, #tpu.memory_space<vmem>> -> memref<1x640xf32, #tpu.memory_space<vmem>>
      %dma_wait3A_107 = tpu.memref_squeeze %dma_wait3A_106 : memref<1x640xf32, #tpu.memory_space<vmem>> -> memref<640xf32, #tpu.memory_space<vmem>>
      %dma_wait3A_108 = tpu.memref_slice %arg7[%run_scoped3A_80, %mul3A_79] : memref<16x10240xf32, #tpu.memory_space<vmem_shared>> -> memref<1x640xf32, #tpu.memory_space<vmem_shared>>
      %dma_wait3A_109 = tpu.memref_squeeze %dma_wait3A_108 : memref<1x640xf32, #tpu.memory_space<vmem_shared>> -> memref<640xf32, #tpu.memory_space<vmem_shared>>
      tpu.wait_dma2 semaphore(%run_scoped3A_91 : memref<!tpu.dma_semaphore, #tpu.memory_space<semaphore_mem>>) src(%dma_wait3A_109 : memref<640xf32, #tpu.memory_space<vmem_shared>>) dst(%dma_wait3A_107 : memref<640xf32, #tpu.memory_space<vmem>>)
      tpu.yield
    }) : () -> ()
    %scan3A_82 = arith.constant 0 : i32
    %scan3A_83 = arith.constant 0 : i32
    %scan3A_84 = arith.constant 40 : i32
    %scan3A_85 = arith.addi %scan3A_83, %scan3A_84 : i32
    %scan3A_86 = arith.constant 1 : i32
    %scan3A_87 = scf.for %scan3A_91 = %scan3A_83 to %scan3A_85 step %scan3A_86 iter_args(%scan3A_92 = %scan3A_82) -> (i32)  : i32 {
      %mul3A_93 = arith.constant 16 : i32
      %mul3A_94 = arith.muli %scan3A_91, %mul3A_93 : i32
      %get3A = arith.constant 0 : i32
      %get3A_95 = arith.index_cast %get3A : i32 to index
      %get3A_96 = arith.index_cast %mul3A_94 : i32 to index
      %get3A_97 = tpu.vector_load %arg6[%get3A_95, %get3A_96] {strides = array<i32>} : memref<16x640xf32, #tpu.memory_space<vmem>>, vector<16xf32>,
      %mul3A_98 = arith.constant 16 : i32
      %mul3A_99 = arith.muli %scan3A_91, %mul3A_98 : i32
      %get3A_100 = arith.constant 1 : i32
      %get3A_101 = arith.index_cast %get3A_100 : i32 to index
      %get3A_102 = arith.index_cast %mul3A_99 : i32 to index
      %get3A_103 = tpu.vector_load %arg6[%get3A_101, %get3A_102] {strides = array<i32>} : memref<16x640xf32, #tpu.memory_space<vmem>>, vector<16xf32>,
      %add3A_104 = arith.addf %get3A_97, %get3A_103 : vector<16xf32>
      %mul3A_105 = arith.constant 16 : i32
      %mul3A_106 = arith.muli %scan3A_91, %mul3A_105 : i32
      %get3A_107 = arith.constant 2 : i32
      %get3A_108 = arith.index_cast %get3A_107 : i32 to index
      %get3A_109 = arith.index_cast %mul3A_106 : i32 to index
      %get3A_110 = tpu.vector_load %arg6[%get3A_108, %get3A_109] {strides = array<i32>} : memref<16x640xf32, #tpu.memory_space<vmem>>, vector<16xf32>,
      %add3A_111 = arith.addf %add3A_104, %get3A_110 : vector<16xf32>
      %mul3A_112 = arith.constant 16 : i32
      %mul3A_113 = arith.muli %scan3A_91, %mul3A_112 : i32
      %get3A_114 = arith.constant 3 : i32
      %get3A_115 = arith.index_cast %get3A_114 : i32 to index
      %get3A_116 = arith.index_cast %mul3A_113 : i32 to index
      %get3A_117 = tpu.vector_load %arg6[%get3A_115, %get3A_116] {strides = array<i32>} : memref<16x640xf32, #tpu.memory_space<vmem>>, vector<16xf32>,
      %add3A_118 = arith.addf %add3A_111, %get3A_117 : vector<16xf32>
      %mul3A_119 = arith.constant 16 : i32
      %mul3A_120 = arith.muli %scan3A_91, %mul3A_119 : i32
      %get3A_121 = arith.constant 4 : i32
      %get3A_122 = arith.index_cast %get3A_121 : i32 to index
      %get3A_123 = arith.index_cast %mul3A_120 : i32 to index
      %get3A_124 = tpu.vector_load %arg6[%get3A_122, %get3A_123] {strides = array<i32>} : memref<16x640xf32, #tpu.memory_space<vmem>>, vector<16xf32>,
      %add3A_125 = arith.addf %add3A_118, %get3A_124 : vector<16xf32>
      %mul3A_126 = arith.constant 16 : i32
      %mul3A_127 = arith.muli %scan3A_91, %mul3A_126 : i32
      %get3A_128 = arith.constant 5 : i32
      %get3A_129 = arith.index_cast %get3A_128 : i32 to index
      %get3A_130 = arith.index_cast %mul3A_127 : i32 to index
      %get3A_131 = tpu.vector_load %arg6[%get3A_129, %get3A_130] {strides = array<i32>} : memref<16x640xf32, #tpu.memory_space<vmem>>, vector<16xf32>,
      %add3A_132 = arith.addf %add3A_125, %get3A_131 : vector<16xf32>
      %mul3A_133 = arith.constant 16 : i32
      %mul3A_134 = arith.muli %scan3A_91, %mul3A_133 : i32
      %get3A_135 = arith.constant 6 : i32
      %get3A_136 = arith.index_cast %get3A_135 : i32 to index
      %get3A_137 = arith.index_cast %mul3A_134 : i32 to index
      %get3A_138 = tpu.vector_load %arg6[%get3A_136, %get3A_137] {strides = array<i32>} : memref<16x640xf32, #tpu.memory_space<vmem>>, vector<16xf32>,
      %add3A_139 = arith.addf %add3A_132, %get3A_138 : vector<16xf32>
      %mul3A_140 = arith.constant 16 : i32
      %mul3A_141 = arith.muli %scan3A_91, %mul3A_140 : i32
      %get3A_142 = arith.constant 7 : i32
      %get3A_143 = arith.index_cast %get3A_142 : i32 to index
      %get3A_144 = arith.index_cast %mul3A_141 : i32 to index
      %get3A_145 = tpu.vector_load %arg6[%get3A_143, %get3A_144] {strides = array<i32>} : memref<16x640xf32, #tpu.memory_space<vmem>>, vector<16xf32>,
      %add3A_146 = arith.addf %add3A_139, %get3A_145 : vector<16xf32>
      %mul3A_147 = arith.constant 16 : i32
      %mul3A_148 = arith.muli %scan3A_91, %mul3A_147 : i32
      %get3A_149 = arith.constant 8 : i32
      %get3A_150 = arith.index_cast %get3A_149 : i32 to index
      %get3A_151 = arith.index_cast %mul3A_148 : i32 to index
      %get3A_152 = tpu.vector_load %arg6[%get3A_150, %get3A_151] {strides = array<i32>} : memref<16x640xf32, #tpu.memory_space<vmem>>, vector<16xf32>,
      %add3A_153 = arith.addf %add3A_146, %get3A_152 : vector<16xf32>
      %mul3A_154 = arith.constant 16 : i32
      %mul3A_155 = arith.muli %scan3A_91, %mul3A_154 : i32
      %get3A_156 = arith.constant 9 : i32
      %get3A_157 = arith.index_cast %get3A_156 : i32 to index
      %get3A_158 = arith.index_cast %mul3A_155 : i32 to index
      %get3A_159 = tpu.vector_load %arg6[%get3A_157, %get3A_158] {strides = array<i32>} : memref<16x640xf32, #tpu.memory_space<vmem>>, vector<16xf32>,
      %add3A_160 = arith.addf %add3A_153, %get3A_159 : vector<16xf32>
      %mul3A_161 = arith.constant 16 : i32
      %mul3A_162 = arith.muli %scan3A_91, %mul3A_161 : i32
      %get3A_163 = arith.constant 10 : i32
      %get3A_164 = arith.index_cast %get3A_163 : i32 to index
      %get3A_165 = arith.index_cast %mul3A_162 : i32 to index
      %get3A_166 = tpu.vector_load %arg6[%get3A_164, %get3A_165] {strides = array<i32>} : memref<16x640xf32, #tpu.memory_space<vmem>>, vector<16xf32>,
      %add3A_167 = arith.addf %add3A_160, %get3A_166 : vector<16xf32>
      %mul3A_168 = arith.constant 16 : i32
      %mul3A_169 = arith.muli %scan3A_91, %mul3A_168 : i32
      %get3A_170 = arith.constant 11 : i32
      %get3A_171 = arith.index_cast %get3A_170 : i32 to index
      %get3A_172 = arith.index_cast %mul3A_169 : i32 to index
      %get3A_173 = tpu.vector_load %arg6[%get3A_171, %get3A_172] {strides = array<i32>} : memref<16x640xf32, #tpu.memory_space<vmem>>, vector<16xf32>,
      %add3A_174 = arith.addf %add3A_167, %get3A_173 : vector<16xf32>
      %mul3A_175 = arith.constant 16 : i32
      %mul3A_176 = arith.muli %scan3A_91, %mul3A_175 : i32
      %get3A_177 = arith.constant 12 : i32
      %get3A_178 = arith.index_cast %get3A_177 : i32 to index
      %get3A_179 = arith.index_cast %mul3A_176 : i32 to index
      %get3A_180 = tpu.vector_load %arg6[%get3A_178, %get3A_179] {strides = array<i32>} : memref<16x640xf32, #tpu.memory_space<vmem>>, vector<16xf32>,
      %add3A_181 = arith.addf %add3A_174, %get3A_180 : vector<16xf32>
      %mul3A_182 = arith.constant 16 : i32
      %mul3A_183 = arith.muli %scan3A_91, %mul3A_182 : i32
      %get3A_184 = arith.constant 13 : i32
      %get3A_185 = arith.index_cast %get3A_184 : i32 to index
      %get3A_186 = arith.index_cast %mul3A_183 : i32 to index
      %get3A_187 = tpu.vector_load %arg6[%get3A_185, %get3A_186] {strides = array<i32>} : memref<16x640xf32, #tpu.memory_space<vmem>>, vector<16xf32>,
      %add3A_188 = arith.addf %add3A_181, %get3A_187 : vector<16xf32>
      %mul3A_189 = arith.constant 16 : i32
      %mul3A_190 = arith.muli %scan3A_91, %mul3A_189 : i32
      %get3A_191 = arith.constant 14 : i32
      %get3A_192 = arith.index_cast %get3A_191 : i32 to index
      %get3A_193 = arith.index_cast %mul3A_190 : i32 to index
      %get3A_194 = tpu.vector_load %arg6[%get3A_192, %get3A_193] {strides = array<i32>} : memref<16x640xf32, #tpu.memory_space<vmem>>, vector<16xf32>,
      %add3A_195 = arith.addf %add3A_188, %get3A_194 : vector<16xf32>
      %mul3A_196 = arith.constant 16 : i32
      %mul3A_197 = arith.muli %scan3A_91, %mul3A_196 : i32
      %get3A_198 = arith.constant 15 : i32
      %get3A_199 = arith.index_cast %get3A_198 : i32 to index
      %get3A_200 = arith.index_cast %mul3A_197 : i32 to index
      %get3A_201 = tpu.vector_load %arg6[%get3A_199, %get3A_200] {strides = array<i32>} : memref<16x640xf32, #tpu.memory_space<vmem>>, vector<16xf32>,
      %add3A_202 = arith.addf %add3A_195, %get3A_201 : vector<16xf32>
      %mul3A_203 = arith.constant 16 : i32
      %mul3A_204 = arith.muli %scan3A_91, %mul3A_203 : i32
      %swap3A = arith.index_cast %mul3A_204 : i32 to index
      %swap3A_205 = tpu.vector_load %arg5[%swap3A] {strides = array<i32>} : memref<10240xf32, #tpu.memory_space<vmem>>, vector<16xf32>,
      tpu.vector_store %arg5[%swap3A], %add3A_202 {strides = array<i32>} : memref<10240xf32, #tpu.memory_space<vmem>>, vector<16xf32>,
      %scan3A_206 = arith.constant 0 : i32
      scf.yield %scan3A_206 : i32
    }
    %scan3A_88 = arith.constant 40 : i32
    %mul3A_89 = arith.constant 640 : i32
    %mul3A_90 = arith.muli %arg1, %mul3A_89 : i32
    "tpu.region"() ({
      %run_scoped3A_91 = tpu.sem_alloc : memref<!tpu.dma_semaphore, #tpu.memory_space<semaphore_mem>>
      %dma_start3A = arith.constant 0 : i32
      %dma_start3A_92 = tpu.memref_slice %arg5[%dma_start3A] : memref<10240xf32, #tpu.memory_space<vmem>> -> memref<640xf32, #tpu.memory_space<vmem>>
      %dma_start3A_93 = tpu.memref_slice %arg3[%arg0, %mul3A_90] : memref<2x10240xf32, #tpu.memory_space<hbm>> -> memref<1x640xf32, #tpu.memory_space<hbm>>
      %dma_start3A_94 = tpu.memref_squeeze %dma_start3A_93 : memref<1x640xf32, #tpu.memory_space<hbm>> -> memref<640xf32, #tpu.memory_space<hbm>>
      %dma_start3A_95 = tpu.memref_slice %arg3[%arg0, %mul3A_90] : memref<2x10240xf32, #tpu.memory_space<hbm>> -> memref<1x640xf32, #tpu.memory_space<hbm>>
      %dma_start3A_96 = tpu.memref_squeeze %dma_start3A_95 : memref<1x640xf32, #tpu.memory_space<hbm>> -> memref<640xf32, #tpu.memory_space<hbm>>
      %dma_start3A_97 = arith.constant 0 : i32
      %dma_start3A_98 = tpu.memref_slice %arg5[%dma_start3A_97] : memref<10240xf32, #tpu.memory_space<vmem>> -> memref<640xf32, #tpu.memory_space<vmem>>
      tpu.enqueue_dma source(%dma_start3A_98 : memref<640xf32, #tpu.memory_space<vmem>>) target(%dma_start3A_96 : memref<640xf32, #tpu.memory_space<hbm>>) target_semaphore(%run_scoped3A_91 : memref<!tpu.dma_semaphore, #tpu.memory_space<semaphore_mem>>)
      %dma_wait3A = arith.constant 0 : i32
      %dma_wait3A_99 = tpu.memref_slice %arg5[%dma_wait3A] : memref<10240xf32, #tpu.memory_space<vmem>> -> memref<640xf32, #tpu.memory_space<vmem>>
      %dma_wait3A_100 = tpu.memref_slice %arg3[%arg0, %mul3A_90] : memref<2x10240xf32, #tpu.memory_space<hbm>> -> memref<1x640xf32, #tpu.memory_space<hbm>>
      %dma_wait3A_101 = tpu.memref_squeeze %dma_wait3A_100 : memref<1x640xf32, #tpu.memory_space<hbm>> -> memref<640xf32, #tpu.memory_space<hbm>>
      %dma_wait3A_102 = tpu.memref_slice %arg3[%arg0, %mul3A_90] : memref<2x10240xf32, #tpu.memory_space<hbm>> -> memref<1x640xf32, #tpu.memory_space<hbm>>
      %dma_wait3A_103 = tpu.memref_squeeze %dma_wait3A_102 : memref<1x640xf32, #tpu.memory_space<hbm>> -> memref<640xf32, #tpu.memory_space<hbm>>
      %dma_wait3A_104 = arith.constant 0 : i32
      %dma_wait3A_105 = tpu.memref_slice %arg5[%dma_wait3A_104] : memref<10240xf32, #tpu.memory_space<vmem>> -> memref<640xf32, #tpu.memory_space<vmem>>
      tpu.wait_dma2 semaphore(%run_scoped3A_91 : memref<!tpu.dma_semaphore, #tpu.memory_space<semaphore_mem>>) src(%dma_wait3A_105 : memref<640xf32, #tpu.memory_space<vmem>>) dst(%dma_wait3A_103 : memref<640xf32, #tpu.memory_space<hbm>>)
      tpu.yield
    }) : () -> ()
    return
  }
}

#map = affine_map<(d0, d1) -> (0)>
module attributes {stable_mosaic.version = 14 : i64} {
  func.func @_den_body(%arg0: i32, %arg1: i32, %arg2: memref<10112xf32, #tpu.memory_space<hbm>>, %arg3: memref<51200xi32, #tpu.memory_space<hbm>>, %arg4: memref<51200xi32, #tpu.memory_space<hbm>>, %arg5: memref<1024xf32, #tpu.memory_space<hbm>>, %arg6: memref<10112xf32, #tpu.memory_space<vmem>>, %arg7: memref<1600xi32, #tpu.memory_space<vmem>>, %arg8: memref<1600xi32, #tpu.memory_space<vmem>>, %arg9: memref<1024xf32, #tpu.memory_space<vmem>>, %arg10: memref<!tpu.dma_semaphore, #tpu.memory_space<semaphore_mem>>) attributes {dimension_semantics = [#tpu.dimension_semantics<core_parallel>, #tpu.dimension_semantics<subcore_parallel>], iteration_bounds = array<i64: 2, 16>, scalar_prefetch = 0 : i64, scratch_operands = 5 : i64, tpu.core_type = #tpu.core_type<sc_vector_subcore>, window_params = [{transform_indices = #map}, {transform_indices = #map}, {transform_indices = #map}, {transform_indices = #map}]} {
    %mul3A = arith.constant 2 : i32
    %mul3A_0 = arith.muli %arg1, %mul3A : i32
    %add3A = arith.addi %mul3A_0, %arg0 : i32
    %mul3A_1 = arith.constant 32 : i32
    %mul3A_2 = arith.muli %add3A, %mul3A_1 : i32
    %mul3A_3 = arith.constant 1600 : i32
    %mul3A_4 = arith.muli %add3A, %mul3A_3 : i32
    %broadcast_in_dim3A = arith.constant 0.000000e+00 : f32
    %broadcast_in_dim3A_5 = vector.broadcast %broadcast_in_dim3A : f32 to vector<16xf32>
    %scan3A = arith.constant 0 : i32
    %scan3A_6 = arith.constant 0 : i32
    %scan3A_7 = arith.constant 64 : i32
    %scan3A_8 = arith.addi %scan3A_6, %scan3A_7 : i32
    %scan3A_9 = arith.constant 1 : i32
    %scan3A_10 = scf.for %scan3A_19 = %scan3A_6 to %scan3A_8 step %scan3A_9 iter_args(%scan3A_20 = %scan3A) -> (i32)  : i32 {
      %mul3A_21 = arith.constant 16 : i32
      %mul3A_22 = arith.muli %scan3A_19, %mul3A_21 : i32
      %swap3A = arith.index_cast %mul3A_22 : i32 to index
      %swap3A_23 = tpu.vector_load %arg9[%swap3A] {strides = array<i32>} : memref<1024xf32, #tpu.memory_space<vmem>>, vector<16xf32>,
      tpu.vector_store %arg9[%swap3A], %broadcast_in_dim3A_5 {strides = array<i32>} : memref<1024xf32, #tpu.memory_space<vmem>>, vector<16xf32>,
      %scan3A_24 = arith.constant 0 : i32
      scf.yield %scan3A_24 : i32
    }
    %scan3A_11 = arith.constant 64 : i32
    "tpu.region"() ({
      %run_scoped3A = tpu.sem_alloc : memref<!tpu.dma_semaphore, #tpu.memory_space<semaphore_mem>>
      tpu.enqueue_dma source(%arg2 : memref<10112xf32, #tpu.memory_space<hbm>>) target(%arg6 : memref<10112xf32, #tpu.memory_space<vmem>>) target_semaphore(%run_scoped3A : memref<!tpu.dma_semaphore, #tpu.memory_space<semaphore_mem>>)
      tpu.wait_dma2 semaphore(%run_scoped3A : memref<!tpu.dma_semaphore, #tpu.memory_space<semaphore_mem>>) src(%arg2 : memref<10112xf32, #tpu.memory_space<hbm>>) dst(%arg6 : memref<10112xf32, #tpu.memory_space<vmem>>)
      tpu.yield
    }) : () -> ()
    "tpu.region"() ({
      %run_scoped3A = tpu.sem_alloc : memref<!tpu.dma_semaphore, #tpu.memory_space<semaphore_mem>>
      %dma_start3A = tpu.memref_slice %arg3[%mul3A_4] : memref<51200xi32, #tpu.memory_space<hbm>> -> memref<1600xi32, #tpu.memory_space<hbm>>
      %dma_start3A_19 = tpu.memref_slice %arg3[%mul3A_4] : memref<51200xi32, #tpu.memory_space<hbm>> -> memref<1600xi32, #tpu.memory_space<hbm>>
      tpu.enqueue_dma source(%dma_start3A_19 : memref<1600xi32, #tpu.memory_space<hbm>>) target(%arg7 : memref<1600xi32, #tpu.memory_space<vmem>>) target_semaphore(%run_scoped3A : memref<!tpu.dma_semaphore, #tpu.memory_space<semaphore_mem>>)
      %dma_wait3A = tpu.memref_slice %arg3[%mul3A_4] : memref<51200xi32, #tpu.memory_space<hbm>> -> memref<1600xi32, #tpu.memory_space<hbm>>
      %dma_wait3A_20 = tpu.memref_slice %arg3[%mul3A_4] : memref<51200xi32, #tpu.memory_space<hbm>> -> memref<1600xi32, #tpu.memory_space<hbm>>
      tpu.wait_dma2 semaphore(%run_scoped3A : memref<!tpu.dma_semaphore, #tpu.memory_space<semaphore_mem>>) src(%dma_wait3A_20 : memref<1600xi32, #tpu.memory_space<hbm>>) dst(%arg7 : memref<1600xi32, #tpu.memory_space<vmem>>)
      tpu.yield
    }) : () -> ()
    "tpu.region"() ({
      %run_scoped3A = tpu.sem_alloc : memref<!tpu.dma_semaphore, #tpu.memory_space<semaphore_mem>>
      %dma_start3A = tpu.memref_slice %arg4[%mul3A_4] : memref<51200xi32, #tpu.memory_space<hbm>> -> memref<1600xi32, #tpu.memory_space<hbm>>
      %dma_start3A_19 = tpu.memref_slice %arg4[%mul3A_4] : memref<51200xi32, #tpu.memory_space<hbm>> -> memref<1600xi32, #tpu.memory_space<hbm>>
      tpu.enqueue_dma source(%dma_start3A_19 : memref<1600xi32, #tpu.memory_space<hbm>>) target(%arg8 : memref<1600xi32, #tpu.memory_space<vmem>>) target_semaphore(%run_scoped3A : memref<!tpu.dma_semaphore, #tpu.memory_space<semaphore_mem>>)
      %dma_wait3A = tpu.memref_slice %arg4[%mul3A_4] : memref<51200xi32, #tpu.memory_space<hbm>> -> memref<1600xi32, #tpu.memory_space<hbm>>
      %dma_wait3A_20 = tpu.memref_slice %arg4[%mul3A_4] : memref<51200xi32, #tpu.memory_space<hbm>> -> memref<1600xi32, #tpu.memory_space<hbm>>
      tpu.wait_dma2 semaphore(%run_scoped3A : memref<!tpu.dma_semaphore, #tpu.memory_space<semaphore_mem>>) src(%dma_wait3A_20 : memref<1600xi32, #tpu.memory_space<hbm>>) dst(%arg8 : memref<1600xi32, #tpu.memory_space<vmem>>)
      tpu.yield
    }) : () -> ()
    %scan3A_12 = arith.constant 0 : i32
    %scan3A_13 = arith.constant 0 : i32
    %scan3A_14 = arith.constant 100 : i32
    %scan3A_15 = arith.addi %scan3A_13, %scan3A_14 : i32
    %scan3A_16 = arith.constant 1 : i32
    %scan3A_17 = scf.for %scan3A_19 = %scan3A_13 to %scan3A_15 step %scan3A_16 iter_args(%scan3A_20 = %scan3A_12) -> (i32)  : i32 {
      %mul3A_21 = arith.constant 16 : i32
      %mul3A_22 = arith.muli %scan3A_19, %mul3A_21 : i32
      %get3A = arith.index_cast %mul3A_22 : i32 to index
      %get3A_23 = tpu.vector_load %arg7[%get3A] {strides = array<i32>} : memref<1600xi32, #tpu.memory_space<vmem>>, vector<16xi32>,
      %mul3A_24 = arith.constant 16 : i32
      %mul3A_25 = arith.muli %scan3A_19, %mul3A_24 : i32
      %get3A_26 = arith.index_cast %mul3A_25 : i32 to index
      %get3A_27 = tpu.vector_load %arg8[%get3A_26] {strides = array<i32>} : memref<1600xi32, #tpu.memory_space<vmem>>, vector<16xi32>,
      %gather3A = tpu.vector_load_idx %arg6[%get3A_23] : memref<10112xf32, #tpu.memory_space<vmem>>[vector<16xi32>], vector<16xf32>,
      tpu.vector_store_idx %arg9[%get3A_27], %gather3A {add = true} : memref<1024xf32, #tpu.memory_space<vmem>>[vector<16xi32>], vector<16xf32>,
      %scan3A_28 = arith.constant 0 : i32
      scf.yield %scan3A_28 : i32
    }
    %scan3A_18 = arith.constant 100 : i32
    "tpu.region"() ({
      %run_scoped3A = tpu.sem_alloc : memref<!tpu.dma_semaphore, #tpu.memory_space<semaphore_mem>>
      %dma_start3A = tpu.memref_slice %arg9[%mul3A_2] : memref<1024xf32, #tpu.memory_space<vmem>> -> memref<32xf32, #tpu.memory_space<vmem>>
      %dma_start3A_19 = tpu.memref_slice %arg5[%mul3A_2] : memref<1024xf32, #tpu.memory_space<hbm>> -> memref<32xf32, #tpu.memory_space<hbm>>
      %dma_start3A_20 = tpu.memref_slice %arg5[%mul3A_2] : memref<1024xf32, #tpu.memory_space<hbm>> -> memref<32xf32, #tpu.memory_space<hbm>>
      %dma_start3A_21 = tpu.memref_slice %arg9[%mul3A_2] : memref<1024xf32, #tpu.memory_space<vmem>> -> memref<32xf32, #tpu.memory_space<vmem>>
      tpu.enqueue_dma source(%dma_start3A_21 : memref<32xf32, #tpu.memory_space<vmem>>) target(%dma_start3A_20 : memref<32xf32, #tpu.memory_space<hbm>>) target_semaphore(%run_scoped3A : memref<!tpu.dma_semaphore, #tpu.memory_space<semaphore_mem>>)
      %dma_wait3A = tpu.memref_slice %arg9[%mul3A_2] : memref<1024xf32, #tpu.memory_space<vmem>> -> memref<32xf32, #tpu.memory_space<vmem>>
      %dma_wait3A_22 = tpu.memref_slice %arg5[%mul3A_2] : memref<1024xf32, #tpu.memory_space<hbm>> -> memref<32xf32, #tpu.memory_space<hbm>>
      %dma_wait3A_23 = tpu.memref_slice %arg5[%mul3A_2] : memref<1024xf32, #tpu.memory_space<hbm>> -> memref<32xf32, #tpu.memory_space<hbm>>
      %dma_wait3A_24 = tpu.memref_slice %arg9[%mul3A_2] : memref<1024xf32, #tpu.memory_space<vmem>> -> memref<32xf32, #tpu.memory_space<vmem>>
      tpu.wait_dma2 semaphore(%run_scoped3A : memref<!tpu.dma_semaphore, #tpu.memory_space<semaphore_mem>>) src(%dma_wait3A_24 : memref<32xf32, #tpu.memory_space<vmem>>) dst(%dma_wait3A_23 : memref<32xf32, #tpu.memory_space<hbm>>)
      tpu.yield
    }) : () -> ()
    return
  }
}

#map = affine_map<(d0, d1) -> (0, 0)>
#map1 = affine_map<(d0, d1) -> (0)>
#map2 = affine_map<(d0, d1) -> (0, 0, 0)>
module attributes {stable_mosaic.version = 14 : i64} {
  func.func @_hop_body(%arg0: i32, %arg1: i32, %arg2: memref<10112x128xf32, #tpu.memory_space<hbm>>, %arg3: memref<320000xi32, #tpu.memory_space<hbm>>, %arg4: memref<320000xi32, #tpu.memory_space<hbm>>, %arg5: memref<2x10112x128xf32, #tpu.memory_space<hbm>>, %arg6: memref<4x80xi32, #tpu.memory_space<vmem>>, %arg7: memref<4x80xi32, #tpu.memory_space<vmem>>, %arg8: memref<2x80x128xf32, #tpu.memory_space<vmem>>, %arg9: memref<16x128xf32, #tpu.memory_space<vmem>>, %arg10: memref<10112x128xf32, #tpu.memory_space<vmem_shared>>, %arg11: memref<4x!tpu.dma_semaphore, #tpu.memory_space<semaphore_mem>>, %arg12: memref<2x!tpu.dma_semaphore, #tpu.memory_space<semaphore_mem>>, %arg13: memref<2x!tpu.dma_semaphore, #tpu.memory_space<semaphore_mem>>) attributes {dimension_semantics = [#tpu.dimension_semantics<core_parallel>, #tpu.dimension_semantics<subcore_parallel>], iteration_bounds = array<i64: 2, 16>, scalar_prefetch = 0 : i64, scratch_operands = 8 : i64, tpu.core_type = #tpu.core_type<sc_vector_subcore>, window_params = [{transform_indices = #map}, {transform_indices = #map1}, {transform_indices = #map1}, {transform_indices = #map2}]} {
    %mul3A = arith.constant 632 : i32
    %mul3A_0 = arith.muli %arg1, %mul3A : i32
    %broadcast_in_dim3A = arith.constant 0.000000e+00 : f32
    %broadcast_in_dim3A_1 = vector.broadcast %broadcast_in_dim3A : f32 to vector<16xf32>
    %scan3A = arith.constant 0 : i32
    %scan3A_2 = arith.constant 0 : i32
    %scan3A_3 = arith.constant 16 : i32
    %scan3A_4 = arith.addi %scan3A_2, %scan3A_3 : i32
    %scan3A_5 = arith.constant 1 : i32
    %scan3A_6 = scf.for %scan3A_152 = %scan3A_2 to %scan3A_4 step %scan3A_5 iter_args(%scan3A_153 = %scan3A) -> (i32)  : i32 {
      %swap3A = arith.index_cast %scan3A_152 : i32 to index
      %swap3A_154 = arith.constant 0 : index
      %swap3A_155 = tpu.vector_load %arg9[%swap3A, %swap3A_154] {strides = array<i32>} : memref<16x128xf32, #tpu.memory_space<vmem>>, vector<1x16xf32>,
      %swap3A_156 = vector.shape_cast %swap3A_155 : vector<1x16xf32> to vector<16xf32>
      %swap3A_157 = vector.shape_cast %broadcast_in_dim3A_1 : vector<16xf32> to vector<1x16xf32>
      tpu.vector_store %arg9[%swap3A, %swap3A_154], %swap3A_157 {strides = array<i32>} : memref<16x128xf32, #tpu.memory_space<vmem>>, vector<1x16xf32>,
      %swap3A_158 = arith.index_cast %scan3A_152 : i32 to index
      %swap3A_159 = arith.constant 16 : index
      %swap3A_160 = tpu.vector_load %arg9[%swap3A_158, %swap3A_159] {strides = array<i32>} : memref<16x128xf32, #tpu.memory_space<vmem>>, vector<1x16xf32>,
      %swap3A_161 = vector.shape_cast %swap3A_160 : vector<1x16xf32> to vector<16xf32>
      %swap3A_162 = vector.shape_cast %broadcast_in_dim3A_1 : vector<16xf32> to vector<1x16xf32>
      tpu.vector_store %arg9[%swap3A_158, %swap3A_159], %swap3A_162 {strides = array<i32>} : memref<16x128xf32, #tpu.memory_space<vmem>>, vector<1x16xf32>,
      %swap3A_163 = arith.index_cast %scan3A_152 : i32 to index
      %swap3A_164 = arith.constant 32 : index
      %swap3A_165 = tpu.vector_load %arg9[%swap3A_163, %swap3A_164] {strides = array<i32>} : memref<16x128xf32, #tpu.memory_space<vmem>>, vector<1x16xf32>,
      %swap3A_166 = vector.shape_cast %swap3A_165 : vector<1x16xf32> to vector<16xf32>
      %swap3A_167 = vector.shape_cast %broadcast_in_dim3A_1 : vector<16xf32> to vector<1x16xf32>
      tpu.vector_store %arg9[%swap3A_163, %swap3A_164], %swap3A_167 {strides = array<i32>} : memref<16x128xf32, #tpu.memory_space<vmem>>, vector<1x16xf32>,
      %swap3A_168 = arith.index_cast %scan3A_152 : i32 to index
      %swap3A_169 = arith.constant 48 : index
      %swap3A_170 = tpu.vector_load %arg9[%swap3A_168, %swap3A_169] {strides = array<i32>} : memref<16x128xf32, #tpu.memory_space<vmem>>, vector<1x16xf32>,
      %swap3A_171 = vector.shape_cast %swap3A_170 : vector<1x16xf32> to vector<16xf32>
      %swap3A_172 = vector.shape_cast %broadcast_in_dim3A_1 : vector<16xf32> to vector<1x16xf32>
      tpu.vector_store %arg9[%swap3A_168, %swap3A_169], %swap3A_172 {strides = array<i32>} : memref<16x128xf32, #tpu.memory_space<vmem>>, vector<1x16xf32>,
      %swap3A_173 = arith.index_cast %scan3A_152 : i32 to index
      %swap3A_174 = arith.constant 64 : index
      %swap3A_175 = tpu.vector_load %arg9[%swap3A_173, %swap3A_174] {strides = array<i32>} : memref<16x128xf32, #tpu.memory_space<vmem>>, vector<1x16xf32>,
      %swap3A_176 = vector.shape_cast %swap3A_175 : vector<1x16xf32> to vector<16xf32>
      %swap3A_177 = vector.shape_cast %broadcast_in_dim3A_1 : vector<16xf32> to vector<1x16xf32>
      tpu.vector_store %arg9[%swap3A_173, %swap3A_174], %swap3A_177 {strides = array<i32>} : memref<16x128xf32, #tpu.memory_space<vmem>>, vector<1x16xf32>,
      %swap3A_178 = arith.index_cast %scan3A_152 : i32 to index
      %swap3A_179 = arith.constant 80 : index
      %swap3A_180 = tpu.vector_load %arg9[%swap3A_178, %swap3A_179] {strides = array<i32>} : memref<16x128xf32, #tpu.memory_space<vmem>>, vector<1x16xf32>,
      %swap3A_181 = vector.shape_cast %swap3A_180 : vector<1x16xf32> to vector<16xf32>
      %swap3A_182 = vector.shape_cast %broadcast_in_dim3A_1 : vector<16xf32> to vector<1x16xf32>
      tpu.vector_store %arg9[%swap3A_178, %swap3A_179], %swap3A_182 {strides = array<i32>} : memref<16x128xf32, #tpu.memory_space<vmem>>, vector<1x16xf32>,
      %swap3A_183 = arith.index_cast %scan3A_152 : i32 to index
      %swap3A_184 = arith.constant 96 : index
      %swap3A_185 = tpu.vector_load %arg9[%swap3A_183, %swap3A_184] {strides = array<i32>} : memref<16x128xf32, #tpu.memory_space<vmem>>, vector<1x16xf32>,
      %swap3A_186 = vector.shape_cast %swap3A_185 : vector<1x16xf32> to vector<16xf32>
      %swap3A_187 = vector.shape_cast %broadcast_in_dim3A_1 : vector<16xf32> to vector<1x16xf32>
      tpu.vector_store %arg9[%swap3A_183, %swap3A_184], %swap3A_187 {strides = array<i32>} : memref<16x128xf32, #tpu.memory_space<vmem>>, vector<1x16xf32>,
      %swap3A_188 = arith.index_cast %scan3A_152 : i32 to index
      %swap3A_189 = arith.constant 112 : index
      %swap3A_190 = tpu.vector_load %arg9[%swap3A_188, %swap3A_189] {strides = array<i32>} : memref<16x128xf32, #tpu.memory_space<vmem>>, vector<1x16xf32>,
      %swap3A_191 = vector.shape_cast %swap3A_190 : vector<1x16xf32> to vector<16xf32>
      %swap3A_192 = vector.shape_cast %broadcast_in_dim3A_1 : vector<16xf32> to vector<1x16xf32>
      tpu.vector_store %arg9[%swap3A_188, %swap3A_189], %swap3A_192 {strides = array<i32>} : memref<16x128xf32, #tpu.memory_space<vmem>>, vector<1x16xf32>,
      %scan3A_193 = arith.constant 0 : i32
      scf.yield %scan3A_193 : i32
    }
    %scan3A_7 = arith.constant 16 : i32
    %scan3A_8 = arith.constant 0 : i32
    %scan3A_9 = arith.constant 0 : i32
    %scan3A_10 = arith.constant 39 : i32
    %scan3A_11 = arith.addi %scan3A_9, %scan3A_10 : i32
    %scan3A_12 = arith.constant 1 : i32
    %scan3A_13 = scf.for %scan3A_152 = %scan3A_9 to %scan3A_11 step %scan3A_12 iter_args(%scan3A_153 = %scan3A_8) -> (i32)  : i32 {
      %mul3A_154 = arith.constant 16 : i32
      %mul3A_155 = arith.muli %scan3A_152, %mul3A_154 : i32
      %add3A_156 = arith.addi %mul3A_0, %mul3A_155 : i32
      "tpu.region"() ({
        %run_scoped3A = tpu.sem_alloc : memref<!tpu.dma_semaphore, #tpu.memory_space<semaphore_mem>>
        %dma_start3A_158 = arith.constant 0 : i32
        %dma_start3A_159 = tpu.memref_slice %arg10[%add3A_156, %dma_start3A_158] : memref<10112x128xf32, #tpu.memory_space<vmem_shared>> -> memref<16x128xf32, #tpu.memory_space<vmem_shared>>
        %dma_start3A_160 = arith.constant 0 : i32
        %dma_start3A_161 = tpu.memref_slice %arg10[%add3A_156, %dma_start3A_160] : memref<10112x128xf32, #tpu.memory_space<vmem_shared>> -> memref<16x128xf32, #tpu.memory_space<vmem_shared>>
        tpu.enqueue_dma source(%arg9 : memref<16x128xf32, #tpu.memory_space<vmem>>) target(%dma_start3A_161 : memref<16x128xf32, #tpu.memory_space<vmem_shared>>) target_semaphore(%run_scoped3A : memref<!tpu.dma_semaphore, #tpu.memory_space<semaphore_mem>>)
        %dma_wait3A_162 = arith.constant 0 : i32
        %dma_wait3A_163 = tpu.memref_slice %arg10[%add3A_156, %dma_wait3A_162] : memref<10112x128xf32, #tpu.memory_space<vmem_shared>> -> memref<16x128xf32, #tpu.memory_space<vmem_shared>>
        %dma_wait3A_164 = arith.constant 0 : i32
        %dma_wait3A_165 = tpu.memref_slice %arg10[%add3A_156, %dma_wait3A_164] : memref<10112x128xf32, #tpu.memory_space<vmem_shared>> -> memref<16x128xf32, #tpu.memory_space<vmem_shared>>
        tpu.wait_dma2 semaphore(%run_scoped3A : memref<!tpu.dma_semaphore, #tpu.memory_space<semaphore_mem>>) src(%arg9 : memref<16x128xf32, #tpu.memory_space<vmem>>) dst(%dma_wait3A_165 : memref<16x128xf32, #tpu.memory_space<vmem_shared>>)
        tpu.yield
      }) : () -> ()
      %scan3A_157 = arith.constant 0 : i32
      scf.yield %scan3A_157 : i32
    }
    %scan3A_14 = arith.constant 39 : i32
    %add3A = arith.constant 624 : i32
    %add3A_15 = arith.addi %mul3A_0, %add3A : i32
    "tpu.region"() ({
      %run_scoped3A = tpu.sem_alloc : memref<!tpu.dma_semaphore, #tpu.memory_space<semaphore_mem>>
      %dma_start3A_152 = arith.constant 0 : i32
      %dma_start3A_153 = arith.constant 0 : i32
      %dma_start3A_154 = tpu.memref_slice %arg9[%dma_start3A_152, %dma_start3A_153] : memref<16x128xf32, #tpu.memory_space<vmem>> -> memref<8x128xf32, #tpu.memory_space<vmem>>
      %dma_start3A_155 = arith.constant 0 : i32
      %dma_start3A_156 = tpu.memref_slice %arg10[%add3A_15, %dma_start3A_155] : memref<10112x128xf32, #tpu.memory_space<vmem_shared>> -> memref<8x128xf32, #tpu.memory_space<vmem_shared>>
      %dma_start3A_157 = arith.constant 0 : i32
      %dma_start3A_158 = tpu.memref_slice %arg10[%add3A_15, %dma_start3A_157] : memref<10112x128xf32, #tpu.memory_space<vmem_shared>> -> memref<8x128xf32, #tpu.memory_space<vmem_shared>>
      %dma_start3A_159 = arith.constant 0 : i32
      %dma_start3A_160 = arith.constant 0 : i32
      %dma_start3A_161 = tpu.memref_slice %arg9[%dma_start3A_159, %dma_start3A_160] : memref<16x128xf32, #tpu.memory_space<vmem>> -> memref<8x128xf32, #tpu.memory_space<vmem>>
      tpu.enqueue_dma source(%dma_start3A_161 : memref<8x128xf32, #tpu.memory_space<vmem>>) target(%dma_start3A_158 : memref<8x128xf32, #tpu.memory_space<vmem_shared>>) target_semaphore(%run_scoped3A : memref<!tpu.dma_semaphore, #tpu.memory_space<semaphore_mem>>)
      %dma_wait3A_162 = arith.constant 0 : i32
      %dma_wait3A_163 = arith.constant 0 : i32
      %dma_wait3A_164 = tpu.memref_slice %arg9[%dma_wait3A_162, %dma_wait3A_163] : memref<16x128xf32, #tpu.memory_space<vmem>> -> memref<8x128xf32, #tpu.memory_space<vmem>>
      %dma_wait3A_165 = arith.constant 0 : i32
      %dma_wait3A_166 = tpu.memref_slice %arg10[%add3A_15, %dma_wait3A_165] : memref<10112x128xf32, #tpu.memory_space<vmem_shared>> -> memref<8x128xf32, #tpu.memory_space<vmem_shared>>
      %dma_wait3A_167 = arith.constant 0 : i32
      %dma_wait3A_168 = tpu.memref_slice %arg10[%add3A_15, %dma_wait3A_167] : memref<10112x128xf32, #tpu.memory_space<vmem_shared>> -> memref<8x128xf32, #tpu.memory_space<vmem_shared>>
      %dma_wait3A_169 = arith.constant 0 : i32
      %dma_wait3A_170 = arith.constant 0 : i32
      %dma_wait3A_171 = tpu.memref_slice %arg9[%dma_wait3A_169, %dma_wait3A_170] : memref<16x128xf32, #tpu.memory_space<vmem>> -> memref<8x128xf32, #tpu.memory_space<vmem>>
      tpu.wait_dma2 semaphore(%run_scoped3A : memref<!tpu.dma_semaphore, #tpu.memory_space<semaphore_mem>>) src(%dma_wait3A_171 : memref<8x128xf32, #tpu.memory_space<vmem>>) dst(%dma_wait3A_168 : memref<8x128xf32, #tpu.memory_space<vmem_shared>>)
      tpu.yield
    }) : () -> ()
    %barrier3A = arith.constant 0 : index
    tpu.barrier barrier_id(%barrier3A)
    %mul3A_16 = arith.constant 2 : i32
    %mul3A_17 = arith.muli %arg1, %mul3A_16 : i32
    %add3A_18 = arith.addi %mul3A_17, %arg0 : i32
    %mul3A_19 = arith.constant 10000 : i32
    %mul3A_20 = arith.muli %add3A_18, %mul3A_19 : i32
    %add3A_21 = arith.constant 0 : i32
    %add3A_22 = arith.addi %mul3A_20, %add3A_21 : i32
    %dma_start3A = arith.constant 0 : i32
    %dma_start3A_23 = arith.constant 0 : i32
    %dma_start3A_24 = arith.constant 0 : i32
    %dma_start3A_25 = tpu.memref_slice %arg6[%dma_start3A, %dma_start3A_24] : memref<4x80xi32, #tpu.memory_space<vmem>> -> memref<1x80xi32, #tpu.memory_space<vmem>>
    %dma_start3A_26 = tpu.memref_squeeze %dma_start3A_25 : memref<1x80xi32, #tpu.memory_space<vmem>> -> memref<80xi32, #tpu.memory_space<vmem>>
    %dma_start3A_27 = tpu.memref_slice %arg3[%add3A_22] : memref<320000xi32, #tpu.memory_space<hbm>> -> memref<80xi32, #tpu.memory_space<hbm>>
    %dma_start3A_28 = tpu.memref_slice %arg11[%dma_start3A_23] : memref<4x!tpu.dma_semaphore, #tpu.memory_space<semaphore_mem>> -> memref<1x!tpu.dma_semaphore, #tpu.memory_space<semaphore_mem>>
    %dma_start3A_29 = tpu.memref_squeeze %dma_start3A_28 : memref<1x!tpu.dma_semaphore, #tpu.memory_space<semaphore_mem>> -> memref<!tpu.dma_semaphore, #tpu.memory_space<semaphore_mem>>
    %dma_start3A_30 = arith.constant 0 : i32
    %dma_start3A_31 = tpu.memref_slice %arg6[%dma_start3A, %dma_start3A_30] : memref<4x80xi32, #tpu.memory_space<vmem>> -> memref<1x80xi32, #tpu.memory_space<vmem>>
    %dma_start3A_32 = tpu.memref_squeeze %dma_start3A_31 : memref<1x80xi32, #tpu.memory_space<vmem>> -> memref<80xi32, #tpu.memory_space<vmem>>
    %dma_start3A_33 = tpu.memref_slice %arg3[%add3A_22] : memref<320000xi32, #tpu.memory_space<hbm>> -> memref<80xi32, #tpu.memory_space<hbm>>
    tpu.enqueue_dma source(%dma_start3A_33 : memref<80xi32, #tpu.memory_space<hbm>>) target(%dma_start3A_32 : memref<80xi32, #tpu.memory_space<vmem>>) target_semaphore(%dma_start3A_29 : memref<!tpu.dma_semaphore, #tpu.memory_space<semaphore_mem>>)
    %dma_start3A_34 = arith.constant 0 : i32
    %dma_start3A_35 = arith.constant 0 : i32
    %dma_start3A_36 = arith.constant 0 : i32
    %dma_start3A_37 = tpu.memref_slice %arg7[%dma_start3A_34, %dma_start3A_36] : memref<4x80xi32, #tpu.memory_space<vmem>> -> memref<1x80xi32, #tpu.memory_space<vmem>>
    %dma_start3A_38 = tpu.memref_squeeze %dma_start3A_37 : memref<1x80xi32, #tpu.memory_space<vmem>> -> memref<80xi32, #tpu.memory_space<vmem>>
    %dma_start3A_39 = tpu.memref_slice %arg4[%add3A_22] : memref<320000xi32, #tpu.memory_space<hbm>> -> memref<80xi32, #tpu.memory_space<hbm>>
    %dma_start3A_40 = tpu.memref_slice %arg11[%dma_start3A_35] : memref<4x!tpu.dma_semaphore, #tpu.memory_space<semaphore_mem>> -> memref<1x!tpu.dma_semaphore, #tpu.memory_space<semaphore_mem>>
    %dma_start3A_41 = tpu.memref_squeeze %dma_start3A_40 : memref<1x!tpu.dma_semaphore, #tpu.memory_space<semaphore_mem>> -> memref<!tpu.dma_semaphore, #tpu.memory_space<semaphore_mem>>
    %dma_start3A_42 = arith.constant 0 : i32
    %dma_start3A_43 = tpu.memref_slice %arg7[%dma_start3A_34, %dma_start3A_42] : memref<4x80xi32, #tpu.memory_space<vmem>> -> memref<1x80xi32, #tpu.memory_space<vmem>>
    %dma_start3A_44 = tpu.memref_squeeze %dma_start3A_43 : memref<1x80xi32, #tpu.memory_space<vmem>> -> memref<80xi32, #tpu.memory_space<vmem>>
    %dma_start3A_45 = tpu.memref_slice %arg4[%add3A_22] : memref<320000xi32, #tpu.memory_space<hbm>> -> memref<80xi32, #tpu.memory_space<hbm>>
    tpu.enqueue_dma source(%dma_start3A_45 : memref<80xi32, #tpu.memory_space<hbm>>) target(%dma_start3A_44 : memref<80xi32, #tpu.memory_space<vmem>>) target_semaphore(%dma_start3A_41 : memref<!tpu.dma_semaphore, #tpu.memory_space<semaphore_mem>>)
    %add3A_46 = arith.constant 80 : i32
    %add3A_47 = arith.addi %mul3A_20, %add3A_46 : i32
    %dma_start3A_48 = arith.constant 1 : i32
    %dma_start3A_49 = arith.constant 1 : i32
    %dma_start3A_50 = arith.constant 0 : i32
    %dma_start3A_51 = tpu.memref_slice %arg6[%dma_start3A_48, %dma_start3A_50] : memref<4x80xi32, #tpu.memory_space<vmem>> -> memref<1x80xi32, #tpu.memory_space<vmem>>
    %dma_start3A_52 = tpu.memref_squeeze %dma_start3A_51 : memref<1x80xi32, #tpu.memory_space<vmem>> -> memref<80xi32, #tpu.memory_space<vmem>>
    %dma_start3A_53 = tpu.memref_slice %arg3[%add3A_47] : memref<320000xi32, #tpu.memory_space<hbm>> -> memref<80xi32, #tpu.memory_space<hbm>>
    %dma_start3A_54 = tpu.memref_slice %arg11[%dma_start3A_49] : memref<4x!tpu.dma_semaphore, #tpu.memory_space<semaphore_mem>> -> memref<1x!tpu.dma_semaphore, #tpu.memory_space<semaphore_mem>>
    %dma_start3A_55 = tpu.memref_squeeze %dma_start3A_54 : memref<1x!tpu.dma_semaphore, #tpu.memory_space<semaphore_mem>> -> memref<!tpu.dma_semaphore, #tpu.memory_space<semaphore_mem>>
    %dma_start3A_56 = arith.constant 0 : i32
    %dma_start3A_57 = tpu.memref_slice %arg6[%dma_start3A_48, %dma_start3A_56] : memref<4x80xi32, #tpu.memory_space<vmem>> -> memref<1x80xi32, #tpu.memory_space<vmem>>
    %dma_start3A_58 = tpu.memref_squeeze %dma_start3A_57 : memref<1x80xi32, #tpu.memory_space<vmem>> -> memref<80xi32, #tpu.memory_space<vmem>>
    %dma_start3A_59 = tpu.memref_slice %arg3[%add3A_47] : memref<320000xi32, #tpu.memory_space<hbm>> -> memref<80xi32, #tpu.memory_space<hbm>>
    tpu.enqueue_dma source(%dma_start3A_59 : memref<80xi32, #tpu.memory_space<hbm>>) target(%dma_start3A_58 : memref<80xi32, #tpu.memory_space<vmem>>) target_semaphore(%dma_start3A_55 : memref<!tpu.dma_semaphore, #tpu.memory_space<semaphore_mem>>)
    %dma_start3A_60 = arith.constant 1 : i32
    %dma_start3A_61 = arith.constant 1 : i32
    %dma_start3A_62 = arith.constant 0 : i32
    %dma_start3A_63 = tpu.memref_slice %arg7[%dma_start3A_60, %dma_start3A_62] : memref<4x80xi32, #tpu.memory_space<vmem>> -> memref<1x80xi32, #tpu.memory_space<vmem>>
    %dma_start3A_64 = tpu.memref_squeeze %dma_start3A_63 : memref<1x80xi32, #tpu.memory_space<vmem>> -> memref<80xi32, #tpu.memory_space<vmem>>
    %dma_start3A_65 = tpu.memref_slice %arg4[%add3A_47] : memref<320000xi32, #tpu.memory_space<hbm>> -> memref<80xi32, #tpu.memory_space<hbm>>
    %dma_start3A_66 = tpu.memref_slice %arg11[%dma_start3A_61] : memref<4x!tpu.dma_semaphore, #tpu.memory_space<semaphore_mem>> -> memref<1x!tpu.dma_semaphore, #tpu.memory_space<semaphore_mem>>
    %dma_start3A_67 = tpu.memref_squeeze %dma_start3A_66 : memref<1x!tpu.dma_semaphore, #tpu.memory_space<semaphore_mem>> -> memref<!tpu.dma_semaphore, #tpu.memory_space<semaphore_mem>>
    %dma_start3A_68 = arith.constant 0 : i32
    %dma_start3A_69 = tpu.memref_slice %arg7[%dma_start3A_60, %dma_start3A_68] : memref<4x80xi32, #tpu.memory_space<vmem>> -> memref<1x80xi32, #tpu.memory_space<vmem>>
    %dma_start3A_70 = tpu.memref_squeeze %dma_start3A_69 : memref<1x80xi32, #tpu.memory_space<vmem>> -> memref<80xi32, #tpu.memory_space<vmem>>
    %dma_start3A_71 = tpu.memref_slice %arg4[%add3A_47] : memref<320000xi32, #tpu.memory_space<hbm>> -> memref<80xi32, #tpu.memory_space<hbm>>
    tpu.enqueue_dma source(%dma_start3A_71 : memref<80xi32, #tpu.memory_space<hbm>>) target(%dma_start3A_70 : memref<80xi32, #tpu.memory_space<vmem>>) target_semaphore(%dma_start3A_67 : memref<!tpu.dma_semaphore, #tpu.memory_space<semaphore_mem>>)
    %dma_wait3A = arith.constant 0 : i32
    %dma_wait3A_72 = arith.constant 0 : i32
    %dma_wait3A_73 = arith.constant 0 : i32
    %dma_wait3A_74 = tpu.memref_slice %arg6[%dma_wait3A, %dma_wait3A_73] : memref<4x80xi32, #tpu.memory_space<vmem>> -> memref<1x80xi32, #tpu.memory_space<vmem>>
    %dma_wait3A_75 = tpu.memref_squeeze %dma_wait3A_74 : memref<1x80xi32, #tpu.memory_space<vmem>> -> memref<80xi32, #tpu.memory_space<vmem>>
    %dma_wait3A_76 = arith.constant 0 : i32
    %dma_wait3A_77 = tpu.memref_slice %arg3[%dma_wait3A_76] : memref<320000xi32, #tpu.memory_space<hbm>> -> memref<80xi32, #tpu.memory_space<hbm>>
    %dma_wait3A_78 = tpu.memref_slice %arg11[%dma_wait3A_72] : memref<4x!tpu.dma_semaphore, #tpu.memory_space<semaphore_mem>> -> memref<1x!tpu.dma_semaphore, #tpu.memory_space<semaphore_mem>>
    %dma_wait3A_79 = tpu.memref_squeeze %dma_wait3A_78 : memref<1x!tpu.dma_semaphore, #tpu.memory_space<semaphore_mem>> -> memref<!tpu.dma_semaphore, #tpu.memory_space<semaphore_mem>>
    %dma_wait3A_80 = arith.constant 0 : i32
    %dma_wait3A_81 = tpu.memref_slice %arg6[%dma_wait3A, %dma_wait3A_80] : memref<4x80xi32, #tpu.memory_space<vmem>> -> memref<1x80xi32, #tpu.memory_space<vmem>>
    %dma_wait3A_82 = tpu.memref_squeeze %dma_wait3A_81 : memref<1x80xi32, #tpu.memory_space<vmem>> -> memref<80xi32, #tpu.memory_space<vmem>>
    %dma_wait3A_83 = arith.constant 0 : i32
    %dma_wait3A_84 = tpu.memref_slice %arg3[%dma_wait3A_83] : memref<320000xi32, #tpu.memory_space<hbm>> -> memref<80xi32, #tpu.memory_space<hbm>>
    tpu.wait_dma2 semaphore(%dma_wait3A_79 : memref<!tpu.dma_semaphore, #tpu.memory_space<semaphore_mem>>) src(%dma_wait3A_84 : memref<80xi32, #tpu.memory_space<hbm>>) dst(%dma_wait3A_82 : memref<80xi32, #tpu.memory_space<vmem>>)
    %dma_wait3A_85 = arith.constant 0 : i32
    %dma_wait3A_86 = arith.constant 0 : i32
    %dma_wait3A_87 = arith.constant 0 : i32
    %dma_wait3A_88 = tpu.memref_slice %arg7[%dma_wait3A_85, %dma_wait3A_87] : memref<4x80xi32, #tpu.memory_space<vmem>> -> memref<1x80xi32, #tpu.memory_space<vmem>>
    %dma_wait3A_89 = tpu.memref_squeeze %dma_wait3A_88 : memref<1x80xi32, #tpu.memory_space<vmem>> -> memref<80xi32, #tpu.memory_space<vmem>>
    %dma_wait3A_90 = arith.constant 0 : i32
    %dma_wait3A_91 = tpu.memref_slice %arg4[%dma_wait3A_90] : memref<320000xi32, #tpu.memory_space<hbm>> -> memref<80xi32, #tpu.memory_space<hbm>>
    %dma_wait3A_92 = tpu.memref_slice %arg11[%dma_wait3A_86] : memref<4x!tpu.dma_semaphore, #tpu.memory_space<semaphore_mem>> -> memref<1x!tpu.dma_semaphore, #tpu.memory_space<semaphore_mem>>
    %dma_wait3A_93 = tpu.memref_squeeze %dma_wait3A_92 : memref<1x!tpu.dma_semaphore, #tpu.memory_space<semaphore_mem>> -> memref<!tpu.dma_semaphore, #tpu.memory_space<semaphore_mem>>
    %dma_wait3A_94 = arith.constant 0 : i32
    %dma_wait3A_95 = tpu.memref_slice %arg7[%dma_wait3A_85, %dma_wait3A_94] : memref<4x80xi32, #tpu.memory_space<vmem>> -> memref<1x80xi32, #tpu.memory_space<vmem>>
    %dma_wait3A_96 = tpu.memref_squeeze %dma_wait3A_95 : memref<1x80xi32, #tpu.memory_space<vmem>> -> memref<80xi32, #tpu.memory_space<vmem>>
    %dma_wait3A_97 = arith.constant 0 : i32
    %dma_wait3A_98 = tpu.memref_slice %arg4[%dma_wait3A_97] : memref<320000xi32, #tpu.memory_space<hbm>> -> memref<80xi32, #tpu.memory_space<hbm>>
    tpu.wait_dma2 semaphore(%dma_wait3A_93 : memref<!tpu.dma_semaphore, #tpu.memory_space<semaphore_mem>>) src(%dma_wait3A_98 : memref<80xi32, #tpu.memory_space<hbm>>) dst(%dma_wait3A_96 : memref<80xi32, #tpu.memory_space<vmem>>)
    %dma_start3A_99 = arith.constant 0 : i32
    %dma_start3A_100 = arith.constant 0 : i32
    %dma_start3A_101 = arith.constant 0 : i32
    %dma_start3A_102 = arith.constant 0 : i32
    %dma_start3A_103 = arith.constant 0 : i32
    %dma_start3A_104 = tpu.memref_slice %arg8[%dma_start3A_100, %dma_start3A_102, %dma_start3A_103] : memref<2x80x128xf32, #tpu.memory_space<vmem>> -> memref<1x80x128xf32, #tpu.memory_space<vmem>>
    %dma_start3A_105 = tpu.memref_squeeze %dma_start3A_104 : memref<1x80x128xf32, #tpu.memory_space<vmem>> -> memref<80x128xf32, #tpu.memory_space<vmem>>
    %dma_start3A_106 = arith.constant 0 : i32
    %dma_start3A_107 = tpu.memref_slice %arg6[%dma_start3A_99, %dma_start3A_106] : memref<4x80xi32, #tpu.memory_space<vmem>> -> memref<1x80xi32, #tpu.memory_space<vmem>>
    %dma_start3A_108 = tpu.memref_squeeze %dma_start3A_107 : memref<1x80xi32, #tpu.memory_space<vmem>> -> memref<80xi32, #tpu.memory_space<vmem>>
    %dma_start3A_109 = arith.constant 0 : i32
    %dma_start3A_110 = arith.constant 0 : i32
    %dma_start3A_111 = tpu.memref_slice %arg2[%dma_start3A_109, %dma_start3A_110] : memref<10112x128xf32, #tpu.memory_space<hbm>> -> memref<10112x128xf32, #tpu.memory_space<hbm>>
    %dma_start3A_112 = tpu.memref_slice %arg12[%dma_start3A_101] : memref<2x!tpu.dma_semaphore, #tpu.memory_space<semaphore_mem>> -> memref<1x!tpu.dma_semaphore, #tpu.memory_space<semaphore_mem>>
    %dma_start3A_113 = tpu.memref_squeeze %dma_start3A_112 : memref<1x!tpu.dma_semaphore, #tpu.memory_space<semaphore_mem>> -> memref<!tpu.dma_semaphore, #tpu.memory_space<semaphore_mem>>
    tpu.enqueue_indirect_dma source(%dma_start3A_111 : memref<10112x128xf32, #tpu.memory_space<hbm>>) target(%dma_start3A_105 : memref<80x128xf32, #tpu.memory_space<vmem>>) offsets(%dma_start3A_108 : memref<80xi32, #tpu.memory_space<vmem>>) semaphore(%dma_start3A_113 : memref<!tpu.dma_semaphore, #tpu.memory_space<semaphore_mem>>)
    %scan3A_114 = arith.constant 0 : i32
    %scan3A_115 = arith.constant 0 : i32
    %scan3A_116 = arith.constant 125 : i32
    %scan3A_117 = arith.addi %scan3A_115, %scan3A_116 : i32
    %scan3A_118 = arith.constant 1 : i32
    %scan3A_119 = scf.for %scan3A_152 = %scan3A_115 to %scan3A_117 step %scan3A_118 iter_args(%scan3A_153 = %scan3A_114) -> (i32)  : i32 {
      %and3A = arith.constant 3 : i32
      %and3A_154 = arith.andi %scan3A_152, %and3A : i32
      %and3A_155 = arith.constant 1 : i32
      %and3A_156 = arith.andi %scan3A_152, %and3A_155 : i32
      %and3A_157 = arith.constant 1 : i32
      %and3A_158 = arith.andi %scan3A_152, %and3A_157 : i32
      %dma_wait3A_159 = arith.constant 0 : i32
      %dma_wait3A_160 = arith.constant 0 : i32
      %dma_wait3A_161 = tpu.memref_slice %arg8[%and3A_156, %dma_wait3A_159, %dma_wait3A_160] : memref<2x80x128xf32, #tpu.memory_space<vmem>> -> memref<1x80x128xf32, #tpu.memory_space<vmem>>
      %dma_wait3A_162 = tpu.memref_squeeze %dma_wait3A_161 : memref<1x80x128xf32, #tpu.memory_space<vmem>> -> memref<80x128xf32, #tpu.memory_space<vmem>>
      %dma_wait3A_163 = arith.constant 0 : i32
      %dma_wait3A_164 = tpu.memref_slice %arg6[%and3A_154, %dma_wait3A_163] : memref<4x80xi32, #tpu.memory_space<vmem>> -> memref<1x80xi32, #tpu.memory_space<vmem>>
      %dma_wait3A_165 = tpu.memref_squeeze %dma_wait3A_164 : memref<1x80xi32, #tpu.memory_space<vmem>> -> memref<80xi32, #tpu.memory_space<vmem>>
      %dma_wait3A_166 = arith.constant 0 : i32
      %dma_wait3A_167 = arith.constant 0 : i32
      %dma_wait3A_168 = tpu.memref_slice %arg2[%dma_wait3A_166, %dma_wait3A_167] : memref<10112x128xf32, #tpu.memory_space<hbm>> -> memref<10112x128xf32, #tpu.memory_space<hbm>>
      %dma_wait3A_169 = tpu.memref_slice %arg12[%and3A_158] : memref<2x!tpu.dma_semaphore, #tpu.memory_space<semaphore_mem>> -> memref<1x!tpu.dma_semaphore, #tpu.memory_space<semaphore_mem>>
      %dma_wait3A_170 = tpu.memref_squeeze %dma_wait3A_169 : memref<1x!tpu.dma_semaphore, #tpu.memory_space<semaphore_mem>> -> memref<!tpu.dma_semaphore, #tpu.memory_space<semaphore_mem>>
      tpu.wait_indirect_dma semaphore(%dma_wait3A_170 : memref<!tpu.dma_semaphore, #tpu.memory_space<semaphore_mem>>) src(%dma_wait3A_168 : memref<10112x128xf32, #tpu.memory_space<hbm>>) dst(%dma_wait3A_162 : memref<80x128xf32, #tpu.memory_space<vmem>>)
      %and3A_171 = arith.constant 1 : i32
      %and3A_172 = arith.andi %scan3A_152, %and3A_171 : i32
      %and3A_173 = arith.constant 3 : i32
      %and3A_174 = arith.andi %scan3A_152, %and3A_173 : i32
      %and3A_175 = arith.constant 1 : i32
      %and3A_176 = arith.andi %scan3A_152, %and3A_175 : i32
      %dma_start3A_177 = arith.constant 0 : i32
      %dma_start3A_178 = arith.constant 0 : i32
      %dma_start3A_179 = tpu.memref_slice %arg8[%and3A_172, %dma_start3A_177, %dma_start3A_178] : memref<2x80x128xf32, #tpu.memory_space<vmem>> -> memref<1x80x128xf32, #tpu.memory_space<vmem>>
      %dma_start3A_180 = tpu.memref_squeeze %dma_start3A_179 : memref<1x80x128xf32, #tpu.memory_space<vmem>> -> memref<80x128xf32, #tpu.memory_space<vmem>>
      %dma_start3A_181 = arith.constant 0 : i32
      %dma_start3A_182 = tpu.memref_slice %arg7[%and3A_174, %dma_start3A_181] : memref<4x80xi32, #tpu.memory_space<vmem>> -> memref<1x80xi32, #tpu.memory_space<vmem>>
      %dma_start3A_183 = tpu.memref_squeeze %dma_start3A_182 : memref<1x80xi32, #tpu.memory_space<vmem>> -> memref<80xi32, #tpu.memory_space<vmem>>
      %dma_start3A_184 = arith.constant 0 : i32
      %dma_start3A_185 = arith.constant 0 : i32
      %dma_start3A_186 = tpu.memref_slice %arg10[%dma_start3A_184, %dma_start3A_185] : memref<10112x128xf32, #tpu.memory_space<vmem_shared>> -> memref<10112x128xf32, #tpu.memory_space<vmem_shared>>
      %dma_start3A_187 = tpu.memref_slice %arg13[%and3A_176] : memref<2x!tpu.dma_semaphore, #tpu.memory_space<semaphore_mem>> -> memref<1x!tpu.dma_semaphore, #tpu.memory_space<semaphore_mem>>
      %dma_start3A_188 = tpu.memref_squeeze %dma_start3A_187 : memref<1x!tpu.dma_semaphore, #tpu.memory_space<semaphore_mem>> -> memref<!tpu.dma_semaphore, #tpu.memory_space<semaphore_mem>>
      tpu.enqueue_indirect_dma source(%dma_start3A_180 : memref<80x128xf32, #tpu.memory_space<vmem>>) target(%dma_start3A_186 : memref<10112x128xf32, #tpu.memory_space<vmem_shared>>) offsets(%dma_start3A_183 : memref<80xi32, #tpu.memory_space<vmem>>) semaphore(%dma_start3A_188 : memref<!tpu.dma_semaphore, #tpu.memory_space<semaphore_mem>>) {add = true}
      %add3A_189 = arith.constant 2 : i32
      %add3A_190 = arith.addi %scan3A_152, %add3A_189 : i32
      %lt3A = arith.constant 125 : i32
      %lt3A_191 = arith.cmpi slt, %add3A_190, %lt3A : i32
      %convert_element_type3A = arith.extui %lt3A_191 : i1 to i32
      %cond3A = arith.constant 0 : i32
      %cond3A_192 = arith.cmpi ne, %convert_element_type3A, %cond3A : i32
      scf.if %cond3A_192 {
        %add3A_201 = arith.constant 2 : i32
        %add3A_202 = arith.addi %scan3A_152, %add3A_201 : i32
        %and3A_203 = arith.constant 3 : i32
        %and3A_204 = arith.andi %add3A_202, %and3A_203 : i32
        %mul3A_205 = arith.constant 80 : i32
        %mul3A_206 = arith.muli %add3A_202, %mul3A_205 : i32
        %add3A_207 = arith.addi %mul3A_20, %mul3A_206 : i32
        %dma_start3A_208 = arith.constant 0 : i32
        %dma_start3A_209 = tpu.memref_slice %arg6[%and3A_204, %dma_start3A_208] : memref<4x80xi32, #tpu.memory_space<vmem>> -> memref<1x80xi32, #tpu.memory_space<vmem>>
        %dma_start3A_210 = tpu.memref_squeeze %dma_start3A_209 : memref<1x80xi32, #tpu.memory_space<vmem>> -> memref<80xi32, #tpu.memory_space<vmem>>
        %dma_start3A_211 = tpu.memref_slice %arg3[%add3A_207] : memref<320000xi32, #tpu.memory_space<hbm>> -> memref<80xi32, #tpu.memory_space<hbm>>
        %dma_start3A_212 = tpu.memref_slice %arg11[%and3A_204] : memref<4x!tpu.dma_semaphore, #tpu.memory_space<semaphore_mem>> -> memref<1x!tpu.dma_semaphore, #tpu.memory_space<semaphore_mem>>
        %dma_start3A_213 = tpu.memref_squeeze %dma_start3A_212 : memref<1x!tpu.dma_semaphore, #tpu.memory_space<semaphore_mem>> -> memref<!tpu.dma_semaphore, #tpu.memory_space<semaphore_mem>>
        %dma_start3A_214 = arith.constant 0 : i32
        %dma_start3A_215 = tpu.memref_slice %arg6[%and3A_204, %dma_start3A_214] : memref<4x80xi32, #tpu.memory_space<vmem>> -> memref<1x80xi32, #tpu.memory_space<vmem>>
        %dma_start3A_216 = tpu.memref_squeeze %dma_start3A_215 : memref<1x80xi32, #tpu.memory_space<vmem>> -> memref<80xi32, #tpu.memory_space<vmem>>
        %dma_start3A_217 = tpu.memref_slice %arg3[%add3A_207] : memref<320000xi32, #tpu.memory_space<hbm>> -> memref<80xi32, #tpu.memory_space<hbm>>
        tpu.enqueue_dma source(%dma_start3A_217 : memref<80xi32, #tpu.memory_space<hbm>>) target(%dma_start3A_216 : memref<80xi32, #tpu.memory_space<vmem>>) target_semaphore(%dma_start3A_213 : memref<!tpu.dma_semaphore, #tpu.memory_space<semaphore_mem>>)
        %dma_start3A_218 = arith.constant 0 : i32
        %dma_start3A_219 = tpu.memref_slice %arg7[%and3A_204, %dma_start3A_218] : memref<4x80xi32, #tpu.memory_space<vmem>> -> memref<1x80xi32, #tpu.memory_space<vmem>>
        %dma_start3A_220 = tpu.memref_squeeze %dma_start3A_219 : memref<1x80xi32, #tpu.memory_space<vmem>> -> memref<80xi32, #tpu.memory_space<vmem>>
        %dma_start3A_221 = tpu.memref_slice %arg4[%add3A_207] : memref<320000xi32, #tpu.memory_space<hbm>> -> memref<80xi32, #tpu.memory_space<hbm>>
        %dma_start3A_222 = tpu.memref_slice %arg11[%and3A_204] : memref<4x!tpu.dma_semaphore, #tpu.memory_space<semaphore_mem>> -> memref<1x!tpu.dma_semaphore, #tpu.memory_space<semaphore_mem>>
        %dma_start3A_223 = tpu.memref_squeeze %dma_start3A_222 : memref<1x!tpu.dma_semaphore, #tpu.memory_space<semaphore_mem>> -> memref<!tpu.dma_semaphore, #tpu.memory_space<semaphore_mem>>
        %dma_start3A_224 = arith.constant 0 : i32
        %dma_start3A_225 = tpu.memref_slice %arg7[%and3A_204, %dma_start3A_224] : memref<4x80xi32, #tpu.memory_space<vmem>> -> memref<1x80xi32, #tpu.memory_space<vmem>>
        %dma_start3A_226 = tpu.memref_squeeze %dma_start3A_225 : memref<1x80xi32, #tpu.memory_space<vmem>> -> memref<80xi32, #tpu.memory_space<vmem>>
        %dma_start3A_227 = tpu.memref_slice %arg4[%add3A_207] : memref<320000xi32, #tpu.memory_space<hbm>> -> memref<80xi32, #tpu.memory_space<hbm>>
        tpu.enqueue_dma source(%dma_start3A_227 : memref<80xi32, #tpu.memory_space<hbm>>) target(%dma_start3A_226 : memref<80xi32, #tpu.memory_space<vmem>>) target_semaphore(%dma_start3A_223 : memref<!tpu.dma_semaphore, #tpu.memory_space<semaphore_mem>>)
      } else {
      }
      %add3A_193 = arith.constant 1 : i32
      %add3A_194 = arith.addi %scan3A_152, %add3A_193 : i32
      %lt3A_195 = arith.constant 125 : i32
      %lt3A_196 = arith.cmpi slt, %add3A_194, %lt3A_195 : i32
      %convert_element_type3A_197 = arith.extui %lt3A_196 : i1 to i32
      %cond3A_198 = arith.constant 0 : i32
      %cond3A_199 = arith.cmpi ne, %convert_element_type3A_197, %cond3A_198 : i32
      scf.if %cond3A_199 {
        %ge3A = arith.constant 1 : i32
        %ge3A_201 = arith.cmpi sge, %scan3A_152, %ge3A : i32
        %convert_element_type3A_202 = arith.extui %ge3A_201 : i1 to i32
        %cond3A_203 = arith.constant 0 : i32
        %cond3A_204 = arith.cmpi ne, %convert_element_type3A_202, %cond3A_203 : i32
        scf.if %cond3A_204 {
          %sub3A = arith.constant 1 : i32
          %sub3A_253 = arith.subi %scan3A_152, %sub3A : i32
          %and3A_254 = arith.constant 1 : i32
          %and3A_255 = arith.andi %sub3A_253, %and3A_254 : i32
          %and3A_256 = arith.constant 3 : i32
          %and3A_257 = arith.andi %sub3A_253, %and3A_256 : i32
          %and3A_258 = arith.constant 1 : i32
          %and3A_259 = arith.andi %sub3A_253, %and3A_258 : i32
          %dma_wait3A_260 = arith.constant 0 : i32
          %dma_wait3A_261 = arith.constant 0 : i32
          %dma_wait3A_262 = tpu.memref_slice %arg8[%and3A_255, %dma_wait3A_260, %dma_wait3A_261] : memref<2x80x128xf32, #tpu.memory_space<vmem>> -> memref<1x80x128xf32, #tpu.memory_space<vmem>>
          %dma_wait3A_263 = tpu.memref_squeeze %dma_wait3A_262 : memref<1x80x128xf32, #tpu.memory_space<vmem>> -> memref<80x128xf32, #tpu.memory_space<vmem>>
          %dma_wait3A_264 = arith.constant 0 : i32
          %dma_wait3A_265 = tpu.memref_slice %arg7[%and3A_257, %dma_wait3A_264] : memref<4x80xi32, #tpu.memory_space<vmem>> -> memref<1x80xi32, #tpu.memory_space<vmem>>
          %dma_wait3A_266 = tpu.memref_squeeze %dma_wait3A_265 : memref<1x80xi32, #tpu.memory_space<vmem>> -> memref<80xi32, #tpu.memory_space<vmem>>
          %dma_wait3A_267 = arith.constant 0 : i32
          %dma_wait3A_268 = arith.constant 0 : i32
          %dma_wait3A_269 = tpu.memref_slice %arg10[%dma_wait3A_267, %dma_wait3A_268] : memref<10112x128xf32, #tpu.memory_space<vmem_shared>> -> memref<10112x128xf32, #tpu.memory_space<vmem_shared>>
          %dma_wait3A_270 = tpu.memref_slice %arg13[%and3A_259] : memref<2x!tpu.dma_semaphore, #tpu.memory_space<semaphore_mem>> -> memref<1x!tpu.dma_semaphore, #tpu.memory_space<semaphore_mem>>
          %dma_wait3A_271 = tpu.memref_squeeze %dma_wait3A_270 : memref<1x!tpu.dma_semaphore, #tpu.memory_space<semaphore_mem>> -> memref<!tpu.dma_semaphore, #tpu.memory_space<semaphore_mem>>
          tpu.wait_indirect_dma semaphore(%dma_wait3A_271 : memref<!tpu.dma_semaphore, #tpu.memory_space<semaphore_mem>>) src(%dma_wait3A_263 : memref<80x128xf32, #tpu.memory_space<vmem>>) dst(%dma_wait3A_269 : memref<10112x128xf32, #tpu.memory_space<vmem_shared>>)
        } else {
        }
        %add3A_205 = arith.constant 1 : i32
        %add3A_206 = arith.addi %scan3A_152, %add3A_205 : i32
        %and3A_207 = arith.constant 3 : i32
        %and3A_208 = arith.andi %add3A_206, %and3A_207 : i32
        %dma_wait3A_209 = arith.constant 0 : i32
        %dma_wait3A_210 = tpu.memref_slice %arg6[%and3A_208, %dma_wait3A_209] : memref<4x80xi32, #tpu.memory_space<vmem>> -> memref<1x80xi32, #tpu.memory_space<vmem>>
        %dma_wait3A_211 = tpu.memref_squeeze %dma_wait3A_210 : memref<1x80xi32, #tpu.memory_space<vmem>> -> memref<80xi32, #tpu.memory_space<vmem>>
        %dma_wait3A_212 = arith.constant 0 : i32
        %dma_wait3A_213 = tpu.memref_slice %arg3[%dma_wait3A_212] : memref<320000xi32, #tpu.memory_space<hbm>> -> memref<80xi32, #tpu.memory_space<hbm>>
        %dma_wait3A_214 = tpu.memref_slice %arg11[%and3A_208] : memref<4x!tpu.dma_semaphore, #tpu.memory_space<semaphore_mem>> -> memref<1x!tpu.dma_semaphore, #tpu.memory_space<semaphore_mem>>
        %dma_wait3A_215 = tpu.memref_squeeze %dma_wait3A_214 : memref<1x!tpu.dma_semaphore, #tpu.memory_space<semaphore_mem>> -> memref<!tpu.dma_semaphore, #tpu.memory_space<semaphore_mem>>
        %dma_wait3A_216 = arith.constant 0 : i32
        %dma_wait3A_217 = tpu.memref_slice %arg6[%and3A_208, %dma_wait3A_216] : memref<4x80xi32, #tpu.memory_space<vmem>> -> memref<1x80xi32, #tpu.memory_space<vmem>>
        %dma_wait3A_218 = tpu.memref_squeeze %dma_wait3A_217 : memref<1x80xi32, #tpu.memory_space<vmem>> -> memref<80xi32, #tpu.memory_space<vmem>>
        %dma_wait3A_219 = arith.constant 0 : i32
        %dma_wait3A_220 = tpu.memref_slice %arg3[%dma_wait3A_219] : memref<320000xi32, #tpu.memory_space<hbm>> -> memref<80xi32, #tpu.memory_space<hbm>>
        tpu.wait_dma2 semaphore(%dma_wait3A_215 : memref<!tpu.dma_semaphore, #tpu.memory_space<semaphore_mem>>) src(%dma_wait3A_220 : memref<80xi32, #tpu.memory_space<hbm>>) dst(%dma_wait3A_218 : memref<80xi32, #tpu.memory_space<vmem>>)
        %dma_wait3A_221 = arith.constant 0 : i32
        %dma_wait3A_222 = tpu.memref_slice %arg7[%and3A_208, %dma_wait3A_221] : memref<4x80xi32, #tpu.memory_space<vmem>> -> memref<1x80xi32, #tpu.memory_space<vmem>>
        %dma_wait3A_223 = tpu.memref_squeeze %dma_wait3A_222 : memref<1x80xi32, #tpu.memory_space<vmem>> -> memref<80xi32, #tpu.memory_space<vmem>>
        %dma_wait3A_224 = arith.constant 0 : i32
        %dma_wait3A_225 = tpu.memref_slice %arg4[%dma_wait3A_224] : memref<320000xi32, #tpu.memory_space<hbm>> -> memref<80xi32, #tpu.memory_space<hbm>>
        %dma_wait3A_226 = tpu.memref_slice %arg11[%and3A_208] : memref<4x!tpu.dma_semaphore, #tpu.memory_space<semaphore_mem>> -> memref<1x!tpu.dma_semaphore, #tpu.memory_space<semaphore_mem>>
        %dma_wait3A_227 = tpu.memref_squeeze %dma_wait3A_226 : memref<1x!tpu.dma_semaphore, #tpu.memory_space<semaphore_mem>> -> memref<!tpu.dma_semaphore, #tpu.memory_space<semaphore_mem>>
        %dma_wait3A_228 = arith.constant 0 : i32
        %dma_wait3A_229 = tpu.memref_slice %arg7[%and3A_208, %dma_wait3A_228] : memref<4x80xi32, #tpu.memory_space<vmem>> -> memref<1x80xi32, #tpu.memory_space<vmem>>
        %dma_wait3A_230 = tpu.memref_squeeze %dma_wait3A_229 : memref<1x80xi32, #tpu.memory_space<vmem>> -> memref<80xi32, #tpu.memory_space<vmem>>
        %dma_wait3A_231 = arith.constant 0 : i32
        %dma_wait3A_232 = tpu.memref_slice %arg4[%dma_wait3A_231] : memref<320000xi32, #tpu.memory_space<hbm>> -> memref<80xi32, #tpu.memory_space<hbm>>
        tpu.wait_dma2 semaphore(%dma_wait3A_227 : memref<!tpu.dma_semaphore, #tpu.memory_space<semaphore_mem>>) src(%dma_wait3A_232 : memref<80xi32, #tpu.memory_space<hbm>>) dst(%dma_wait3A_230 : memref<80xi32, #tpu.memory_space<vmem>>)
        %add3A_233 = arith.constant 1 : i32
        %add3A_234 = arith.addi %scan3A_152, %add3A_233 : i32
        %and3A_235 = arith.constant 3 : i32
        %and3A_236 = arith.andi %add3A_234, %and3A_235 : i32
        %and3A_237 = arith.constant 1 : i32
        %and3A_238 = arith.andi %add3A_234, %and3A_237 : i32
        %and3A_239 = arith.constant 1 : i32
        %and3A_240 = arith.andi %add3A_234, %and3A_239 : i32
        %dma_start3A_241 = arith.constant 0 : i32
        %dma_start3A_242 = arith.constant 0 : i32
        %dma_start3A_243 = tpu.memref_slice %arg8[%and3A_238, %dma_start3A_241, %dma_start3A_242] : memref<2x80x128xf32, #tpu.memory_space<vmem>> -> memref<1x80x128xf32, #tpu.memory_space<vmem>>
        %dma_start3A_244 = tpu.memref_squeeze %dma_start3A_243 : memref<1x80x128xf32, #tpu.memory_space<vmem>> -> memref<80x128xf32, #tpu.memory_space<vmem>>
        %dma_start3A_245 = arith.constant 0 : i32
        %dma_start3A_246 = tpu.memref_slice %arg6[%and3A_236, %dma_start3A_245] : memref<4x80xi32, #tpu.memory_space<vmem>> -> memref<1x80xi32, #tpu.memory_space<vmem>>
        %dma_start3A_247 = tpu.memref_squeeze %dma_start3A_246 : memref<1x80xi32, #tpu.memory_space<vmem>> -> memref<80xi32, #tpu.memory_space<vmem>>
        %dma_start3A_248 = arith.constant 0 : i32
        %dma_start3A_249 = arith.constant 0 : i32
        %dma_start3A_250 = tpu.memref_slice %arg2[%dma_start3A_248, %dma_start3A_249] : memref<10112x128xf32, #tpu.memory_space<hbm>> -> memref<10112x128xf32, #tpu.memory_space<hbm>>
        %dma_start3A_251 = tpu.memref_slice %arg12[%and3A_240] : memref<2x!tpu.dma_semaphore, #tpu.memory_space<semaphore_mem>> -> memref<1x!tpu.dma_semaphore, #tpu.memory_space<semaphore_mem>>
        %dma_start3A_252 = tpu.memref_squeeze %dma_start3A_251 : memref<1x!tpu.dma_semaphore, #tpu.memory_space<semaphore_mem>> -> memref<!tpu.dma_semaphore, #tpu.memory_space<semaphore_mem>>
        tpu.enqueue_indirect_dma source(%dma_start3A_250 : memref<10112x128xf32, #tpu.memory_space<hbm>>) target(%dma_start3A_244 : memref<80x128xf32, #tpu.memory_space<vmem>>) offsets(%dma_start3A_247 : memref<80xi32, #tpu.memory_space<vmem>>) semaphore(%dma_start3A_252 : memref<!tpu.dma_semaphore, #tpu.memory_space<semaphore_mem>>)
      } else {
      }
      %scan3A_200 = arith.constant 0 : i32
      scf.yield %scan3A_200 : i32
    }
    %scan3A_120 = arith.constant 125 : i32
    %dma_wait3A_121 = arith.constant 1 : i32
    %dma_wait3A_122 = arith.constant 3 : i32
    %dma_wait3A_123 = arith.constant 1 : i32
    %dma_wait3A_124 = arith.constant 0 : i32
    %dma_wait3A_125 = arith.constant 0 : i32
    %dma_wait3A_126 = tpu.memref_slice %arg8[%dma_wait3A_121, %dma_wait3A_124, %dma_wait3A_125] : memref<2x80x128xf32, #tpu.memory_space<vmem>> -> memref<1x80x128xf32, #tpu.memory_space<vmem>>
    %dma_wait3A_127 = tpu.memref_squeeze %dma_wait3A_126 : memref<1x80x128xf32, #tpu.memory_space<vmem>> -> memref<80x128xf32, #tpu.memory_space<vmem>>
    %dma_wait3A_128 = arith.constant 0 : i32
    %dma_wait3A_129 = tpu.memref_slice %arg7[%dma_wait3A_122, %dma_wait3A_128] : memref<4x80xi32, #tpu.memory_space<vmem>> -> memref<1x80xi32, #tpu.memory_space<vmem>>
    %dma_wait3A_130 = tpu.memref_squeeze %dma_wait3A_129 : memref<1x80xi32, #tpu.memory_space<vmem>> -> memref<80xi32, #tpu.memory_space<vmem>>
    %dma_wait3A_131 = arith.constant 0 : i32
    %dma_wait3A_132 = arith.constant 0 : i32
    %dma_wait3A_133 = tpu.memref_slice %arg10[%dma_wait3A_131, %dma_wait3A_132] : memref<10112x128xf32, #tpu.memory_space<vmem_shared>> -> memref<10112x128xf32, #tpu.memory_space<vmem_shared>>
    %dma_wait3A_134 = tpu.memref_slice %arg13[%dma_wait3A_123] : memref<2x!tpu.dma_semaphore, #tpu.memory_space<semaphore_mem>> -> memref<1x!tpu.dma_semaphore, #tpu.memory_space<semaphore_mem>>
    %dma_wait3A_135 = tpu.memref_squeeze %dma_wait3A_134 : memref<1x!tpu.dma_semaphore, #tpu.memory_space<semaphore_mem>> -> memref<!tpu.dma_semaphore, #tpu.memory_space<semaphore_mem>>
    tpu.wait_indirect_dma semaphore(%dma_wait3A_135 : memref<!tpu.dma_semaphore, #tpu.memory_space<semaphore_mem>>) src(%dma_wait3A_127 : memref<80x128xf32, #tpu.memory_space<vmem>>) dst(%dma_wait3A_133 : memref<10112x128xf32, #tpu.memory_space<vmem_shared>>)
    %dma_wait3A_136 = arith.constant 0 : i32
    %dma_wait3A_137 = arith.constant 0 : i32
    %dma_wait3A_138 = arith.constant 0 : i32
    %dma_wait3A_139 = arith.constant 0 : i32
    %dma_wait3A_140 = arith.constant 0 : i32
    %dma_wait3A_141 = tpu.memref_slice %arg8[%dma_wait3A_136, %dma_wait3A_139, %dma_wait3A_140] : memref<2x80x128xf32, #tpu.memory_space<vmem>> -> memref<1x80x128xf32, #tpu.memory_space<vmem>>
    %dma_wait3A_142 = tpu.memref_squeeze %dma_wait3A_141 : memref<1x80x128xf32, #tpu.memory_space<vmem>> -> memref<80x128xf32, #tpu.memory_space<vmem>>
    %dma_wait3A_143 = arith.constant 0 : i32
    %dma_wait3A_144 = tpu.memref_slice %arg7[%dma_wait3A_137, %dma_wait3A_143] : memref<4x80xi32, #tpu.memory_space<vmem>> -> memref<1x80xi32, #tpu.memory_space<vmem>>
    %dma_wait3A_145 = tpu.memref_squeeze %dma_wait3A_144 : memref<1x80xi32, #tpu.memory_space<vmem>> -> memref<80xi32, #tpu.memory_space<vmem>>
    %dma_wait3A_146 = arith.constant 0 : i32
    %dma_wait3A_147 = arith.constant 0 : i32
    %dma_wait3A_148 = tpu.memref_slice %arg10[%dma_wait3A_146, %dma_wait3A_147] : memref<10112x128xf32, #tpu.memory_space<vmem_shared>> -> memref<10112x128xf32, #tpu.memory_space<vmem_shared>>
    %dma_wait3A_149 = tpu.memref_slice %arg13[%dma_wait3A_138] : memref<2x!tpu.dma_semaphore, #tpu.memory_space<semaphore_mem>> -> memref<1x!tpu.dma_semaphore, #tpu.memory_space<semaphore_mem>>
    %dma_wait3A_150 = tpu.memref_squeeze %dma_wait3A_149 : memref<1x!tpu.dma_semaphore, #tpu.memory_space<semaphore_mem>> -> memref<!tpu.dma_semaphore, #tpu.memory_space<semaphore_mem>>
    tpu.wait_indirect_dma semaphore(%dma_wait3A_150 : memref<!tpu.dma_semaphore, #tpu.memory_space<semaphore_mem>>) src(%dma_wait3A_142 : memref<80x128xf32, #tpu.memory_space<vmem>>) dst(%dma_wait3A_148 : memref<10112x128xf32, #tpu.memory_space<vmem_shared>>)
    %barrier3A_151 = arith.constant 0 : index
    tpu.barrier barrier_id(%barrier3A_151)
    "tpu.region"() ({
      %run_scoped3A = tpu.sem_alloc : memref<!tpu.dma_semaphore, #tpu.memory_space<semaphore_mem>>
      %dma_start3A_152 = arith.constant 0 : i32
      %dma_start3A_153 = tpu.memref_slice %arg5[%arg0, %mul3A_0, %dma_start3A_152] : memref<2x10112x128xf32, #tpu.memory_space<hbm>> -> memref<1x632x128xf32, #tpu.memory_space<hbm>>
      %dma_start3A_154 = tpu.memref_squeeze %dma_start3A_153 : memref<1x632x128xf32, #tpu.memory_space<hbm>> -> memref<632x128xf32, #tpu.memory_space<hbm>>
      %dma_start3A_155 = arith.constant 0 : i32
      %dma_start3A_156 = tpu.memref_slice %arg10[%mul3A_0, %dma_start3A_155] : memref<10112x128xf32, #tpu.memory_space<vmem_shared>> -> memref<632x128xf32, #tpu.memory_space<vmem_shared>>
      tpu.enqueue_dma source(%dma_start3A_156 : memref<632x128xf32, #tpu.memory_space<vmem_shared>>) target(%dma_start3A_154 : memref<632x128xf32, #tpu.memory_space<hbm>>) target_semaphore(%run_scoped3A : memref<!tpu.dma_semaphore, #tpu.memory_space<semaphore_mem>>)
      %dma_wait3A_157 = arith.constant 0 : i32
      %dma_wait3A_158 = tpu.memref_slice %arg5[%arg0, %mul3A_0, %dma_wait3A_157] : memref<2x10112x128xf32, #tpu.memory_space<hbm>> -> memref<1x632x128xf32, #tpu.memory_space<hbm>>
      %dma_wait3A_159 = tpu.memref_squeeze %dma_wait3A_158 : memref<1x632x128xf32, #tpu.memory_space<hbm>> -> memref<632x128xf32, #tpu.memory_space<hbm>>
      %dma_wait3A_160 = arith.constant 0 : i32
      %dma_wait3A_161 = tpu.memref_slice %arg10[%mul3A_0, %dma_wait3A_160] : memref<10112x128xf32, #tpu.memory_space<vmem_shared>> -> memref<632x128xf32, #tpu.memory_space<vmem_shared>>
      tpu.wait_dma2 semaphore(%run_scoped3A : memref<!tpu.dma_semaphore, #tpu.memory_space<semaphore_mem>>) src(%dma_wait3A_161 : memref<632x128xf32, #tpu.memory_space<vmem_shared>>) dst(%dma_wait3A_159 : memref<632x128xf32, #tpu.memory_space<hbm>>)
      tpu.yield
    }) : () -> ()
    return
  }
}

#map = affine_map<(d0, d1) -> (0, 0)>
#map1 = affine_map<(d0, d1) -> (0)>
module attributes {stable_mosaic.version = 14 : i64} {
  func.func @_attend_body(%arg0: i32, %arg1: i32, %arg2: memref<10112x128xf32, #tpu.memory_space<hbm>>, %arg3: memref<51200xi32, #tpu.memory_space<hbm>>, %arg4: memref<51200xi32, #tpu.memory_space<hbm>>, %arg5: memref<1024x128xf32, #tpu.memory_space<hbm>>, %arg6: memref<4x80xi32, #tpu.memory_space<vmem>>, %arg7: memref<4x80xi32, #tpu.memory_space<vmem>>, %arg8: memref<2x80x128xf32, #tpu.memory_space<vmem>>, %arg9: memref<16x128xf32, #tpu.memory_space<vmem>>, %arg10: memref<1024x128xf32, #tpu.memory_space<vmem_shared>>, %arg11: memref<4x!tpu.dma_semaphore, #tpu.memory_space<semaphore_mem>>, %arg12: memref<2x!tpu.dma_semaphore, #tpu.memory_space<semaphore_mem>>, %arg13: memref<2x!tpu.dma_semaphore, #tpu.memory_space<semaphore_mem>>) attributes {dimension_semantics = [#tpu.dimension_semantics<core_parallel>, #tpu.dimension_semantics<subcore_parallel>], iteration_bounds = array<i64: 2, 16>, scalar_prefetch = 0 : i64, scratch_operands = 8 : i64, tpu.core_type = #tpu.core_type<sc_vector_subcore>, window_params = [{transform_indices = #map}, {transform_indices = #map1}, {transform_indices = #map1}, {transform_indices = #map}]} {
    %mul3A = arith.constant 2 : i32
    %mul3A_0 = arith.muli %arg1, %mul3A : i32
    %add3A = arith.addi %mul3A_0, %arg0 : i32
    %mul3A_1 = arith.constant 32 : i32
    %mul3A_2 = arith.muli %add3A, %mul3A_1 : i32
    %mul3A_3 = arith.constant 1600 : i32
    %mul3A_4 = arith.muli %add3A, %mul3A_3 : i32
    %broadcast_in_dim3A = arith.constant 0.000000e+00 : f32
    %broadcast_in_dim3A_5 = vector.broadcast %broadcast_in_dim3A : f32 to vector<16xf32>
    %scan3A = arith.constant 0 : i32
    %scan3A_6 = arith.constant 0 : i32
    %scan3A_7 = arith.constant 16 : i32
    %scan3A_8 = arith.addi %scan3A_6, %scan3A_7 : i32
    %scan3A_9 = arith.constant 1 : i32
    %scan3A_10 = scf.for %scan3A_159 = %scan3A_6 to %scan3A_8 step %scan3A_9 iter_args(%scan3A_160 = %scan3A) -> (i32)  : i32 {
      %swap3A = arith.index_cast %scan3A_159 : i32 to index
      %swap3A_161 = arith.constant 0 : index
      %swap3A_162 = tpu.vector_load %arg9[%swap3A, %swap3A_161] {strides = array<i32>} : memref<16x128xf32, #tpu.memory_space<vmem>>, vector<1x16xf32>,
      %swap3A_163 = vector.shape_cast %swap3A_162 : vector<1x16xf32> to vector<16xf32>
      %swap3A_164 = vector.shape_cast %broadcast_in_dim3A_5 : vector<16xf32> to vector<1x16xf32>
      tpu.vector_store %arg9[%swap3A, %swap3A_161], %swap3A_164 {strides = array<i32>} : memref<16x128xf32, #tpu.memory_space<vmem>>, vector<1x16xf32>,
      %swap3A_165 = arith.index_cast %scan3A_159 : i32 to index
      %swap3A_166 = arith.constant 16 : index
      %swap3A_167 = tpu.vector_load %arg9[%swap3A_165, %swap3A_166] {strides = array<i32>} : memref<16x128xf32, #tpu.memory_space<vmem>>, vector<1x16xf32>,
      %swap3A_168 = vector.shape_cast %swap3A_167 : vector<1x16xf32> to vector<16xf32>
      %swap3A_169 = vector.shape_cast %broadcast_in_dim3A_5 : vector<16xf32> to vector<1x16xf32>
      tpu.vector_store %arg9[%swap3A_165, %swap3A_166], %swap3A_169 {strides = array<i32>} : memref<16x128xf32, #tpu.memory_space<vmem>>, vector<1x16xf32>,
      %swap3A_170 = arith.index_cast %scan3A_159 : i32 to index
      %swap3A_171 = arith.constant 32 : index
      %swap3A_172 = tpu.vector_load %arg9[%swap3A_170, %swap3A_171] {strides = array<i32>} : memref<16x128xf32, #tpu.memory_space<vmem>>, vector<1x16xf32>,
      %swap3A_173 = vector.shape_cast %swap3A_172 : vector<1x16xf32> to vector<16xf32>
      %swap3A_174 = vector.shape_cast %broadcast_in_dim3A_5 : vector<16xf32> to vector<1x16xf32>
      tpu.vector_store %arg9[%swap3A_170, %swap3A_171], %swap3A_174 {strides = array<i32>} : memref<16x128xf32, #tpu.memory_space<vmem>>, vector<1x16xf32>,
      %swap3A_175 = arith.index_cast %scan3A_159 : i32 to index
      %swap3A_176 = arith.constant 48 : index
      %swap3A_177 = tpu.vector_load %arg9[%swap3A_175, %swap3A_176] {strides = array<i32>} : memref<16x128xf32, #tpu.memory_space<vmem>>, vector<1x16xf32>,
      %swap3A_178 = vector.shape_cast %swap3A_177 : vector<1x16xf32> to vector<16xf32>
      %swap3A_179 = vector.shape_cast %broadcast_in_dim3A_5 : vector<16xf32> to vector<1x16xf32>
      tpu.vector_store %arg9[%swap3A_175, %swap3A_176], %swap3A_179 {strides = array<i32>} : memref<16x128xf32, #tpu.memory_space<vmem>>, vector<1x16xf32>,
      %swap3A_180 = arith.index_cast %scan3A_159 : i32 to index
      %swap3A_181 = arith.constant 64 : index
      %swap3A_182 = tpu.vector_load %arg9[%swap3A_180, %swap3A_181] {strides = array<i32>} : memref<16x128xf32, #tpu.memory_space<vmem>>, vector<1x16xf32>,
      %swap3A_183 = vector.shape_cast %swap3A_182 : vector<1x16xf32> to vector<16xf32>
      %swap3A_184 = vector.shape_cast %broadcast_in_dim3A_5 : vector<16xf32> to vector<1x16xf32>
      tpu.vector_store %arg9[%swap3A_180, %swap3A_181], %swap3A_184 {strides = array<i32>} : memref<16x128xf32, #tpu.memory_space<vmem>>, vector<1x16xf32>,
      %swap3A_185 = arith.index_cast %scan3A_159 : i32 to index
      %swap3A_186 = arith.constant 80 : index
      %swap3A_187 = tpu.vector_load %arg9[%swap3A_185, %swap3A_186] {strides = array<i32>} : memref<16x128xf32, #tpu.memory_space<vmem>>, vector<1x16xf32>,
      %swap3A_188 = vector.shape_cast %swap3A_187 : vector<1x16xf32> to vector<16xf32>
      %swap3A_189 = vector.shape_cast %broadcast_in_dim3A_5 : vector<16xf32> to vector<1x16xf32>
      tpu.vector_store %arg9[%swap3A_185, %swap3A_186], %swap3A_189 {strides = array<i32>} : memref<16x128xf32, #tpu.memory_space<vmem>>, vector<1x16xf32>,
      %swap3A_190 = arith.index_cast %scan3A_159 : i32 to index
      %swap3A_191 = arith.constant 96 : index
      %swap3A_192 = tpu.vector_load %arg9[%swap3A_190, %swap3A_191] {strides = array<i32>} : memref<16x128xf32, #tpu.memory_space<vmem>>, vector<1x16xf32>,
      %swap3A_193 = vector.shape_cast %swap3A_192 : vector<1x16xf32> to vector<16xf32>
      %swap3A_194 = vector.shape_cast %broadcast_in_dim3A_5 : vector<16xf32> to vector<1x16xf32>
      tpu.vector_store %arg9[%swap3A_190, %swap3A_191], %swap3A_194 {strides = array<i32>} : memref<16x128xf32, #tpu.memory_space<vmem>>, vector<1x16xf32>,
      %swap3A_195 = arith.index_cast %scan3A_159 : i32 to index
      %swap3A_196 = arith.constant 112 : index
      %swap3A_197 = tpu.vector_load %arg9[%swap3A_195, %swap3A_196] {strides = array<i32>} : memref<16x128xf32, #tpu.memory_space<vmem>>, vector<1x16xf32>,
      %swap3A_198 = vector.shape_cast %swap3A_197 : vector<1x16xf32> to vector<16xf32>
      %swap3A_199 = vector.shape_cast %broadcast_in_dim3A_5 : vector<16xf32> to vector<1x16xf32>
      tpu.vector_store %arg9[%swap3A_195, %swap3A_196], %swap3A_199 {strides = array<i32>} : memref<16x128xf32, #tpu.memory_space<vmem>>, vector<1x16xf32>,
      %scan3A_200 = arith.constant 0 : i32
      scf.yield %scan3A_200 : i32
    }
    %scan3A_11 = arith.constant 16 : i32
    %mul3A_12 = arith.constant 64 : i32
    %mul3A_13 = arith.muli %arg1, %mul3A_12 : i32
    %add3A_14 = arith.constant 0 : i32
    %add3A_15 = arith.addi %mul3A_13, %add3A_14 : i32
    "tpu.region"() ({
      %run_scoped3A = tpu.sem_alloc : memref<!tpu.dma_semaphore, #tpu.memory_space<semaphore_mem>>
      %dma_start3A_159 = arith.constant 0 : i32
      %dma_start3A_160 = tpu.memref_slice %arg10[%add3A_15, %dma_start3A_159] : memref<1024x128xf32, #tpu.memory_space<vmem_shared>> -> memref<16x128xf32, #tpu.memory_space<vmem_shared>>
      %dma_start3A_161 = arith.constant 0 : i32
      %dma_start3A_162 = tpu.memref_slice %arg10[%add3A_15, %dma_start3A_161] : memref<1024x128xf32, #tpu.memory_space<vmem_shared>> -> memref<16x128xf32, #tpu.memory_space<vmem_shared>>
      tpu.enqueue_dma source(%arg9 : memref<16x128xf32, #tpu.memory_space<vmem>>) target(%dma_start3A_162 : memref<16x128xf32, #tpu.memory_space<vmem_shared>>) target_semaphore(%run_scoped3A : memref<!tpu.dma_semaphore, #tpu.memory_space<semaphore_mem>>)
      %dma_wait3A_163 = arith.constant 0 : i32
      %dma_wait3A_164 = tpu.memref_slice %arg10[%add3A_15, %dma_wait3A_163] : memref<1024x128xf32, #tpu.memory_space<vmem_shared>> -> memref<16x128xf32, #tpu.memory_space<vmem_shared>>
      %dma_wait3A_165 = arith.constant 0 : i32
      %dma_wait3A_166 = tpu.memref_slice %arg10[%add3A_15, %dma_wait3A_165] : memref<1024x128xf32, #tpu.memory_space<vmem_shared>> -> memref<16x128xf32, #tpu.memory_space<vmem_shared>>
      tpu.wait_dma2 semaphore(%run_scoped3A : memref<!tpu.dma_semaphore, #tpu.memory_space<semaphore_mem>>) src(%arg9 : memref<16x128xf32, #tpu.memory_space<vmem>>) dst(%dma_wait3A_166 : memref<16x128xf32, #tpu.memory_space<vmem_shared>>)
      tpu.yield
    }) : () -> ()
    %mul3A_16 = arith.constant 64 : i32
    %mul3A_17 = arith.muli %arg1, %mul3A_16 : i32
    %add3A_18 = arith.constant 16 : i32
    %add3A_19 = arith.addi %mul3A_17, %add3A_18 : i32
    "tpu.region"() ({
      %run_scoped3A = tpu.sem_alloc : memref<!tpu.dma_semaphore, #tpu.memory_space<semaphore_mem>>
      %dma_start3A_159 = arith.constant 0 : i32
      %dma_start3A_160 = tpu.memref_slice %arg10[%add3A_19, %dma_start3A_159] : memref<1024x128xf32, #tpu.memory_space<vmem_shared>> -> memref<16x128xf32, #tpu.memory_space<vmem_shared>>
      %dma_start3A_161 = arith.constant 0 : i32
      %dma_start3A_162 = tpu.memref_slice %arg10[%add3A_19, %dma_start3A_161] : memref<1024x128xf32, #tpu.memory_space<vmem_shared>> -> memref<16x128xf32, #tpu.memory_space<vmem_shared>>
      tpu.enqueue_dma source(%arg9 : memref<16x128xf32, #tpu.memory_space<vmem>>) target(%dma_start3A_162 : memref<16x128xf32, #tpu.memory_space<vmem_shared>>) target_semaphore(%run_scoped3A : memref<!tpu.dma_semaphore, #tpu.memory_space<semaphore_mem>>)
      %dma_wait3A_163 = arith.constant 0 : i32
      %dma_wait3A_164 = tpu.memref_slice %arg10[%add3A_19, %dma_wait3A_163] : memref<1024x128xf32, #tpu.memory_space<vmem_shared>> -> memref<16x128xf32, #tpu.memory_space<vmem_shared>>
      %dma_wait3A_165 = arith.constant 0 : i32
      %dma_wait3A_166 = tpu.memref_slice %arg10[%add3A_19, %dma_wait3A_165] : memref<1024x128xf32, #tpu.memory_space<vmem_shared>> -> memref<16x128xf32, #tpu.memory_space<vmem_shared>>
      tpu.wait_dma2 semaphore(%run_scoped3A : memref<!tpu.dma_semaphore, #tpu.memory_space<semaphore_mem>>) src(%arg9 : memref<16x128xf32, #tpu.memory_space<vmem>>) dst(%dma_wait3A_166 : memref<16x128xf32, #tpu.memory_space<vmem_shared>>)
      tpu.yield
    }) : () -> ()
    %mul3A_20 = arith.constant 64 : i32
    %mul3A_21 = arith.muli %arg1, %mul3A_20 : i32
    %add3A_22 = arith.constant 32 : i32
    %add3A_23 = arith.addi %mul3A_21, %add3A_22 : i32
    "tpu.region"() ({
      %run_scoped3A = tpu.sem_alloc : memref<!tpu.dma_semaphore, #tpu.memory_space<semaphore_mem>>
      %dma_start3A_159 = arith.constant 0 : i32
      %dma_start3A_160 = tpu.memref_slice %arg10[%add3A_23, %dma_start3A_159] : memref<1024x128xf32, #tpu.memory_space<vmem_shared>> -> memref<16x128xf32, #tpu.memory_space<vmem_shared>>
      %dma_start3A_161 = arith.constant 0 : i32
      %dma_start3A_162 = tpu.memref_slice %arg10[%add3A_23, %dma_start3A_161] : memref<1024x128xf32, #tpu.memory_space<vmem_shared>> -> memref<16x128xf32, #tpu.memory_space<vmem_shared>>
      tpu.enqueue_dma source(%arg9 : memref<16x128xf32, #tpu.memory_space<vmem>>) target(%dma_start3A_162 : memref<16x128xf32, #tpu.memory_space<vmem_shared>>) target_semaphore(%run_scoped3A : memref<!tpu.dma_semaphore, #tpu.memory_space<semaphore_mem>>)
      %dma_wait3A_163 = arith.constant 0 : i32
      %dma_wait3A_164 = tpu.memref_slice %arg10[%add3A_23, %dma_wait3A_163] : memref<1024x128xf32, #tpu.memory_space<vmem_shared>> -> memref<16x128xf32, #tpu.memory_space<vmem_shared>>
      %dma_wait3A_165 = arith.constant 0 : i32
      %dma_wait3A_166 = tpu.memref_slice %arg10[%add3A_23, %dma_wait3A_165] : memref<1024x128xf32, #tpu.memory_space<vmem_shared>> -> memref<16x128xf32, #tpu.memory_space<vmem_shared>>
      tpu.wait_dma2 semaphore(%run_scoped3A : memref<!tpu.dma_semaphore, #tpu.memory_space<semaphore_mem>>) src(%arg9 : memref<16x128xf32, #tpu.memory_space<vmem>>) dst(%dma_wait3A_166 : memref<16x128xf32, #tpu.memory_space<vmem_shared>>)
      tpu.yield
    }) : () -> ()
    %mul3A_24 = arith.constant 64 : i32
    %mul3A_25 = arith.muli %arg1, %mul3A_24 : i32
    %add3A_26 = arith.constant 48 : i32
    %add3A_27 = arith.addi %mul3A_25, %add3A_26 : i32
    "tpu.region"() ({
      %run_scoped3A = tpu.sem_alloc : memref<!tpu.dma_semaphore, #tpu.memory_space<semaphore_mem>>
      %dma_start3A_159 = arith.constant 0 : i32
      %dma_start3A_160 = tpu.memref_slice %arg10[%add3A_27, %dma_start3A_159] : memref<1024x128xf32, #tpu.memory_space<vmem_shared>> -> memref<16x128xf32, #tpu.memory_space<vmem_shared>>
      %dma_start3A_161 = arith.constant 0 : i32
      %dma_start3A_162 = tpu.memref_slice %arg10[%add3A_27, %dma_start3A_161] : memref<1024x128xf32, #tpu.memory_space<vmem_shared>> -> memref<16x128xf32, #tpu.memory_space<vmem_shared>>
      tpu.enqueue_dma source(%arg9 : memref<16x128xf32, #tpu.memory_space<vmem>>) target(%dma_start3A_162 : memref<16x128xf32, #tpu.memory_space<vmem_shared>>) target_semaphore(%run_scoped3A : memref<!tpu.dma_semaphore, #tpu.memory_space<semaphore_mem>>)
      %dma_wait3A_163 = arith.constant 0 : i32
      %dma_wait3A_164 = tpu.memref_slice %arg10[%add3A_27, %dma_wait3A_163] : memref<1024x128xf32, #tpu.memory_space<vmem_shared>> -> memref<16x128xf32, #tpu.memory_space<vmem_shared>>
      %dma_wait3A_165 = arith.constant 0 : i32
      %dma_wait3A_166 = tpu.memref_slice %arg10[%add3A_27, %dma_wait3A_165] : memref<1024x128xf32, #tpu.memory_space<vmem_shared>> -> memref<16x128xf32, #tpu.memory_space<vmem_shared>>
      tpu.wait_dma2 semaphore(%run_scoped3A : memref<!tpu.dma_semaphore, #tpu.memory_space<semaphore_mem>>) src(%arg9 : memref<16x128xf32, #tpu.memory_space<vmem>>) dst(%dma_wait3A_166 : memref<16x128xf32, #tpu.memory_space<vmem_shared>>)
      tpu.yield
    }) : () -> ()
    %barrier3A = arith.constant 0 : index
    tpu.barrier barrier_id(%barrier3A)
    %add3A_28 = arith.constant 0 : i32
    %add3A_29 = arith.addi %mul3A_4, %add3A_28 : i32
    %dma_start3A = arith.constant 0 : i32
    %dma_start3A_30 = arith.constant 0 : i32
    %dma_start3A_31 = arith.constant 0 : i32
    %dma_start3A_32 = tpu.memref_slice %arg6[%dma_start3A, %dma_start3A_31] : memref<4x80xi32, #tpu.memory_space<vmem>> -> memref<1x80xi32, #tpu.memory_space<vmem>>
    %dma_start3A_33 = tpu.memref_squeeze %dma_start3A_32 : memref<1x80xi32, #tpu.memory_space<vmem>> -> memref<80xi32, #tpu.memory_space<vmem>>
    %dma_start3A_34 = tpu.memref_slice %arg3[%add3A_29] : memref<51200xi32, #tpu.memory_space<hbm>> -> memref<80xi32, #tpu.memory_space<hbm>>
    %dma_start3A_35 = tpu.memref_slice %arg11[%dma_start3A_30] : memref<4x!tpu.dma_semaphore, #tpu.memory_space<semaphore_mem>> -> memref<1x!tpu.dma_semaphore, #tpu.memory_space<semaphore_mem>>
    %dma_start3A_36 = tpu.memref_squeeze %dma_start3A_35 : memref<1x!tpu.dma_semaphore, #tpu.memory_space<semaphore_mem>> -> memref<!tpu.dma_semaphore, #tpu.memory_space<semaphore_mem>>
    %dma_start3A_37 = arith.constant 0 : i32
    %dma_start3A_38 = tpu.memref_slice %arg6[%dma_start3A, %dma_start3A_37] : memref<4x80xi32, #tpu.memory_space<vmem>> -> memref<1x80xi32, #tpu.memory_space<vmem>>
    %dma_start3A_39 = tpu.memref_squeeze %dma_start3A_38 : memref<1x80xi32, #tpu.memory_space<vmem>> -> memref<80xi32, #tpu.memory_space<vmem>>
    %dma_start3A_40 = tpu.memref_slice %arg3[%add3A_29] : memref<51200xi32, #tpu.memory_space<hbm>> -> memref<80xi32, #tpu.memory_space<hbm>>
    tpu.enqueue_dma source(%dma_start3A_40 : memref<80xi32, #tpu.memory_space<hbm>>) target(%dma_start3A_39 : memref<80xi32, #tpu.memory_space<vmem>>) target_semaphore(%dma_start3A_36 : memref<!tpu.dma_semaphore, #tpu.memory_space<semaphore_mem>>)
    %dma_start3A_41 = arith.constant 0 : i32
    %dma_start3A_42 = arith.constant 0 : i32
    %dma_start3A_43 = arith.constant 0 : i32
    %dma_start3A_44 = tpu.memref_slice %arg7[%dma_start3A_41, %dma_start3A_43] : memref<4x80xi32, #tpu.memory_space<vmem>> -> memref<1x80xi32, #tpu.memory_space<vmem>>
    %dma_start3A_45 = tpu.memref_squeeze %dma_start3A_44 : memref<1x80xi32, #tpu.memory_space<vmem>> -> memref<80xi32, #tpu.memory_space<vmem>>
    %dma_start3A_46 = tpu.memref_slice %arg4[%add3A_29] : memref<51200xi32, #tpu.memory_space<hbm>> -> memref<80xi32, #tpu.memory_space<hbm>>
    %dma_start3A_47 = tpu.memref_slice %arg11[%dma_start3A_42] : memref<4x!tpu.dma_semaphore, #tpu.memory_space<semaphore_mem>> -> memref<1x!tpu.dma_semaphore, #tpu.memory_space<semaphore_mem>>
    %dma_start3A_48 = tpu.memref_squeeze %dma_start3A_47 : memref<1x!tpu.dma_semaphore, #tpu.memory_space<semaphore_mem>> -> memref<!tpu.dma_semaphore, #tpu.memory_space<semaphore_mem>>
    %dma_start3A_49 = arith.constant 0 : i32
    %dma_start3A_50 = tpu.memref_slice %arg7[%dma_start3A_41, %dma_start3A_49] : memref<4x80xi32, #tpu.memory_space<vmem>> -> memref<1x80xi32, #tpu.memory_space<vmem>>
    %dma_start3A_51 = tpu.memref_squeeze %dma_start3A_50 : memref<1x80xi32, #tpu.memory_space<vmem>> -> memref<80xi32, #tpu.memory_space<vmem>>
    %dma_start3A_52 = tpu.memref_slice %arg4[%add3A_29] : memref<51200xi32, #tpu.memory_space<hbm>> -> memref<80xi32, #tpu.memory_space<hbm>>
    tpu.enqueue_dma source(%dma_start3A_52 : memref<80xi32, #tpu.memory_space<hbm>>) target(%dma_start3A_51 : memref<80xi32, #tpu.memory_space<vmem>>) target_semaphore(%dma_start3A_48 : memref<!tpu.dma_semaphore, #tpu.memory_space<semaphore_mem>>)
    %add3A_53 = arith.constant 80 : i32
    %add3A_54 = arith.addi %mul3A_4, %add3A_53 : i32
    %dma_start3A_55 = arith.constant 1 : i32
    %dma_start3A_56 = arith.constant 1 : i32
    %dma_start3A_57 = arith.constant 0 : i32
    %dma_start3A_58 = tpu.memref_slice %arg6[%dma_start3A_55, %dma_start3A_57] : memref<4x80xi32, #tpu.memory_space<vmem>> -> memref<1x80xi32, #tpu.memory_space<vmem>>
    %dma_start3A_59 = tpu.memref_squeeze %dma_start3A_58 : memref<1x80xi32, #tpu.memory_space<vmem>> -> memref<80xi32, #tpu.memory_space<vmem>>
    %dma_start3A_60 = tpu.memref_slice %arg3[%add3A_54] : memref<51200xi32, #tpu.memory_space<hbm>> -> memref<80xi32, #tpu.memory_space<hbm>>
    %dma_start3A_61 = tpu.memref_slice %arg11[%dma_start3A_56] : memref<4x!tpu.dma_semaphore, #tpu.memory_space<semaphore_mem>> -> memref<1x!tpu.dma_semaphore, #tpu.memory_space<semaphore_mem>>
    %dma_start3A_62 = tpu.memref_squeeze %dma_start3A_61 : memref<1x!tpu.dma_semaphore, #tpu.memory_space<semaphore_mem>> -> memref<!tpu.dma_semaphore, #tpu.memory_space<semaphore_mem>>
    %dma_start3A_63 = arith.constant 0 : i32
    %dma_start3A_64 = tpu.memref_slice %arg6[%dma_start3A_55, %dma_start3A_63] : memref<4x80xi32, #tpu.memory_space<vmem>> -> memref<1x80xi32, #tpu.memory_space<vmem>>
    %dma_start3A_65 = tpu.memref_squeeze %dma_start3A_64 : memref<1x80xi32, #tpu.memory_space<vmem>> -> memref<80xi32, #tpu.memory_space<vmem>>
    %dma_start3A_66 = tpu.memref_slice %arg3[%add3A_54] : memref<51200xi32, #tpu.memory_space<hbm>> -> memref<80xi32, #tpu.memory_space<hbm>>
    tpu.enqueue_dma source(%dma_start3A_66 : memref<80xi32, #tpu.memory_space<hbm>>) target(%dma_start3A_65 : memref<80xi32, #tpu.memory_space<vmem>>) target_semaphore(%dma_start3A_62 : memref<!tpu.dma_semaphore, #tpu.memory_space<semaphore_mem>>)
    %dma_start3A_67 = arith.constant 1 : i32
    %dma_start3A_68 = arith.constant 1 : i32
    %dma_start3A_69 = arith.constant 0 : i32
    %dma_start3A_70 = tpu.memref_slice %arg7[%dma_start3A_67, %dma_start3A_69] : memref<4x80xi32, #tpu.memory_space<vmem>> -> memref<1x80xi32, #tpu.memory_space<vmem>>
    %dma_start3A_71 = tpu.memref_squeeze %dma_start3A_70 : memref<1x80xi32, #tpu.memory_space<vmem>> -> memref<80xi32, #tpu.memory_space<vmem>>
    %dma_start3A_72 = tpu.memref_slice %arg4[%add3A_54] : memref<51200xi32, #tpu.memory_space<hbm>> -> memref<80xi32, #tpu.memory_space<hbm>>
    %dma_start3A_73 = tpu.memref_slice %arg11[%dma_start3A_68] : memref<4x!tpu.dma_semaphore, #tpu.memory_space<semaphore_mem>> -> memref<1x!tpu.dma_semaphore, #tpu.memory_space<semaphore_mem>>
    %dma_start3A_74 = tpu.memref_squeeze %dma_start3A_73 : memref<1x!tpu.dma_semaphore, #tpu.memory_space<semaphore_mem>> -> memref<!tpu.dma_semaphore, #tpu.memory_space<semaphore_mem>>
    %dma_start3A_75 = arith.constant 0 : i32
    %dma_start3A_76 = tpu.memref_slice %arg7[%dma_start3A_67, %dma_start3A_75] : memref<4x80xi32, #tpu.memory_space<vmem>> -> memref<1x80xi32, #tpu.memory_space<vmem>>
    %dma_start3A_77 = tpu.memref_squeeze %dma_start3A_76 : memref<1x80xi32, #tpu.memory_space<vmem>> -> memref<80xi32, #tpu.memory_space<vmem>>
    %dma_start3A_78 = tpu.memref_slice %arg4[%add3A_54] : memref<51200xi32, #tpu.memory_space<hbm>> -> memref<80xi32, #tpu.memory_space<hbm>>
    tpu.enqueue_dma source(%dma_start3A_78 : memref<80xi32, #tpu.memory_space<hbm>>) target(%dma_start3A_77 : memref<80xi32, #tpu.memory_space<vmem>>) target_semaphore(%dma_start3A_74 : memref<!tpu.dma_semaphore, #tpu.memory_space<semaphore_mem>>)
    %dma_wait3A = arith.constant 0 : i32
    %dma_wait3A_79 = arith.constant 0 : i32
    %dma_wait3A_80 = arith.constant 0 : i32
    %dma_wait3A_81 = tpu.memref_slice %arg6[%dma_wait3A, %dma_wait3A_80] : memref<4x80xi32, #tpu.memory_space<vmem>> -> memref<1x80xi32, #tpu.memory_space<vmem>>
    %dma_wait3A_82 = tpu.memref_squeeze %dma_wait3A_81 : memref<1x80xi32, #tpu.memory_space<vmem>> -> memref<80xi32, #tpu.memory_space<vmem>>
    %dma_wait3A_83 = arith.constant 0 : i32
    %dma_wait3A_84 = tpu.memref_slice %arg3[%dma_wait3A_83] : memref<51200xi32, #tpu.memory_space<hbm>> -> memref<80xi32, #tpu.memory_space<hbm>>
    %dma_wait3A_85 = tpu.memref_slice %arg11[%dma_wait3A_79] : memref<4x!tpu.dma_semaphore, #tpu.memory_space<semaphore_mem>> -> memref<1x!tpu.dma_semaphore, #tpu.memory_space<semaphore_mem>>
    %dma_wait3A_86 = tpu.memref_squeeze %dma_wait3A_85 : memref<1x!tpu.dma_semaphore, #tpu.memory_space<semaphore_mem>> -> memref<!tpu.dma_semaphore, #tpu.memory_space<semaphore_mem>>
    %dma_wait3A_87 = arith.constant 0 : i32
    %dma_wait3A_88 = tpu.memref_slice %arg6[%dma_wait3A, %dma_wait3A_87] : memref<4x80xi32, #tpu.memory_space<vmem>> -> memref<1x80xi32, #tpu.memory_space<vmem>>
    %dma_wait3A_89 = tpu.memref_squeeze %dma_wait3A_88 : memref<1x80xi32, #tpu.memory_space<vmem>> -> memref<80xi32, #tpu.memory_space<vmem>>
    %dma_wait3A_90 = arith.constant 0 : i32
    %dma_wait3A_91 = tpu.memref_slice %arg3[%dma_wait3A_90] : memref<51200xi32, #tpu.memory_space<hbm>> -> memref<80xi32, #tpu.memory_space<hbm>>
    tpu.wait_dma2 semaphore(%dma_wait3A_86 : memref<!tpu.dma_semaphore, #tpu.memory_space<semaphore_mem>>) src(%dma_wait3A_91 : memref<80xi32, #tpu.memory_space<hbm>>) dst(%dma_wait3A_89 : memref<80xi32, #tpu.memory_space<vmem>>)
    %dma_wait3A_92 = arith.constant 0 : i32
    %dma_wait3A_93 = arith.constant 0 : i32
    %dma_wait3A_94 = arith.constant 0 : i32
    %dma_wait3A_95 = tpu.memref_slice %arg7[%dma_wait3A_92, %dma_wait3A_94] : memref<4x80xi32, #tpu.memory_space<vmem>> -> memref<1x80xi32, #tpu.memory_space<vmem>>
    %dma_wait3A_96 = tpu.memref_squeeze %dma_wait3A_95 : memref<1x80xi32, #tpu.memory_space<vmem>> -> memref<80xi32, #tpu.memory_space<vmem>>
    %dma_wait3A_97 = arith.constant 0 : i32
    %dma_wait3A_98 = tpu.memref_slice %arg4[%dma_wait3A_97] : memref<51200xi32, #tpu.memory_space<hbm>> -> memref<80xi32, #tpu.memory_space<hbm>>
    %dma_wait3A_99 = tpu.memref_slice %arg11[%dma_wait3A_93] : memref<4x!tpu.dma_semaphore, #tpu.memory_space<semaphore_mem>> -> memref<1x!tpu.dma_semaphore, #tpu.memory_space<semaphore_mem>>
    %dma_wait3A_100 = tpu.memref_squeeze %dma_wait3A_99 : memref<1x!tpu.dma_semaphore, #tpu.memory_space<semaphore_mem>> -> memref<!tpu.dma_semaphore, #tpu.memory_space<semaphore_mem>>
    %dma_wait3A_101 = arith.constant 0 : i32
    %dma_wait3A_102 = tpu.memref_slice %arg7[%dma_wait3A_92, %dma_wait3A_101] : memref<4x80xi32, #tpu.memory_space<vmem>> -> memref<1x80xi32, #tpu.memory_space<vmem>>
    %dma_wait3A_103 = tpu.memref_squeeze %dma_wait3A_102 : memref<1x80xi32, #tpu.memory_space<vmem>> -> memref<80xi32, #tpu.memory_space<vmem>>
    %dma_wait3A_104 = arith.constant 0 : i32
    %dma_wait3A_105 = tpu.memref_slice %arg4[%dma_wait3A_104] : memref<51200xi32, #tpu.memory_space<hbm>> -> memref<80xi32, #tpu.memory_space<hbm>>
    tpu.wait_dma2 semaphore(%dma_wait3A_100 : memref<!tpu.dma_semaphore, #tpu.memory_space<semaphore_mem>>) src(%dma_wait3A_105 : memref<80xi32, #tpu.memory_space<hbm>>) dst(%dma_wait3A_103 : memref<80xi32, #tpu.memory_space<vmem>>)
    %dma_start3A_106 = arith.constant 0 : i32
    %dma_start3A_107 = arith.constant 0 : i32
    %dma_start3A_108 = arith.constant 0 : i32
    %dma_start3A_109 = arith.constant 0 : i32
    %dma_start3A_110 = arith.constant 0 : i32
    %dma_start3A_111 = tpu.memref_slice %arg8[%dma_start3A_107, %dma_start3A_109, %dma_start3A_110] : memref<2x80x128xf32, #tpu.memory_space<vmem>> -> memref<1x80x128xf32, #tpu.memory_space<vmem>>
    %dma_start3A_112 = tpu.memref_squeeze %dma_start3A_111 : memref<1x80x128xf32, #tpu.memory_space<vmem>> -> memref<80x128xf32, #tpu.memory_space<vmem>>
    %dma_start3A_113 = arith.constant 0 : i32
    %dma_start3A_114 = tpu.memref_slice %arg6[%dma_start3A_106, %dma_start3A_113] : memref<4x80xi32, #tpu.memory_space<vmem>> -> memref<1x80xi32, #tpu.memory_space<vmem>>
    %dma_start3A_115 = tpu.memref_squeeze %dma_start3A_114 : memref<1x80xi32, #tpu.memory_space<vmem>> -> memref<80xi32, #tpu.memory_space<vmem>>
    %dma_start3A_116 = arith.constant 0 : i32
    %dma_start3A_117 = arith.constant 0 : i32
    %dma_start3A_118 = tpu.memref_slice %arg2[%dma_start3A_116, %dma_start3A_117] : memref<10112x128xf32, #tpu.memory_space<hbm>> -> memref<10112x128xf32, #tpu.memory_space<hbm>>
    %dma_start3A_119 = tpu.memref_slice %arg12[%dma_start3A_108] : memref<2x!tpu.dma_semaphore, #tpu.memory_space<semaphore_mem>> -> memref<1x!tpu.dma_semaphore, #tpu.memory_space<semaphore_mem>>
    %dma_start3A_120 = tpu.memref_squeeze %dma_start3A_119 : memref<1x!tpu.dma_semaphore, #tpu.memory_space<semaphore_mem>> -> memref<!tpu.dma_semaphore, #tpu.memory_space<semaphore_mem>>
    tpu.enqueue_indirect_dma source(%dma_start3A_118 : memref<10112x128xf32, #tpu.memory_space<hbm>>) target(%dma_start3A_112 : memref<80x128xf32, #tpu.memory_space<vmem>>) offsets(%dma_start3A_115 : memref<80xi32, #tpu.memory_space<vmem>>) semaphore(%dma_start3A_120 : memref<!tpu.dma_semaphore, #tpu.memory_space<semaphore_mem>>)
    %scan3A_121 = arith.constant 0 : i32
    %scan3A_122 = arith.constant 0 : i32
    %scan3A_123 = arith.constant 20 : i32
    %scan3A_124 = arith.addi %scan3A_122, %scan3A_123 : i32
    %scan3A_125 = arith.constant 1 : i32
    %scan3A_126 = scf.for %scan3A_159 = %scan3A_122 to %scan3A_124 step %scan3A_125 iter_args(%scan3A_160 = %scan3A_121) -> (i32)  : i32 {
      %and3A = arith.constant 3 : i32
      %and3A_161 = arith.andi %scan3A_159, %and3A : i32
      %and3A_162 = arith.constant 1 : i32
      %and3A_163 = arith.andi %scan3A_159, %and3A_162 : i32
      %and3A_164 = arith.constant 1 : i32
      %and3A_165 = arith.andi %scan3A_159, %and3A_164 : i32
      %dma_wait3A_166 = arith.constant 0 : i32
      %dma_wait3A_167 = arith.constant 0 : i32
      %dma_wait3A_168 = tpu.memref_slice %arg8[%and3A_163, %dma_wait3A_166, %dma_wait3A_167] : memref<2x80x128xf32, #tpu.memory_space<vmem>> -> memref<1x80x128xf32, #tpu.memory_space<vmem>>
      %dma_wait3A_169 = tpu.memref_squeeze %dma_wait3A_168 : memref<1x80x128xf32, #tpu.memory_space<vmem>> -> memref<80x128xf32, #tpu.memory_space<vmem>>
      %dma_wait3A_170 = arith.constant 0 : i32
      %dma_wait3A_171 = tpu.memref_slice %arg6[%and3A_161, %dma_wait3A_170] : memref<4x80xi32, #tpu.memory_space<vmem>> -> memref<1x80xi32, #tpu.memory_space<vmem>>
      %dma_wait3A_172 = tpu.memref_squeeze %dma_wait3A_171 : memref<1x80xi32, #tpu.memory_space<vmem>> -> memref<80xi32, #tpu.memory_space<vmem>>
      %dma_wait3A_173 = arith.constant 0 : i32
      %dma_wait3A_174 = arith.constant 0 : i32
      %dma_wait3A_175 = tpu.memref_slice %arg2[%dma_wait3A_173, %dma_wait3A_174] : memref<10112x128xf32, #tpu.memory_space<hbm>> -> memref<10112x128xf32, #tpu.memory_space<hbm>>
      %dma_wait3A_176 = tpu.memref_slice %arg12[%and3A_165] : memref<2x!tpu.dma_semaphore, #tpu.memory_space<semaphore_mem>> -> memref<1x!tpu.dma_semaphore, #tpu.memory_space<semaphore_mem>>
      %dma_wait3A_177 = tpu.memref_squeeze %dma_wait3A_176 : memref<1x!tpu.dma_semaphore, #tpu.memory_space<semaphore_mem>> -> memref<!tpu.dma_semaphore, #tpu.memory_space<semaphore_mem>>
      tpu.wait_indirect_dma semaphore(%dma_wait3A_177 : memref<!tpu.dma_semaphore, #tpu.memory_space<semaphore_mem>>) src(%dma_wait3A_175 : memref<10112x128xf32, #tpu.memory_space<hbm>>) dst(%dma_wait3A_169 : memref<80x128xf32, #tpu.memory_space<vmem>>)
      %and3A_178 = arith.constant 1 : i32
      %and3A_179 = arith.andi %scan3A_159, %and3A_178 : i32
      %and3A_180 = arith.constant 3 : i32
      %and3A_181 = arith.andi %scan3A_159, %and3A_180 : i32
      %and3A_182 = arith.constant 1 : i32
      %and3A_183 = arith.andi %scan3A_159, %and3A_182 : i32
      %dma_start3A_184 = arith.constant 0 : i32
      %dma_start3A_185 = arith.constant 0 : i32
      %dma_start3A_186 = tpu.memref_slice %arg8[%and3A_179, %dma_start3A_184, %dma_start3A_185] : memref<2x80x128xf32, #tpu.memory_space<vmem>> -> memref<1x80x128xf32, #tpu.memory_space<vmem>>
      %dma_start3A_187 = tpu.memref_squeeze %dma_start3A_186 : memref<1x80x128xf32, #tpu.memory_space<vmem>> -> memref<80x128xf32, #tpu.memory_space<vmem>>
      %dma_start3A_188 = arith.constant 0 : i32
      %dma_start3A_189 = tpu.memref_slice %arg7[%and3A_181, %dma_start3A_188] : memref<4x80xi32, #tpu.memory_space<vmem>> -> memref<1x80xi32, #tpu.memory_space<vmem>>
      %dma_start3A_190 = tpu.memref_squeeze %dma_start3A_189 : memref<1x80xi32, #tpu.memory_space<vmem>> -> memref<80xi32, #tpu.memory_space<vmem>>
      %dma_start3A_191 = arith.constant 0 : i32
      %dma_start3A_192 = arith.constant 0 : i32
      %dma_start3A_193 = tpu.memref_slice %arg10[%dma_start3A_191, %dma_start3A_192] : memref<1024x128xf32, #tpu.memory_space<vmem_shared>> -> memref<1024x128xf32, #tpu.memory_space<vmem_shared>>
      %dma_start3A_194 = tpu.memref_slice %arg13[%and3A_183] : memref<2x!tpu.dma_semaphore, #tpu.memory_space<semaphore_mem>> -> memref<1x!tpu.dma_semaphore, #tpu.memory_space<semaphore_mem>>
      %dma_start3A_195 = tpu.memref_squeeze %dma_start3A_194 : memref<1x!tpu.dma_semaphore, #tpu.memory_space<semaphore_mem>> -> memref<!tpu.dma_semaphore, #tpu.memory_space<semaphore_mem>>
      tpu.enqueue_indirect_dma source(%dma_start3A_187 : memref<80x128xf32, #tpu.memory_space<vmem>>) target(%dma_start3A_193 : memref<1024x128xf32, #tpu.memory_space<vmem_shared>>) offsets(%dma_start3A_190 : memref<80xi32, #tpu.memory_space<vmem>>) semaphore(%dma_start3A_195 : memref<!tpu.dma_semaphore, #tpu.memory_space<semaphore_mem>>) {add = true}
      %add3A_196 = arith.constant 2 : i32
      %add3A_197 = arith.addi %scan3A_159, %add3A_196 : i32
      %lt3A = arith.constant 20 : i32
      %lt3A_198 = arith.cmpi slt, %add3A_197, %lt3A : i32
      %convert_element_type3A = arith.extui %lt3A_198 : i1 to i32
      %cond3A = arith.constant 0 : i32
      %cond3A_199 = arith.cmpi ne, %convert_element_type3A, %cond3A : i32
      scf.if %cond3A_199 {
        %add3A_208 = arith.constant 2 : i32
        %add3A_209 = arith.addi %scan3A_159, %add3A_208 : i32
        %and3A_210 = arith.constant 3 : i32
        %and3A_211 = arith.andi %add3A_209, %and3A_210 : i32
        %mul3A_212 = arith.constant 80 : i32
        %mul3A_213 = arith.muli %add3A_209, %mul3A_212 : i32
        %add3A_214 = arith.addi %mul3A_4, %mul3A_213 : i32
        %dma_start3A_215 = arith.constant 0 : i32
        %dma_start3A_216 = tpu.memref_slice %arg6[%and3A_211, %dma_start3A_215] : memref<4x80xi32, #tpu.memory_space<vmem>> -> memref<1x80xi32, #tpu.memory_space<vmem>>
        %dma_start3A_217 = tpu.memref_squeeze %dma_start3A_216 : memref<1x80xi32, #tpu.memory_space<vmem>> -> memref<80xi32, #tpu.memory_space<vmem>>
        %dma_start3A_218 = tpu.memref_slice %arg3[%add3A_214] : memref<51200xi32, #tpu.memory_space<hbm>> -> memref<80xi32, #tpu.memory_space<hbm>>
        %dma_start3A_219 = tpu.memref_slice %arg11[%and3A_211] : memref<4x!tpu.dma_semaphore, #tpu.memory_space<semaphore_mem>> -> memref<1x!tpu.dma_semaphore, #tpu.memory_space<semaphore_mem>>
        %dma_start3A_220 = tpu.memref_squeeze %dma_start3A_219 : memref<1x!tpu.dma_semaphore, #tpu.memory_space<semaphore_mem>> -> memref<!tpu.dma_semaphore, #tpu.memory_space<semaphore_mem>>
        %dma_start3A_221 = arith.constant 0 : i32
        %dma_start3A_222 = tpu.memref_slice %arg6[%and3A_211, %dma_start3A_221] : memref<4x80xi32, #tpu.memory_space<vmem>> -> memref<1x80xi32, #tpu.memory_space<vmem>>
        %dma_start3A_223 = tpu.memref_squeeze %dma_start3A_222 : memref<1x80xi32, #tpu.memory_space<vmem>> -> memref<80xi32, #tpu.memory_space<vmem>>
        %dma_start3A_224 = tpu.memref_slice %arg3[%add3A_214] : memref<51200xi32, #tpu.memory_space<hbm>> -> memref<80xi32, #tpu.memory_space<hbm>>
        tpu.enqueue_dma source(%dma_start3A_224 : memref<80xi32, #tpu.memory_space<hbm>>) target(%dma_start3A_223 : memref<80xi32, #tpu.memory_space<vmem>>) target_semaphore(%dma_start3A_220 : memref<!tpu.dma_semaphore, #tpu.memory_space<semaphore_mem>>)
        %dma_start3A_225 = arith.constant 0 : i32
        %dma_start3A_226 = tpu.memref_slice %arg7[%and3A_211, %dma_start3A_225] : memref<4x80xi32, #tpu.memory_space<vmem>> -> memref<1x80xi32, #tpu.memory_space<vmem>>
        %dma_start3A_227 = tpu.memref_squeeze %dma_start3A_226 : memref<1x80xi32, #tpu.memory_space<vmem>> -> memref<80xi32, #tpu.memory_space<vmem>>
        %dma_start3A_228 = tpu.memref_slice %arg4[%add3A_214] : memref<51200xi32, #tpu.memory_space<hbm>> -> memref<80xi32, #tpu.memory_space<hbm>>
        %dma_start3A_229 = tpu.memref_slice %arg11[%and3A_211] : memref<4x!tpu.dma_semaphore, #tpu.memory_space<semaphore_mem>> -> memref<1x!tpu.dma_semaphore, #tpu.memory_space<semaphore_mem>>
        %dma_start3A_230 = tpu.memref_squeeze %dma_start3A_229 : memref<1x!tpu.dma_semaphore, #tpu.memory_space<semaphore_mem>> -> memref<!tpu.dma_semaphore, #tpu.memory_space<semaphore_mem>>
        %dma_start3A_231 = arith.constant 0 : i32
        %dma_start3A_232 = tpu.memref_slice %arg7[%and3A_211, %dma_start3A_231] : memref<4x80xi32, #tpu.memory_space<vmem>> -> memref<1x80xi32, #tpu.memory_space<vmem>>
        %dma_start3A_233 = tpu.memref_squeeze %dma_start3A_232 : memref<1x80xi32, #tpu.memory_space<vmem>> -> memref<80xi32, #tpu.memory_space<vmem>>
        %dma_start3A_234 = tpu.memref_slice %arg4[%add3A_214] : memref<51200xi32, #tpu.memory_space<hbm>> -> memref<80xi32, #tpu.memory_space<hbm>>
        tpu.enqueue_dma source(%dma_start3A_234 : memref<80xi32, #tpu.memory_space<hbm>>) target(%dma_start3A_233 : memref<80xi32, #tpu.memory_space<vmem>>) target_semaphore(%dma_start3A_230 : memref<!tpu.dma_semaphore, #tpu.memory_space<semaphore_mem>>)
      } else {
      }
      %add3A_200 = arith.constant 1 : i32
      %add3A_201 = arith.addi %scan3A_159, %add3A_200 : i32
      %lt3A_202 = arith.constant 20 : i32
      %lt3A_203 = arith.cmpi slt, %add3A_201, %lt3A_202 : i32
      %convert_element_type3A_204 = arith.extui %lt3A_203 : i1 to i32
      %cond3A_205 = arith.constant 0 : i32
      %cond3A_206 = arith.cmpi ne, %convert_element_type3A_204, %cond3A_205 : i32
      scf.if %cond3A_206 {
        %ge3A = arith.constant 1 : i32
        %ge3A_208 = arith.cmpi sge, %scan3A_159, %ge3A : i32
        %convert_element_type3A_209 = arith.extui %ge3A_208 : i1 to i32
        %cond3A_210 = arith.constant 0 : i32
        %cond3A_211 = arith.cmpi ne, %convert_element_type3A_209, %cond3A_210 : i32
        scf.if %cond3A_211 {
          %sub3A = arith.constant 1 : i32
          %sub3A_260 = arith.subi %scan3A_159, %sub3A : i32
          %and3A_261 = arith.constant 1 : i32
          %and3A_262 = arith.andi %sub3A_260, %and3A_261 : i32
          %and3A_263 = arith.constant 3 : i32
          %and3A_264 = arith.andi %sub3A_260, %and3A_263 : i32
          %and3A_265 = arith.constant 1 : i32
          %and3A_266 = arith.andi %sub3A_260, %and3A_265 : i32
          %dma_wait3A_267 = arith.constant 0 : i32
          %dma_wait3A_268 = arith.constant 0 : i32
          %dma_wait3A_269 = tpu.memref_slice %arg8[%and3A_262, %dma_wait3A_267, %dma_wait3A_268] : memref<2x80x128xf32, #tpu.memory_space<vmem>> -> memref<1x80x128xf32, #tpu.memory_space<vmem>>
          %dma_wait3A_270 = tpu.memref_squeeze %dma_wait3A_269 : memref<1x80x128xf32, #tpu.memory_space<vmem>> -> memref<80x128xf32, #tpu.memory_space<vmem>>
          %dma_wait3A_271 = arith.constant 0 : i32
          %dma_wait3A_272 = tpu.memref_slice %arg7[%and3A_264, %dma_wait3A_271] : memref<4x80xi32, #tpu.memory_space<vmem>> -> memref<1x80xi32, #tpu.memory_space<vmem>>
          %dma_wait3A_273 = tpu.memref_squeeze %dma_wait3A_272 : memref<1x80xi32, #tpu.memory_space<vmem>> -> memref<80xi32, #tpu.memory_space<vmem>>
          %dma_wait3A_274 = arith.constant 0 : i32
          %dma_wait3A_275 = arith.constant 0 : i32
          %dma_wait3A_276 = tpu.memref_slice %arg10[%dma_wait3A_274, %dma_wait3A_275] : memref<1024x128xf32, #tpu.memory_space<vmem_shared>> -> memref<1024x128xf32, #tpu.memory_space<vmem_shared>>
          %dma_wait3A_277 = tpu.memref_slice %arg13[%and3A_266] : memref<2x!tpu.dma_semaphore, #tpu.memory_space<semaphore_mem>> -> memref<1x!tpu.dma_semaphore, #tpu.memory_space<semaphore_mem>>
          %dma_wait3A_278 = tpu.memref_squeeze %dma_wait3A_277 : memref<1x!tpu.dma_semaphore, #tpu.memory_space<semaphore_mem>> -> memref<!tpu.dma_semaphore, #tpu.memory_space<semaphore_mem>>
          tpu.wait_indirect_dma semaphore(%dma_wait3A_278 : memref<!tpu.dma_semaphore, #tpu.memory_space<semaphore_mem>>) src(%dma_wait3A_270 : memref<80x128xf32, #tpu.memory_space<vmem>>) dst(%dma_wait3A_276 : memref<1024x128xf32, #tpu.memory_space<vmem_shared>>)
        } else {
        }
        %add3A_212 = arith.constant 1 : i32
        %add3A_213 = arith.addi %scan3A_159, %add3A_212 : i32
        %and3A_214 = arith.constant 3 : i32
        %and3A_215 = arith.andi %add3A_213, %and3A_214 : i32
        %dma_wait3A_216 = arith.constant 0 : i32
        %dma_wait3A_217 = tpu.memref_slice %arg6[%and3A_215, %dma_wait3A_216] : memref<4x80xi32, #tpu.memory_space<vmem>> -> memref<1x80xi32, #tpu.memory_space<vmem>>
        %dma_wait3A_218 = tpu.memref_squeeze %dma_wait3A_217 : memref<1x80xi32, #tpu.memory_space<vmem>> -> memref<80xi32, #tpu.memory_space<vmem>>
        %dma_wait3A_219 = arith.constant 0 : i32
        %dma_wait3A_220 = tpu.memref_slice %arg3[%dma_wait3A_219] : memref<51200xi32, #tpu.memory_space<hbm>> -> memref<80xi32, #tpu.memory_space<hbm>>
        %dma_wait3A_221 = tpu.memref_slice %arg11[%and3A_215] : memref<4x!tpu.dma_semaphore, #tpu.memory_space<semaphore_mem>> -> memref<1x!tpu.dma_semaphore, #tpu.memory_space<semaphore_mem>>
        %dma_wait3A_222 = tpu.memref_squeeze %dma_wait3A_221 : memref<1x!tpu.dma_semaphore, #tpu.memory_space<semaphore_mem>> -> memref<!tpu.dma_semaphore, #tpu.memory_space<semaphore_mem>>
        %dma_wait3A_223 = arith.constant 0 : i32
        %dma_wait3A_224 = tpu.memref_slice %arg6[%and3A_215, %dma_wait3A_223] : memref<4x80xi32, #tpu.memory_space<vmem>> -> memref<1x80xi32, #tpu.memory_space<vmem>>
        %dma_wait3A_225 = tpu.memref_squeeze %dma_wait3A_224 : memref<1x80xi32, #tpu.memory_space<vmem>> -> memref<80xi32, #tpu.memory_space<vmem>>
        %dma_wait3A_226 = arith.constant 0 : i32
        %dma_wait3A_227 = tpu.memref_slice %arg3[%dma_wait3A_226] : memref<51200xi32, #tpu.memory_space<hbm>> -> memref<80xi32, #tpu.memory_space<hbm>>
        tpu.wait_dma2 semaphore(%dma_wait3A_222 : memref<!tpu.dma_semaphore, #tpu.memory_space<semaphore_mem>>) src(%dma_wait3A_227 : memref<80xi32, #tpu.memory_space<hbm>>) dst(%dma_wait3A_225 : memref<80xi32, #tpu.memory_space<vmem>>)
        %dma_wait3A_228 = arith.constant 0 : i32
        %dma_wait3A_229 = tpu.memref_slice %arg7[%and3A_215, %dma_wait3A_228] : memref<4x80xi32, #tpu.memory_space<vmem>> -> memref<1x80xi32, #tpu.memory_space<vmem>>
        %dma_wait3A_230 = tpu.memref_squeeze %dma_wait3A_229 : memref<1x80xi32, #tpu.memory_space<vmem>> -> memref<80xi32, #tpu.memory_space<vmem>>
        %dma_wait3A_231 = arith.constant 0 : i32
        %dma_wait3A_232 = tpu.memref_slice %arg4[%dma_wait3A_231] : memref<51200xi32, #tpu.memory_space<hbm>> -> memref<80xi32, #tpu.memory_space<hbm>>
        %dma_wait3A_233 = tpu.memref_slice %arg11[%and3A_215] : memref<4x!tpu.dma_semaphore, #tpu.memory_space<semaphore_mem>> -> memref<1x!tpu.dma_semaphore, #tpu.memory_space<semaphore_mem>>
        %dma_wait3A_234 = tpu.memref_squeeze %dma_wait3A_233 : memref<1x!tpu.dma_semaphore, #tpu.memory_space<semaphore_mem>> -> memref<!tpu.dma_semaphore, #tpu.memory_space<semaphore_mem>>
        %dma_wait3A_235 = arith.constant 0 : i32
        %dma_wait3A_236 = tpu.memref_slice %arg7[%and3A_215, %dma_wait3A_235] : memref<4x80xi32, #tpu.memory_space<vmem>> -> memref<1x80xi32, #tpu.memory_space<vmem>>
        %dma_wait3A_237 = tpu.memref_squeeze %dma_wait3A_236 : memref<1x80xi32, #tpu.memory_space<vmem>> -> memref<80xi32, #tpu.memory_space<vmem>>
        %dma_wait3A_238 = arith.constant 0 : i32
        %dma_wait3A_239 = tpu.memref_slice %arg4[%dma_wait3A_238] : memref<51200xi32, #tpu.memory_space<hbm>> -> memref<80xi32, #tpu.memory_space<hbm>>
        tpu.wait_dma2 semaphore(%dma_wait3A_234 : memref<!tpu.dma_semaphore, #tpu.memory_space<semaphore_mem>>) src(%dma_wait3A_239 : memref<80xi32, #tpu.memory_space<hbm>>) dst(%dma_wait3A_237 : memref<80xi32, #tpu.memory_space<vmem>>)
        %add3A_240 = arith.constant 1 : i32
        %add3A_241 = arith.addi %scan3A_159, %add3A_240 : i32
        %and3A_242 = arith.constant 3 : i32
        %and3A_243 = arith.andi %add3A_241, %and3A_242 : i32
        %and3A_244 = arith.constant 1 : i32
        %and3A_245 = arith.andi %add3A_241, %and3A_244 : i32
        %and3A_246 = arith.constant 1 : i32
        %and3A_247 = arith.andi %add3A_241, %and3A_246 : i32
        %dma_start3A_248 = arith.constant 0 : i32
        %dma_start3A_249 = arith.constant 0 : i32
        %dma_start3A_250 = tpu.memref_slice %arg8[%and3A_245, %dma_start3A_248, %dma_start3A_249] : memref<2x80x128xf32, #tpu.memory_space<vmem>> -> memref<1x80x128xf32, #tpu.memory_space<vmem>>
        %dma_start3A_251 = tpu.memref_squeeze %dma_start3A_250 : memref<1x80x128xf32, #tpu.memory_space<vmem>> -> memref<80x128xf32, #tpu.memory_space<vmem>>
        %dma_start3A_252 = arith.constant 0 : i32
        %dma_start3A_253 = tpu.memref_slice %arg6[%and3A_243, %dma_start3A_252] : memref<4x80xi32, #tpu.memory_space<vmem>> -> memref<1x80xi32, #tpu.memory_space<vmem>>
        %dma_start3A_254 = tpu.memref_squeeze %dma_start3A_253 : memref<1x80xi32, #tpu.memory_space<vmem>> -> memref<80xi32, #tpu.memory_space<vmem>>
        %dma_start3A_255 = arith.constant 0 : i32
        %dma_start3A_256 = arith.constant 0 : i32
        %dma_start3A_257 = tpu.memref_slice %arg2[%dma_start3A_255, %dma_start3A_256] : memref<10112x128xf32, #tpu.memory_space<hbm>> -> memref<10112x128xf32, #tpu.memory_space<hbm>>
        %dma_start3A_258 = tpu.memref_slice %arg12[%and3A_247] : memref<2x!tpu.dma_semaphore, #tpu.memory_space<semaphore_mem>> -> memref<1x!tpu.dma_semaphore, #tpu.memory_space<semaphore_mem>>
        %dma_start3A_259 = tpu.memref_squeeze %dma_start3A_258 : memref<1x!tpu.dma_semaphore, #tpu.memory_space<semaphore_mem>> -> memref<!tpu.dma_semaphore, #tpu.memory_space<semaphore_mem>>
        tpu.enqueue_indirect_dma source(%dma_start3A_257 : memref<10112x128xf32, #tpu.memory_space<hbm>>) target(%dma_start3A_251 : memref<80x128xf32, #tpu.memory_space<vmem>>) offsets(%dma_start3A_254 : memref<80xi32, #tpu.memory_space<vmem>>) semaphore(%dma_start3A_259 : memref<!tpu.dma_semaphore, #tpu.memory_space<semaphore_mem>>)
      } else {
      }
      %scan3A_207 = arith.constant 0 : i32
      scf.yield %scan3A_207 : i32
    }
    %scan3A_127 = arith.constant 20 : i32
    %dma_wait3A_128 = arith.constant 0 : i32
    %dma_wait3A_129 = arith.constant 2 : i32
    %dma_wait3A_130 = arith.constant 0 : i32
    %dma_wait3A_131 = arith.constant 0 : i32
    %dma_wait3A_132 = arith.constant 0 : i32
    %dma_wait3A_133 = tpu.memref_slice %arg8[%dma_wait3A_128, %dma_wait3A_131, %dma_wait3A_132] : memref<2x80x128xf32, #tpu.memory_space<vmem>> -> memref<1x80x128xf32, #tpu.memory_space<vmem>>
    %dma_wait3A_134 = tpu.memref_squeeze %dma_wait3A_133 : memref<1x80x128xf32, #tpu.memory_space<vmem>> -> memref<80x128xf32, #tpu.memory_space<vmem>>
    %dma_wait3A_135 = arith.constant 0 : i32
    %dma_wait3A_136 = tpu.memref_slice %arg7[%dma_wait3A_129, %dma_wait3A_135] : memref<4x80xi32, #tpu.memory_space<vmem>> -> memref<1x80xi32, #tpu.memory_space<vmem>>
    %dma_wait3A_137 = tpu.memref_squeeze %dma_wait3A_136 : memref<1x80xi32, #tpu.memory_space<vmem>> -> memref<80xi32, #tpu.memory_space<vmem>>
    %dma_wait3A_138 = arith.constant 0 : i32
    %dma_wait3A_139 = arith.constant 0 : i32
    %dma_wait3A_140 = tpu.memref_slice %arg10[%dma_wait3A_138, %dma_wait3A_139] : memref<1024x128xf32, #tpu.memory_space<vmem_shared>> -> memref<1024x128xf32, #tpu.memory_space<vmem_shared>>
    %dma_wait3A_141 = tpu.memref_slice %arg13[%dma_wait3A_130] : memref<2x!tpu.dma_semaphore, #tpu.memory_space<semaphore_mem>> -> memref<1x!tpu.dma_semaphore, #tpu.memory_space<semaphore_mem>>
    %dma_wait3A_142 = tpu.memref_squeeze %dma_wait3A_141 : memref<1x!tpu.dma_semaphore, #tpu.memory_space<semaphore_mem>> -> memref<!tpu.dma_semaphore, #tpu.memory_space<semaphore_mem>>
    tpu.wait_indirect_dma semaphore(%dma_wait3A_142 : memref<!tpu.dma_semaphore, #tpu.memory_space<semaphore_mem>>) src(%dma_wait3A_134 : memref<80x128xf32, #tpu.memory_space<vmem>>) dst(%dma_wait3A_140 : memref<1024x128xf32, #tpu.memory_space<vmem_shared>>)
    %dma_wait3A_143 = arith.constant 1 : i32
    %dma_wait3A_144 = arith.constant 3 : i32
    %dma_wait3A_145 = arith.constant 1 : i32
    %dma_wait3A_146 = arith.constant 0 : i32
    %dma_wait3A_147 = arith.constant 0 : i32
    %dma_wait3A_148 = tpu.memref_slice %arg8[%dma_wait3A_143, %dma_wait3A_146, %dma_wait3A_147] : memref<2x80x128xf32, #tpu.memory_space<vmem>> -> memref<1x80x128xf32, #tpu.memory_space<vmem>>
    %dma_wait3A_149 = tpu.memref_squeeze %dma_wait3A_148 : memref<1x80x128xf32, #tpu.memory_space<vmem>> -> memref<80x128xf32, #tpu.memory_space<vmem>>
    %dma_wait3A_150 = arith.constant 0 : i32
    %dma_wait3A_151 = tpu.memref_slice %arg7[%dma_wait3A_144, %dma_wait3A_150] : memref<4x80xi32, #tpu.memory_space<vmem>> -> memref<1x80xi32, #tpu.memory_space<vmem>>
    %dma_wait3A_152 = tpu.memref_squeeze %dma_wait3A_151 : memref<1x80xi32, #tpu.memory_space<vmem>> -> memref<80xi32, #tpu.memory_space<vmem>>
    %dma_wait3A_153 = arith.constant 0 : i32
    %dma_wait3A_154 = arith.constant 0 : i32
    %dma_wait3A_155 = tpu.memref_slice %arg10[%dma_wait3A_153, %dma_wait3A_154] : memref<1024x128xf32, #tpu.memory_space<vmem_shared>> -> memref<1024x128xf32, #tpu.memory_space<vmem_shared>>
    %dma_wait3A_156 = tpu.memref_slice %arg13[%dma_wait3A_145] : memref<2x!tpu.dma_semaphore, #tpu.memory_space<semaphore_mem>> -> memref<1x!tpu.dma_semaphore, #tpu.memory_space<semaphore_mem>>
    %dma_wait3A_157 = tpu.memref_squeeze %dma_wait3A_156 : memref<1x!tpu.dma_semaphore, #tpu.memory_space<semaphore_mem>> -> memref<!tpu.dma_semaphore, #tpu.memory_space<semaphore_mem>>
    tpu.wait_indirect_dma semaphore(%dma_wait3A_157 : memref<!tpu.dma_semaphore, #tpu.memory_space<semaphore_mem>>) src(%dma_wait3A_149 : memref<80x128xf32, #tpu.memory_space<vmem>>) dst(%dma_wait3A_155 : memref<1024x128xf32, #tpu.memory_space<vmem_shared>>)
    %barrier3A_158 = arith.constant 0 : index
    tpu.barrier barrier_id(%barrier3A_158)
    "tpu.region"() ({
      %run_scoped3A = tpu.sem_alloc : memref<!tpu.dma_semaphore, #tpu.memory_space<semaphore_mem>>
      %dma_start3A_159 = arith.constant 0 : i32
      %dma_start3A_160 = tpu.memref_slice %arg5[%mul3A_2, %dma_start3A_159] : memref<1024x128xf32, #tpu.memory_space<hbm>> -> memref<32x128xf32, #tpu.memory_space<hbm>>
      %dma_start3A_161 = arith.constant 0 : i32
      %dma_start3A_162 = tpu.memref_slice %arg10[%mul3A_2, %dma_start3A_161] : memref<1024x128xf32, #tpu.memory_space<vmem_shared>> -> memref<32x128xf32, #tpu.memory_space<vmem_shared>>
      tpu.enqueue_dma source(%dma_start3A_162 : memref<32x128xf32, #tpu.memory_space<vmem_shared>>) target(%dma_start3A_160 : memref<32x128xf32, #tpu.memory_space<hbm>>) target_semaphore(%run_scoped3A : memref<!tpu.dma_semaphore, #tpu.memory_space<semaphore_mem>>)
      %dma_wait3A_163 = arith.constant 0 : i32
      %dma_wait3A_164 = tpu.memref_slice %arg5[%mul3A_2, %dma_wait3A_163] : memref<1024x128xf32, #tpu.memory_space<hbm>> -> memref<32x128xf32, #tpu.memory_space<hbm>>
      %dma_wait3A_165 = arith.constant 0 : i32
      %dma_wait3A_166 = tpu.memref_slice %arg10[%mul3A_2, %dma_wait3A_165] : memref<1024x128xf32, #tpu.memory_space<vmem_shared>> -> memref<32x128xf32, #tpu.memory_space<vmem_shared>>
      tpu.wait_dma2 semaphore(%run_scoped3A : memref<!tpu.dma_semaphore, #tpu.memory_space<semaphore_mem>>) src(%dma_wait3A_166 : memref<32x128xf32, #tpu.memory_space<vmem_shared>>) dst(%dma_wait3A_164 : memref<32x128xf32, #tpu.memory_space<hbm>>)
      tpu.yield
    }) : () -> ()
    return
  }
}

module attributes {stable_mosaic.version = 14 : i64} {
  func.func @_combine_body(%arg0: i32, %arg1: memref<2x632x128xf32, #tpu.memory_space<vmem>>, %arg2: memref<2x632x1xf32, #tpu.memory_space<vmem>>, %arg3: memref<632x128xf32, #tpu.memory_space<vmem>>) attributes {dimension_semantics = [#tpu.dimension_semantics<arbitrary>], iteration_bounds = array<i64: 16>, scalar_prefetch = 0 : i64, scratch_operands = 0 : i64, tpu.core_type = #tpu.core_type<tc>, window_params = [{transform_indices = @transform_0, window_bounds = array<i64: 2, 632, 128>}, {transform_indices = @transform_1, window_bounds = array<i64: 2, 632, 1>}, {transform_indices = @transform_2, window_bounds = array<i64: 632, 128>}]} {
    %get3A = arith.constant 0 : index
    %get3A_0 = arith.constant 0 : index
    %get3A_1 = arith.constant 0 : index
    %get3A_2 = vector.load %arg1[%get3A, %get3A_0, %get3A_1] : memref<2x632x128xf32, #tpu.memory_space<vmem>>, vector<1x632x128xf32>
    %get3A_3 = vector.shape_cast %get3A_2 : vector<1x632x128xf32> to vector<632x128xf32>
    %get3A_4 = arith.constant 1 : index
    %get3A_5 = arith.constant 0 : index
    %get3A_6 = arith.constant 0 : index
    %get3A_7 = vector.load %arg1[%get3A_4, %get3A_5, %get3A_6] : memref<2x632x128xf32, #tpu.memory_space<vmem>>, vector<1x632x128xf32>
    %get3A_8 = vector.shape_cast %get3A_7 : vector<1x632x128xf32> to vector<632x128xf32>
    %add3A = arith.addf %get3A_3, %get3A_8 : vector<632x128xf32>
    %get3A_9 = arith.constant 0 : index
    %get3A_10 = arith.constant 0 : index
    %get3A_11 = arith.constant 0 : index
    %get3A_12 = vector.load %arg2[%get3A_9, %get3A_10, %get3A_11] : memref<2x632x1xf32, #tpu.memory_space<vmem>>, vector<1x632x1xf32>
    %get3A_13 = vector.shape_cast %get3A_12 : vector<1x632x1xf32> to vector<632x1xf32>
    %get3A_14 = arith.constant 1 : index
    %get3A_15 = arith.constant 0 : index
    %get3A_16 = arith.constant 0 : index
    %get3A_17 = vector.load %arg2[%get3A_14, %get3A_15, %get3A_16] : memref<2x632x1xf32, #tpu.memory_space<vmem>>, vector<1x632x1xf32>
    %get3A_18 = vector.shape_cast %get3A_17 : vector<1x632x1xf32> to vector<632x1xf32>
    %add3A_19 = arith.addf %get3A_13, %get3A_18 : vector<632x1xf32>
    %max3A = arith.constant 1.000000e+00 : f32
    %max3A_20 = vector.broadcast %max3A : f32 to vector<632x1xf32>
    %max3A_21 = arith.maximumf %add3A_19, %max3A_20 : vector<632x1xf32>
    %div3A = vector.broadcast %max3A_21 : vector<632x1xf32> to vector<632x128xf32>
    %div3A_22 = arith.divf %add3A, %div3A : vector<632x128xf32>
    %swap3A = arith.constant 0 : index
    %swap3A_23 = arith.constant 0 : index
    %swap3A_24 = vector.load %arg3[%swap3A, %swap3A_23] : memref<632x128xf32, #tpu.memory_space<vmem>>, vector<632x128xf32>
    tpu.vector_store %arg3[%swap3A, %swap3A_23], %div3A_22 {strides = array<i32>} : memref<632x128xf32, #tpu.memory_space<vmem>>, vector<632x128xf32>,
    return
  }
  func.func @transform_0(%arg0: i32) -> (i32, i32, i32) {
    %c0_i32 = arith.constant 0 : i32
    %c0_i32_0 = arith.constant 0 : i32
    %c0_i32_1 = arith.constant 0 : i32
    return %c0_i32, %arg0, %c0_i32_0 : i32, i32, i32
  }
  func.func @transform_1(%arg0: i32) -> (i32, i32, i32) {
    %c0_i32 = arith.constant 0 : i32
    %c0_i32_0 = arith.constant 0 : i32
    %c0_i32_1 = arith.constant 0 : i32
    return %c0_i32, %arg0, %c0_i32_0 : i32, i32, i32
  }
  func.func @transform_2(%arg0: i32) -> (i32, i32) {
    %c0_i32 = arith.constant 0 : i32
    %c0_i32_0 = arith.constant 0 : i32
    return %arg0, %c0_i32 : i32, i32
  }
}

module attributes {stable_mosaic.version = 14 : i64} {
  func.func @_fuse3_body(%arg0: i32, %arg1: memref<2x632x128xf32, #tpu.memory_space<vmem>>, %arg2: memref<2x632x1xf32, #tpu.memory_space<vmem>>, %arg3: memref<632x128xf32, #tpu.memory_space<vmem>>, %arg4: memref<128x128xf32, #tpu.memory_space<vmem>>, %arg5: memref<1x128xf32, #tpu.memory_space<vmem>>, %arg6: memref<128x128xf32, #tpu.memory_space<vmem>>, %arg7: memref<1x128xf32, #tpu.memory_space<vmem>>, %arg8: memref<632x128xf32, #tpu.memory_space<vmem>>, %arg9: memref<632x1xf32, #tpu.memory_space<vmem>>) attributes {dimension_semantics = [#tpu.dimension_semantics<arbitrary>], iteration_bounds = array<i64: 16>, scalar_prefetch = 0 : i64, scratch_operands = 0 : i64, tpu.core_type = #tpu.core_type<tc>, window_params = [{transform_indices = @transform_0, window_bounds = array<i64: 2, 632, 128>}, {transform_indices = @transform_1, window_bounds = array<i64: 2, 632, 1>}, {transform_indices = @transform_2, window_bounds = array<i64: 632, 128>}, {pipeline_mode = #tpu.pipeline_mode<synchronous>, transform_indices = @transform_3, window_bounds = array<i64: 128, 128>}, {pipeline_mode = #tpu.pipeline_mode<synchronous>, transform_indices = @transform_4, window_bounds = array<i64: 1, 128>}, {pipeline_mode = #tpu.pipeline_mode<synchronous>, transform_indices = @transform_5, window_bounds = array<i64: 128, 128>}, {pipeline_mode = #tpu.pipeline_mode<synchronous>, transform_indices = @transform_6, window_bounds = array<i64: 1, 128>}, {transform_indices = @transform_7, window_bounds = array<i64: 632, 128>}, {transform_indices = @transform_8, window_bounds = array<i64: 632, 1>}]} {
    %get3A = arith.constant 0 : index
    %get3A_0 = arith.constant 0 : index
    %get3A_1 = arith.constant 0 : index
    %get3A_2 = vector.load %arg1[%get3A, %get3A_0, %get3A_1] : memref<2x632x128xf32, #tpu.memory_space<vmem>>, vector<1x632x128xf32>
    %get3A_3 = vector.shape_cast %get3A_2 : vector<1x632x128xf32> to vector<632x128xf32>
    %get3A_4 = arith.constant 1 : index
    %get3A_5 = arith.constant 0 : index
    %get3A_6 = arith.constant 0 : index
    %get3A_7 = vector.load %arg1[%get3A_4, %get3A_5, %get3A_6] : memref<2x632x128xf32, #tpu.memory_space<vmem>>, vector<1x632x128xf32>
    %get3A_8 = vector.shape_cast %get3A_7 : vector<1x632x128xf32> to vector<632x128xf32>
    %add3A = arith.addf %get3A_3, %get3A_8 : vector<632x128xf32>
    %get3A_9 = arith.constant 0 : index
    %get3A_10 = arith.constant 0 : index
    %get3A_11 = arith.constant 0 : index
    %get3A_12 = vector.load %arg2[%get3A_9, %get3A_10, %get3A_11] : memref<2x632x1xf32, #tpu.memory_space<vmem>>, vector<1x632x1xf32>
    %get3A_13 = vector.shape_cast %get3A_12 : vector<1x632x1xf32> to vector<632x1xf32>
    %get3A_14 = arith.constant 1 : index
    %get3A_15 = arith.constant 0 : index
    %get3A_16 = arith.constant 0 : index
    %get3A_17 = vector.load %arg2[%get3A_14, %get3A_15, %get3A_16] : memref<2x632x1xf32, #tpu.memory_space<vmem>>, vector<1x632x1xf32>
    %get3A_18 = vector.shape_cast %get3A_17 : vector<1x632x1xf32> to vector<632x1xf32>
    %add3A_19 = arith.addf %get3A_13, %get3A_18 : vector<632x1xf32>
    %max3A = arith.constant 1.000000e+00 : f32
    %max3A_20 = vector.broadcast %max3A : f32 to vector<632x1xf32>
    %max3A_21 = arith.maximumf %add3A_19, %max3A_20 : vector<632x1xf32>
    %div3A = vector.broadcast %max3A_21 : vector<632x1xf32> to vector<632x128xf32>
    %div3A_22 = arith.divf %add3A, %div3A : vector<632x128xf32>
    %get3A_23 = arith.constant 0 : index
    %get3A_24 = arith.constant 0 : index
    %get3A_25 = vector.load %arg3[%get3A_23, %get3A_24] : memref<632x128xf32, #tpu.memory_space<vmem>>, vector<632x128xf32>
    %add3A_26 = arith.addf %div3A_22, %get3A_25 : vector<632x128xf32>
    %get3A_27 = arith.constant 0 : index
    %get3A_28 = arith.constant 0 : index
    %get3A_29 = vector.load %arg4[%get3A_27, %get3A_28] : memref<128x128xf32, #tpu.memory_space<vmem>>, vector<128x128xf32>
    %dot_general3A = arith.constant dense<0.000000e+00> : vector<632x128xf32>
    %dot_general3A_30 = tpu.matmul %add3A_26, %get3A_29, %dot_general3A {dimension_numbers = #tpu.dot_dimension_numbers<[1], [0], [0], [1], [0, 0, 1, 1], [], []>, precision = #tpu.contract_precision<fp32>, transpose_lhs_hint = false} : vector<632x128xf32>, vector<128x128xf32>, vector<632x128xf32> -> vector<632x128xf32>
    %get3A_31 = arith.constant 0 : index
    %get3A_32 = arith.constant 0 : index
    %get3A_33 = vector.load %arg5[%get3A_31, %get3A_32] : memref<1x128xf32, #tpu.memory_space<vmem>>, vector<1x128xf32>
    %add3A_34 = vector.broadcast %get3A_33 : vector<1x128xf32> to vector<632x128xf32>
    %add3A_35 = arith.addf %dot_general3A_30, %add3A_34 : vector<632x128xf32>
    %max3A_36 = arith.constant 0.000000e+00 : f32
    %max3A_37 = vector.broadcast %max3A_36 : f32 to vector<632x128xf32>
    %max3A_38 = arith.maximumf %add3A_35, %max3A_37 : vector<632x128xf32>
    %get3A_39 = arith.constant 0 : index
    %get3A_40 = arith.constant 0 : index
    %get3A_41 = vector.load %arg6[%get3A_39, %get3A_40] : memref<128x128xf32, #tpu.memory_space<vmem>>, vector<128x128xf32>
    %dot_general3A_42 = arith.constant dense<0.000000e+00> : vector<632x128xf32>
    %dot_general3A_43 = tpu.matmul %max3A_38, %get3A_41, %dot_general3A_42 {dimension_numbers = #tpu.dot_dimension_numbers<[1], [0], [0], [1], [0, 0, 1, 1], [], []>, precision = #tpu.contract_precision<fp32>, transpose_lhs_hint = false} : vector<632x128xf32>, vector<128x128xf32>, vector<632x128xf32> -> vector<632x128xf32>
    %tanh3A = math.tanh %dot_general3A_43 : vector<632x128xf32>
    %get3A_44 = arith.constant 0 : index
    %get3A_45 = arith.constant 0 : index
    %get3A_46 = vector.load %arg7[%get3A_44, %get3A_45] : memref<1x128xf32, #tpu.memory_space<vmem>>, vector<1x128xf32>
    %mul3A = vector.broadcast %get3A_46 : vector<1x128xf32> to vector<632x128xf32>
    %mul3A_47 = arith.mulf %tanh3A, %mul3A : vector<632x128xf32>
    %reduce_sum3A = arith.constant dense<0.000000e+00> : vector<632xf32>
    %reduce_sum3A_48 = vector.multi_reduction <add>, %mul3A_47, %reduce_sum3A [1] : vector<632x128xf32> to vector<632xf32>
    %broadcast_in_dim3A = vector.shape_cast %reduce_sum3A_48 : vector<632xf32> to vector<632x1xf32>
    %exp3A = math.exp %broadcast_in_dim3A : vector<632x1xf32>
    %mul3A_49 = vector.broadcast %exp3A : vector<632x1xf32> to vector<632x128xf32>
    %mul3A_50 = arith.mulf %max3A_38, %mul3A_49 : vector<632x128xf32>
    %swap3A = arith.constant 0 : index
    %swap3A_51 = arith.constant 0 : index
    %swap3A_52 = vector.load %arg8[%swap3A, %swap3A_51] : memref<632x128xf32, #tpu.memory_space<vmem>>, vector<632x128xf32>
    tpu.vector_store %arg8[%swap3A, %swap3A_51], %mul3A_50 {strides = array<i32>} : memref<632x128xf32, #tpu.memory_space<vmem>>, vector<632x128xf32>,
    %swap3A_53 = arith.constant 0 : index
    %swap3A_54 = arith.constant 0 : index
    %swap3A_55 = vector.load %arg9[%swap3A_53, %swap3A_54] : memref<632x1xf32, #tpu.memory_space<vmem>>, vector<632x1xf32>
    tpu.vector_store %arg9[%swap3A_53, %swap3A_54], %exp3A {strides = array<i32>} : memref<632x1xf32, #tpu.memory_space<vmem>>, vector<632x1xf32>,
    return
  }
  func.func @transform_0(%arg0: i32) -> (i32, i32, i32) {
    %c0_i32 = arith.constant 0 : i32
    %c0_i32_0 = arith.constant 0 : i32
    %c0_i32_1 = arith.constant 0 : i32
    return %c0_i32, %arg0, %c0_i32_0 : i32, i32, i32
  }
  func.func @transform_1(%arg0: i32) -> (i32, i32, i32) {
    %c0_i32 = arith.constant 0 : i32
    %c0_i32_0 = arith.constant 0 : i32
    %c0_i32_1 = arith.constant 0 : i32
    return %c0_i32, %arg0, %c0_i32_0 : i32, i32, i32
  }
  func.func @transform_2(%arg0: i32) -> (i32, i32) {
    %c0_i32 = arith.constant 0 : i32
    %c0_i32_0 = arith.constant 0 : i32
    return %arg0, %c0_i32 : i32, i32
  }
  func.func @transform_3(%arg0: i32) -> (i32, i32) {
    %c0_i32 = arith.constant 0 : i32
    %c0_i32_0 = arith.constant 0 : i32
    %c0_i32_1 = arith.constant 0 : i32
    return %c0_i32, %c0_i32_0 : i32, i32
  }
  func.func @transform_4(%arg0: i32) -> (i32, i32) {
    %c0_i32 = arith.constant 0 : i32
    %c0_i32_0 = arith.constant 0 : i32
    %c0_i32_1 = arith.constant 0 : i32
    return %c0_i32, %c0_i32_0 : i32, i32
  }
  func.func @transform_5(%arg0: i32) -> (i32, i32) {
    %c0_i32 = arith.constant 0 : i32
    %c0_i32_0 = arith.constant 0 : i32
    %c0_i32_1 = arith.constant 0 : i32
    return %c0_i32, %c0_i32_0 : i32, i32
  }
  func.func @transform_6(%arg0: i32) -> (i32, i32) {
    %c0_i32 = arith.constant 0 : i32
    %c0_i32_0 = arith.constant 0 : i32
    %c0_i32_1 = arith.constant 0 : i32
    return %c0_i32, %c0_i32_0 : i32, i32
  }
  func.func @transform_7(%arg0: i32) -> (i32, i32) {
    %c0_i32 = arith.constant 0 : i32
    %c0_i32_0 = arith.constant 0 : i32
    return %arg0, %c0_i32 : i32, i32
  }
  func.func @transform_8(%arg0: i32) -> (i32, i32) {
    %c0_i32 = arith.constant 0 : i32
    %c0_i32_0 = arith.constant 0 : i32
    return %arg0, %c0_i32 : i32, i32
  }
}

module attributes {stable_mosaic.version = 14 : i64} {
  func.func @_div_body(%arg0: i32, %arg1: memref<1024x128xf32, #tpu.memory_space<vmem>>, %arg2: memref<1024x1xf32, #tpu.memory_space<vmem>>, %arg3: memref<1024x128xf32, #tpu.memory_space<vmem>>) attributes {dimension_semantics = [#tpu.dimension_semantics<arbitrary>], iteration_bounds = array<i64: 1>, scalar_prefetch = 0 : i64, scratch_operands = 0 : i64, tpu.core_type = #tpu.core_type<tc>, window_params = [{pipeline_mode = #tpu.pipeline_mode<synchronous>, transform_indices = @transform_0, window_bounds = array<i64: 1024, 128>}, {pipeline_mode = #tpu.pipeline_mode<synchronous>, transform_indices = @transform_1, window_bounds = array<i64: 1024, 1>}, {pipeline_mode = #tpu.pipeline_mode<synchronous>, transform_indices = @transform_2, window_bounds = array<i64: 1024, 128>}]} {
    %get3A = arith.constant 0 : index
    %get3A_0 = arith.constant 0 : index
    %get3A_1 = vector.load %arg1[%get3A, %get3A_0] : memref<1024x128xf32, #tpu.memory_space<vmem>>, vector<1024x128xf32>
    %get3A_2 = arith.constant 0 : index
    %get3A_3 = arith.constant 0 : index
    %get3A_4 = vector.load %arg2[%get3A_2, %get3A_3] : memref<1024x1xf32, #tpu.memory_space<vmem>>, vector<1024x1xf32>
    %div3A = vector.broadcast %get3A_4 : vector<1024x1xf32> to vector<1024x128xf32>
    %div3A_5 = arith.divf %get3A_1, %div3A : vector<1024x128xf32>
    %swap3A = arith.constant 0 : index
    %swap3A_6 = arith.constant 0 : index
    %swap3A_7 = vector.load %arg3[%swap3A, %swap3A_6] : memref<1024x128xf32, #tpu.memory_space<vmem>>, vector<1024x128xf32>
    tpu.vector_store %arg3[%swap3A, %swap3A_6], %div3A_5 {strides = array<i32>} : memref<1024x128xf32, #tpu.memory_space<vmem>>, vector<1024x128xf32>,
    return
  }
  func.func @transform_0(%arg0: i32) -> (i32, i32) {
    %c0_i32 = arith.constant 0 : i32
    %c0_i32_0 = arith.constant 0 : i32
    %c0_i32_1 = arith.constant 0 : i32
    return %c0_i32, %c0_i32_0 : i32, i32
  }
  func.func @transform_1(%arg0: i32) -> (i32, i32) {
    %c0_i32 = arith.constant 0 : i32
    %c0_i32_0 = arith.constant 0 : i32
    %c0_i32_1 = arith.constant 0 : i32
    return %c0_i32, %c0_i32_0 : i32, i32
  }
  func.func @transform_2(%arg0: i32) -> (i32, i32) {
    %c0_i32 = arith.constant 0 : i32
    %c0_i32_0 = arith.constant 0 : i32
    %c0_i32_1 = arith.constant 0 : i32
    return %c0_i32, %c0_i32_0 : i32, i32
  }
}

</mosaic_0001>

<sc_bundles>
// kernel: kernel.10.cloned.1.call-start
scs
__scs_entry_jumppad:
0x0: {  	(pc) =	sbr.rel $0x88, $3  }
0x1: {  	(tag) =	ssettag $0x0;
	lr =	simm.s32 $0x1  }
0x2: {  	[smem:$0x3F9A] =	sst lr;
	_ =	strace $0xD0000000  }
0x3: {  	_ = 	snop  }
0x4: {  	_ = 	snop  }
0x5: {  	_ = 	snop  }
0x6: {  	_ = 	snop  }
0x7: {  	_ = 	snop  }
__scs_overlays_trampoline_lowered:
0x8: {  	[smem:$0x3FA9] =	sst s0  }
0x9: {  	[smem:$0x3FAA] =	sst s1  }
0xa: {  	[smem:$0x3FAB] =	sst s2  }
0xb: {  	[smem:$0x3FAC] =	sst s3  }
0xc: {  	[smem:$0x3FAD] =	sst s4  }
0xd: {  	[smem:$0x3FAE] =	sst s5  }
0xe: {  	[smem:$0x3FAF] =	sst s6  }
0xf: {  	[smem:$0x3FB0] =	sst s7  }
0x10: {  	[smem:$0x3FB1] =	sst s8  }
0x11: {  	[smem:$0x3FB2] =	sst s9;
	s0 =	simm.s32 @!p0 $0x0  }
0x12: {  	s1 =	sld [smem:$0x3F98];
	s0 =	simm.s32 @p0 $0x1  }
0x13: {  	[smem:$0x3FB3] =	sst s0;
	s0 =	simm.s32 @!p1 $0x0  }
0x14: {  	s2 =	sld [smem:$0x3F97];
	s0 =	simm.s32 @p1 $0x1  }
0x15: {  	[smem:$0x3FB4] =	sst s0;
	s0 =	simm.s32 @!p2 $0x0  }
0x16: {  	s3 =	sld [smem:$0x3FDB];
	s0 =	simm.s32 @p2 $0x1  }
0x17: {  	s4 =	simm.s32 $0x1BF5;
	[smem:$0x3FB6] =	sst s0  }
0x18: {  	s0 =	sld [smem:$0x3F99];
	_ =	swait.ge [sflag:s4], $0x0  }
0x19: {  	s7 =	sld [smem:$0x3F9A]  }
0x1a: {  	s8 =	sadd.s32 $0xFFFFE003, lr  }
0x1b: {  	s9 =	sadd.s32 $0xFFFFFEF7, lr;
	s5 =	simm.s32 $0xFFFFFFFF;
	p2 =	slt.u32 s8, $0xFFFFF086  }
0x1c: {  	p1 =	slt.u32 s9, $0xF7A;
	s5 =	simm.s32 @!p2 $0x0  }
0x1d: {  	s5 =	simm.s32 @p1 $0x1;
	p0 =	seq.s32 s7, s2  }
0x1e: {  	s7 =	smul.u32 @!p0 $0xF7A, s2;
	p2 =	seq.s32 @!p0 s5, $0x0  }
0x1f: {  	s9 =	smul.u32 $0xF7A, s1;
	s8 =	simm.s32 @!p0 $0x1BF5;
	p2 =	por !p2, p0  }
0x20: {  	[sflag:s8] =	ssyncset.s32 @!p0 $0xFFFFF086;
	s6 =	sadd.s32 @!p0 s3, s7;
	s7 =	simm.s32 @!p0 $0x108  }
0x21: {  	s3 =	sadd.s32 s3, s9;
	s6 =	sadd.s32 @!p0 $0x88, s6;
	s7 =	simm.s32 @p2 $0x1082  }
0x22: {  	[simem:s7], [sflag:s8] =	dma.local @!p0 [hbm:s6], $0xF7A  }
0x23: {  	s9 =	sor.u32 $0xD0000000, s2;
	s6 =	simm.s32 $0x108;
	_ =	swait.ge @!p0 [sflag:s8], $0x0  }
0x24: {  	s3 =	sadd.s32 $0x88, s3;
	s6 =	simm.s32 @!p1 $0x1082;
	[sflag:s4] =	ssyncset.s32 $0xFFFFF086  }
0x25: {  	[simem:s6], [sflag:s4] =	dma.local [hbm:s3], $0xF7A  }
0x26: {  	[smem:$0x3F9A] =	sst s1;
	(tag) =	ssettag s2;
	_ =	strace s9  }
0x27: {  	s1 =	sld [smem:$0x3FAA]  }
0x28: {  	s2 =	sld [smem:$0x3FAB]  }
0x29: {  	s4 =	sld [smem:$0x3FAD]  }
0x2a: {  	p0 =	seq.s32 s5, $0x0;
	s5 =	sld [smem:$0x3FAE]  }
0x2b: {  	s6 =	sld [smem:$0x3FAF]  }
0x2c: {  	s7 =	sld [smem:$0x3FB0]  }
0x2d: {  	s3 =	simm.s32 $0x108;
	s8 =	sld [smem:$0x3FB1]  }
0x2e: {  	s3 =	simm.s32 @!p0 $0x1082;
	s9 =	sld [smem:$0x3FB2]  }
0x2f: {  	lr =	sadd.s32 s0, s3;
	s0 =	sld [smem:$0x3FA9]  }
0x30: {  	s3 =	sld [smem:$0x3FAC]  }
0x31: {  	[smem:$0x3FB5] =	sst s10  }
0x32: {  	s10 =	sld [smem:$0x3FB3];
	_ =	sdelay $0x3  }
0x33: {  	p0 =	seq.s32 s10, $0x1;
	s10 =	sld [smem:$0x3FB5];
	_ =	sdelay $0x3  }
0x34: {  	[smem:$0x3FB5] =	sst s10  }
0x35: {  	s10 =	sld [smem:$0x3FB4];
	_ =	sdelay $0x3  }
0x36: {  	p1 =	seq.s32 s10, $0x1;
	s10 =	sld [smem:$0x3FB5];
	_ =	sdelay $0x3  }
0x37: {  	[smem:$0x3FB5] =	sst s10  }
0x38: {  	s10 =	sld [smem:$0x3FB6]  }
0x39: {  	_ = 	snop;
	(pc) =	sbr.ind lr, $3  }
0x3a: {  	_ = 	snop  }
0x3b: {  	_ = 	snop  }
0x3c: {  	p2 =	seq.s32 s10, $0x1;
	s10 =	sld [smem:$0x3FB5]  }
0x3d: {  	_ =	shalt  }
0x3e: {  	_ =	shalt  }
0x3f: {  	_ =	shalt  }
0x40: {  	_ =	shalt  }
0x41: {  	_ =	shalt  }
0x42: {  	_ =	shalt  }
0x43: {  	_ =	shalt  }
0x44: {  	_ =	shalt  }
0x45: {  	_ =	shalt  }
0x46: {  	_ =	shalt  }
0x47: {  	_ =	shalt  }
0x48: {  	_ =	shalt  }
0x49: {  	_ =	shalt  }
0x4a: {  	_ =	shalt  }
0x4b: {  	_ =	shalt  }
0x4c: {  	_ =	shalt  }
0x4d: {  	_ =	shalt  }
0x4e: {  	_ =	shalt  }
0x4f: {  	_ =	shalt  }
0x50: {  	_ =	shalt  }
0x51: {  	_ =	shalt  }
0x52: {  	_ =	shalt  }
0x53: {  	_ =	shalt  }
0x54: {  	_ =	shalt  }
0x55: {  	_ =	shalt  }
0x56: {  	_ =	shalt  }
0x57: {  	_ =	shalt  }
0x58: {  	_ =	shalt  }
0x59: {  	_ =	shalt  }
0x5a: {  	_ =	shalt  }
0x5b: {  	_ =	shalt  }
0x5c: {  	_ =	shalt  }
0x5d: {  	_ =	shalt  }
0x5e: {  	_ =	shalt  }
0x5f: {  	_ =	shalt  }
0x60: {  	_ =	shalt  }
0x61: {  	_ =	shalt  }
0x62: {  	_ =	shalt  }
0x63: {  	_ =	shalt  }
0x64: {  	_ =	shalt  }
0x65: {  	_ =	shalt  }
0x66: {  	_ =	shalt  }
0x67: {  	_ =	shalt  }
0x68: {  	_ =	shalt  }
0x69: {  	_ =	shalt  }
0x6a: {  	_ =	shalt  }
0x6b: {  	_ =	shalt  }
0x6c: {  	_ =	shalt  }
0x6d: {  	_ =	shalt  }
0x6e: {  	_ =	shalt  }
0x6f: {  	_ =	shalt  }
0x70: {  	_ =	shalt  }
0x71: {  	_ =	shalt  }
0x72: {  	_ =	shalt  }
0x73: {  	_ =	shalt  }
0x74: {  	_ =	shalt  }
0x75: {  	_ =	shalt  }
0x76: {  	_ =	shalt  }
0x77: {  	_ =	shalt  }
0x78: {  	_ =	shalt  }
0x79: {  	_ =	shalt  }
0x7a: {  	_ =	shalt  }
0x7b: {  	_ =	shalt  }
0x7c: {  	_ =	shalt  }
0x7d: {  	_ =	shalt  }
0x7e: {  	_ =	shalt  }
0x7f: {  	_ =	shalt  }
0x80: {  	_ =	shalt  }
0x81: {  	_ =	shalt  }
0x82: {  	_ =	shalt  }
0x83: {  	_ =	shalt  }
0x84: {  	_ =	shalt  }
0x85: {  	_ =	shalt  }
0x86: {  	_ =	shalt  }
0x87: {  	_ =	shalt  }
.Lfunc_end0:
.L_simem_size_0:
called_computation_lowered:
.L_overlay_start_0:
0x88: {  	s2 =	sld [smem:$0x3FD9]  }
0x89: {  	s3 =	sld [smem:$0x3FFE];
	_ =	sdelay $0x1  }
0x8a: {  	s1 =	srdreg.scid  }
0x8b: {  	s0 =	sand.u32 $0x1, s1  }
0x8c: {  	s17 =	sshll.u32 s0, $0xA;
	s2 =	sadd.s32 s3, s2  }
0x8d: {  	s2 =	sadd.s32 s2, s17  }
0x8e: {  	[smem:$0x3FC1] =	sst s2  }
0x8f: {  	_ = 	snop  }
0x90: {  	s2 =	sld [smem:$0x3FD0];
	(tm) =	ssettm $0x1  }
0x91: {  	s18 =	sld [smem:$0x3FFB];
	_ =	sdelay $0x3  }
0x92: {  	_ =	strace s18  }
0x93: {  	s3 =	sld [smem:$0x3FFC];
	_ =	sdelay $0x3  }
0x94: {  	_ =	strace s3  }
0x95: {  	s3 =	sld [smem:$0x3FFD];
	_ =	sdelay $0x3  }
0x96: {  	_ =	strace s3  }
0x97: {  	_ =	strace $0x8FFFFFFF  }
0x98: {  	s19 =	sld [smem:$0x3FDB];
	_ =	sdelay $0x1  }
0x99: {  	s4 =	simm.s32 $_scs_section_size  }
0x9a: {  	s5 =	simm.s32 $_size__tile_overlayer_lowered;
	s6 =	simm.s32 $_tile_overlayer_lowered  }
0x9b: {  	s22 =	simm.s32 $0x1BFF;
	s21 =	sshll.u32 s6, $0x1;
	s3 =	sadd.s32 s4, s19  }
0x9c: {  	s7 =	simm.s32 $0x0;
	s20 =	sshll.u32 s5, $0x1;
	s5 =	sadd.s32 s21, s3  }
0x9d: {  	[timem:s7], [sflag:s22] =	dma.local [hbm:s5], s20  }
0x9e: {  	_ =	swait.ge [sflag:s22], s20  }
0x9f: {  	s4 =	ssub.s32 $0x0, s20;
	[sflag:s22] =	ssyncset.done $0x0  }
0xa0: {  	[sflag:s22] =	ssyncadd.s32 s4;
	_ =	sdelay $0x1  }
0xa1: {  	s23 =	simm.s32 $0x1B8B  }
0xa2: {  	_ =	swait.ge [sflag:s23], $0x1  }
0xa3: {  	[sflag:s23] =	ssyncset.done $0x0  }
0xa4: {  	s25 =	simm.s32 $0x1B8E;
	s24 =	sld [smem:$0x3FFE];
	[sflag:s23] =	ssyncadd.s32 $0xFFFFFFFF  }
0xa5: {  	s26 =	simm.s32 $execute0_lowered;
	[smem:$0x3FD2] =	sst s25  }
0xa6: {  	s5 =	sshll.u32 s26, $0x1;
	_ =	strace $0x80000046;
	[dreg:$0x1] =	wrdreg $0xFFFFFFFF  }
0xa7: {  	s28 =	simm.s32 $_size_execute0_lowered;
	s3 =	sadd.s32 s3, s5;
	[dreg:$0x0] =	wrdreg $0x0  }
0xa8: {  	s5 =	sshll.u32 s28, $0x1;
	[dreg:$0x2] =	wrdreg s3  }
0xa9: {  	[dreg:$0x3] =	wrdreg s5  }
0xaa: {  	[dreg:$0x4] =	wrdreg $0xC0  }
0xab: {  	_ =	task [dreg:s7], $0x5FFFF  }
0xac: {  	[dreg:$0x1] =	wrdreg $0xFFFFFFFF  }
0xad: {  	[dreg:$0x0] =	wrdreg $0x60  }
0xae: {  	[dreg:$0x2] =	wrdreg s24  }
0xaf: {  	[dreg:$0x3] =	wrdreg s2  }
0xb0: {  	[dreg:$0x4] =	wrdreg $0x77800  }
0xb1: {  	[dreg:$0x5] =	wrdreg $0x9  }
0xb2: {  	_ =	task.clear_ibuf [dreg:s7], $0x6FFFF;
	_ =	strace $0x90000046  }
0xb3: {  	s29 =	simm.s32 $0x9;
	_ =	strace $0x80000048  }
0xb4: {  	_ =	swait.ge [sflag:s29], $0x1  }
0xb5: {  	[sflag:s29] =	ssyncadd.s32 $0xFFFFFFFF  }
0xb6: {  	_ =	strace $0x90000048  }
0xb7: {  	_ =	sfence  }
0xb8: {  	s30 =	sld [smem:$0x0];
	_ =	sdelay $0x2  }
0xb9: {  	s31 =	sshll.u32 s1, $0xD;
	s1 =	sshrl.u32 s1, $0x2  }
0xba: {  	s3 =	sand.u32 $0x4000, s31;
	s1 =	sadd.s32 s1, s30  }
0xbb: {  	s0 =	sor.u32 s3, s0;
	s1 =	sshll.u32 s1, $0x11  }
0xbc: {  	s0 =	sor.u32 s1, s0  }
0xbd: {  	s0 =	sadd.s32 $0x8F2B, s0  }
0xbe: {  	[sflag:s0] =	ssyncadd.remote.s32 $0x1  }
0xbf: {  	_ =	sfence.sel $0xFFFF  }
0xc0: {  	[dreg:$0x0] =	wrdreg $0xFFFFFFFF;
	(pc) =	sbr.abs _section_cstart, $3  }
0xc1: {  	[dreg:$0x1] =	wrdreg $0xFFFFFFFF  }
0xc2: {  	_ =	task.clear_ibuf [dreg:s7], $0x2FFFF;
	_ =	strace $0x9FFFFFFF  }
0xc3: {  	(tm) =	ssettm $0x7FFFFFFF  }
tec
execute0_lowered:
.L_overlay_start_1:
0x0: {  	(tag) =	ssettag $0x1  }
0x1: {  	s0 =	rddreg [dreg:$0x0]  }
0x2: {  	s1 =	rddreg [dreg:$0x1];
	s2 =	srdreg.scid  }
0x3: {  	s9 =	stileid.u32;
	s3 =	rddreg [dreg:$0x2];
	s5 =	sand.u32 $0x1, s2  }
0x4: {  	s25 =	sshll.u32 s9, $0x1;
	s6 =	sshrl.u32 s9, $0x3;
	s8 =	smul.u32 $0x5000, s9  }
0x5: {  	s2 =	simm.s32 $0x0;
	s4 =	sor.u32 s5, s25;
	s6 =	smul.u32 $0x50000, s6  }
0x6: {  	[smem:$0x7FF] =	sst s2;
	s7 =	ssub.s32 $0x2, s5;
	s4 =	smul.u32 $0x4E2, s4  }
0x7: {  	s26 =	sshrl.u32 s7, $0x1;
	_ =	strace $0x80000047;
	s11 =	sshrl.u32 s8, $0x2  }
0x8: {  	s7 =	ssub.s32 s7, s26;
	s10 =	sshrl.u32 s6, $0x2;
	s0 =	sadd.s32 s4, s0  }
0x9: {  	s4 =	sshll.u32 s9, $0x7;
	s12 =	sadd.s32 s10, s3;
	s0 =	sadd.s32 $0x2A00, s0  }
0xa: {  	s7 =	smax.u32 s7, $0x1;
	[dreg:$0x4] =	wrdreg s0;
	s0 =	sand.u32 $0x380, s4  }
0xb: {  	[dreg:$0x16] =	wrdreg s7;
	s4 =	sadd.s32 s11, s3;
	s0 =	sadd.s32 s0, s12  }
0xc: {  	s13 =	sadd.s32 $0x80, s4;
	[dreg:$0x5] =	wrdreg s0  }
0xd: {  	s14 =	sadd.s32 $0x100, s4;
	[dreg:$0x6] =	wrdreg s13  }
0xe: {  	s15 =	sadd.s32 $0x180, s4;
	[dreg:$0x7] =	wrdreg s14  }
0xf: {  	s16 =	sadd.s32 $0x200, s4;
	[dreg:$0x8] =	wrdreg s15  }
0x10: {  	s17 =	sadd.s32 $0x280, s4;
	[dreg:$0x9] =	wrdreg s16  }
0x11: {  	s18 =	sadd.s32 $0x300, s4;
	[dreg:$0xa] =	wrdreg s17  }
0x12: {  	s19 =	sadd.s32 $0x380, s4;
	[dreg:$0xb] =	wrdreg s18  }
0x13: {  	s3 =	sadd.s32 $0x14000, s4;
	[dreg:$0xc] =	wrdreg s19  }
0x14: {  	s21 =	sadd.s32 $0x14080, s4;
	[dreg:$0xd] =	wrdreg s3  }
0x15: {  	s23 =	sadd.s32 $0x14100, s4;
	[dreg:$0xe] =	wrdreg s21  }
0x16: {  	s24 =	sadd.s32 $0x14180, s4;
	[dreg:$0xf] =	wrdreg s23  }
0x17: {  	s25 =	sadd.s32 $0x14200, s4;
	[dreg:$0x10] =	wrdreg s24  }
0x18: {  	s26 =	sadd.s32 $0x14280, s4;
	[dreg:$0x11] =	wrdreg s25  }
0x19: {  	s22 =	sshll.u32 s5, $0x7;
	s5 =	sadd.s32 $0x14300, s4;
	[dreg:$0x12] =	wrdreg s26  }
0x1a: {  	s6 =	sadd.s32 $0x14380, s4;
	[dreg:$0x13] =	wrdreg s5  }
0x1b: {  	s8 =	sadd.s32 $0x400, s4;
	[dreg:$0x14] =	wrdreg s6  }
0x1c: {  	s20 =	smul.u32 $0x500, s9;
	s9 =	sadd.s32 $0x800, s4;
	[dreg:$0x17] =	wrdreg s8  }
0x1d: {  	s10 =	sadd.s32 $0xC00, s4;
	[dreg:$0x18] =	wrdreg s9  }
0x1e: {  	s11 =	sadd.s32 $0x1000, s4;
	[dreg:$0x19] =	wrdreg s10  }
0x1f: {  	s12 =	sadd.s32 $0x480, s4;
	[dreg:$0x1a] =	wrdreg s11  }
0x20: {  	s7 =	sadd.s32 $0x1280, s4;
	[dreg:$0x1b] =	wrdreg s12  }
0x21: {  	s13 =	sadd.s32 $0x880, s4;
	[smem:$0x7EA] =	sst s7  }
0x22: {  	s14 =	sadd.s32 $0xC80, s4;
	[dreg:$0x1c] =	wrdreg s13  }
0x23: {  	s15 =	sadd.s32 $0x1080, s4;
	[dreg:$0x1d] =	wrdreg s14  }
0x24: {  	s16 =	sadd.s32 $0x500, s4;
	[dreg:$0x1e] =	wrdreg s15  }
0x25: {  	s17 =	sadd.s32 $0x900, s4;
	[dreg:$0x1f] =	wrdreg s16  }
0x26: {  	s18 =	sadd.s32 $0xD00, s4;
	[smem:$0x7DC] =	sst s17  }
0x27: {  	s19 =	sadd.s32 $0x1100, s4;
	[smem:$0x7DD] =	sst s18  }
0x28: {  	s0 =	sor.u32 s22, s20;
	s20 =	sadd.s32 $0x580, s4;
	[smem:$0x7DE] =	sst s19  }
0x29: {  	s21 =	sadd.s32 $0x980, s4;
	[smem:$0x7DF] =	sst s20  }
0x2a: {  	s22 =	sadd.s32 $0xD80, s4;
	[smem:$0x7E0] =	sst s21  }
0x2b: {  	s23 =	sadd.s32 $0x1180, s4;
	[smem:$0x7E1] =	sst s22  }
0x2c: {  	s24 =	sadd.s32 $0x600, s4;
	[smem:$0x7E2] =	sst s23  }
0x2d: {  	s25 =	sadd.s32 $0xA00, s4;
	[smem:$0x7E3] =	sst s24  }
0x2e: {  	s26 =	sadd.s32 $0xE00, s4;
	[smem:$0x7E4] =	sst s25  }
0x2f: {  	s3 =	sadd.s32 $0x680, s4;
	[smem:$0x7E5] =	sst s26  }
0x30: {  	s5 =	sadd.s32 $0xA80, s4;
	[smem:$0x7E7] =	sst s3  }
0x31: {  	s6 =	sadd.s32 $0xE80, s4;
	[smem:$0x7E8] =	sst s5  }
0x32: {  	s8 =	sadd.s32 $0x700, s4;
	[smem:$0x7E9] =	sst s6  }
0x33: {  	s9 =	sadd.s32 $0xB00, s4;
	[smem:$0x7EB] =	sst s8  }
0x34: {  	s10 =	sadd.s32 $0xF00, s4;
	[smem:$0x7EC] =	sst s9  }
0x35: {  	s11 =	sadd.s32 $0x1300, s4;
	[smem:$0x7ED] =	sst s10  }
0x36: {  	s12 =	sadd.s32 $0x780, s4;
	[smem:$0x7EE] =	sst s11  }
0x37: {  	[smem:$0x7EF] =	sst s12;
	s13 =	sadd.s32 $0xB80, s4  }
0x38: {  	s14 =	sadd.s32 $0xF80, s4;
	[smem:$0x7F0] =	sst s13  }
0x39: {  	s30 =	simm.s32 $0x1;
	s15 =	sadd.s32 $0x1380, s4;
	[smem:$0x7F1] =	sst s14  }
0x3a: {  	s31 =	simm.s32 $0x2780;
	s16 =	sadd.s32 $0x14400, s4;
	[smem:$0x7F2] =	sst s15  }
0x3b: {  	s28 =	sadd.s32 $0x14F80, s4;
	s17 =	sadd.s32 $0x14800, s4;
	[smem:$0x7F3] =	sst s16  }
0x3c: {  	s29 =	sadd.s32 $0x15380, s4;
	s18 =	sadd.s32 $0x14C00, s4;
	[smem:$0x7F4] =	sst s17  }
0x3d: {  	s0 =	sshrl.u32 s0, $0x3;
	s19 =	sadd.s32 $0x15000, s4;
	[smem:$0x7F5] =	sst s18  }
0x3e: {  	s20 =	sadd.s32 $0x14480, s4;
	s21 =	sadd.s32 $0x14880, s4;
	[smem:$0x7F6] =	sst s19  }
0x3f: {  	s22 =	sadd.s32 $0x14C80, s4;
	s23 =	sadd.s32 $0x15080, s4;
	[smem:$0x7F7] =	sst s20  }
0x40: {  	s24 =	sadd.s32 $0x14500, s4;
	s25 =	sadd.s32 $0x14900, s4;
	[smem:$0x7F8] =	sst s21  }
0x41: {  	s26 =	sadd.s32 $0x14D00, s4;
	s8 =	sadd.s32 $0x15100, s4;
	[smem:$0x7F9] =	sst s22  }
0x42: {  	s9 =	sadd.s32 $0x14580, s4;
	s10 =	sadd.s32 $0x14980, s4;
	[smem:$0x7FA] =	sst s23  }
0x43: {  	s11 =	sadd.s32 $0x14D80, s4;
	s12 =	sadd.s32 $0x15180, s4;
	[smem:$0x7FB] =	sst s24  }
0x44: {  	s0 =	sadd.s32 s1, s0;
	s1 =	sadd.s32 $0x1200, s4;
	[smem:$0x7FC] =	sst s25  }
0x45: {  	[smem:$0x7FD] =	sst s26;
	s13 =	sadd.s32 $0x14600, s4;
	s14 =	sadd.s32 $0x14A00, s4  }
0x46: {  	s15 =	sadd.s32 $0x14E00, s4;
	s16 =	sadd.s32 $0x15200, s4;
	s17 =	sadd.s32 $0x14680, s4  }
0x47: {  	s18 =	sadd.s32 $0x14A80, s4;
	s19 =	sadd.s32 $0x14E80, s4;
	s20 =	sadd.s32 $0x15280, s4  }
0x48: {  	s21 =	sadd.s32 $0x14700, s4;
	s22 =	sadd.s32 $0x14B00, s4;
	s23 =	sadd.s32 $0x14F00, s4  }
0x49: {  	s24 =	sadd.s32 $0x15300, s4;
	s25 =	sadd.s32 $0x14780, s4;
	[dreg:$0x15] =	wrdreg s0  }
0x4a: {  	v0 =	vimm.f32 $0.0e+00;
	v1 =	vimm.f32 $1.000000000e+00;
	s26 =	sadd.s32 $0x14B80, s4;
	[smem:$0x7E6] =	sst s1;
	s1 =	simm.s32 $0x80  }
.LBB2_1:
0x4b: {  	s0 =	simm.s32 $0x40;
	s3 =	simm.s32 $0x0  }
.LBB2_2:
0x4c: {  	p0 =	sne.s32 s0, $0x9FC0;
	[tilespmem:s3+$0x2780] =	vst v0;
	s3 =	smov.u32 s0;
	s0 =	sadd.s32 $0x40, s0  }
.Ltmp0:
0x4d: {  	(pc) =	sbr.rel @p0 .LBB2_2-.Ltmp0, $2  }
0x4e: {  	_ =	sdelay $0x2  }
0x4f: {  	s3 =	sshra.s32 s3, $0x2  }
0x50: {  	[tilespmem:s3+$0x2780] =	vst v0;
	s0 =	simm.s32 $0x0;
	s7 =	rddreg [dreg:$0x4]  }
0x51: {  	[tilespmem:s0], [sflag:$0x1] =	stream.linear.gather [hbm4b:s7+s0], $0x2710, $0x38;
	[tilespmem:$0x9F80] =	vst v63  }
0x52: {  	_ =	swait.ge [sflag:s30], $0x2710  }
0x53: {  	[sflag:s30] =	ssyncset.done $0x0  }
0x54: {  	s3 =	simm.s32 $0x0;
	s0 =	simm.s32 $0x40;
	[sflag:s30] =	ssyncadd.s32 $0xFFFFD8F0  }
.LBB2_4:
0x55: {  	p0 =	sne.s32 s0, $0x9C00;
	v2 =	vld [tilespmem:s3+$0x0];
	_ =	sdelay $0x3  }
.Ltmp1:
0x56: {  	(pc) =	sbr.rel @p0 .LBB2_4-.Ltmp1, $2  }
0x57: {  	_ =	sdelay $0x2  }
0x58: {  	s3 =	sshra.s32 s0, $0x2;
	s0 =	sadd.s32 $0x40, s0;
	[tilespmem:v2+s31+$0x0] =	vst.idx.add.f32.msk $0xffff, v1  }
0x59: {  	v2 =	vld [tilespmem:s3+$0x0];
	_ =	sdelay $0x7  }
0x5a: {  	s0 =	simm.s32 $0x2780;
	s7 =	rddreg [dreg:$0x5];
	s5 =	simm.s32 $0x400;
	[tilespmem:v2+s31+$0x0] =	vst.idx.add.f32.msk $0xffff, v1  }
0x5b: {  	[spmem:s7] =	stream.strided.scatter [tilespmem:s0], [sflag:$0x1], $0x2800, s5, s1, $0x38;
	[tilespmem:$0x9F80] =	vst v63  }
0x5c: {  	_ =	swait.ge [sflag:s30], $0x2800  }
0x5d: {  	[sflag:s30] =	ssyncset.done $0x0  }
0x5e: {  	[sflag:s30] =	ssyncadd.s32 $0xFFFFD800  }
0x5f: {  	s5 =	simm.s32 $0x4F80;
	[bflag:$0x0] =	sbarrier.arrive $0xFFFF  }
0x60: {  	[tilespmem:s5], [sflag:$0x1] =	stream.linear.gather [spmem:s4], $0x80, $0x38;
	[tilespmem:$0x9F80] =	vst v63  }
0x61: {  	s7 =	simm.s32 $0x5380;
	s6 =	rddreg [dreg:$0x17]  }
0x62: {  	[tilespmem:s7], [sflag:$0x1] =	stream.linear.gather [spmem:s6], $0x80, $0x38;
	[tilespmem:$0x9F80] =	vst v63  }
0x63: {  	s6 =	rddreg [dreg:$0x18];
	s7 =	simm.s32 $0x5780  }
0x64: {  	[tilespmem:s7], [sflag:$0x1] =	stream.linear.gather [spmem:s6], $0x80, $0x38;
	[tilespmem:$0x9F80] =	vst v63  }
0x65: {  	s6 =	rddreg [dreg:$0x19];
	s7 =	simm.s32 $0x5B80  }
0x66: {  	[tilespmem:s7], [sflag:$0x1] =	stream.linear.gather [spmem:s6], $0x80, $0x38;
	[tilespmem:$0x9F80] =	vst v63  }
0x67: {  	s6 =	rddreg [dreg:$0x1a];
	s7 =	simm.s32 $0x5F80  }
0x68: {  	[tilespmem:s7], [sflag:$0x1] =	stream.linear.gather [spmem:s6], $0x80, $0x38;
	[tilespmem:$0x9F80] =	vst v63  }
0x69: {  	_ =	swait.ge [sflag:s30], $0x280  }
0x6a: {  	[sflag:s30] =	ssyncset.done $0x0  }
0x6b: {  	s7 =	simm.s32 $0x5000;
	s6 =	rddreg [dreg:$0x6];
	[sflag:s30] =	ssyncadd.s32 $0xFFFFFD80  }
0x6c: {  	[tilespmem:s7], [sflag:$0x1] =	stream.linear.gather [spmem:s6], $0x80, $0x38;
	[tilespmem:$0x9F80] =	vst v63  }
0x6d: {  	s6 =	rddreg [dreg:$0x1b];
	s7 =	simm.s32 $0x5400  }
0x6e: {  	[tilespmem:s7], [sflag:$0x1] =	stream.linear.gather [spmem:s6], $0x80, $0x38;
	[tilespmem:$0x9F80] =	vst v63  }
0x6f: {  	s6 =	rddreg [dreg:$0x1c];
	s7 =	simm.s32 $0x5800  }
0x70: {  	[tilespmem:s7], [sflag:$0x1] =	stream.linear.gather [spmem:s6], $0x80, $0x38;
	[tilespmem:$0x9F80] =	vst v63  }
0x71: {  	s6 =	rddreg [dreg:$0x1d];
	s7 =	simm.s32 $0x5C00  }
0x72: {  	[tilespmem:s7], [sflag:$0x1] =	stream.linear.gather [spmem:s6], $0x80, $0x38;
	[tilespmem:$0x9F80] =	vst v63  }
0x73: {  	s6 =	rddreg [dreg:$0x1e];
	s7 =	simm.s32 $0x6000  }
0x74: {  	[tilespmem:s7], [sflag:$0x1] =	stream.linear.gather [spmem:s6], $0x80, $0x38;
	[tilespmem:$0x9F80] =	vst v63  }
0x75: {  	_ =	swait.ge [sflag:s30], $0x280  }
0x76: {  	[sflag:s30] =	ssyncset.done $0x0  }
0x77: {  	s7 =	simm.s32 $0x5080;
	s6 =	rddreg [dreg:$0x7];
	[sflag:s30] =	ssyncadd.s32 $0xFFFFFD80  }
0x78: {  	[tilespmem:s7], [sflag:$0x1] =	stream.linear.gather [spmem:s6], $0x80, $0x38;
	[tilespmem:$0x9F80] =	vst v63  }
0x79: {  	s6 =	rddreg [dreg:$0x1f];
	s7 =	simm.s32 $0x5480  }
0x7a: {  	[tilespmem:s7], [sflag:$0x1] =	stream.linear.gather [spmem:s6], $0x80, $0x38;
	[tilespmem:$0x9F80] =	vst v63  }
0x7b: {  	s6 =	sld [smem:$0x7DC];
	_ =	sdelay $0x1  }
0x7c: {  	s7 =	simm.s32 $0x5880  }
0x7d: {  	[tilespmem:s7], [sflag:$0x1] =	stream.linear.gather [spmem:s6], $0x80, $0x38;
	[tilespmem:$0x9F80] =	vst v63  }
0x7e: {  	s6 =	sld [smem:$0x7DD];
	_ =	sdelay $0x1  }
0x7f: {  	s7 =	simm.s32 $0x5C80  }
0x80: {  	[tilespmem:s7], [sflag:$0x1] =	stream.linear.gather [spmem:s6], $0x80, $0x38;
	[tilespmem:$0x9F80] =	vst v63  }
0x81: {  	s6 =	sld [smem:$0x7DE];
	_ =	sdelay $0x1  }
0x82: {  	s7 =	simm.s32 $0x6080  }
0x83: {  	[tilespmem:s7], [sflag:$0x1] =	stream.linear.gather [spmem:s6], $0x80, $0x38;
	[tilespmem:$0x9F80] =	vst v63  }
0x84: {  	_ =	swait.ge [sflag:s30], $0x280  }
0x85: {  	[sflag:s30] =	ssyncset.done $0x0  }
0x86: {  	s7 =	simm.s32 $0x5100;
	s6 =	rddreg [dreg:$0x8];
	[sflag:s30] =	ssyncadd.s32 $0xFFFFFD80  }
0x87: {  	[tilespmem:s7], [sflag:$0x1] =	stream.linear.gather [spmem:s6], $0x80, $0x38;
	[tilespmem:$0x9F80] =	vst v63  }
0x88: {  	s6 =	sld [smem:$0x7DF];
	_ =	sdelay $0x1  }
0x89: {  	s7 =	simm.s32 $0x5500  }
0x8a: {  	[tilespmem:s7], [sflag:$0x1] =	stream.linear.gather [spmem:s6], $0x80, $0x38;
	[tilespmem:$0x9F80] =	vst v63  }
0x8b: {  	s6 =	sld [smem:$0x7E0];
	_ =	sdelay $0x1  }
0x8c: {  	s7 =	simm.s32 $0x5900  }
0x8d: {  	[tilespmem:s7], [sflag:$0x1] =	stream.linear.gather [spmem:s6], $0x80, $0x38;
	[tilespmem:$0x9F80] =	vst v63  }
0x8e: {  	s6 =	sld [smem:$0x7E1];
	_ =	sdelay $0x1  }
0x8f: {  	s7 =	simm.s32 $0x5D00  }
0x90: {  	[tilespmem:s7], [sflag:$0x1] =	stream.linear.gather [spmem:s6], $0x80, $0x38;
	[tilespmem:$0x9F80] =	vst v63  }
0x91: {  	s6 =	sld [smem:$0x7E2];
	_ =	sdelay $0x1  }
0x92: {  	s7 =	simm.s32 $0x6100  }
0x93: {  	[tilespmem:s7], [sflag:$0x1] =	stream.linear.gather [spmem:s6], $0x80, $0x38;
	[tilespmem:$0x9F80] =	vst v63  }
0x94: {  	_ =	swait.ge [sflag:s30], $0x280  }
0x95: {  	[sflag:s30] =	ssyncset.done $0x0  }
0x96: {  	s7 =	simm.s32 $0x5180;
	s6 =	rddreg [dreg:$0x9];
	[sflag:s30] =	ssyncadd.s32 $0xFFFFFD80  }
0x97: {  	[tilespmem:s7], [sflag:$0x1] =	stream.linear.gather [spmem:s6], $0x80, $0x38;
	[tilespmem:$0x9F80] =	vst v63  }
0x98: {  	s6 =	sld [smem:$0x7E3];
	_ =	sdelay $0x1  }
0x99: {  	s7 =	simm.s32 $0x5580  }
0x9a: {  	[tilespmem:s7], [sflag:$0x1] =	stream.linear.gather [spmem:s6], $0x80, $0x38;
	[tilespmem:$0x9F80] =	vst v63  }
0x9b: {  	s6 =	sld [smem:$0x7E4];
	_ =	sdelay $0x1  }
0x9c: {  	s7 =	simm.s32 $0x5980  }
0x9d: {  	[tilespmem:s7], [sflag:$0x1] =	stream.linear.gather [spmem:s6], $0x80, $0x38;
	[tilespmem:$0x9F80] =	vst v63  }
0x9e: {  	s6 =	sld [smem:$0x7E5];
	_ =	sdelay $0x1  }
0x9f: {  	s7 =	simm.s32 $0x5D80  }
0xa0: {  	[tilespmem:s7], [sflag:$0x1] =	stream.linear.gather [spmem:s6], $0x80, $0x38;
	[tilespmem:$0x9F80] =	vst v63  }
0xa1: {  	s6 =	sld [smem:$0x7E6];
	_ =	sdelay $0x1  }
0xa2: {  	s7 =	simm.s32 $0x6180  }
0xa3: {  	[tilespmem:s7], [sflag:$0x1] =	stream.linear.gather [spmem:s6], $0x80, $0x38;
	[tilespmem:$0x9F80] =	vst v63  }
0xa4: {  	_ =	swait.ge [sflag:s30], $0x280  }
0xa5: {  	[sflag:s30] =	ssyncset.done $0x0  }
0xa6: {  	s7 =	simm.s32 $0x5200;
	s6 =	rddreg [dreg:$0xa];
	[sflag:s30] =	ssyncadd.s32 $0xFFFFFD80  }
0xa7: {  	[tilespmem:s7], [sflag:$0x1] =	stream.linear.gather [spmem:s6], $0x80, $0x38;
	[tilespmem:$0x9F80] =	vst v63  }
0xa8: {  	s6 =	sld [smem:$0x7E7];
	_ =	sdelay $0x1  }
0xa9: {  	s7 =	simm.s32 $0x5600  }
0xaa: {  	[tilespmem:s7], [sflag:$0x1] =	stream.linear.gather [spmem:s6], $0x80, $0x38;
	[tilespmem:$0x9F80] =	vst v63  }
0xab: {  	s6 =	sld [smem:$0x7E8];
	_ =	sdelay $0x1  }
0xac: {  	s7 =	simm.s32 $0x5A00  }
0xad: {  	[tilespmem:s7], [sflag:$0x1] =	stream.linear.gather [spmem:s6], $0x80, $0x38;
	[tilespmem:$0x9F80] =	vst v63  }
0xae: {  	s6 =	sld [smem:$0x7E9];
	_ =	sdelay $0x1  }
0xaf: {  	s7 =	simm.s32 $0x5E00  }
0xb0: {  	[tilespmem:s7], [sflag:$0x1] =	stream.linear.gather [spmem:s6], $0x80, $0x38;
	[tilespmem:$0x9F80] =	vst v63  }
0xb1: {  	s6 =	sld [smem:$0x7EA];
	_ =	sdelay $0x1  }
0xb2: {  	s7 =	simm.s32 $0x6200  }
0xb3: {  	[tilespmem:s7], [sflag:$0x1] =	stream.linear.gather [spmem:s6], $0x80, $0x38;
	[tilespmem:$0x9F80] =	vst v63  }
0xb4: {  	_ =	swait.ge [sflag:s30], $0x280  }
0xb5: {  	[sflag:s30] =	ssyncset.done $0x0  }
0xb6: {  	s7 =	simm.s32 $0x5280;
	s6 =	rddreg [dreg:$0xb];
	[sflag:s30] =	ssyncadd.s32 $0xFFFFFD80  }
0xb7: {  	[tilespmem:s7], [sflag:$0x1] =	stream.linear.gather [spmem:s6], $0x80, $0x38;
	[tilespmem:$0x9F80] =	vst v63  }
0xb8: {  	s6 =	sld [smem:$0x7EB];
	_ =	sdelay $0x1  }
0xb9: {  	s7 =	simm.s32 $0x5680  }
0xba: {  	[tilespmem:s7], [sflag:$0x1] =	stream.linear.gather [spmem:s6], $0x80, $0x38;
	[tilespmem:$0x9F80] =	vst v63  }
0xbb: {  	s6 =	sld [smem:$0x7EC];
	_ =	sdelay $0x1  }
0xbc: {  	s7 =	simm.s32 $0x5A80  }
0xbd: {  	[tilespmem:s7], [sflag:$0x1] =	stream.linear.gather [spmem:s6], $0x80, $0x38;
	[tilespmem:$0x9F80] =	vst v63  }
0xbe: {  	s6 =	sld [smem:$0x7ED];
	_ =	sdelay $0x1  }
0xbf: {  	s7 =	simm.s32 $0x5E80  }
0xc0: {  	[tilespmem:s7], [sflag:$0x1] =	stream.linear.gather [spmem:s6], $0x80, $0x38;
	[tilespmem:$0x9F80] =	vst v63  }
0xc1: {  	s6 =	sld [smem:$0x7EE];
	_ =	sdelay $0x1  }
0xc2: {  	s7 =	simm.s32 $0x6280  }
0xc3: {  	[tilespmem:s7], [sflag:$0x1] =	stream.linear.gather [spmem:s6], $0x80, $0x38;
	[tilespmem:$0x9F80] =	vst v63  }
0xc4: {  	_ =	swait.ge [sflag:s30], $0x280  }
0xc5: {  	[sflag:s30] =	ssyncset.done $0x0  }
0xc6: {  	s7 =	simm.s32 $0x5300;
	s6 =	rddreg [dreg:$0xc];
	[sflag:s30] =	ssyncadd.s32 $0xFFFFFD80  }
0xc7: {  	[tilespmem:s7], [sflag:$0x1] =	stream.linear.gather [spmem:s6], $0x80, $0x38;
	[tilespmem:$0x9F80] =	vst v63  }
0xc8: {  	s6 =	sld [smem:$0x7EF];
	_ =	sdelay $0x1  }
0xc9: {  	s7 =	simm.s32 $0x5700  }
0xca: {  	[tilespmem:s7], [sflag:$0x1] =	stream.linear.gather [spmem:s6], $0x80, $0x38;
	[tilespmem:$0x9F80] =	vst v63  }
0xcb: {  	s6 =	sld [smem:$0x7F0];
	_ =	sdelay $0x1  }
0xcc: {  	s7 =	simm.s32 $0x5B00  }
0xcd: {  	[tilespmem:s7], [sflag:$0x1] =	stream.linear.gather [spmem:s6], $0x80, $0x38;
	[tilespmem:$0x9F80] =	vst v63  }
0xce: {  	s6 =	sld [smem:$0x7F1];
	_ =	sdelay $0x1  }
0xcf: {  	s7 =	simm.s32 $0x5F00  }
0xd0: {  	[tilespmem:s7], [sflag:$0x1] =	stream.linear.gather [spmem:s6], $0x80, $0x38;
	[tilespmem:$0x9F80] =	vst v63  }
0xd1: {  	s6 =	sld [smem:$0x7F2];
	_ =	sdelay $0x1  }
0xd2: {  	s7 =	simm.s32 $0x6300  }
0xd3: {  	[tilespmem:s7], [sflag:$0x1] =	stream.linear.gather [spmem:s6], $0x80, $0x38;
	[tilespmem:$0x9F80] =	vst v63  }
0xd4: {  	_ =	swait.ge [sflag:s30], $0x280  }
0xd5: {  	[sflag:s30] =	ssyncset.done $0x0  }
0xd6: {  	s7 =	simm.s32 $0x6380;
	s6 =	rddreg [dreg:$0xd];
	[sflag:s30] =	ssyncadd.s32 $0xFFFFFD80  }
0xd7: {  	[tilespmem:s7], [sflag:$0x1] =	stream.linear.gather [spmem:s6], $0x80, $0x38;
	[tilespmem:$0x9F80] =	vst v63  }
0xd8: {  	s6 =	sld [smem:$0x7F3];
	_ =	sdelay $0x1  }
0xd9: {  	s7 =	simm.s32 $0x6780  }
0xda: {  	[tilespmem:s7], [sflag:$0x1] =	stream.linear.gather [spmem:s6], $0x80, $0x38;
	[tilespmem:$0x9F80] =	vst v63  }
0xdb: {  	s6 =	sld [smem:$0x7F4];
	_ =	sdelay $0x1  }
0xdc: {  	s7 =	simm.s32 $0x6B80  }
0xdd: {  	[tilespmem:s7], [sflag:$0x1] =	stream.linear.gather [spmem:s6], $0x80, $0x38;
	[tilespmem:$0x9F80] =	vst v63  }
0xde: {  	s6 =	sld [smem:$0x7F5];
	_ =	sdelay $0x1  }
0xdf: {  	s7 =	simm.s32 $0x6F80  }
0xe0: {  	[tilespmem:s7], [sflag:$0x1] =	stream.linear.gather [spmem:s6], $0x80, $0x38;
	[tilespmem:$0x9F80] =	vst v63  }
0xe1: {  	s6 =	sld [smem:$0x7F6];
	_ =	sdelay $0x1  }
0xe2: {  	s7 =	simm.s32 $0x7380  }
0xe3: {  	[tilespmem:s7], [sflag:$0x1] =	stream.linear.gather [spmem:s6], $0x80, $0x38;
	[tilespmem:$0x9F80] =	vst v63  }
0xe4: {  	_ =	swait.ge [sflag:s30], $0x280  }
0xe5: {  	[sflag:s30] =	ssyncset.done $0x0  }
0xe6: {  	s7 =	simm.s32 $0x6400;
	s6 =	rddreg [dreg:$0xe];
	[sflag:s30] =	ssyncadd.s32 $0xFFFFFD80  }
0xe7: {  	[tilespmem:s7], [sflag:$0x1] =	stream.linear.gather [spmem:s6], $0x80, $0x38;
	[tilespmem:$0x9F80] =	vst v63  }
0xe8: {  	s6 =	sld [smem:$0x7F7];
	_ =	sdelay $0x1  }
0xe9: {  	s7 =	simm.s32 $0x6800  }
0xea: {  	[tilespmem:s7], [sflag:$0x1] =	stream.linear.gather [spmem:s6], $0x80, $0x38;
	[tilespmem:$0x9F80] =	vst v63  }
0xeb: {  	s6 =	sld [smem:$0x7F8];
	_ =	sdelay $0x1  }
0xec: {  	s7 =	simm.s32 $0x6C00  }
0xed: {  	[tilespmem:s7], [sflag:$0x1] =	stream.linear.gather [spmem:s6], $0x80, $0x38;
	[tilespmem:$0x9F80] =	vst v63  }
0xee: {  	s6 =	sld [smem:$0x7F9];
	_ =	sdelay $0x1  }
0xef: {  	s7 =	simm.s32 $0x7000  }
0xf0: {  	[tilespmem:s7], [sflag:$0x1] =	stream.linear.gather [spmem:s6], $0x80, $0x38;
	[tilespmem:$0x9F80] =	vst v63  }
0xf1: {  	s6 =	sld [smem:$0x7FA];
	_ =	sdelay $0x1  }
0xf2: {  	s7 =	simm.s32 $0x7400  }
0xf3: {  	[tilespmem:s7], [sflag:$0x1] =	stream.linear.gather [spmem:s6], $0x80, $0x38;
	[tilespmem:$0x9F80] =	vst v63  }
0xf4: {  	_ =	swait.ge [sflag:s30], $0x280  }
0xf5: {  	[sflag:s30] =	ssyncset.done $0x0  }
0xf6: {  	s7 =	simm.s32 $0x6480;
	s6 =	rddreg [dreg:$0xf];
	[sflag:s30] =	ssyncadd.s32 $0xFFFFFD80  }
0xf7: {  	[tilespmem:s7], [sflag:$0x1] =	stream.linear.gather [spmem:s6], $0x80, $0x38;
	[tilespmem:$0x9F80] =	vst v63  }
0xf8: {  	s6 =	sld [smem:$0x7FB];
	_ =	sdelay $0x1  }
0xf9: {  	s7 =	simm.s32 $0x6880  }
0xfa: {  	[tilespmem:s7], [sflag:$0x1] =	stream.linear.gather [spmem:s6], $0x80, $0x38;
	[tilespmem:$0x9F80] =	vst v63  }
0xfb: {  	s6 =	sld [smem:$0x7FC];
	_ =	sdelay $0x1  }
0xfc: {  	s5 =	sld [smem:$0x7FD];
	s7 =	simm.s32 $0x6C80  }
0xfd: {  	[tilespmem:s7], [sflag:$0x1] =	stream.linear.gather [spmem:s6], $0x80, $0x38;
	[tilespmem:$0x9F80] =	vst v63  }
0xfe: {  	s6 =	simm.s32 $0x7080  }
0xff: {  	[tilespmem:s6], [sflag:$0x1] =	stream.linear.gather [spmem:s5], $0x80, $0x38;
	[tilespmem:$0x9F80] =	vst v63  }
0x100: {  	s7 =	simm.s32 $0x7480  }
0x101: {  	[tilespmem:s7], [sflag:$0x1] =	stream.linear.gather [spmem:s8], $0x80, $0x38;
	[tilespmem:$0x9F80] =	vst v63  }
0x102: {  	_ =	swait.ge [sflag:s30], $0x280  }
0x103: {  	[sflag:s30] =	ssyncset.done $0x0  }
0x104: {  	s6 =	simm.s32 $0x6500;
	s5 =	rddreg [dreg:$0x10];
	[sflag:s30] =	ssyncadd.s32 $0xFFFFFD80  }
0x105: {  	[tilespmem:s6], [sflag:$0x1] =	stream.linear.gather [spmem:s5], $0x80, $0x38;
	[tilespmem:$0x9F80] =	vst v63  }
0x106: {  	s7 =	simm.s32 $0x6900  }
0x107: {  	[tilespmem:s7], [sflag:$0x1] =	stream.linear.gather [spmem:s9], $0x80, $0x38;
	[tilespmem:$0x9F80] =	vst v63  }
0x108: {  	s5 =	simm.s32 $0x6D00  }
0x109: {  	[tilespmem:s5], [sflag:$0x1] =	stream.linear.gather [spmem:s10], $0x80, $0x38;
	[tilespmem:$0x9F80] =	vst v63  }
0x10a: {  	s6 =	simm.s32 $0x7100  }
0x10b: {  	[tilespmem:s6], [sflag:$0x1] =	stream.linear.gather [spmem:s11], $0x80, $0x38;
	[tilespmem:$0x9F80] =	vst v63  }
0x10c: {  	s7 =	simm.s32 $0x7500  }
0x10d: {  	[tilespmem:s7], [sflag:$0x1] =	stream.linear.gather [spmem:s12], $0x80, $0x38;
	[tilespmem:$0x9F80] =	vst v63  }
0x10e: {  	_ =	swait.ge [sflag:s30], $0x280  }
0x10f: {  	[sflag:s30] =	ssyncset.done $0x0  }
0x110: {  	s6 =	simm.s32 $0x6580;
	s5 =	rddreg [dreg:$0x11];
	[sflag:s30] =	ssyncadd.s32 $0xFFFFFD80  }
0x111: {  	[tilespmem:s6], [sflag:$0x1] =	stream.linear.gather [spmem:s5], $0x80, $0x38;
	[tilespmem:$0x9F80] =	vst v63  }
0x112: {  	s7 =	simm.s32 $0x6980  }
0x113: {  	[tilespmem:s7], [sflag:$0x1] =	stream.linear.gather [spmem:s13], $0x80, $0x38;
	[tilespmem:$0x9F80] =	vst v63  }
0x114: {  	s5 =	simm.s32 $0x6D80  }
0x115: {  	[tilespmem:s5], [sflag:$0x1] =	stream.linear.gather [spmem:s14], $0x80, $0x38;
	[tilespmem:$0x9F80] =	vst v63  }
0x116: {  	s6 =	simm.s32 $0x7180  }
0x117: {  	[tilespmem:s6], [sflag:$0x1] =	stream.linear.gather [spmem:s15], $0x80, $0x38;
	[tilespmem:$0x9F80] =	vst v63  }
0x118: {  	s7 =	simm.s32 $0x7580  }
0x119: {  	[tilespmem:s7], [sflag:$0x1] =	stream.linear.gather [spmem:s16], $0x80, $0x38;
	[tilespmem:$0x9F80] =	vst v63  }
0x11a: {  	_ =	swait.ge [sflag:s30], $0x280  }
0x11b: {  	[sflag:s30] =	ssyncset.done $0x0  }
0x11c: {  	s6 =	simm.s32 $0x6600;
	s5 =	rddreg [dreg:$0x12];
	[sflag:s30] =	ssyncadd.s32 $0xFFFFFD80  }
0x11d: {  	[tilespmem:s6], [sflag:$0x1] =	stream.linear.gather [spmem:s5], $0x80, $0x38;
	[tilespmem:$0x9F80] =	vst v63  }
0x11e: {  	s7 =	simm.s32 $0x6A00  }
0x11f: {  	[tilespmem:s7], [sflag:$0x1] =	stream.linear.gather [spmem:s17], $0x80, $0x38;
	[tilespmem:$0x9F80] =	vst v63  }
0x120: {  	s5 =	simm.s32 $0x6E00  }
0x121: {  	[tilespmem:s5], [sflag:$0x1] =	stream.linear.gather [spmem:s18], $0x80, $0x38;
	[tilespmem:$0x9F80] =	vst v63  }
0x122: {  	s6 =	simm.s32 $0x7200  }
0x123: {  	[tilespmem:s6], [sflag:$0x1] =	stream.linear.gather [spmem:s19], $0x80, $0x38;
	[tilespmem:$0x9F80] =	vst v63  }
0x124: {  	s7 =	simm.s32 $0x7600  }
0x125: {  	[tilespmem:s7], [sflag:$0x1] =	stream.linear.gather [spmem:s20], $0x80, $0x38;
	[tilespmem:$0x9F80] =	vst v63  }
0x126: {  	_ =	swait.ge [sflag:s30], $0x280  }
0x127: {  	[sflag:s30] =	ssyncset.done $0x0  }
0x128: {  	s6 =	simm.s32 $0x6680;
	s5 =	rddreg [dreg:$0x13];
	[sflag:s30] =	ssyncadd.s32 $0xFFFFFD80  }
0x129: {  	[tilespmem:s6], [sflag:$0x1] =	stream.linear.gather [spmem:s5], $0x80, $0x38;
	[tilespmem:$0x9F80] =	vst v63  }
0x12a: {  	s7 =	simm.s32 $0x6A80  }
0x12b: {  	[tilespmem:s7], [sflag:$0x1] =	stream.linear.gather [spmem:s21], $0x80, $0x38;
	[tilespmem:$0x9F80] =	vst v63  }
0x12c: {  	s5 =	simm.s32 $0x6E80  }
0x12d: {  	[tilespmem:s5], [sflag:$0x1] =	stream.linear.gather [spmem:s22], $0x80, $0x38;
	[tilespmem:$0x9F80] =	vst v63  }
0x12e: {  	s6 =	simm.s32 $0x7280  }
0x12f: {  	[tilespmem:s6], [sflag:$0x1] =	stream.linear.gather [spmem:s23], $0x80, $0x38;
	[tilespmem:$0x9F80] =	vst v63  }
0x130: {  	s7 =	simm.s32 $0x7680  }
0x131: {  	[tilespmem:s7], [sflag:$0x1] =	stream.linear.gather [spmem:s24], $0x80, $0x38;
	[tilespmem:$0x9F80] =	vst v63  }
0x132: {  	_ =	swait.ge [sflag:s30], $0x280  }
0x133: {  	[sflag:s30] =	ssyncset.done $0x0  }
0x134: {  	s6 =	simm.s32 $0x6700;
	s5 =	rddreg [dreg:$0x14];
	[sflag:s30] =	ssyncadd.s32 $0xFFFFFD80  }
0x135: {  	[tilespmem:s6], [sflag:$0x1] =	stream.linear.gather [spmem:s5], $0x80, $0x38;
	[tilespmem:$0x9F80] =	vst v63  }
0x136: {  	s7 =	simm.s32 $0x6B00  }
0x137: {  	[tilespmem:s7], [sflag:$0x1] =	stream.linear.gather [spmem:s25], $0x80, $0x38;
	[tilespmem:$0x9F80] =	vst v63  }
0x138: {  	s5 =	simm.s32 $0x6F00  }
0x139: {  	[tilespmem:s5], [sflag:$0x1] =	stream.linear.gather [spmem:s26], $0x80, $0x38;
	[tilespmem:$0x9F80] =	vst v63  }
0x13a: {  	s6 =	simm.s32 $0x7300  }
0x13b: {  	[tilespmem:s6], [sflag:$0x1] =	stream.linear.gather [spmem:s28], $0x80, $0x38;
	[tilespmem:$0x9F80] =	vst v63  }
0x13c: {  	s7 =	simm.s32 $0x7700  }
0x13d: {  	[tilespmem:s7], [sflag:$0x1] =	stream.linear.gather [spmem:s29], $0x80, $0x38;
	[tilespmem:$0x9F80] =	vst v63  }
0x13e: {  	s5 =	simm.s32 $0x0;
	_ =	swait.ge [sflag:s30], $0x280  }
0x13f: {  	s3 =	sand.u32 $0x1C00, s5;
	s6 =	sand.u32 $0x70, s5;
	[sflag:s30] =	ssyncset.done $0x0  }
0x140: {  	s3 =	sor.u32 s6, s3;
	[sflag:s30] =	ssyncadd.s32 $0xFFFFFD80  }
0x141: {  	v2 =	vld [tilespmem:s3+$0x5000]  }
0x142: {  	v3 =	vld [tilespmem:s3+$0x4F80];
	_ =	sdelay $0x1  }
0x143: {  	v4 =	vld [tilespmem:s3+$0x5080];
	_ =	sdelay $0x1  }
0x144: {  	v5 =	vld [tilespmem:s3+$0x5100]  }
0x145: {  	v2 =	vadd.f32 v2, v3  }
0x146: {  	v3 =	vld [tilespmem:s3+$0x5180]  }
0x147: {  	v2 =	vadd.f32 v4, v2  }
0x148: {  	v56 =	vld [tilespmem:s3+$0x5200]  }
0x149: {  	v2 =	vadd.f32 v5, v2  }
0x14a: {  	v57 =	vld [tilespmem:s3+$0x5280]  }
0x14b: {  	v2 =	vadd.f32 v3, v2  }
0x14c: {  	v3 =	vld [tilespmem:s3+$0x5300]  }
0x14d: {  	v2 =	vadd.f32 v56, v2  }
0x14e: {  	v58 =	vld [tilespmem:s3+$0x6380]  }
0x14f: {  	v2 =	vadd.f32 v57, v2  }
0x150: {  	v59 =	vld [tilespmem:s3+$0x6400]  }
0x151: {  	v2 =	vadd.f32 v3, v2  }
0x152: {  	v3 =	vld [tilespmem:s3+$0x6480]  }
0x153: {  	v2 =	vadd.f32 v58, v2  }
0x154: {  	v60 =	vld [tilespmem:s3+$0x6500]  }
0x155: {  	v2 =	vadd.f32 v59, v2  }
0x156: {  	v61 =	vld [tilespmem:s3+$0x6580]  }
0x157: {  	v2 =	vadd.f32 v3, v2  }
0x158: {  	v3 =	vld [tilespmem:s3+$0x6600]  }
0x159: {  	v2 =	vadd.f32 v60, v2  }
0x15a: {  	v62 =	vld [tilespmem:s3+$0x6680]  }
0x15b: {  	v2 =	vadd.f32 v61, v2  }
0x15c: {  	v63 =	vld [tilespmem:s3+$0x6700]  }
0x15d: {  	v2 =	vadd.f32 v3, v2;
	_ =	sdelay $0x1  }
0x15e: {  	v2 =	vadd.f32 v62, v2;
	_ =	sdelay $0x1  }
0x15f: {  	s5 =	simm.s32 $0x80;
	s7 =	simm.s32 $0x10;
	v2 =	vadd.f32 v63, v2  }
0x160: {  	s6 =	sand.u32 $0x1C00, s5;
	s3 =	sand.u32 $0x70, s7  }
0x161: {  	s3 =	sor.u32 s3, s6;
	s6 =	simm.s32 $0x20;
	[tilespmem:s0+$0x0] =	vst v2  }
.LBB2_6:
0x162: {  	p0 =	sne.s32 s6, $0x270;
	v2 =	vld [tilespmem:s3+$0x5000]  }
0x163: {  	v3 =	vld [tilespmem:s3+$0x4F80];
	_ =	sdelay $0x1  }
0x164: {  	v4 =	vld [tilespmem:s3+$0x5080];
	_ =	sdelay $0x1  }
0x165: {  	v5 =	vld [tilespmem:s3+$0x5100]  }
0x166: {  	v2 =	vadd.f32 v2, v3  }
0x167: {  	v3 =	vld [tilespmem:s3+$0x5180]  }
0x168: {  	v2 =	vadd.f32 v4, v2  }
0x169: {  	v4 =	vld [tilespmem:s3+$0x5200]  }
0x16a: {  	v2 =	vadd.f32 v5, v2  }
0x16b: {  	v5 =	vld [tilespmem:s3+$0x5280]  }
0x16c: {  	v2 =	vadd.f32 v3, v2  }
0x16d: {  	v3 =	vld [tilespmem:s3+$0x5300]  }
0x16e: {  	v2 =	vadd.f32 v4, v2  }
0x16f: {  	v4 =	vld [tilespmem:s3+$0x6380]  }
0x170: {  	v2 =	vadd.f32 v5, v2  }
0x171: {  	v5 =	vld [tilespmem:s3+$0x6400]  }
0x172: {  	v2 =	vadd.f32 v3, v2  }
0x173: {  	v3 =	vld [tilespmem:s3+$0x6480]  }
0x174: {  	v2 =	vadd.f32 v4, v2  }
0x175: {  	v4 =	vld [tilespmem:s3+$0x6500]  }
0x176: {  	v2 =	vadd.f32 v5, v2  }
0x177: {  	v5 =	vld [tilespmem:s3+$0x6580]  }
0x178: {  	v2 =	vadd.f32 v3, v2  }
0x179: {  	v3 =	vld [tilespmem:s3+$0x6600]  }
0x17a: {  	v2 =	vadd.f32 v4, v2  }
0x17b: {  	v4 =	vld [tilespmem:s3+$0x6680]  }
0x17c: {  	v2 =	vadd.f32 v5, v2  }
0x17d: {  	v5 =	vld [tilespmem:s3+$0x6700]  }
0x17e: {  	v2 =	vadd.f32 v3, v2;
	_ =	sdelay $0x1  }
.Ltmp2:
0x17f: {  	v2 =	vadd.f32 v4, v2;
	(pc) =	sbr.rel @p0 .LBB2_6-.Ltmp2, $4  }
0x180: {  	_ = 	snop  }
0x181: {  	s5 =	sadd.s32 $0x80, s5;
	v2 =	vadd.f32 v5, v2  }
0x182: {  	s0 =	sadd.s32 $0x10, s0;
	s7 =	sand.u32 $0x1C00, s5;
	s3 =	sand.u32 $0x70, s6  }
0x183: {  	s6 =	sadd.s32 $0x10, s6;
	s3 =	sor.u32 s3, s7;
	[tilespmem:s0+$0x0] =	vst v2  }
0x184: {  	v2 =	vld [tilespmem:s3+$0x5000]  }
0x185: {  	v3 =	vld [tilespmem:s3+$0x4F80];
	_ =	sdelay $0x1  }
0x186: {  	v4 =	vld [tilespmem:s3+$0x5080];
	_ =	sdelay $0x1  }
0x187: {  	v5 =	vld [tilespmem:s3+$0x5100]  }
0x188: {  	v2 =	vadd.f32 v2, v3  }
0x189: {  	v3 =	vld [tilespmem:s3+$0x5180]  }
0x18a: {  	v2 =	vadd.f32 v4, v2  }
0x18b: {  	v56 =	vld [tilespmem:s3+$0x5200]  }
0x18c: {  	v2 =	vadd.f32 v5, v2  }
0x18d: {  	v57 =	vld [tilespmem:s3+$0x5280]  }
0x18e: {  	v2 =	vadd.f32 v3, v2  }
0x18f: {  	v3 =	vld [tilespmem:s3+$0x5300]  }
0x190: {  	v2 =	vadd.f32 v56, v2  }
0x191: {  	v58 =	vld [tilespmem:s3+$0x6380]  }
0x192: {  	v2 =	vadd.f32 v57, v2  }
0x193: {  	v59 =	vld [tilespmem:s3+$0x6400]  }
0x194: {  	v2 =	vadd.f32 v3, v2  }
0x195: {  	v3 =	vld [tilespmem:s3+$0x6480]  }
0x196: {  	v2 =	vadd.f32 v58, v2  }
0x197: {  	v60 =	vld [tilespmem:s3+$0x6500]  }
0x198: {  	v2 =	vadd.f32 v59, v2  }
0x199: {  	v61 =	vld [tilespmem:s3+$0x6580]  }
0x19a: {  	v2 =	vadd.f32 v3, v2  }
0x19b: {  	v3 =	vld [tilespmem:s3+$0x6600]  }
0x19c: {  	v2 =	vadd.f32 v60, v2  }
0x19d: {  	v62 =	vld [tilespmem:s3+$0x6680]  }
0x19e: {  	v2 =	vadd.f32 v61, v2  }
0x19f: {  	v63 =	vld [tilespmem:s3+$0x6700]  }
0x1a0: {  	v2 =	vadd.f32 v3, v2;
	_ =	sdelay $0x1  }
0x1a1: {  	v2 =	vadd.f32 v62, v2;
	_ =	sdelay $0x1  }
0x1a2: {  	v2 =	vadd.f32 v63, v2  }
0x1a3: {  	s0 =	sadd.s32 $0x10, s0  }
0x1a4: {  	s5 =	rddreg [dreg:$0x15];
	s6 =	simm.s32 $0x100;
	[tilespmem:s0+$0x0] =	vst v2  }
0x1a5: {  	[hbm4b:s5+s1] =	stream.strided.scatter [tilespmem:s31], [sflag:$0x1], $0x280, s6, s1, $0x38;
	[tilespmem:$0x9F80] =	vst v63  }
0x1a6: {  	_ =	swait.ge [sflag:s30], $0x280  }
0x1a7: {  	s2 =	sadd.s32 $0x1, s2;
	s7 =	rddreg [dreg:$0x16]  }
0x1a8: {  	p0 =	sne.s32 s2, s7  }
.Ltmp3:
0x1a9: {  	_ = 	snop;
	(pc) =	sbr.rel @p0 .LBB2_1-.Ltmp3, $3  }
0x1aa: {  	_ =	sdelay $0x1  }
0x1ab: {  	[sflag:s30] =	ssyncset.done $0x0  }
0x1ac: {  	[sflag:s30] =	ssyncadd.s32 $0xFFFFFD80  }
0x1ad: {  	_ =	sfence.sel $0x180000  }
0x1ae: {  	[bflag:$0x0] =	sbarrier.arrive $0xFFFF  }
0x1af: {  	_ =	strace $0x90000047  }
0x1b0: {  	s0 =	stileid.u32;
	[bflag:$0x2] =	sbarrier.arrive $0xFFFF  }
0x1b1: {  	p0 =	sne.s32 s0, $0x0;
	s0 =	rddreg [dreg:$0x3]  }
0x1b2: {  	s0 =	sadd.s32 @!p0 $0x100000, s0  }
0x1b3: {  	[sflag:s0] =	ssyncadd.tile.s32 @!p0 $0x1;
	_ =	shalt  }
.Lfunc_end2:
_tile_overlayer_lowered:
.L_overlay_start_2:
0x1b4: {  	(tag) =	ssettag $0x2  }
0x1b5: {  	s0 =	rddreg [dreg:$0x0];
	s2 =	stileid.u32  }
0x1b6: {  	s1 =	rddreg [dreg:$0x1];
	p0 =	sne.s32 s2, $0x0  }
0x1b7: {  	s3 =	rddreg [dreg:$0x2];
	[bflag:$0x3] =	sbarrier.arrive $0xFFFF;
	s2 =	simm.s32 @!p0 $0x1C01  }
0x1b8: {  	[timem:s3], [sflag:s2] =	dma.local @!p0 [hbm:s0], s1  }
0x1b9: {  	s0 =	simm.s32 @!p0 $0x1  }
0x1ba: {  	_ =	swait.ge @!p0 [sflag:s0], s1  }
0x1bb: {  	s1 =	ssub.s32 @!p0 $0x0, s1;
	[sflag:s0] =	ssyncset.done @!p0 $0x0  }
0x1bc: {  	[sflag:s0] =	ssyncadd.s32 @!p0 s1  }
0x1bd: {  	[bflag:$0x3] =	sbarrier.arrive $0xFFFF  }
0x1be: {  	_ =	shalt  }

// kernel: kernel.13.cloned.1.call-start
scs
__scs_entry_jumppad:
0x0: {  	(pc) =	sbr.rel $0x88, $3  }
0x1: {  	(tag) =	ssettag $0x0;
	lr =	simm.s32 $0x1  }
0x2: {  	[smem:$0x3F9A] =	sst lr;
	_ =	strace $0xD0000000  }
0x3: {  	_ = 	snop  }
0x4: {  	_ = 	snop  }
0x5: {  	_ = 	snop  }
0x6: {  	_ = 	snop  }
0x7: {  	_ = 	snop  }
__scs_overlays_trampoline_lowered:
0x8: {  	[smem:$0x3FA9] =	sst s0  }
0x9: {  	[smem:$0x3FAA] =	sst s1  }
0xa: {  	[smem:$0x3FAB] =	sst s2  }
0xb: {  	[smem:$0x3FAC] =	sst s3  }
0xc: {  	[smem:$0x3FAD] =	sst s4  }
0xd: {  	[smem:$0x3FAE] =	sst s5  }
0xe: {  	[smem:$0x3FAF] =	sst s6  }
0xf: {  	[smem:$0x3FB0] =	sst s7  }
0x10: {  	[smem:$0x3FB1] =	sst s8  }
0x11: {  	[smem:$0x3FB2] =	sst s9;
	s0 =	simm.s32 @!p0 $0x0  }
0x12: {  	s1 =	sld [smem:$0x3F98];
	s0 =	simm.s32 @p0 $0x1  }
0x13: {  	[smem:$0x3FB3] =	sst s0;
	s0 =	simm.s32 @!p1 $0x0  }
0x14: {  	s2 =	sld [smem:$0x3F97];
	s0 =	simm.s32 @p1 $0x1  }
0x15: {  	[smem:$0x3FB4] =	sst s0;
	s0 =	simm.s32 @!p2 $0x0  }
0x16: {  	s3 =	sld [smem:$0x3FDB];
	s0 =	simm.s32 @p2 $0x1  }
0x17: {  	s4 =	simm.s32 $0x1BF5;
	[smem:$0x3FB6] =	sst s0  }
0x18: {  	s0 =	sld [smem:$0x3F99];
	_ =	swait.ge [sflag:s4], $0x0  }
0x19: {  	s7 =	sld [smem:$0x3F9A]  }
0x1a: {  	s8 =	sadd.s32 $0xFFFFE003, lr  }
0x1b: {  	s9 =	sadd.s32 $0xFFFFFEF7, lr;
	s5 =	simm.s32 $0xFFFFFFFF;
	p2 =	slt.u32 s8, $0xFFFFF086  }
0x1c: {  	p1 =	slt.u32 s9, $0xF7A;
	s5 =	simm.s32 @!p2 $0x0  }
0x1d: {  	s5 =	simm.s32 @p1 $0x1;
	p0 =	seq.s32 s7, s2  }
0x1e: {  	s7 =	smul.u32 @!p0 $0xF7A, s2;
	p2 =	seq.s32 @!p0 s5, $0x0  }
0x1f: {  	s9 =	smul.u32 $0xF7A, s1;
	s8 =	simm.s32 @!p0 $0x1BF5;
	p2 =	por !p2, p0  }
0x20: {  	[sflag:s8] =	ssyncset.s32 @!p0 $0xFFFFF086;
	s6 =	sadd.s32 @!p0 s3, s7;
	s7 =	simm.s32 @!p0 $0x108  }
0x21: {  	s3 =	sadd.s32 s3, s9;
	s6 =	sadd.s32 @!p0 $0x88, s6;
	s7 =	simm.s32 @p2 $0x1082  }
0x22: {  	[simem:s7], [sflag:s8] =	dma.local @!p0 [hbm:s6], $0xF7A  }
0x23: {  	s9 =	sor.u32 $0xD0000000, s2;
	s6 =	simm.s32 $0x108;
	_ =	swait.ge @!p0 [sflag:s8], $0x0  }
0x24: {  	s3 =	sadd.s32 $0x88, s3;
	s6 =	simm.s32 @!p1 $0x1082;
	[sflag:s4] =	ssyncset.s32 $0xFFFFF086  }
0x25: {  	[simem:s6], [sflag:s4] =	dma.local [hbm:s3], $0xF7A  }
0x26: {  	[smem:$0x3F9A] =	sst s1;
	(tag) =	ssettag s2;
	_ =	strace s9  }
0x27: {  	s1 =	sld [smem:$0x3FAA]  }
0x28: {  	s2 =	sld [smem:$0x3FAB]  }
0x29: {  	s4 =	sld [smem:$0x3FAD]  }
0x2a: {  	p0 =	seq.s32 s5, $0x0;
	s5 =	sld [smem:$0x3FAE]  }
0x2b: {  	s6 =	sld [smem:$0x3FAF]  }
0x2c: {  	s7 =	sld [smem:$0x3FB0]  }
0x2d: {  	s3 =	simm.s32 $0x108;
	s8 =	sld [smem:$0x3FB1]  }
0x2e: {  	s3 =	simm.s32 @!p0 $0x1082;
	s9 =	sld [smem:$0x3FB2]  }
0x2f: {  	lr =	sadd.s32 s0, s3;
	s0 =	sld [smem:$0x3FA9]  }
0x30: {  	s3 =	sld [smem:$0x3FAC]  }
0x31: {  	[smem:$0x3FB5] =	sst s10  }
0x32: {  	s10 =	sld [smem:$0x3FB3];
	_ =	sdelay $0x3  }
0x33: {  	p0 =	seq.s32 s10, $0x1;
	s10 =	sld [smem:$0x3FB5];
	_ =	sdelay $0x3  }
0x34: {  	[smem:$0x3FB5] =	sst s10  }
0x35: {  	s10 =	sld [smem:$0x3FB4];
	_ =	sdelay $0x3  }
0x36: {  	p1 =	seq.s32 s10, $0x1;
	s10 =	sld [smem:$0x3FB5];
	_ =	sdelay $0x3  }
0x37: {  	[smem:$0x3FB5] =	sst s10  }
0x38: {  	s10 =	sld [smem:$0x3FB6]  }
0x39: {  	_ = 	snop;
	(pc) =	sbr.ind lr, $3  }
0x3a: {  	_ = 	snop  }
0x3b: {  	_ = 	snop  }
0x3c: {  	p2 =	seq.s32 s10, $0x1;
	s10 =	sld [smem:$0x3FB5]  }
0x3d: {  	_ =	shalt  }
0x3e: {  	_ =	shalt  }
0x3f: {  	_ =	shalt  }
0x40: {  	_ =	shalt  }
0x41: {  	_ =	shalt  }
0x42: {  	_ =	shalt  }
0x43: {  	_ =	shalt  }
0x44: {  	_ =	shalt  }
0x45: {  	_ =	shalt  }
0x46: {  	_ =	shalt  }
0x47: {  	_ =	shalt  }
0x48: {  	_ =	shalt  }
0x49: {  	_ =	shalt  }
0x4a: {  	_ =	shalt  }
0x4b: {  	_ =	shalt  }
0x4c: {  	_ =	shalt  }
0x4d: {  	_ =	shalt  }
0x4e: {  	_ =	shalt  }
0x4f: {  	_ =	shalt  }
0x50: {  	_ =	shalt  }
0x51: {  	_ =	shalt  }
0x52: {  	_ =	shalt  }
0x53: {  	_ =	shalt  }
0x54: {  	_ =	shalt  }
0x55: {  	_ =	shalt  }
0x56: {  	_ =	shalt  }
0x57: {  	_ =	shalt  }
0x58: {  	_ =	shalt  }
0x59: {  	_ =	shalt  }
0x5a: {  	_ =	shalt  }
0x5b: {  	_ =	shalt  }
0x5c: {  	_ =	shalt  }
0x5d: {  	_ =	shalt  }
0x5e: {  	_ =	shalt  }
0x5f: {  	_ =	shalt  }
0x60: {  	_ =	shalt  }
0x61: {  	_ =	shalt  }
0x62: {  	_ =	shalt  }
0x63: {  	_ =	shalt  }
0x64: {  	_ =	shalt  }
0x65: {  	_ =	shalt  }
0x66: {  	_ =	shalt  }
0x67: {  	_ =	shalt  }
0x68: {  	_ =	shalt  }
0x69: {  	_ =	shalt  }
0x6a: {  	_ =	shalt  }
0x6b: {  	_ =	shalt  }
0x6c: {  	_ =	shalt  }
0x6d: {  	_ =	shalt  }
0x6e: {  	_ =	shalt  }
0x6f: {  	_ =	shalt  }
0x70: {  	_ =	shalt  }
0x71: {  	_ =	shalt  }
0x72: {  	_ =	shalt  }
0x73: {  	_ =	shalt  }
0x74: {  	_ =	shalt  }
0x75: {  	_ =	shalt  }
0x76: {  	_ =	shalt  }
0x77: {  	_ =	shalt  }
0x78: {  	_ =	shalt  }
0x79: {  	_ =	shalt  }
0x7a: {  	_ =	shalt  }
0x7b: {  	_ =	shalt  }
0x7c: {  	_ =	shalt  }
0x7d: {  	_ =	shalt  }
0x7e: {  	_ =	shalt  }
0x7f: {  	_ =	shalt  }
0x80: {  	_ =	shalt  }
0x81: {  	_ =	shalt  }
0x82: {  	_ =	shalt  }
0x83: {  	_ =	shalt  }
0x84: {  	_ =	shalt  }
0x85: {  	_ =	shalt  }
0x86: {  	_ =	shalt  }
0x87: {  	_ =	shalt  }
.Lfunc_end0:
.L_simem_size_0:
called_computation.1_lowered:
.L_overlay_start_0:
0x88: {  	s2 =	sld [smem:$0x3FD9]  }
0x89: {  	s3 =	sld [smem:$0x3FFE];
	_ =	sdelay $0x1  }
0x8a: {  	s1 =	srdreg.scid  }
0x8b: {  	s0 =	sand.u32 $0x1, s1  }
0x8c: {  	s17 =	sshll.u32 s0, $0xA;
	s2 =	sadd.s32 s3, s2  }
0x8d: {  	s2 =	sadd.s32 s2, s17  }
0x8e: {  	[smem:$0x3FC1] =	sst s2  }
0x8f: {  	_ = 	snop  }
0x90: {  	(tm) =	ssettm $0x1  }
0x91: {  	s18 =	sld [smem:$0x3FFB];
	_ =	sdelay $0x3  }
0x92: {  	_ =	strace s18  }
0x93: {  	s2 =	sld [smem:$0x3FFC];
	_ =	sdelay $0x3  }
0x94: {  	_ =	strace s2  }
0x95: {  	s2 =	sld [smem:$0x3FFD];
	_ =	sdelay $0x3  }
0x96: {  	_ =	strace s2  }
0x97: {  	_ =	strace $0x8FFFFFFF  }
0x98: {  	s19 =	sld [smem:$0x3FDB];
	_ =	sdelay $0x1  }
0x99: {  	s20 =	simm.s32 $_scs_section_size  }
0x9a: {  	s4 =	simm.s32 $_size__tile_overlayer_lowered;
	s5 =	simm.s32 $_tile_overlayer_lowered  }
0x9b: {  	s6 =	simm.s32 $0x1BFF;
	s21 =	sshll.u32 s5, $0x1;
	s3 =	sadd.s32 s20, s19  }
0x9c: {  	s22 =	simm.s32 $0x0;
	s4 =	sshll.u32 s4, $0x1;
	s5 =	sadd.s32 s21, s3  }
0x9d: {  	[timem:s22], [sflag:s6] =	dma.local [hbm:s5], s4  }
0x9e: {  	_ =	swait.ge [sflag:s6], s4  }
0x9f: {  	s4 =	ssub.s32 $0x0, s4;
	[sflag:s6] =	ssyncset.done $0x0  }
0xa0: {  	[sflag:s6] =	ssyncadd.s32 s4;
	_ =	sdelay $0x1  }
0xa1: {  	s23 =	simm.s32 $0x1B8B  }
0xa2: {  	_ =	swait.ge [sflag:s23], $0x1  }
0xa3: {  	[sflag:s23] =	ssyncset.done $0x0  }
0xa4: {  	[sflag:s23] =	ssyncadd.s32 $0xFFFFFFFF  }
0xa5: {  	s4 =	sld [smem:$0x0]  }
0xa6: {  	s5 =	sand.u32 $0xFFFFFFFE, s1  }
0xa7: {  	p0 =	sne.s32 s1, s5  }
0xa8: {  	s5 =	sshll.u32 @p0 s5, $0xE  }
0xa9: {  	s5 =	sadd.s32 @p0 $0x11B8D, s5;
	s6 =	sshll.u32 @p0 s4, $0x11  }
0xaa: {  	s5 =	sor.u32 @p0 s6, s5  }
0xab: {  	[sflag:s5] =	ssyncadd.remote.s32 @p0 $0x1;
	_ =	sdelay $0x1  }
0xac: {  	s5 =	simm.s32 @p0 $0x1B8D  }
0xad: {  	_ =	swait.eq @p0 [sflag:s5], $0x1  }
0xae: {  	[sflag:s5] =	ssyncadd.s32 @p0 $0xFFFFFFFF  }
0xaf: {  	s6 =	sshll.u32 @!p0 s1, $0xE  }
0xb0: {  	s6 =	sor.u32 @!p0 $0x4000, s6;
	s5 =	simm.s32 @!p0 $0x1B8D  }
0xb1: {  	s4 =	sshll.u32 @!p0 s4, $0x11;
	s6 =	sadd.s32 @!p0 $0x11B8D, s6;
	_ =	swait.eq @!p0 [sflag:s5], $0x1  }
0xb2: {  	s4 =	sor.u32 @!p0 s4, s6;
	[sflag:s5] =	ssyncadd.s32 @!p0 $0xFFFFFFFF  }
0xb3: {  	s25 =	simm.s32 $0x1B8E;
	s24 =	sld [smem:$0x3FFE];
	[sflag:s4] =	ssyncadd.remote.s32 @!p0 $0x1  }
0xb4: {  	s26 =	simm.s32 $execute0_lowered;
	[smem:$0x3FD2] =	sst s25  }
0xb5: {  	s5 =	sshll.u32 s26, $0x1;
	_ =	strace $0x80000049;
	[dreg:$0x1] =	wrdreg $0xFFFFFFFF  }
0xb6: {  	s28 =	simm.s32 $_size_execute0_lowered;
	s3 =	sadd.s32 s3, s5;
	[dreg:$0x0] =	wrdreg $0x0  }
0xb7: {  	s5 =	sshll.u32 s28, $0x1;
	[dreg:$0x2] =	wrdreg s3  }
0xb8: {  	[dreg:$0x3] =	wrdreg s5  }
0xb9: {  	[dreg:$0x4] =	wrdreg $0xC0  }
0xba: {  	_ =	task [dreg:s22], $0x5FFFF  }
0xbb: {  	[dreg:$0x1] =	wrdreg $0xFFFFFFFF  }
0xbc: {  	[dreg:$0x0] =	wrdreg $0x60  }
0xbd: {  	[dreg:$0x2] =	wrdreg s24  }
0xbe: {  	[dreg:$0x3] =	wrdreg $0x5C000  }
0xbf: {  	[dreg:$0x4] =	wrdreg $0xA  }
0xc0: {  	_ =	task.clear_ibuf [dreg:s22], $0x5FFFF;
	_ =	strace $0x90000049  }
0xc1: {  	s29 =	simm.s32 $0xA;
	_ =	strace $0x8000004B  }
0xc2: {  	_ =	swait.ge [sflag:s29], $0x1  }
0xc3: {  	[sflag:s29] =	ssyncadd.s32 $0xFFFFFFFF  }
0xc4: {  	_ =	strace $0x9000004B  }
0xc5: {  	_ =	sfence  }
0xc6: {  	s30 =	sld [smem:$0x0];
	_ =	sdelay $0x2  }
0xc7: {  	s31 =	sshll.u32 s1, $0xD;
	s1 =	sshrl.u32 s1, $0x2  }
0xc8: {  	s4 =	sand.u32 $0x4000, s31;
	s1 =	sadd.s32 s1, s30  }
0xc9: {  	s0 =	sor.u32 s4, s0;
	s1 =	sshll.u32 s1, $0x11  }
0xca: {  	s0 =	sor.u32 s1, s0  }
0xcb: {  	s0 =	sadd.s32 $0x8F2B, s0  }
0xcc: {  	[sflag:s0] =	ssyncadd.remote.s32 $0x1  }
0xcd: {  	_ =	sfence.sel $0xFFFF  }
0xce: {  	[dreg:$0x0] =	wrdreg $0xFFFFFFFF;
	(pc) =	sbr.abs _section_cstart, $3  }
0xcf: {  	[dreg:$0x1] =	wrdreg $0xFFFFFFFF  }
0xd0: {  	_ =	task.clear_ibuf [dreg:s22], $0x2FFFF;
	_ =	strace $0x9FFFFFFF  }
0xd1: {  	(tm) =	ssettm $0x7FFFFFFF  }
tec
execute0_lowered:
.L_overlay_start_1:
0x0: {  	(tag) =	ssettag $0x1  }
0x1: {  	s5 =	rddreg [dreg:$0x0]  }
0x2: {  	s1 =	rddreg [dreg:$0x1];
	s2 =	srdreg.scid  }
0x3: {  	s3 =	simm.s32 $0x0;
	s0 =	stileid.u32;
	s18 =	simm.s32 $0x80  }
0x4: {  	s19 =	simm.s32 $0x280;
	s20 =	simm.s32 $0x1;
	s21 =	simm.s32 $0x50  }
0x5: {  	s22 =	simm.s32 $0x400;
	s23 =	simm.s32 $0x8;
	s24 =	simm.s32 $0x7  }
0x6: {  	s6 =	sand.u32 $0x1, s2;
	[smem:$0x7FF] =	sst s3;
	s8 =	smul.u32 $0x13C00, s0  }
0x7: {  	s4 =	sadd.s32 $0x16600, s5;
	s14 =	sadd.s32 $0xC800, s5;
	s9 =	smul.u32 $0x4F000, s0  }
0x8: {  	s13 =	sadd.s32 $0x2A00, s5;
	s25 =	sshll.u32 s0, $0x1;
	s29 =	smul.u32 $0x4E20, s0  }
0x9: {  	s7 =	smul.u32 $0x13C000, s6;
	_ =	strace $0x8000004A;
	s26 =	ssub.s32 $0x2, s6  }
0xa: {  	s15 =	smul.u32 $0x2710, s6;
	s10 =	sshrl.u32 s26, $0x1;
	s28 =	sshrl.u32 s9, $0x2  }
0xb: {  	s7 =	sadd.s32 s8, s7;
	s8 =	sor.u32 s6, s25;
	s16 =	ssub.s32 s26, s10  }
0xc: {  	s31 =	sadd.s32 s15, s29;
	s7 =	sshrl.u32 s7, $0x3;
	s8 =	smul.u32 $0x2710, s8  }
0xd: {  	s15 =	sadd.s32 $0xA0, s31;
	s11 =	sadd.s32 s7, s5;
	s5 =	sadd.s32 s28, s1  }
.Ltmp0:
0xe: {  	s15 =	sshrl.u32 s15, $0x3;
	s12 =	sshrl.u32 s8, $0x3;
	(pc) =	sbr.rel .LBB2_1-.Ltmp0, $4  }
0xf: {  	s6 =	sadd.s32 $0x13800, s5;
	s11 =	sadd.s32 $0x3DE00, s11;
	s7 =	sadd.s32 s14, s12  }
0x10: {  	s8 =	sadd.s32 s13, s12;
	s30 =	sadd.s32 $0xA, s12;
	s12 =	smax.u32 s16, $0x1  }
0x11: {  	s16 =	simm.s32 $0x9;
	s9 =	sadd.s32 s14, s30;
	s10 =	sadd.s32 s13, s30  }
0x12: {  	v0 =	vimm.f32 $0.0e+00;
	s13 =	sadd.s32 s15, s13;
	s14 =	sadd.s32 s15, s14;
	s15 =	simm.s32 $0x5400  }
.LBB2_10:
0x13: {  	_ =	swait.ge [sflag:s23], $0x2800  }
0x14: {  	[sflag:s23] =	ssyncset.done $0x0  }
0x15: {  	[sflag:s23] =	ssyncadd.s32 $0xFFFFD800  }
0x16: {  	s0 =	stileid.u32;
	_ =	swait.ge [sflag:s24], $0x2800  }
0x17: {  	s2 =	sshrl.u32 s5, $0x3;
	s3 =	sadd.s32 $0x1, s3;
	[sflag:s24] =	ssyncset.done $0x0  }
0x18: {  	s0 =	sshll.u32 s0, $0x6;
	p0 =	sne.s32 s3, s12;
	[sflag:s24] =	ssyncadd.s32 $0xFFFFD800  }
.Ltmp1:
0x19: {  	s0 =	sor.u32 $0x1C09, s0;
	[bflag:$0x0] =	sbarrier.arrive $0xFFFF;
	(pc) =	sbr.rel @!p0 .LBB2_11-.Ltmp1, $4  }
0x1a: {  	[hbm:s11], [sflag:s0] =	dma.local [spmem:s2], $0x2780  }
0x1b: {  	_ =	swait.ge [sflag:s16], $0x2780  }
0x1c: {  	[sflag:s16] =	ssyncset.done $0x0  }
0x1d: {  	[sflag:s16] =	ssyncadd.s32 $0xFFFFD880  }
.LBB2_1:
0x1e: {  	s25 =	simm.s32 $0x0;
	s26 =	simm.s32 $0x200  }
.LBB2_2:
0x1f: {  	p0 =	sne.s32 s26, $0x1E00;
	[tilespmem:s25+$0x5470] =	vst v0  }
0x20: {  	[tilespmem:s25+$0x5400] =	vst v0  }
0x21: {  	[tilespmem:s25+$0x5410] =	vst v0  }
.Ltmp2:
0x22: {  	[tilespmem:s25+$0x5420] =	vst v0;
	(pc) =	sbr.rel @p0 .LBB2_2-.Ltmp2, $4  }
0x23: {  	[tilespmem:s25+$0x5430] =	vst v0  }
0x24: {  	[tilespmem:s25+$0x5440] =	vst v0  }
0x25: {  	[tilespmem:s25+$0x5450] =	vst v0  }
0x26: {  	[tilespmem:s25+$0x5460] =	vst v0;
	s25 =	sshra.s32 s26, $0x2;
	s26 =	sadd.s32 $0x200, s26  }
0x27: {  	[tilespmem:s25+$0x5470] =	vst v0  }
0x28: {  	[tilespmem:s25+$0x5400] =	vst v0  }
0x29: {  	[tilespmem:s25+$0x5410] =	vst v0  }
0x2a: {  	[tilespmem:s25+$0x5420] =	vst v0  }
0x2b: {  	[tilespmem:s25+$0x5430] =	vst v0  }
0x2c: {  	[tilespmem:s25+$0x5440] =	vst v0  }
0x2d: {  	[tilespmem:s25+$0x5450] =	vst v0  }
0x2e: {  	[tilespmem:s25+$0x5460] =	vst v0;
	s31 =	sadd.s32 $0x0, s5  }
0x2f: {  	[spmem:s31] =	stream.linear.scatter [tilespmem:s15], [sflag:$0x9], $0x800, $0x38;
	[tilespmem:$0x19800] =	vst v63  }
0x30: {  	s25 =	simm.s32 $0x2000;
	_ =	swait.ge [sflag:s16], $0x800  }
.LBB2_4:
0x31: {  	s26 =	sshra.s32 s25, $0x2;
	[sflag:s16] =	ssyncset.done $0x0;
	p0 =	sne.s32 s25, $0x4C000  }
.Ltmp3:
0x32: {  	s26 =	sadd.s32 s26, s5;
	[sflag:s16] =	ssyncadd.s32 $0xFFFFF800;
	(pc) =	sbr.rel @p0 .LBB2_4-.Ltmp3, $3  }
0x33: {  	[spmem:s26] =	stream.linear.scatter [tilespmem:s15], [sflag:$0x9], $0x800, $0x38;
	[tilespmem:$0x19800] =	vst v63  }
0x34: {  	s25 =	sadd.s32 $0x2000, s25;
	_ =	sdelay $0x1  }
0x35: {  	_ =	swait.ge [sflag:s16], $0x800  }
0x36: {  	[sflag:s16] =	ssyncset.done $0x0  }
0x37: {  	[sflag:s16] =	ssyncadd.s32 $0xFFFFF800  }
0x38: {  	[spmem:s6] =	stream.linear.scatter [tilespmem:s15], [sflag:$0x9], $0x400, $0x38;
	[tilespmem:$0x19800] =	vst v63  }
0x39: {  	_ =	swait.ge [sflag:s16], $0x400  }
0x3a: {  	[sflag:s16] =	ssyncset.done $0x0  }
0x3b: {  	[sflag:s16] =	ssyncadd.s32 $0xFFFFFC00  }
0x3c: {  	s25 =	simm.s32 $0x0;
	[bflag:$0x0] =	sbarrier.arrive $0xFFFF  }
0x3d: {  	[tilespmem:s25], [sflag:$0x1] =	stream.linear.gather [hbm4b:s7+s25], $0x50, $0x38;
	[tilespmem:$0x19800] =	vst v63  }
0x3e: {  	s0 =	simm.s32 $0x200  }
0x3f: {  	[tilespmem:s0], [sflag:$0x1] =	stream.linear.gather [hbm4b:s8+s25], $0x50, $0x38;
	[tilespmem:$0x19800] =	vst v63  }
0x40: {  	_ = 	snop  }
0x41: {  	[tilespmem:s18], [sflag:$0x2] =	stream.linear.gather [hbm4b:s9+s25], $0x50, $0x38;
	[tilespmem:$0x19800] =	vst v63  }
0x42: {  	_ = 	snop  }
0x43: {  	[tilespmem:s19], [sflag:$0x2] =	stream.linear.gather [hbm4b:s10+s25], $0x50, $0x38;
	[tilespmem:$0x19800] =	vst v63  }
0x44: {  	_ =	swait.ge [sflag:s20], $0x50  }
0x45: {  	[sflag:s20] =	ssyncset.done $0x0  }
.Ltmp4:
0x46: {  	[sflag:s20] =	ssyncadd.s32 $0xFFFFFFB0;
	(pc) =	sbr.rel .LBB2_6-.Ltmp4, $4  }
0x47: {  	_ =	swait.ge [sflag:s20], $0x50  }
0x48: {  	s26 =	simm.s32 $0x2;
	[sflag:s20] =	ssyncset.done $0x0  }
0x49: {  	s28 =	smov.u32 s14;
	s29 =	smov.u32 s13;
	[sflag:s20] =	ssyncadd.s32 $0xFFFFFFB0  }
0x4a: {  	[tilespmem:s22], [sflag:$0x5] =	stream.indirect.gather [hbm4b:s4+s21], $0x80, s25, s21, $0xb8;
	[tilespmem:$0x19800] =	vst v63  }
.LBB2_9:
0x4b: {  	s0 =	sadd.s32 $0xFFFFFFFF, s26  }
0x4c: {  	s2 =	sand.u32 $0x3, s0  }
0x4d: {  	s17 =	sadd.s32 $0x1, s2  }
0x4e: {  	s26 =	sadd.s32 $0x1, s26;
	s0 =	sand.u32 $0x1, s0;
	_ =	swait.ge [sflag:s17], $0x50  }
0x4f: {  	p0 =	sne.s32 s26, $0x7F;
	s30 =	smul.u32 $0xA000, s0;
	[sflag:s17] =	ssyncset.done $0x0  }
.Ltmp5:
0x50: {  	s29 =	sadd.s32 $0xA, s29;
	[sflag:s17] =	ssyncadd.s32 $0xFFFFFFB0;
	(pc) =	sbr.rel @!p0 .LBB2_10-.Ltmp5, $4  }
0x51: {  	s28 =	sadd.s32 $0xA, s28;
	s25 =	sadd.s32 $0x80, s25;
	_ =	swait.ge [sflag:s17], $0x50  }
0x52: {  	s2 =	sshll.u32 s2, $0x7;
	s31 =	sshrl.u32 s30, $0x2;
	[sflag:s17] =	ssyncset.done $0x0  }
0x53: {  	s0 =	sadd.s32 $0x5, s0;
	[sflag:s17] =	ssyncadd.s32 $0xFFFFFFB0;
	s17 =	sor.u32 $0x400, s31  }
0x54: {  	[tilespmem:s17], [sflag:s0] =	stream.indirect.gather [hbm4b:s4+s21], $0x80, s2, s21, $0xb8;
	[tilespmem:$0x19800] =	vst v63  }
.LBB2_6:
0x55: {  	s31 =	sadd.s32 $0xFFFFFFFE, s26  }
0x56: {  	s30 =	sand.u32 $0x1, s31  }
0x57: {  	s0 =	smul.u32 $0xA000, s30  }
0x58: {  	s2 =	sadd.s32 $0x5, s30  }
0x59: {  	s17 =	sand.u32 $0x180, s25;
	_ =	swait.ge [sflag:s2], $0x2800;
	s0 =	sshrl.u32 s0, $0x2  }
0x5a: {  	p0 =	sgt.u32 s31, $0x7A;
	[sflag:s2] =	ssyncset.done $0x0;
	s0 =	sor.u32 $0x400, s0  }
0x5b: {  	[sflag:s2] =	ssyncadd.s32 $0xFFFFD800;
	s2 =	sor.u32 $0x200, s17;
	s17 =	sadd.s32 $0x7, s30  }
0x5c: {  	[spmem:s1] =	stream.indirect.scatter.add.f32 [tilespmem:s0], [sflag:s17], $0x80, s2, s21, $0xb8;
	[tilespmem:$0x19800] =	vst v63  }
0x5d: {  	s0 =	sand.u32 @!p0 $0x3, s26  }
0x5e: {  	s17 =	simm.s32 @!p0 $0x0;
	s2 =	sadd.s32 @!p0 $0x1, s0;
	s0 =	sshll.u32 @!p0 s0, $0x7  }
0x5f: {  	[tilespmem:s0], [sflag:s2] =	stream.linear.gather @!p0 [hbm4b:s28+s17], $0x50, $0x38;
	[tilespmem:$0x19800] =	vst v63  }
0x60: {  	s0 =	sor.u32 @!p0 $0x200, s0  }
0x61: {  	[tilespmem:s0], [sflag:s2] =	stream.linear.gather @!p0 [hbm4b:s29+s17], $0x50, $0x38;
	[tilespmem:$0x19800] =	vst v63  }
0x62: {  	p0 =	seq.s32 s31, $0x0  }
.Ltmp6:
0x63: {  	_ = 	snop;
	(pc) =	sbr.rel @p0 .LBB2_9-.Ltmp6, $1  }
0x64: {  	_ =	sdelay $0x3  }
0x65: {  	p0 =	seq.s32 s31, $0x7C  }
.Ltmp7:
0x66: {  	_ = 	snop;
	(pc) =	sbr.rel @p0 .LBB2_10-.Ltmp7, $1  }
0x67: {  	_ =	sdelay $0x3  }
.Ltmp8:
0x68: {  	s0 =	sxor.u32 $0x1, s30;
	(pc) =	sbr.rel .LBB2_9-.Ltmp8, $4  }
0x69: {  	s0 =	sadd.s32 $0x7, s0  }
0x6a: {  	_ =	swait.ge [sflag:s0], $0x2800  }
0x6b: {  	[sflag:s0] =	ssyncset.done $0x0  }
0x6c: {  	[sflag:s0] =	ssyncadd.s32 $0xFFFFD800  }
.LBB2_11:
0x6d: {  	_ =	sfence.sel $0x180000  }
0x6e: {  	[bflag:$0x0] =	sbarrier.arrive $0xFFFF  }
0x6f: {  	_ =	strace $0x9000004A  }
0x70: {  	s0 =	stileid.u32;
	[bflag:$0x2] =	sbarrier.arrive $0xFFFF  }
0x71: {  	p0 =	sne.s32 s0, $0x0;
	s0 =	rddreg [dreg:$0x2]  }
0x72: {  	s0 =	sadd.s32 @!p0 $0x100000, s0  }
0x73: {  	[sflag:s0] =	ssyncadd.tile.s32 @!p0 $0x1;
	_ =	shalt  }
.Lfunc_end2:
_tile_overlayer_lowered:
.L_overlay_start_2:
0x74: {  	(tag) =	ssettag $0x2  }
0x75: {  	s0 =	rddreg [dreg:$0x0];
	s2 =	stileid.u32  }
0x76: {  	s1 =	rddreg [dreg:$0x1];
	p0 =	sne.s32 s2, $0x0  }
0x77: {  	s3 =	rddreg [dreg:$0x2];
	[bflag:$0x3] =	sbarrier.arrive $0xFFFF;
	s2 =	simm.s32 @!p0 $0x1C09  }
0x78: {  	[timem:s3], [sflag:s2] =	dma.local @!p0 [hbm:s0], s1  }
0x79: {  	s0 =	simm.s32 @!p0 $0x9  }
0x7a: {  	_ =	swait.ge @!p0 [sflag:s0], s1  }
0x7b: {  	s1 =	ssub.s32 @!p0 $0x0, s1;
	[sflag:s0] =	ssyncset.done @!p0 $0x0  }
0x7c: {  	[sflag:s0] =	ssyncadd.s32 @!p0 s1  }
0x7d: {  	[bflag:$0x3] =	sbarrier.arrive $0xFFFF  }
0x7e: {  	_ =	shalt  }

// kernel: kernel.16.cloned.1.call-start
scs
__scs_entry_jumppad:
0x0: {  	(pc) =	sbr.rel $0x88, $3  }
0x1: {  	(tag) =	ssettag $0x0;
	lr =	simm.s32 $0x1  }
0x2: {  	[smem:$0x3F9A] =	sst lr;
	_ =	strace $0xD0000000  }
0x3: {  	_ = 	snop  }
0x4: {  	_ = 	snop  }
0x5: {  	_ = 	snop  }
0x6: {  	_ = 	snop  }
0x7: {  	_ = 	snop  }
__scs_overlays_trampoline_lowered:
0x8: {  	[smem:$0x3FA9] =	sst s0  }
0x9: {  	[smem:$0x3FAA] =	sst s1  }
0xa: {  	[smem:$0x3FAB] =	sst s2  }
0xb: {  	[smem:$0x3FAC] =	sst s3  }
0xc: {  	[smem:$0x3FAD] =	sst s4  }
0xd: {  	[smem:$0x3FAE] =	sst s5  }
0xe: {  	[smem:$0x3FAF] =	sst s6  }
0xf: {  	[smem:$0x3FB0] =	sst s7  }
0x10: {  	[smem:$0x3FB1] =	sst s8  }
0x11: {  	[smem:$0x3FB2] =	sst s9;
	s0 =	simm.s32 @!p0 $0x0  }
0x12: {  	s1 =	sld [smem:$0x3F98];
	s0 =	simm.s32 @p0 $0x1  }
0x13: {  	[smem:$0x3FB3] =	sst s0;
	s0 =	simm.s32 @!p1 $0x0  }
0x14: {  	s2 =	sld [smem:$0x3F97];
	s0 =	simm.s32 @p1 $0x1  }
0x15: {  	[smem:$0x3FB4] =	sst s0;
	s0 =	simm.s32 @!p2 $0x0  }
0x16: {  	s3 =	sld [smem:$0x3FDB];
	s0 =	simm.s32 @p2 $0x1  }
0x17: {  	s4 =	simm.s32 $0x1BF5;
	[smem:$0x3FB6] =	sst s0  }
0x18: {  	s0 =	sld [smem:$0x3F99];
	_ =	swait.ge [sflag:s4], $0x0  }
0x19: {  	s7 =	sld [smem:$0x3F9A]  }
0x1a: {  	s8 =	sadd.s32 $0xFFFFE003, lr  }
0x1b: {  	s9 =	sadd.s32 $0xFFFFFEF7, lr;
	s5 =	simm.s32 $0xFFFFFFFF;
	p2 =	slt.u32 s8, $0xFFFFF086  }
0x1c: {  	p1 =	slt.u32 s9, $0xF7A;
	s5 =	simm.s32 @!p2 $0x0  }
0x1d: {  	s5 =	simm.s32 @p1 $0x1;
	p0 =	seq.s32 s7, s2  }
0x1e: {  	s7 =	smul.u32 @!p0 $0xF7A, s2;
	p2 =	seq.s32 @!p0 s5, $0x0  }
0x1f: {  	s9 =	smul.u32 $0xF7A, s1;
	s8 =	simm.s32 @!p0 $0x1BF5;
	p2 =	por !p2, p0  }
0x20: {  	[sflag:s8] =	ssyncset.s32 @!p0 $0xFFFFF086;
	s6 =	sadd.s32 @!p0 s3, s7;
	s7 =	simm.s32 @!p0 $0x108  }
0x21: {  	s3 =	sadd.s32 s3, s9;
	s6 =	sadd.s32 @!p0 $0x88, s6;
	s7 =	simm.s32 @p2 $0x1082  }
0x22: {  	[simem:s7], [sflag:s8] =	dma.local @!p0 [hbm:s6], $0xF7A  }
0x23: {  	s9 =	sor.u32 $0xD0000000, s2;
	s6 =	simm.s32 $0x108;
	_ =	swait.ge @!p0 [sflag:s8], $0x0  }
0x24: {  	s3 =	sadd.s32 $0x88, s3;
	s6 =	simm.s32 @!p1 $0x1082;
	[sflag:s4] =	ssyncset.s32 $0xFFFFF086  }
0x25: {  	[simem:s6], [sflag:s4] =	dma.local [hbm:s3], $0xF7A  }
0x26: {  	[smem:$0x3F9A] =	sst s1;
	(tag) =	ssettag s2;
	_ =	strace s9  }
0x27: {  	s1 =	sld [smem:$0x3FAA]  }
0x28: {  	s2 =	sld [smem:$0x3FAB]  }
0x29: {  	s4 =	sld [smem:$0x3FAD]  }
0x2a: {  	p0 =	seq.s32 s5, $0x0;
	s5 =	sld [smem:$0x3FAE]  }
0x2b: {  	s6 =	sld [smem:$0x3FAF]  }
0x2c: {  	s7 =	sld [smem:$0x3FB0]  }
0x2d: {  	s3 =	simm.s32 $0x108;
	s8 =	sld [smem:$0x3FB1]  }
0x2e: {  	s3 =	simm.s32 @!p0 $0x1082;
	s9 =	sld [smem:$0x3FB2]  }
0x2f: {  	lr =	sadd.s32 s0, s3;
	s0 =	sld [smem:$0x3FA9]  }
0x30: {  	s3 =	sld [smem:$0x3FAC]  }
0x31: {  	[smem:$0x3FB5] =	sst s10  }
0x32: {  	s10 =	sld [smem:$0x3FB3];
	_ =	sdelay $0x3  }
0x33: {  	p0 =	seq.s32 s10, $0x1;
	s10 =	sld [smem:$0x3FB5];
	_ =	sdelay $0x3  }
0x34: {  	[smem:$0x3FB5] =	sst s10  }
0x35: {  	s10 =	sld [smem:$0x3FB4];
	_ =	sdelay $0x3  }
0x36: {  	p1 =	seq.s32 s10, $0x1;
	s10 =	sld [smem:$0x3FB5];
	_ =	sdelay $0x3  }
0x37: {  	[smem:$0x3FB5] =	sst s10  }
0x38: {  	s10 =	sld [smem:$0x3FB6]  }
0x39: {  	_ = 	snop;
	(pc) =	sbr.ind lr, $3  }
0x3a: {  	_ = 	snop  }
0x3b: {  	_ = 	snop  }
0x3c: {  	p2 =	seq.s32 s10, $0x1;
	s10 =	sld [smem:$0x3FB5]  }
0x3d: {  	_ =	shalt  }
0x3e: {  	_ =	shalt  }
0x3f: {  	_ =	shalt  }
0x40: {  	_ =	shalt  }
0x41: {  	_ =	shalt  }
0x42: {  	_ =	shalt  }
0x43: {  	_ =	shalt  }
0x44: {  	_ =	shalt  }
0x45: {  	_ =	shalt  }
0x46: {  	_ =	shalt  }
0x47: {  	_ =	shalt  }
0x48: {  	_ =	shalt  }
0x49: {  	_ =	shalt  }
0x4a: {  	_ =	shalt  }
0x4b: {  	_ =	shalt  }
0x4c: {  	_ =	shalt  }
0x4d: {  	_ =	shalt  }
0x4e: {  	_ =	shalt  }
0x4f: {  	_ =	shalt  }
0x50: {  	_ =	shalt  }
0x51: {  	_ =	shalt  }
0x52: {  	_ =	shalt  }
0x53: {  	_ =	shalt  }
0x54: {  	_ =	shalt  }
0x55: {  	_ =	shalt  }
0x56: {  	_ =	shalt  }
0x57: {  	_ =	shalt  }
0x58: {  	_ =	shalt  }
0x59: {  	_ =	shalt  }
0x5a: {  	_ =	shalt  }
0x5b: {  	_ =	shalt  }
0x5c: {  	_ =	shalt  }
0x5d: {  	_ =	shalt  }
0x5e: {  	_ =	shalt  }
0x5f: {  	_ =	shalt  }
0x60: {  	_ =	shalt  }
0x61: {  	_ =	shalt  }
0x62: {  	_ =	shalt  }
0x63: {  	_ =	shalt  }
0x64: {  	_ =	shalt  }
0x65: {  	_ =	shalt  }
0x66: {  	_ =	shalt  }
0x67: {  	_ =	shalt  }
0x68: {  	_ =	shalt  }
0x69: {  	_ =	shalt  }
0x6a: {  	_ =	shalt  }
0x6b: {  	_ =	shalt  }
0x6c: {  	_ =	shalt  }
0x6d: {  	_ =	shalt  }
0x6e: {  	_ =	shalt  }
0x6f: {  	_ =	shalt  }
0x70: {  	_ =	shalt  }
0x71: {  	_ =	shalt  }
0x72: {  	_ =	shalt  }
0x73: {  	_ =	shalt  }
0x74: {  	_ =	shalt  }
0x75: {  	_ =	shalt  }
0x76: {  	_ =	shalt  }
0x77: {  	_ =	shalt  }
0x78: {  	_ =	shalt  }
0x79: {  	_ =	shalt  }
0x7a: {  	_ =	shalt  }
0x7b: {  	_ =	shalt  }
0x7c: {  	_ =	shalt  }
0x7d: {  	_ =	shalt  }
0x7e: {  	_ =	shalt  }
0x7f: {  	_ =	shalt  }
0x80: {  	_ =	shalt  }
0x81: {  	_ =	shalt  }
0x82: {  	_ =	shalt  }
0x83: {  	_ =	shalt  }
0x84: {  	_ =	shalt  }
0x85: {  	_ =	shalt  }
0x86: {  	_ =	shalt  }
0x87: {  	_ =	shalt  }
.Lfunc_end0:
.L_simem_size_0:
called_computation.2_lowered:
.L_overlay_start_0:
0x88: {  	s2 =	sld [smem:$0x3FD9]  }
0x89: {  	s3 =	sld [smem:$0x3FFE];
	_ =	sdelay $0x1  }
0x8a: {  	s1 =	srdreg.scid  }
0x8b: {  	s0 =	sand.u32 $0x1, s1  }
0x8c: {  	s16 =	sshll.u32 s0, $0xA;
	s2 =	sadd.s32 s3, s2  }
0x8d: {  	s2 =	sadd.s32 s2, s16  }
0x8e: {  	[smem:$0x3FC1] =	sst s2  }
0x8f: {  	_ = 	snop  }
0x90: {  	(tm) =	ssettm $0x1  }
0x91: {  	s17 =	sld [smem:$0x3FFB];
	_ =	sdelay $0x3  }
0x92: {  	_ =	strace s17  }
0x93: {  	s2 =	sld [smem:$0x3FFC];
	_ =	sdelay $0x3  }
0x94: {  	_ =	strace s2  }
0x95: {  	s2 =	sld [smem:$0x3FFD];
	_ =	sdelay $0x3  }
0x96: {  	_ =	strace s2  }
0x97: {  	_ =	strace $0x8FFFFFFF  }
0x98: {  	s18 =	sld [smem:$0x3FDB];
	_ =	sdelay $0x1  }
0x99: {  	s19 =	simm.s32 $_scs_section_size  }
0x9a: {  	s4 =	simm.s32 $_size__tile_overlayer_lowered;
	s5 =	simm.s32 $_tile_overlayer_lowered  }
0x9b: {  	s22 =	simm.s32 $0x1BFF;
	s21 =	sshll.u32 s5, $0x1;
	s2 =	sadd.s32 s19, s18  }
0x9c: {  	s6 =	simm.s32 $0x0;
	s20 =	sshll.u32 s4, $0x1;
	s4 =	sadd.s32 s21, s2  }
0x9d: {  	[timem:s6], [sflag:s22] =	dma.local [hbm:s4], s20  }
0x9e: {  	_ =	swait.ge [sflag:s22], s20  }
0x9f: {  	s3 =	ssub.s32 $0x0, s20;
	[sflag:s22] =	ssyncset.done $0x0  }
0xa0: {  	[sflag:s22] =	ssyncadd.s32 s3;
	_ =	sdelay $0x1  }
0xa1: {  	s23 =	simm.s32 $0x1B8B  }
0xa2: {  	_ =	swait.ge [sflag:s23], $0x1  }
0xa3: {  	[sflag:s23] =	ssyncset.done $0x0  }
0xa4: {  	s25 =	simm.s32 $0x1B8E;
	s24 =	sld [smem:$0x3FFE];
	[sflag:s23] =	ssyncadd.s32 $0xFFFFFFFF  }
0xa5: {  	s26 =	simm.s32 $execute0_lowered;
	[smem:$0x3FD2] =	sst s25  }
0xa6: {  	s4 =	sshll.u32 s26, $0x1;
	_ =	strace $0x8000004C;
	[dreg:$0x1] =	wrdreg $0xFFFFFFFF  }
0xa7: {  	s28 =	simm.s32 $_size_execute0_lowered;
	s2 =	sadd.s32 s2, s4;
	[dreg:$0x0] =	wrdreg $0x0  }
0xa8: {  	s4 =	sshll.u32 s28, $0x1;
	[dreg:$0x2] =	wrdreg s2  }
0xa9: {  	[dreg:$0x3] =	wrdreg s4  }
0xaa: {  	[dreg:$0x4] =	wrdreg $0xC0  }
0xab: {  	_ =	task [dreg:s6], $0x5FFFF  }
0xac: {  	[dreg:$0x1] =	wrdreg $0xFFFFFFFF  }
0xad: {  	[dreg:$0x0] =	wrdreg $0x60  }
0xae: {  	[dreg:$0x2] =	wrdreg s24  }
0xaf: {  	[dreg:$0x3] =	wrdreg $0x5C000  }
0xb0: {  	[dreg:$0x4] =	wrdreg $0x9  }
0xb1: {  	_ =	task.clear_ibuf [dreg:s6], $0x5FFFF;
	_ =	strace $0x9000004C  }
0xb2: {  	s29 =	simm.s32 $0x9;
	_ =	strace $0x8000004E  }
0xb3: {  	_ =	swait.ge [sflag:s29], $0x1  }
0xb4: {  	[sflag:s29] =	ssyncadd.s32 $0xFFFFFFFF  }
0xb5: {  	_ =	strace $0x9000004E  }
0xb6: {  	_ =	sfence  }
0xb7: {  	s30 =	sld [smem:$0x0];
	_ =	sdelay $0x2  }
0xb8: {  	s31 =	sshll.u32 s1, $0xD;
	s1 =	sshrl.u32 s1, $0x2  }
0xb9: {  	s3 =	sand.u32 $0x4000, s31;
	s1 =	sadd.s32 s1, s30  }
0xba: {  	s0 =	sor.u32 s3, s0;
	s1 =	sshll.u32 s1, $0x11  }
0xbb: {  	s0 =	sor.u32 s1, s0  }
0xbc: {  	s0 =	sadd.s32 $0x8F2B, s0  }
0xbd: {  	[sflag:s0] =	ssyncadd.remote.s32 $0x1  }
0xbe: {  	_ =	sfence.sel $0xFFFF  }
0xbf: {  	[dreg:$0x0] =	wrdreg $0xFFFFFFFF;
	(pc) =	sbr.abs _section_cstart, $3  }
0xc0: {  	[dreg:$0x1] =	wrdreg $0xFFFFFFFF  }
0xc1: {  	_ =	task.clear_ibuf [dreg:s6], $0x2FFFF;
	_ =	strace $0x9FFFFFFF  }
0xc2: {  	(tm) =	ssettm $0x7FFFFFFF  }
0xc3: {  	_ =	shalt  }
tec
execute0_lowered:
.L_overlay_start_1:
0x0: {  	(tag) =	ssettag $0x1  }
0x1: {  	s5 =	rddreg [dreg:$0x0]  }
0x2: {  	s1 =	rddreg [dreg:$0x1];
	s2 =	srdreg.scid  }
0x3: {  	s3 =	simm.s32 $0x0;
	s0 =	stileid.u32;
	s18 =	simm.s32 $0x80  }
0x4: {  	s19 =	simm.s32 $0x280;
	s20 =	simm.s32 $0x1;
	s21 =	simm.s32 $0x50  }
0x5: {  	s22 =	simm.s32 $0x400;
	s23 =	simm.s32 $0x8;
	s24 =	simm.s32 $0x7  }
0x6: {  	s6 =	sand.u32 $0x1, s2;
	[smem:$0x7FF] =	sst s3;
	s8 =	smul.u32 $0x13C00, s0  }
0x7: {  	s4 =	sadd.s32 $0x3DE00, s5;
	s14 =	sadd.s32 $0xC800, s5;
	s9 =	smul.u32 $0x4F000, s0  }
0x8: {  	s13 =	sadd.s32 $0x2A00, s5;
	s25 =	sshll.u32 s0, $0x1;
	s29 =	smul.u32 $0x4E20, s0  }
0x9: {  	s7 =	smul.u32 $0x13C000, s6;
	_ =	strace $0x8000004D;
	s26 =	ssub.s32 $0x2, s6  }
0xa: {  	s15 =	smul.u32 $0x2710, s6;
	s10 =	sshrl.u32 s26, $0x1;
	s28 =	sshrl.u32 s9, $0x2  }
0xb: {  	s7 =	sadd.s32 s8, s7;
	s8 =	sor.u32 s6, s25;
	s16 =	ssub.s32 s26, s10  }
0xc: {  	s31 =	sadd.s32 s15, s29;
	s7 =	sshrl.u32 s7, $0x3;
	s8 =	smul.u32 $0x2710, s8  }
0xd: {  	s15 =	sadd.s32 $0xA0, s31;
	s11 =	sadd.s32 s7, s5;
	s5 =	sadd.s32 s28, s1  }
.Ltmp0:
0xe: {  	s15 =	sshrl.u32 s15, $0x3;
	s12 =	sshrl.u32 s8, $0x3;
	(pc) =	sbr.rel .LBB2_1-.Ltmp0, $4  }
0xf: {  	s6 =	sadd.s32 $0x13800, s5;
	s11 =	sadd.s32 $0xDCE00, s11;
	s7 =	sadd.s32 s14, s12  }
0x10: {  	s8 =	sadd.s32 s13, s12;
	s30 =	sadd.s32 $0xA, s12;
	s12 =	smax.u32 s16, $0x1  }
0x11: {  	s16 =	simm.s32 $0x9;
	s9 =	sadd.s32 s14, s30;
	s10 =	sadd.s32 s13, s30  }
0x12: {  	v0 =	vimm.f32 $0.0e+00;
	s13 =	sadd.s32 s15, s13;
	s14 =	sadd.s32 s15, s14;
	s15 =	simm.s32 $0x5400  }
.LBB2_10:
0x13: {  	_ =	swait.ge [sflag:s23], $0x2800  }
0x14: {  	[sflag:s23] =	ssyncset.done $0x0  }
0x15: {  	[sflag:s23] =	ssyncadd.s32 $0xFFFFD800  }
0x16: {  	s0 =	stileid.u32;
	_ =	swait.ge [sflag:s24], $0x2800  }
0x17: {  	s2 =	sshrl.u32 s5, $0x3;
	s3 =	sadd.s32 $0x1, s3;
	[sflag:s24] =	ssyncset.done $0x0  }
0x18: {  	s0 =	sshll.u32 s0, $0x6;
	p0 =	sne.s32 s3, s12;
	[sflag:s24] =	ssyncadd.s32 $0xFFFFD800  }
.Ltmp1:
0x19: {  	s0 =	sor.u32 $0x1C09, s0;
	[bflag:$0x0] =	sbarrier.arrive $0xFFFF;
	(pc) =	sbr.rel @!p0 .LBB2_11-.Ltmp1, $4  }
0x1a: {  	[hbm:s11], [sflag:s0] =	dma.local [spmem:s2], $0x2780  }
0x1b: {  	_ =	swait.ge [sflag:s16], $0x2780  }
0x1c: {  	[sflag:s16] =	ssyncset.done $0x0  }
0x1d: {  	[sflag:s16] =	ssyncadd.s32 $0xFFFFD880  }
.LBB2_1:
0x1e: {  	s25 =	simm.s32 $0x0;
	s26 =	simm.s32 $0x200  }
.LBB2_2:
0x1f: {  	p0 =	sne.s32 s26, $0x1E00;
	[tilespmem:s25+$0x5470] =	vst v0  }
0x20: {  	[tilespmem:s25+$0x5400] =	vst v0  }
0x21: {  	[tilespmem:s25+$0x5410] =	vst v0  }
.Ltmp2:
0x22: {  	[tilespmem:s25+$0x5420] =	vst v0;
	(pc) =	sbr.rel @p0 .LBB2_2-.Ltmp2, $4  }
0x23: {  	[tilespmem:s25+$0x5430] =	vst v0  }
0x24: {  	[tilespmem:s25+$0x5440] =	vst v0  }
0x25: {  	[tilespmem:s25+$0x5450] =	vst v0  }
0x26: {  	[tilespmem:s25+$0x5460] =	vst v0;
	s25 =	sshra.s32 s26, $0x2;
	s26 =	sadd.s32 $0x200, s26  }
0x27: {  	[tilespmem:s25+$0x5470] =	vst v0  }
0x28: {  	[tilespmem:s25+$0x5400] =	vst v0  }
0x29: {  	[tilespmem:s25+$0x5410] =	vst v0  }
0x2a: {  	[tilespmem:s25+$0x5420] =	vst v0  }
0x2b: {  	[tilespmem:s25+$0x5430] =	vst v0  }
0x2c: {  	[tilespmem:s25+$0x5440] =	vst v0  }
0x2d: {  	[tilespmem:s25+$0x5450] =	vst v0  }
0x2e: {  	[tilespmem:s25+$0x5460] =	vst v0;
	s31 =	sadd.s32 $0x0, s5  }
0x2f: {  	[spmem:s31] =	stream.linear.scatter [tilespmem:s15], [sflag:$0x9], $0x800, $0x38;
	[tilespmem:$0x19800] =	vst v63  }
0x30: {  	s25 =	simm.s32 $0x2000;
	_ =	swait.ge [sflag:s16], $0x800  }
.LBB2_4:
0x31: {  	s26 =	sshra.s32 s25, $0x2;
	[sflag:s16] =	ssyncset.done $0x0;
	p0 =	sne.s32 s25, $0x4C000  }
.Ltmp3:
0x32: {  	s26 =	sadd.s32 s26, s5;
	[sflag:s16] =	ssyncadd.s32 $0xFFFFF800;
	(pc) =	sbr.rel @p0 .LBB2_4-.Ltmp3, $3  }
0x33: {  	[spmem:s26] =	stream.linear.scatter [tilespmem:s15], [sflag:$0x9], $0x800, $0x38;
	[tilespmem:$0x19800] =	vst v63  }
0x34: {  	s25 =	sadd.s32 $0x2000, s25;
	_ =	sdelay $0x1  }
0x35: {  	_ =	swait.ge [sflag:s16], $0x800  }
0x36: {  	[sflag:s16] =	ssyncset.done $0x0  }
0x37: {  	[sflag:s16] =	ssyncadd.s32 $0xFFFFF800  }
0x38: {  	[spmem:s6] =	stream.linear.scatter [tilespmem:s15], [sflag:$0x9], $0x400, $0x38;
	[tilespmem:$0x19800] =	vst v63  }
0x39: {  	_ =	swait.ge [sflag:s16], $0x400  }
0x3a: {  	[sflag:s16] =	ssyncset.done $0x0  }
0x3b: {  	[sflag:s16] =	ssyncadd.s32 $0xFFFFFC00  }
0x3c: {  	s25 =	simm.s32 $0x0;
	[bflag:$0x0] =	sbarrier.arrive $0xFFFF  }
0x3d: {  	[tilespmem:s25], [sflag:$0x1] =	stream.linear.gather [hbm4b:s7+s25], $0x50, $0x38;
	[tilespmem:$0x19800] =	vst v63  }
0x3e: {  	s0 =	simm.s32 $0x200  }
0x3f: {  	[tilespmem:s0], [sflag:$0x1] =	stream.linear.gather [hbm4b:s8+s25], $0x50, $0x38;
	[tilespmem:$0x19800] =	vst v63  }
0x40: {  	_ = 	snop  }
0x41: {  	[tilespmem:s18], [sflag:$0x2] =	stream.linear.gather [hbm4b:s9+s25], $0x50, $0x38;
	[tilespmem:$0x19800] =	vst v63  }
0x42: {  	_ = 	snop  }
0x43: {  	[tilespmem:s19], [sflag:$0x2] =	stream.linear.gather [hbm4b:s10+s25], $0x50, $0x38;
	[tilespmem:$0x19800] =	vst v63  }
0x44: {  	_ =	swait.ge [sflag:s20], $0x50  }
0x45: {  	[sflag:s20] =	ssyncset.done $0x0  }
.Ltmp4:
0x46: {  	[sflag:s20] =	ssyncadd.s32 $0xFFFFFFB0;
	(pc) =	sbr.rel .LBB2_6-.Ltmp4, $4  }
0x47: {  	_ =	swait.ge [sflag:s20], $0x50  }
0x48: {  	s26 =	simm.s32 $0x2;
	[sflag:s20] =	ssyncset.done $0x0  }
0x49: {  	s28 =	smov.u32 s14;
	s29 =	smov.u32 s13;
	[sflag:s20] =	ssyncadd.s32 $0xFFFFFFB0  }
0x4a: {  	[tilespmem:s22], [sflag:$0x5] =	stream.indirect.gather [hbm4b:s4+s21], $0x80, s25, s21, $0xb8;
	[tilespmem:$0x19800] =	vst v63  }
.LBB2_9:
0x4b: {  	s0 =	sadd.s32 $0xFFFFFFFF, s26  }
0x4c: {  	s2 =	sand.u32 $0x3, s0  }
0x4d: {  	s17 =	sadd.s32 $0x1, s2  }
0x4e: {  	s26 =	sadd.s32 $0x1, s26;
	s0 =	sand.u32 $0x1, s0;
	_ =	swait.ge [sflag:s17], $0x50  }
0x4f: {  	p0 =	sne.s32 s26, $0x7F;
	s30 =	smul.u32 $0xA000, s0;
	[sflag:s17] =	ssyncset.done $0x0  }
.Ltmp5:
0x50: {  	s29 =	sadd.s32 $0xA, s29;
	[sflag:s17] =	ssyncadd.s32 $0xFFFFFFB0;
	(pc) =	sbr.rel @!p0 .LBB2_10-.Ltmp5, $4  }
0x51: {  	s28 =	sadd.s32 $0xA, s28;
	s25 =	sadd.s32 $0x80, s25;
	_ =	swait.ge [sflag:s17], $0x50  }
0x52: {  	s2 =	sshll.u32 s2, $0x7;
	s31 =	sshrl.u32 s30, $0x2;
	[sflag:s17] =	ssyncset.done $0x0  }
0x53: {  	s0 =	sadd.s32 $0x5, s0;
	[sflag:s17] =	ssyncadd.s32 $0xFFFFFFB0;
	s17 =	sor.u32 $0x400, s31  }
0x54: {  	[tilespmem:s17], [sflag:s0] =	stream.indirect.gather [hbm4b:s4+s21], $0x80, s2, s21, $0xb8;
	[tilespmem:$0x19800] =	vst v63  }
.LBB2_6:
0x55: {  	s31 =	sadd.s32 $0xFFFFFFFE, s26  }
0x56: {  	s30 =	sand.u32 $0x1, s31  }
0x57: {  	s0 =	smul.u32 $0xA000, s30  }
0x58: {  	s2 =	sadd.s32 $0x5, s30  }
0x59: {  	s17 =	sand.u32 $0x180, s25;
	_ =	swait.ge [sflag:s2], $0x2800;
	s0 =	sshrl.u32 s0, $0x2  }
0x5a: {  	p0 =	sgt.u32 s31, $0x7A;
	[sflag:s2] =	ssyncset.done $0x0;
	s0 =	sor.u32 $0x400, s0  }
0x5b: {  	[sflag:s2] =	ssyncadd.s32 $0xFFFFD800;
	s2 =	sor.u32 $0x200, s17;
	s17 =	sadd.s32 $0x7, s30  }
0x5c: {  	[spmem:s1] =	stream.indirect.scatter.add.f32 [tilespmem:s0], [sflag:s17], $0x80, s2, s21, $0xb8;
	[tilespmem:$0x19800] =	vst v63  }
0x5d: {  	s0 =	sand.u32 @!p0 $0x3, s26  }
0x5e: {  	s17 =	simm.s32 @!p0 $0x0;
	s2 =	sadd.s32 @!p0 $0x1, s0;
	s0 =	sshll.u32 @!p0 s0, $0x7  }
0x5f: {  	[tilespmem:s0], [sflag:s2] =	stream.linear.gather @!p0 [hbm4b:s28+s17], $0x50, $0x38;
	[tilespmem:$0x19800] =	vst v63  }
0x60: {  	s0 =	sor.u32 @!p0 $0x200, s0  }
0x61: {  	[tilespmem:s0], [sflag:s2] =	stream.linear.gather @!p0 [hbm4b:s29+s17], $0x50, $0x38;
	[tilespmem:$0x19800] =	vst v63  }
0x62: {  	p0 =	seq.s32 s31, $0x0  }
.Ltmp6:
0x63: {  	_ = 	snop;
	(pc) =	sbr.rel @p0 .LBB2_9-.Ltmp6, $1  }
0x64: {  	_ =	sdelay $0x3  }
0x65: {  	p0 =	seq.s32 s31, $0x7C  }
.Ltmp7:
0x66: {  	_ = 	snop;
	(pc) =	sbr.rel @p0 .LBB2_10-.Ltmp7, $1  }
0x67: {  	_ =	sdelay $0x3  }
.Ltmp8:
0x68: {  	s0 =	sxor.u32 $0x1, s30;
	(pc) =	sbr.rel .LBB2_9-.Ltmp8, $4  }
0x69: {  	s0 =	sadd.s32 $0x7, s0  }
0x6a: {  	_ =	swait.ge [sflag:s0], $0x2800  }
0x6b: {  	[sflag:s0] =	ssyncset.done $0x0  }
0x6c: {  	[sflag:s0] =	ssyncadd.s32 $0xFFFFD800  }
.LBB2_11:
0x6d: {  	_ =	sfence.sel $0x180000  }
0x6e: {  	[bflag:$0x0] =	sbarrier.arrive $0xFFFF  }
0x6f: {  	_ =	strace $0x9000004D  }
0x70: {  	s0 =	stileid.u32;
	[bflag:$0x2] =	sbarrier.arrive $0xFFFF  }
0x71: {  	p0 =	sne.s32 s0, $0x0;
	s0 =	rddreg [dreg:$0x2]  }
0x72: {  	s0 =	sadd.s32 @!p0 $0x100000, s0  }
0x73: {  	[sflag:s0] =	ssyncadd.tile.s32 @!p0 $0x1;
	_ =	shalt  }
.Lfunc_end2:
_tile_overlayer_lowered:
.L_overlay_start_2:
0x74: {  	(tag) =	ssettag $0x2  }
0x75: {  	s0 =	rddreg [dreg:$0x0];
	s2 =	stileid.u32  }
0x76: {  	s1 =	rddreg [dreg:$0x1];
	p0 =	sne.s32 s2, $0x0  }
0x77: {  	s3 =	rddreg [dreg:$0x2];
	[bflag:$0x3] =	sbarrier.arrive $0xFFFF;
	s2 =	simm.s32 @!p0 $0x1C09  }
0x78: {  	[timem:s3], [sflag:s2] =	dma.local @!p0 [hbm:s0], s1  }
0x79: {  	s0 =	simm.s32 @!p0 $0x9  }
0x7a: {  	_ =	swait.ge @!p0 [sflag:s0], s1  }
0x7b: {  	s1 =	ssub.s32 @!p0 $0x0, s1;
	[sflag:s0] =	ssyncset.done @!p0 $0x0  }
0x7c: {  	[sflag:s0] =	ssyncadd.s32 @!p0 s1  }
0x7d: {  	[bflag:$0x3] =	sbarrier.arrive $0xFFFF  }
0x7e: {  	_ =	shalt  }

// kernel: kernel.19.cloned.1.call-start
scs
__scs_entry_jumppad:
0x0: {  	(pc) =	sbr.rel $0x88, $3  }
0x1: {  	(tag) =	ssettag $0x0;
	lr =	simm.s32 $0x1  }
0x2: {  	[smem:$0x3F9A] =	sst lr;
	_ =	strace $0xD0000000  }
0x3: {  	_ = 	snop  }
0x4: {  	_ = 	snop  }
0x5: {  	_ = 	snop  }
0x6: {  	_ = 	snop  }
0x7: {  	_ = 	snop  }
__scs_overlays_trampoline_lowered:
0x8: {  	[smem:$0x3FA9] =	sst s0  }
0x9: {  	[smem:$0x3FAA] =	sst s1  }
0xa: {  	[smem:$0x3FAB] =	sst s2  }
0xb: {  	[smem:$0x3FAC] =	sst s3  }
0xc: {  	[smem:$0x3FAD] =	sst s4  }
0xd: {  	[smem:$0x3FAE] =	sst s5  }
0xe: {  	[smem:$0x3FAF] =	sst s6  }
0xf: {  	[smem:$0x3FB0] =	sst s7  }
0x10: {  	[smem:$0x3FB1] =	sst s8  }
0x11: {  	[smem:$0x3FB2] =	sst s9;
	s0 =	simm.s32 @!p0 $0x0  }
0x12: {  	s1 =	sld [smem:$0x3F98];
	s0 =	simm.s32 @p0 $0x1  }
0x13: {  	[smem:$0x3FB3] =	sst s0;
	s0 =	simm.s32 @!p1 $0x0  }
0x14: {  	s2 =	sld [smem:$0x3F97];
	s0 =	simm.s32 @p1 $0x1  }
0x15: {  	[smem:$0x3FB4] =	sst s0;
	s0 =	simm.s32 @!p2 $0x0  }
0x16: {  	s3 =	sld [smem:$0x3FDB];
	s0 =	simm.s32 @p2 $0x1  }
0x17: {  	s4 =	simm.s32 $0x1BF5;
	[smem:$0x3FB6] =	sst s0  }
0x18: {  	s0 =	sld [smem:$0x3F99];
	_ =	swait.ge [sflag:s4], $0x0  }
0x19: {  	s7 =	sld [smem:$0x3F9A]  }
0x1a: {  	s8 =	sadd.s32 $0xFFFFE003, lr  }
0x1b: {  	s9 =	sadd.s32 $0xFFFFFEF7, lr;
	s5 =	simm.s32 $0xFFFFFFFF;
	p2 =	slt.u32 s8, $0xFFFFF086  }
0x1c: {  	p1 =	slt.u32 s9, $0xF7A;
	s5 =	simm.s32 @!p2 $0x0  }
0x1d: {  	s5 =	simm.s32 @p1 $0x1;
	p0 =	seq.s32 s7, s2  }
0x1e: {  	s7 =	smul.u32 @!p0 $0xF7A, s2;
	p2 =	seq.s32 @!p0 s5, $0x0  }
0x1f: {  	s9 =	smul.u32 $0xF7A, s1;
	s8 =	simm.s32 @!p0 $0x1BF5;
	p2 =	por !p2, p0  }
0x20: {  	[sflag:s8] =	ssyncset.s32 @!p0 $0xFFFFF086;
	s6 =	sadd.s32 @!p0 s3, s7;
	s7 =	simm.s32 @!p0 $0x108  }
0x21: {  	s3 =	sadd.s32 s3, s9;
	s6 =	sadd.s32 @!p0 $0x88, s6;
	s7 =	simm.s32 @p2 $0x1082  }
0x22: {  	[simem:s7], [sflag:s8] =	dma.local @!p0 [hbm:s6], $0xF7A  }
0x23: {  	s9 =	sor.u32 $0xD0000000, s2;
	s6 =	simm.s32 $0x108;
	_ =	swait.ge @!p0 [sflag:s8], $0x0  }
0x24: {  	s3 =	sadd.s32 $0x88, s3;
	s6 =	simm.s32 @!p1 $0x1082;
	[sflag:s4] =	ssyncset.s32 $0xFFFFF086  }
0x25: {  	[simem:s6], [sflag:s4] =	dma.local [hbm:s3], $0xF7A  }
0x26: {  	[smem:$0x3F9A] =	sst s1;
	(tag) =	ssettag s2;
	_ =	strace s9  }
0x27: {  	s1 =	sld [smem:$0x3FAA]  }
0x28: {  	s2 =	sld [smem:$0x3FAB]  }
0x29: {  	s4 =	sld [smem:$0x3FAD]  }
0x2a: {  	p0 =	seq.s32 s5, $0x0;
	s5 =	sld [smem:$0x3FAE]  }
0x2b: {  	s6 =	sld [smem:$0x3FAF]  }
0x2c: {  	s7 =	sld [smem:$0x3FB0]  }
0x2d: {  	s3 =	simm.s32 $0x108;
	s8 =	sld [smem:$0x3FB1]  }
0x2e: {  	s3 =	simm.s32 @!p0 $0x1082;
	s9 =	sld [smem:$0x3FB2]  }
0x2f: {  	lr =	sadd.s32 s0, s3;
	s0 =	sld [smem:$0x3FA9]  }
0x30: {  	s3 =	sld [smem:$0x3FAC]  }
0x31: {  	[smem:$0x3FB5] =	sst s10  }
0x32: {  	s10 =	sld [smem:$0x3FB3];
	_ =	sdelay $0x3  }
0x33: {  	p0 =	seq.s32 s10, $0x1;
	s10 =	sld [smem:$0x3FB5];
	_ =	sdelay $0x3  }
0x34: {  	[smem:$0x3FB5] =	sst s10  }
0x35: {  	s10 =	sld [smem:$0x3FB4];
	_ =	sdelay $0x3  }
0x36: {  	p1 =	seq.s32 s10, $0x1;
	s10 =	sld [smem:$0x3FB5];
	_ =	sdelay $0x3  }
0x37: {  	[smem:$0x3FB5] =	sst s10  }
0x38: {  	s10 =	sld [smem:$0x3FB6]  }
0x39: {  	_ = 	snop;
	(pc) =	sbr.ind lr, $3  }
0x3a: {  	_ = 	snop  }
0x3b: {  	_ = 	snop  }
0x3c: {  	p2 =	seq.s32 s10, $0x1;
	s10 =	sld [smem:$0x3FB5]  }
0x3d: {  	_ =	shalt  }
0x3e: {  	_ =	shalt  }
0x3f: {  	_ =	shalt  }
0x40: {  	_ =	shalt  }
0x41: {  	_ =	shalt  }
0x42: {  	_ =	shalt  }
0x43: {  	_ =	shalt  }
0x44: {  	_ =	shalt  }
0x45: {  	_ =	shalt  }
0x46: {  	_ =	shalt  }
0x47: {  	_ =	shalt  }
0x48: {  	_ =	shalt  }
0x49: {  	_ =	shalt  }
0x4a: {  	_ =	shalt  }
0x4b: {  	_ =	shalt  }
0x4c: {  	_ =	shalt  }
0x4d: {  	_ =	shalt  }
0x4e: {  	_ =	shalt  }
0x4f: {  	_ =	shalt  }
0x50: {  	_ =	shalt  }
0x51: {  	_ =	shalt  }
0x52: {  	_ =	shalt  }
0x53: {  	_ =	shalt  }
0x54: {  	_ =	shalt  }
0x55: {  	_ =	shalt  }
0x56: {  	_ =	shalt  }
0x57: {  	_ =	shalt  }
0x58: {  	_ =	shalt  }
0x59: {  	_ =	shalt  }
0x5a: {  	_ =	shalt  }
0x5b: {  	_ =	shalt  }
0x5c: {  	_ =	shalt  }
0x5d: {  	_ =	shalt  }
0x5e: {  	_ =	shalt  }
0x5f: {  	_ =	shalt  }
0x60: {  	_ =	shalt  }
0x61: {  	_ =	shalt  }
0x62: {  	_ =	shalt  }
0x63: {  	_ =	shalt  }
0x64: {  	_ =	shalt  }
0x65: {  	_ =	shalt  }
0x66: {  	_ =	shalt  }
0x67: {  	_ =	shalt  }
0x68: {  	_ =	shalt  }
0x69: {  	_ =	shalt  }
0x6a: {  	_ =	shalt  }
0x6b: {  	_ =	shalt  }
0x6c: {  	_ =	shalt  }
0x6d: {  	_ =	shalt  }
0x6e: {  	_ =	shalt  }
0x6f: {  	_ =	shalt  }
0x70: {  	_ =	shalt  }
0x71: {  	_ =	shalt  }
0x72: {  	_ =	shalt  }
0x73: {  	_ =	shalt  }
0x74: {  	_ =	shalt  }
0x75: {  	_ =	shalt  }
0x76: {  	_ =	shalt  }
0x77: {  	_ =	shalt  }
0x78: {  	_ =	shalt  }
0x79: {  	_ =	shalt  }
0x7a: {  	_ =	shalt  }
0x7b: {  	_ =	shalt  }
0x7c: {  	_ =	shalt  }
0x7d: {  	_ =	shalt  }
0x7e: {  	_ =	shalt  }
0x7f: {  	_ =	shalt  }
0x80: {  	_ =	shalt  }
0x81: {  	_ =	shalt  }
0x82: {  	_ =	shalt  }
0x83: {  	_ =	shalt  }
0x84: {  	_ =	shalt  }
0x85: {  	_ =	shalt  }
0x86: {  	_ =	shalt  }
0x87: {  	_ =	shalt  }
.Lfunc_end0:
.L_simem_size_0:
called_computation.3_lowered:
.L_overlay_start_0:
0x88: {  	s2 =	sld [smem:$0x3FD9]  }
0x89: {  	s3 =	sld [smem:$0x3FFE];
	_ =	sdelay $0x1  }
0x8a: {  	s1 =	srdreg.scid  }
0x8b: {  	s0 =	sand.u32 $0x1, s1  }
0x8c: {  	s17 =	sshll.u32 s0, $0xA;
	s2 =	sadd.s32 s3, s2  }
0x8d: {  	s2 =	sadd.s32 s2, s17  }
0x8e: {  	[smem:$0x3FC1] =	sst s2  }
0x8f: {  	_ = 	snop  }
0x90: {  	s18 =	sld [smem:$0x3FD0];
	(tm) =	ssettm $0x1  }
0x91: {  	s19 =	sld [smem:$0x3FFB];
	_ =	sdelay $0x3  }
0x92: {  	_ =	strace s19  }
0x93: {  	s2 =	sld [smem:$0x3FFC];
	_ =	sdelay $0x3  }
0x94: {  	_ =	strace s2  }
0x95: {  	s2 =	sld [smem:$0x3FFD];
	_ =	sdelay $0x3  }
0x96: {  	_ =	strace s2  }
0x97: {  	_ =	strace $0x8FFFFFFF  }
0x98: {  	s20 =	sld [smem:$0x3FDB];
	_ =	sdelay $0x1  }
0x99: {  	s4 =	simm.s32 $_scs_section_size  }
0x9a: {  	s5 =	simm.s32 $_size__tile_overlayer_lowered;
	s6 =	simm.s32 $_tile_overlayer_lowered  }
0x9b: {  	s7 =	simm.s32 $0x1BFF;
	s21 =	sshll.u32 s6, $0x1;
	s4 =	sadd.s32 s4, s20  }
0x9c: {  	s22 =	simm.s32 $0x0;
	s5 =	sshll.u32 s5, $0x1;
	s6 =	sadd.s32 s21, s4  }
0x9d: {  	[timem:s22], [sflag:s7] =	dma.local [hbm:s6], s5  }
0x9e: {  	_ =	swait.ge [sflag:s7], s5  }
0x9f: {  	s5 =	ssub.s32 $0x0, s5;
	[sflag:s7] =	ssyncset.done $0x0  }
0xa0: {  	[sflag:s7] =	ssyncadd.s32 s5;
	_ =	sdelay $0x1  }
0xa1: {  	s23 =	simm.s32 $0x1B8B  }
0xa2: {  	_ =	swait.ge [sflag:s23], $0x1  }
0xa3: {  	[sflag:s23] =	ssyncset.done $0x0  }
0xa4: {  	[sflag:s23] =	ssyncadd.s32 $0xFFFFFFFF  }
0xa5: {  	s5 =	sld [smem:$0x0]  }
0xa6: {  	s6 =	sand.u32 $0xFFFFFFFE, s1  }
0xa7: {  	p0 =	sne.s32 s1, s6  }
0xa8: {  	s6 =	sshll.u32 @p0 s6, $0xE  }
0xa9: {  	s6 =	sadd.s32 @p0 $0x11B8D, s6;
	s7 =	sshll.u32 @p0 s5, $0x11  }
0xaa: {  	s6 =	sor.u32 @p0 s7, s6  }
0xab: {  	[sflag:s6] =	ssyncadd.remote.s32 @p0 $0x1;
	_ =	sdelay $0x1  }
0xac: {  	s6 =	simm.s32 @p0 $0x1B8D  }
0xad: {  	_ =	swait.eq @p0 [sflag:s6], $0x1  }
0xae: {  	[sflag:s6] =	ssyncadd.s32 @p0 $0xFFFFFFFF  }
0xaf: {  	s7 =	sshll.u32 @!p0 s1, $0xE  }
0xb0: {  	s7 =	sor.u32 @!p0 $0x4000, s7;
	s6 =	simm.s32 @!p0 $0x1B8D  }
0xb1: {  	s5 =	sshll.u32 @!p0 s5, $0x11;
	s7 =	sadd.s32 @!p0 $0x11B8D, s7;
	_ =	swait.eq @!p0 [sflag:s6], $0x1  }
0xb2: {  	s5 =	sor.u32 @!p0 s5, s7;
	[sflag:s6] =	ssyncadd.s32 @!p0 $0xFFFFFFFF  }
0xb3: {  	s25 =	simm.s32 $0x1B8E;
	s24 =	sld [smem:$0x3FFE];
	[sflag:s5] =	ssyncadd.remote.s32 @!p0 $0x1  }
0xb4: {  	s26 =	simm.s32 $execute0_lowered;
	[smem:$0x3FD2] =	sst s25  }
0xb5: {  	s6 =	sshll.u32 s26, $0x1;
	_ =	strace $0x80000052;
	[dreg:$0x1] =	wrdreg $0xFFFFFFFF  }
0xb6: {  	s28 =	simm.s32 $_size_execute0_lowered;
	s4 =	sadd.s32 s4, s6;
	[dreg:$0x0] =	wrdreg $0x0  }
0xb7: {  	s6 =	sshll.u32 s28, $0x1;
	[dreg:$0x2] =	wrdreg s4  }
0xb8: {  	[dreg:$0x3] =	wrdreg s6  }
0xb9: {  	[dreg:$0x4] =	wrdreg $0xC0  }
0xba: {  	_ =	task [dreg:s22], $0x5FFFF  }
0xbb: {  	[dreg:$0x1] =	wrdreg $0xFFFFFFFF  }
0xbc: {  	[dreg:$0x0] =	wrdreg $0x60  }
0xbd: {  	[dreg:$0x2] =	wrdreg s24  }
0xbe: {  	[dreg:$0x3] =	wrdreg s18  }
0xbf: {  	[dreg:$0x4] =	wrdreg $0x5C000  }
0xc0: {  	[dreg:$0x5] =	wrdreg $0x9  }
0xc1: {  	_ =	task.clear_ibuf [dreg:s22], $0x6FFFF;
	_ =	strace $0x90000052  }
0xc2: {  	s29 =	simm.s32 $0x9;
	_ =	strace $0x80000054  }
0xc3: {  	_ =	swait.ge [sflag:s29], $0x1  }
0xc4: {  	[sflag:s29] =	ssyncadd.s32 $0xFFFFFFFF  }
0xc5: {  	_ =	strace $0x90000054  }
0xc6: {  	_ =	sfence  }
0xc7: {  	s30 =	sld [smem:$0x0];
	_ =	sdelay $0x2  }
0xc8: {  	s31 =	sshll.u32 s1, $0xD;
	s1 =	sshrl.u32 s1, $0x2  }
0xc9: {  	s4 =	sand.u32 $0x4000, s31;
	s1 =	sadd.s32 s1, s30  }
0xca: {  	s0 =	sor.u32 s4, s0;
	s1 =	sshll.u32 s1, $0x11  }
0xcb: {  	s0 =	sor.u32 s1, s0  }
0xcc: {  	s0 =	sadd.s32 $0x8F2B, s0  }
0xcd: {  	[sflag:s0] =	ssyncadd.remote.s32 $0x1  }
0xce: {  	_ =	sfence.sel $0xFFFF  }
0xcf: {  	[dreg:$0x0] =	wrdreg $0xFFFFFFFF;
	(pc) =	sbr.abs _section_cstart, $3  }
0xd0: {  	[dreg:$0x1] =	wrdreg $0xFFFFFFFF  }
0xd1: {  	_ =	task.clear_ibuf [dreg:s22], $0x2FFFF;
	_ =	strace $0x9FFFFFFF  }
0xd2: {  	(tm) =	ssettm $0x7FFFFFFF  }
0xd3: {  	_ =	shalt  }
tec
execute0_lowered:
.L_overlay_start_1:
0x0: {  	(tag) =	ssettag $0x1  }
0x1: {  	s0 =	rddreg [dreg:$0x0]  }
0x2: {  	s3 =	rddreg [dreg:$0x1]  }
0x3: {  	s1 =	rddreg [dreg:$0x2];
	s2 =	simm.s32 $0x0  }
0x4: {  	s5 =	srdreg.scid;
	s10 =	stileid.u32;
	s18 =	simm.s32 $0x9  }
0x5: {  	s22 =	simm.s32 $0x1;
	s23 =	simm.s32 $0x50;
	s28 =	simm.s32 $0x8  }
0x6: {  	[smem:$0x7FF] =	sst s2;
	s4 =	sadd.s32 $0x2A00, s0;
	s15 =	sadd.s32 $0x65600, s0  }
0x7: {  	s0 =	sadd.s32 $0x67000, s0;
	s8 =	sand.u32 $0x1, s5;
	s26 =	sshll.u32 s10, $0x1  }
0x8: {  	s29 =	sshll.u32 s10, $0xD;
	s12 =	smul.u32 $0xC80, s10;
	_ =	strace $0x80000053  }
0x9: {  	s6 =	ssub.s32 $0x2, s8;
	s13 =	sor.u32 s8, s26;
	s5 =	sadd.s32 s29, s1  }
0xa: {  	s16 =	smul.u32 $0x640, s8;
	s26 =	simm.s32 $0x7;
	s7 =	sshrl.u32 s6, $0x1  }
0xb: {  	s9 =	smul.u32 $0x640, s13;
	s8 =	sadd.s32 $0x1800, s5;
	s31 =	sshll.u32 s13, $0xC  }
0xc: {  	s13 =	sshll.u32 s13, $0x9;
	s14 =	ssub.s32 s6, s7;
	s6 =	sadd.s32 $0x800, s5  }
0xd: {  	s7 =	sadd.s32 $0x1000, s5;
	s16 =	sadd.s32 s16, s12;
	s19 =	sadd.s32 s31, s1  }
.Ltmp0:
0xe: {  	s13 =	sadd.s32 s3, s13;
	s30 =	sshrl.u32 s9, $0x3;
	(pc) =	sbr.rel .LBB2_1-.Ltmp0, $4  }
0xf: {  	s16 =	sadd.s32 $0xA0, s16;
	s14 =	smax.u32 s14, $0x1;
	s25 =	sshrl.u32 s19, $0x3  }
0x10: {  	s9 =	sadd.s32 s15, s30;
	s17 =	sadd.s32 $0xA, s30;
	s10 =	sadd.s32 s0, s30  }
0x11: {  	s16 =	sshrl.u32 s16, $0x3;
	s11 =	sadd.s32 s15, s17;
	s12 =	sadd.s32 s0, s17  }
0x12: {  	v0 =	vimm.f32 $0.0e+00;
	s0 =	sadd.s32 s16, s0;
	s16 =	sadd.s32 s16, s15;
	s17 =	simm.s32 $0x5400  }
.LBB2_8:
0x13: {  	_ =	swait.ge [sflag:s26], $0x2800  }
0x14: {  	[sflag:s26] =	ssyncset.done $0x0  }
0x15: {  	[sflag:s26] =	ssyncadd.s32 $0xFFFFD800  }
0x16: {  	_ =	swait.ge [sflag:s28], $0x2800  }
0x17: {  	s3 =	stileid.u32;
	s2 =	sadd.s32 $0x1, s2;
	[sflag:s28] =	ssyncset.done $0x0  }
0x18: {  	s3 =	sshll.u32 s3, $0x6;
	p0 =	sne.s32 s2, s14;
	[sflag:s28] =	ssyncadd.s32 $0xFFFFD800  }
.Ltmp1:
0x19: {  	s3 =	sor.u32 $0x1C09, s3;
	[bflag:$0x0] =	sbarrier.arrive $0xFFFF;
	(pc) =	sbr.rel @!p0 .LBB2_9-.Ltmp1, $4  }
0x1a: {  	[hbm:s13], [sflag:s3] =	dma.local [spmem:s25], $0x200  }
0x1b: {  	_ =	swait.ge [sflag:s18], $0x200  }
0x1c: {  	[sflag:s18] =	ssyncset.done $0x0  }
0x1d: {  	[sflag:s18] =	ssyncadd.s32 $0xFFFFFE00  }
.LBB2_1:
0x1e: {  	s15 =	simm.s32 $0x0;
	s3 =	simm.s32 $0x200  }
.LBB2_2:
0x1f: {  	p0 =	sne.s32 s3, $0x1E00;
	[tilespmem:s15+$0x5470] =	vst v0  }
0x20: {  	[tilespmem:s15+$0x5400] =	vst v0  }
0x21: {  	[tilespmem:s15+$0x5410] =	vst v0  }
.Ltmp2:
0x22: {  	[tilespmem:s15+$0x5420] =	vst v0;
	(pc) =	sbr.rel @p0 .LBB2_2-.Ltmp2, $4  }
0x23: {  	[tilespmem:s15+$0x5430] =	vst v0  }
0x24: {  	[tilespmem:s15+$0x5440] =	vst v0  }
0x25: {  	[tilespmem:s15+$0x5450] =	vst v0  }
0x26: {  	[tilespmem:s15+$0x5460] =	vst v0;
	s15 =	sshra.s32 s3, $0x2;
	s3 =	sadd.s32 $0x200, s3  }
0x27: {  	[tilespmem:s15+$0x5470] =	vst v0  }
0x28: {  	[tilespmem:s15+$0x5400] =	vst v0  }
0x29: {  	[tilespmem:s15+$0x5410] =	vst v0  }
0x2a: {  	[tilespmem:s15+$0x5420] =	vst v0  }
0x2b: {  	[tilespmem:s15+$0x5430] =	vst v0  }
0x2c: {  	[tilespmem:s15+$0x5440] =	vst v0  }
0x2d: {  	[tilespmem:s15+$0x5450] =	vst v0  }
0x2e: {  	[tilespmem:s15+$0x5460] =	vst v0  }
0x2f: {  	[spmem:s5] =	stream.linear.scatter [tilespmem:s17], [sflag:$0x9], $0x800, $0x38;
	[tilespmem:$0x7C00] =	vst v63  }
0x30: {  	_ =	swait.ge [sflag:s18], $0x800  }
0x31: {  	[sflag:s18] =	ssyncset.done $0x0  }
0x32: {  	[sflag:s18] =	ssyncadd.s32 $0xFFFFF800  }
0x33: {  	[spmem:s6] =	stream.linear.scatter [tilespmem:s17], [sflag:$0x9], $0x800, $0x38;
	[tilespmem:$0x7C00] =	vst v63  }
0x34: {  	_ =	swait.ge [sflag:s18], $0x800  }
0x35: {  	[sflag:s18] =	ssyncset.done $0x0  }
0x36: {  	[sflag:s18] =	ssyncadd.s32 $0xFFFFF800  }
0x37: {  	[spmem:s7] =	stream.linear.scatter [tilespmem:s17], [sflag:$0x9], $0x800, $0x38;
	[tilespmem:$0x7C00] =	vst v63  }
0x38: {  	_ =	swait.ge [sflag:s18], $0x800  }
0x39: {  	[sflag:s18] =	ssyncset.done $0x0  }
0x3a: {  	[sflag:s18] =	ssyncadd.s32 $0xFFFFF800  }
0x3b: {  	[spmem:s8] =	stream.linear.scatter [tilespmem:s17], [sflag:$0x9], $0x800, $0x38;
	[tilespmem:$0x7C00] =	vst v63  }
0x3c: {  	_ =	swait.ge [sflag:s18], $0x800  }
0x3d: {  	[sflag:s18] =	ssyncset.done $0x0  }
0x3e: {  	[sflag:s18] =	ssyncadd.s32 $0xFFFFF800  }
0x3f: {  	s29 =	simm.s32 $0x0;
	[bflag:$0x0] =	sbarrier.arrive $0xFFFF  }
0x40: {  	[tilespmem:s29], [sflag:$0x1] =	stream.linear.gather [hbm4b:s9+s29], $0x50, $0x38;
	[tilespmem:$0x7C00] =	vst v63  }
0x41: {  	s3 =	simm.s32 $0x200  }
0x42: {  	[tilespmem:s3], [sflag:$0x1] =	stream.linear.gather [hbm4b:s10+s29], $0x50, $0x38;
	[tilespmem:$0x7C00] =	vst v63  }
0x43: {  	s20 =	simm.s32 $0x80  }
0x44: {  	[tilespmem:s20], [sflag:$0x2] =	stream.linear.gather [hbm4b:s11+s29], $0x50, $0x38;
	[tilespmem:$0x7C00] =	vst v63  }
0x45: {  	s21 =	simm.s32 $0x280  }
0x46: {  	[tilespmem:s21], [sflag:$0x2] =	stream.linear.gather [hbm4b:s12+s29], $0x50, $0x38;
	[tilespmem:$0x7C00] =	vst v63  }
0x47: {  	_ =	swait.ge [sflag:s22], $0x50  }
0x48: {  	[sflag:s22] =	ssyncset.done $0x0  }
.Ltmp3:
0x49: {  	[sflag:s22] =	ssyncadd.s32 $0xFFFFFFB0;
	(pc) =	sbr.rel .LBB2_4-.Ltmp3, $4  }
0x4a: {  	_ =	swait.ge [sflag:s22], $0x50  }
0x4b: {  	s24 =	simm.s32 $0x400;
	s30 =	simm.s32 $0x2;
	[sflag:s22] =	ssyncset.done $0x0  }
0x4c: {  	s31 =	smov.u32 s16;
	s15 =	smov.u32 s0;
	[sflag:s22] =	ssyncadd.s32 $0xFFFFFFB0  }
0x4d: {  	[tilespmem:s24], [sflag:$0x5] =	stream.indirect.gather [hbm4b:s4+s23], $0x80, s29, s23, $0xb8;
	[tilespmem:$0x7C00] =	vst v63  }
.LBB2_7:
0x4e: {  	s3 =	sadd.s32 $0xFFFFFFFF, s30  }
0x4f: {  	s19 =	sand.u32 $0x3, s3  }
0x50: {  	s20 =	sadd.s32 $0x1, s19  }
0x51: {  	s30 =	sadd.s32 $0x1, s30;
	s3 =	sand.u32 $0x1, s3;
	_ =	swait.ge [sflag:s20], $0x50  }
0x52: {  	p0 =	sne.s32 s30, $0x16;
	s21 =	smul.u32 $0xA000, s3;
	[sflag:s20] =	ssyncset.done $0x0  }
.Ltmp4:
0x53: {  	s15 =	sadd.s32 $0xA, s15;
	[sflag:s20] =	ssyncadd.s32 $0xFFFFFFB0;
	(pc) =	sbr.rel @!p0 .LBB2_8-.Ltmp4, $4  }
0x54: {  	s31 =	sadd.s32 $0xA, s31;
	s29 =	sadd.s32 $0x80, s29;
	_ =	swait.ge [sflag:s20], $0x50  }
0x55: {  	s19 =	sshll.u32 s19, $0x7;
	s24 =	sshrl.u32 s21, $0x2;
	[sflag:s20] =	ssyncset.done $0x0  }
0x56: {  	s3 =	sadd.s32 $0x5, s3;
	[sflag:s20] =	ssyncadd.s32 $0xFFFFFFB0;
	s20 =	sor.u32 $0x400, s24  }
0x57: {  	[tilespmem:s20], [sflag:s3] =	stream.indirect.gather [hbm4b:s4+s23], $0x80, s19, s23, $0xb8;
	[tilespmem:$0x7C00] =	vst v63  }
.LBB2_4:
0x58: {  	s19 =	sadd.s32 $0xFFFFFFFE, s30  }
0x59: {  	s3 =	sand.u32 $0x1, s19  }
0x5a: {  	s20 =	smul.u32 $0xA000, s3  }
0x5b: {  	s21 =	sadd.s32 $0x5, s3  }
0x5c: {  	s24 =	sand.u32 $0x180, s29;
	_ =	swait.ge [sflag:s21], $0x2800;
	s20 =	sshrl.u32 s20, $0x2  }
0x5d: {  	p0 =	sgt.u32 s19, $0x11;
	[sflag:s21] =	ssyncset.done $0x0;
	s20 =	sor.u32 $0x400, s20  }
0x5e: {  	[sflag:s21] =	ssyncadd.s32 $0xFFFFD800;
	s21 =	sor.u32 $0x200, s24;
	s24 =	sadd.s32 $0x7, s3  }
0x5f: {  	[spmem:s1] =	stream.indirect.scatter.add.f32 [tilespmem:s20], [sflag:s24], $0x80, s21, s23, $0xb8;
	[tilespmem:$0x7C00] =	vst v63  }
0x60: {  	s20 =	sand.u32 @!p0 $0x3, s30  }
0x61: {  	s24 =	simm.s32 @!p0 $0x0;
	s21 =	sadd.s32 @!p0 $0x1, s20;
	s20 =	sshll.u32 @!p0 s20, $0x7  }
0x62: {  	[tilespmem:s20], [sflag:s21] =	stream.linear.gather @!p0 [hbm4b:s31+s24], $0x50, $0x38;
	[tilespmem:$0x7C00] =	vst v63  }
0x63: {  	s20 =	sor.u32 @!p0 $0x200, s20  }
0x64: {  	[tilespmem:s20], [sflag:s21] =	stream.linear.gather @!p0 [hbm4b:s15+s24], $0x50, $0x38;
	[tilespmem:$0x7C00] =	vst v63  }
0x65: {  	p0 =	seq.s32 s19, $0x0  }
.Ltmp5:
0x66: {  	_ = 	snop;
	(pc) =	sbr.rel @p0 .LBB2_7-.Ltmp5, $1  }
0x67: {  	_ =	sdelay $0x3  }
0x68: {  	p0 =	seq.s32 s19, $0x13  }
.Ltmp6:
0x69: {  	_ = 	snop;
	(pc) =	sbr.rel @p0 .LBB2_8-.Ltmp6, $1  }
0x6a: {  	_ =	sdelay $0x3  }
.Ltmp7:
0x6b: {  	s3 =	sxor.u32 $0x1, s3;
	(pc) =	sbr.rel .LBB2_7-.Ltmp7, $4  }
0x6c: {  	s3 =	sadd.s32 $0x7, s3  }
0x6d: {  	_ =	swait.ge [sflag:s3], $0x2800  }
0x6e: {  	[sflag:s3] =	ssyncset.done $0x0  }
0x6f: {  	[sflag:s3] =	ssyncadd.s32 $0xFFFFD800  }
.LBB2_9:
0x70: {  	_ =	sfence.sel $0x180000  }
0x71: {  	[bflag:$0x0] =	sbarrier.arrive $0xFFFF  }
0x72: {  	_ =	strace $0x90000053  }
0x73: {  	s0 =	stileid.u32;
	[bflag:$0x2] =	sbarrier.arrive $0xFFFF  }
0x74: {  	p0 =	sne.s32 s0, $0x0;
	s0 =	rddreg [dreg:$0x3]  }
0x75: {  	s0 =	sadd.s32 @!p0 $0x100000, s0  }
0x76: {  	[sflag:s0] =	ssyncadd.tile.s32 @!p0 $0x1;
	_ =	shalt  }
.Lfunc_end2:
_tile_overlayer_lowered:
.L_overlay_start_2:
0x77: {  	(tag) =	ssettag $0x2  }
0x78: {  	s0 =	rddreg [dreg:$0x0];
	s2 =	stileid.u32  }
0x79: {  	s1 =	rddreg [dreg:$0x1];
	p0 =	sne.s32 s2, $0x0  }
0x7a: {  	s3 =	rddreg [dreg:$0x2];
	[bflag:$0x3] =	sbarrier.arrive $0xFFFF;
	s2 =	simm.s32 @!p0 $0x1C09  }
0x7b: {  	[timem:s3], [sflag:s2] =	dma.local @!p0 [hbm:s0], s1  }
0x7c: {  	s0 =	simm.s32 @!p0 $0x9  }
0x7d: {  	_ =	swait.ge @!p0 [sflag:s0], s1  }
0x7e: {  	s1 =	ssub.s32 @!p0 $0x0, s1;
	[sflag:s0] =	ssyncset.done @!p0 $0x0  }
0x7f: {  	[sflag:s0] =	ssyncadd.s32 @!p0 s1  }
0x80: {  	[bflag:$0x3] =	sbarrier.arrive $0xFFFF  }
0x81: {  	_ =	shalt  }

// kernel: kernel.22.cloned.1.call-start
scs
__scs_entry_jumppad:
0x0: {  	(pc) =	sbr.rel $0x88, $3  }
0x1: {  	(tag) =	ssettag $0x0;
	lr =	simm.s32 $0x1  }
0x2: {  	[smem:$0x3F9A] =	sst lr;
	_ =	strace $0xD0000000  }
0x3: {  	_ = 	snop  }
0x4: {  	_ = 	snop  }
0x5: {  	_ = 	snop  }
0x6: {  	_ = 	snop  }
0x7: {  	_ = 	snop  }
__scs_overlays_trampoline_lowered:
0x8: {  	[smem:$0x3FA9] =	sst s0  }
0x9: {  	[smem:$0x3FAA] =	sst s1  }
0xa: {  	[smem:$0x3FAB] =	sst s2  }
0xb: {  	[smem:$0x3FAC] =	sst s3  }
0xc: {  	[smem:$0x3FAD] =	sst s4  }
0xd: {  	[smem:$0x3FAE] =	sst s5  }
0xe: {  	[smem:$0x3FAF] =	sst s6  }
0xf: {  	[smem:$0x3FB0] =	sst s7  }
0x10: {  	[smem:$0x3FB1] =	sst s8  }
0x11: {  	[smem:$0x3FB2] =	sst s9;
	s0 =	simm.s32 @!p0 $0x0  }
0x12: {  	s1 =	sld [smem:$0x3F98];
	s0 =	simm.s32 @p0 $0x1  }
0x13: {  	[smem:$0x3FB3] =	sst s0;
	s0 =	simm.s32 @!p1 $0x0  }
0x14: {  	s2 =	sld [smem:$0x3F97];
	s0 =	simm.s32 @p1 $0x1  }
0x15: {  	[smem:$0x3FB4] =	sst s0;
	s0 =	simm.s32 @!p2 $0x0  }
0x16: {  	s3 =	sld [smem:$0x3FDB];
	s0 =	simm.s32 @p2 $0x1  }
0x17: {  	s4 =	simm.s32 $0x1BF5;
	[smem:$0x3FB6] =	sst s0  }
0x18: {  	s0 =	sld [smem:$0x3F99];
	_ =	swait.ge [sflag:s4], $0x0  }
0x19: {  	s7 =	sld [smem:$0x3F9A]  }
0x1a: {  	s8 =	sadd.s32 $0xFFFFE003, lr  }
0x1b: {  	s9 =	sadd.s32 $0xFFFFFEF7, lr;
	s5 =	simm.s32 $0xFFFFFFFF;
	p2 =	slt.u32 s8, $0xFFFFF086  }
0x1c: {  	p1 =	slt.u32 s9, $0xF7A;
	s5 =	simm.s32 @!p2 $0x0  }
0x1d: {  	s5 =	simm.s32 @p1 $0x1;
	p0 =	seq.s32 s7, s2  }
0x1e: {  	s7 =	smul.u32 @!p0 $0xF7A, s2;
	p2 =	seq.s32 @!p0 s5, $0x0  }
0x1f: {  	s9 =	smul.u32 $0xF7A, s1;
	s8 =	simm.s32 @!p0 $0x1BF5;
	p2 =	por !p2, p0  }
0x20: {  	[sflag:s8] =	ssyncset.s32 @!p0 $0xFFFFF086;
	s6 =	sadd.s32 @!p0 s3, s7;
	s7 =	simm.s32 @!p0 $0x108  }
0x21: {  	s3 =	sadd.s32 s3, s9;
	s6 =	sadd.s32 @!p0 $0x88, s6;
	s7 =	simm.s32 @p2 $0x1082  }
0x22: {  	[simem:s7], [sflag:s8] =	dma.local @!p0 [hbm:s6], $0xF7A  }
0x23: {  	s9 =	sor.u32 $0xD0000000, s2;
	s6 =	simm.s32 $0x108;
	_ =	swait.ge @!p0 [sflag:s8], $0x0  }
0x24: {  	s3 =	sadd.s32 $0x88, s3;
	s6 =	simm.s32 @!p1 $0x1082;
	[sflag:s4] =	ssyncset.s32 $0xFFFFF086  }
0x25: {  	[simem:s6], [sflag:s4] =	dma.local [hbm:s3], $0xF7A  }
0x26: {  	[smem:$0x3F9A] =	sst s1;
	(tag) =	ssettag s2;
	_ =	strace s9  }
0x27: {  	s1 =	sld [smem:$0x3FAA]  }
0x28: {  	s2 =	sld [smem:$0x3FAB]  }
0x29: {  	s4 =	sld [smem:$0x3FAD]  }
0x2a: {  	p0 =	seq.s32 s5, $0x0;
	s5 =	sld [smem:$0x3FAE]  }
0x2b: {  	s6 =	sld [smem:$0x3FAF]  }
0x2c: {  	s7 =	sld [smem:$0x3FB0]  }
0x2d: {  	s3 =	simm.s32 $0x108;
	s8 =	sld [smem:$0x3FB1]  }
0x2e: {  	s3 =	simm.s32 @!p0 $0x1082;
	s9 =	sld [smem:$0x3FB2]  }
0x2f: {  	lr =	sadd.s32 s0, s3;
	s0 =	sld [smem:$0x3FA9]  }
0x30: {  	s3 =	sld [smem:$0x3FAC]  }
0x31: {  	[smem:$0x3FB5] =	sst s10  }
0x32: {  	s10 =	sld [smem:$0x3FB3];
	_ =	sdelay $0x3  }
0x33: {  	p0 =	seq.s32 s10, $0x1;
	s10 =	sld [smem:$0x3FB5];
	_ =	sdelay $0x3  }
0x34: {  	[smem:$0x3FB5] =	sst s10  }
0x35: {  	s10 =	sld [smem:$0x3FB4];
	_ =	sdelay $0x3  }
0x36: {  	p1 =	seq.s32 s10, $0x1;
	s10 =	sld [smem:$0x3FB5];
	_ =	sdelay $0x3  }
0x37: {  	[smem:$0x3FB5] =	sst s10  }
0x38: {  	s10 =	sld [smem:$0x3FB6]  }
0x39: {  	_ = 	snop;
	(pc) =	sbr.ind lr, $3  }
0x3a: {  	_ = 	snop  }
0x3b: {  	_ = 	snop  }
0x3c: {  	p2 =	seq.s32 s10, $0x1;
	s10 =	sld [smem:$0x3FB5]  }
0x3d: {  	_ =	shalt  }
0x3e: {  	_ =	shalt  }
0x3f: {  	_ =	shalt  }
0x40: {  	_ =	shalt  }
0x41: {  	_ =	shalt  }
0x42: {  	_ =	shalt  }
0x43: {  	_ =	shalt  }
0x44: {  	_ =	shalt  }
0x45: {  	_ =	shalt  }
0x46: {  	_ =	shalt  }
0x47: {  	_ =	shalt  }
0x48: {  	_ =	shalt  }
0x49: {  	_ =	shalt  }
0x4a: {  	_ =	shalt  }
0x4b: {  	_ =	shalt  }
0x4c: {  	_ =	shalt  }
0x4d: {  	_ =	shalt  }
0x4e: {  	_ =	shalt  }
0x4f: {  	_ =	shalt  }
0x50: {  	_ =	shalt  }
0x51: {  	_ =	shalt  }
0x52: {  	_ =	shalt  }
0x53: {  	_ =	shalt  }
0x54: {  	_ =	shalt  }
0x55: {  	_ =	shalt  }
0x56: {  	_ =	shalt  }
0x57: {  	_ =	shalt  }
0x58: {  	_ =	shalt  }
0x59: {  	_ =	shalt  }
0x5a: {  	_ =	shalt  }
0x5b: {  	_ =	shalt  }
0x5c: {  	_ =	shalt  }
0x5d: {  	_ =	shalt  }
0x5e: {  	_ =	shalt  }
0x5f: {  	_ =	shalt  }
0x60: {  	_ =	shalt  }
0x61: {  	_ =	shalt  }
0x62: {  	_ =	shalt  }
0x63: {  	_ =	shalt  }
0x64: {  	_ =	shalt  }
0x65: {  	_ =	shalt  }
0x66: {  	_ =	shalt  }
0x67: {  	_ =	shalt  }
0x68: {  	_ =	shalt  }
0x69: {  	_ =	shalt  }
0x6a: {  	_ =	shalt  }
0x6b: {  	_ =	shalt  }
0x6c: {  	_ =	shalt  }
0x6d: {  	_ =	shalt  }
0x6e: {  	_ =	shalt  }
0x6f: {  	_ =	shalt  }
0x70: {  	_ =	shalt  }
0x71: {  	_ =	shalt  }
0x72: {  	_ =	shalt  }
0x73: {  	_ =	shalt  }
0x74: {  	_ =	shalt  }
0x75: {  	_ =	shalt  }
0x76: {  	_ =	shalt  }
0x77: {  	_ =	shalt  }
0x78: {  	_ =	shalt  }
0x79: {  	_ =	shalt  }
0x7a: {  	_ =	shalt  }
0x7b: {  	_ =	shalt  }
0x7c: {  	_ =	shalt  }
0x7d: {  	_ =	shalt  }
0x7e: {  	_ =	shalt  }
0x7f: {  	_ =	shalt  }
0x80: {  	_ =	shalt  }
0x81: {  	_ =	shalt  }
0x82: {  	_ =	shalt  }
0x83: {  	_ =	shalt  }
0x84: {  	_ =	shalt  }
0x85: {  	_ =	shalt  }
0x86: {  	_ =	shalt  }
0x87: {  	_ =	shalt  }
.Lfunc_end0:
.L_simem_size_0:
called_computation.4_lowered:
.L_overlay_start_0:
0x88: {  	s2 =	sld [smem:$0x3FD9]  }
0x89: {  	s3 =	sld [smem:$0x3FFE];
	_ =	sdelay $0x1  }
0x8a: {  	s1 =	srdreg.scid  }
0x8b: {  	s0 =	sand.u32 $0x1, s1  }
0x8c: {  	s16 =	sshll.u32 s0, $0xA;
	s2 =	sadd.s32 s3, s2  }
0x8d: {  	s2 =	sadd.s32 s2, s16  }
0x8e: {  	[smem:$0x3FC1] =	sst s2  }
0x8f: {  	_ = 	snop  }
0x90: {  	(tm) =	ssettm $0x1  }
0x91: {  	s17 =	sld [smem:$0x3FFB];
	_ =	sdelay $0x3  }
0x92: {  	_ =	strace s17  }
0x93: {  	s2 =	sld [smem:$0x3FFC];
	_ =	sdelay $0x3  }
0x94: {  	_ =	strace s2  }
0x95: {  	s2 =	sld [smem:$0x3FFD];
	_ =	sdelay $0x3  }
0x96: {  	_ =	strace s2  }
0x97: {  	_ =	strace $0x8FFFFFFF  }
0x98: {  	s18 =	sld [smem:$0x3FDB];
	_ =	sdelay $0x1  }
0x99: {  	s19 =	simm.s32 $_scs_section_size  }
0x9a: {  	s4 =	simm.s32 $_size__tile_overlayer_lowered;
	s5 =	simm.s32 $_tile_overlayer_lowered  }
0x9b: {  	s22 =	simm.s32 $0x1BFF;
	s21 =	sshll.u32 s5, $0x1;
	s2 =	sadd.s32 s19, s18  }
0x9c: {  	s6 =	simm.s32 $0x0;
	s20 =	sshll.u32 s4, $0x1;
	s4 =	sadd.s32 s21, s2  }
0x9d: {  	[timem:s6], [sflag:s22] =	dma.local [hbm:s4], s20  }
0x9e: {  	_ =	swait.ge [sflag:s22], s20  }
0x9f: {  	s3 =	ssub.s32 $0x0, s20;
	[sflag:s22] =	ssyncset.done $0x0  }
0xa0: {  	[sflag:s22] =	ssyncadd.s32 s3;
	_ =	sdelay $0x1  }
0xa1: {  	s23 =	simm.s32 $0x1B8B  }
0xa2: {  	_ =	swait.ge [sflag:s23], $0x1  }
0xa3: {  	[sflag:s23] =	ssyncset.done $0x0  }
0xa4: {  	s25 =	simm.s32 $0x1B8E;
	s24 =	sld [smem:$0x3FFE];
	[sflag:s23] =	ssyncadd.s32 $0xFFFFFFFF  }
0xa5: {  	s26 =	simm.s32 $execute0_lowered;
	[smem:$0x3FD2] =	sst s25  }
0xa6: {  	s4 =	sshll.u32 s26, $0x1;
	_ =	strace $0x8000004F;
	[dreg:$0x1] =	wrdreg $0xFFFFFFFF  }
0xa7: {  	s28 =	simm.s32 $_size_execute0_lowered;
	s2 =	sadd.s32 s2, s4;
	[dreg:$0x0] =	wrdreg $0x0  }
0xa8: {  	s4 =	sshll.u32 s28, $0x1;
	[dreg:$0x2] =	wrdreg s2  }
0xa9: {  	[dreg:$0x3] =	wrdreg s4  }
0xaa: {  	[dreg:$0x4] =	wrdreg $0xC0  }
0xab: {  	_ =	task [dreg:s6], $0x5FFFF  }
0xac: {  	[dreg:$0x1] =	wrdreg $0xFFFFFFFF  }
0xad: {  	[dreg:$0x0] =	wrdreg $0x60  }
0xae: {  	[dreg:$0x2] =	wrdreg s24  }
0xaf: {  	[dreg:$0x3] =	wrdreg $0xA  }
0xb0: {  	_ =	task.clear_ibuf [dreg:s6], $0x4FFFF;
	_ =	strace $0x9000004F  }
0xb1: {  	s29 =	simm.s32 $0xA;
	_ =	strace $0x80000051  }
0xb2: {  	_ =	swait.ge [sflag:s29], $0x1  }
0xb3: {  	[sflag:s29] =	ssyncadd.s32 $0xFFFFFFFF  }
0xb4: {  	_ =	strace $0x90000051  }
0xb5: {  	_ =	sfence  }
0xb6: {  	s30 =	sld [smem:$0x0];
	_ =	sdelay $0x2  }
0xb7: {  	s31 =	sshll.u32 s1, $0xD;
	s1 =	sshrl.u32 s1, $0x2  }
0xb8: {  	s3 =	sand.u32 $0x4000, s31;
	s1 =	sadd.s32 s1, s30  }
0xb9: {  	s0 =	sor.u32 s3, s0;
	s1 =	sshll.u32 s1, $0x11  }
0xba: {  	s0 =	sor.u32 s1, s0  }
0xbb: {  	s0 =	sadd.s32 $0x8F2B, s0  }
0xbc: {  	[sflag:s0] =	ssyncadd.remote.s32 $0x1  }
0xbd: {  	_ =	sfence.sel $0xFFFF  }
0xbe: {  	[dreg:$0x0] =	wrdreg $0xFFFFFFFF;
	(pc) =	sbr.abs _section_cstart, $3  }
0xbf: {  	[dreg:$0x1] =	wrdreg $0xFFFFFFFF  }
0xc0: {  	_ =	task.clear_ibuf [dreg:s6], $0x2FFFF;
	_ =	strace $0x9FFFFFFF  }
0xc1: {  	(tm) =	ssettm $0x7FFFFFFF  }
tec
execute0_lowered:
.L_overlay_start_1:
0x0: {  	(tag) =	ssettag $0x1  }
0x1: {  	s4 =	rddreg [dreg:$0x0]  }
0x2: {  	s0 =	rddreg [dreg:$0x1]  }
0x3: {  	s3 =	srdreg.scid;
	s1 =	stileid.u32;
	s2 =	simm.s32 $0x0  }
0x4: {  	s11 =	simm.s32 $0x2E00;
	s12 =	simm.s32 $0x3480;
	s13 =	simm.s32 $0x0  }
0x5: {  	s5 =	sand.u32 $0x1, s3;
	s30 =	sshll.u32 s1, $0x1;
	[smem:$0x7FF] =	sst s2  }
0x6: {  	s3 =	sadd.s32 $0x2A200, s4;
	s6 =	sor.u32 s5, s30;
	_ =	strace $0x80000050  }
0x7: {  	s5 =	ssub.s32 $0x2, s5;
	s7 =	smul.u32 $0xC8, s6;
	s8 =	sshll.u32 s6, $0x2  }
0x8: {  	s31 =	sshrl.u32 s5, $0x1;
	s10 =	sshll.u32 s6, $0x5;
	s8 =	sadd.s32 s8, s4  }
0x9: {  	s9 =	ssub.s32 s5, s31;
	s7 =	sadd.s32 s7, s4;
	s6 =	sadd.s32 $0x2A800, s8  }
0xa: {  	s8 =	smax.u32 s9, $0x1;
	s9 =	simm.s32 $0x1;
	s4 =	sadd.s32 $0x65600, s7  }
0xb: {  	v0 =	vimm.f32 $0.0e+00;
	s5 =	sadd.s32 $0x67000, s7;
	s7 =	sadd.s32 $0x3480, s10;
	s10 =	simm.s32 $0x2780  }
.LBB2_1:
0xc: {  	s14 =	simm.s32 $0x40;
	s15 =	simm.s32 $0x0  }
.LBB2_2:
0xd: {  	p0 =	sne.s32 s14, $0xFC0;
	[tilespmem:s15+$0x3480] =	vst v0;
	s15 =	smov.u32 s14;
	s14 =	sadd.s32 $0x40, s14  }
.Ltmp0:
0xe: {  	(pc) =	sbr.rel @p0 .LBB2_2-.Ltmp0, $2  }
0xf: {  	_ =	sdelay $0x2  }
0x10: {  	s15 =	sshra.s32 s15, $0x2  }
0x11: {  	[tilespmem:s15+$0x3480] =	vst v0;
	s14 =	simm.s32 $0x0  }
0x12: {  	[tilespmem:s14], [sflag:$0x1] =	stream.linear.gather [hbm4b:s3+s14], $0x2780, $0x38;
	[tilespmem:$0x3880] =	vst v63  }
0x13: {  	_ =	swait.ge [sflag:s9], $0x2780  }
0x14: {  	[sflag:s9] =	ssyncset.done $0x0  }
0x15: {  	[sflag:s9] =	ssyncadd.s32 $0xFFFFD880  }
0x16: {  	[tilespmem:s10], [sflag:$0x1] =	stream.linear.gather [hbm4b:s4+s14], $0x640, $0x38;
	[tilespmem:$0x3880] =	vst v63  }
0x17: {  	_ =	swait.ge [sflag:s9], $0x640  }
0x18: {  	[sflag:s9] =	ssyncset.done $0x0  }
0x19: {  	[sflag:s9] =	ssyncadd.s32 $0xFFFFF9C0  }
0x1a: {  	[tilespmem:s11], [sflag:$0x1] =	stream.linear.gather [hbm4b:s5+s14], $0x640, $0x38;
	[tilespmem:$0x3880] =	vst v63  }
0x1b: {  	_ =	swait.ge [sflag:s9], $0x640  }
0x1c: {  	[sflag:s9] =	ssyncset.done $0x0  }
0x1d: {  	s15 =	simm.s32 $0x0;
	s14 =	simm.s32 $0x40;
	[sflag:s9] =	ssyncadd.s32 $0xFFFFF9C0  }
.LBB2_4:
0x1e: {  	p0 =	sne.s32 s14, $0x18C0;
	v1 =	vld [tilespmem:s15+$0x2780];
	_ =	sdelay $0x5  }
0x1f: {  	v2 =	vld [tilespmem:s15+$0x2E00];
	_ =	sdelay $0x1  }
0x20: {  	v1 =	vld.idx.msk [tilespmem:v1+s2+$0x0], $0xffff;
	_ =	sdelay $0x1  }
.Ltmp1:
0x21: {  	(pc) =	sbr.rel @p0 .LBB2_4-.Ltmp1, $2  }
0x22: {  	_ =	sdelay $0x2  }
0x23: {  	s15 =	sshra.s32 s14, $0x2;
	s14 =	sadd.s32 $0x40, s14;
	[tilespmem:v2+s12+$0x0] =	vst.idx.add.f32.msk $0xffff, v1  }
0x24: {  	v1 =	vld [tilespmem:s15+$0x2780];
	_ =	sdelay $0x4  }
0x25: {  	v2 =	vld [tilespmem:s15+$0x2E00];
	_ =	sdelay $0x2  }
0x26: {  	v1 =	vld.idx.msk [tilespmem:v1+s2+$0x0], $0xffff;
	_ =	sdelay $0x2  }
0x27: {  	s13 =	sadd.s32 $0x1, s13  }
0x28: {  	p0 =	sne.s32 s13, s8  }
.Ltmp2:
0x29: {  	[tilespmem:v2+s12+$0x0] =	vst.idx.add.f32.msk $0xffff, v1;
	(pc) =	sbr.rel @p0 .LBB2_1-.Ltmp2, $4  }
0x2a: {  	[hbm4b:s6+s2] =	stream.linear.scatter [tilespmem:s7], [sflag:$0x1], $0x20, $0x38;
	[tilespmem:$0x3880] =	vst v63  }
0x2b: {  	_ =	swait.ge [sflag:s9], $0x20  }
0x2c: {  	[sflag:s9] =	ssyncset.done $0x0  }
0x2d: {  	[sflag:s9] =	ssyncadd.s32 $0xFFFFFFE0  }
0x2e: {  	_ =	sfence.sel $0x180000  }
0x2f: {  	[bflag:$0x0] =	sbarrier.arrive $0xFFFF  }
0x30: {  	p0 =	sne.s32 s1, $0x0;
	_ =	strace $0x90000050  }
0x31: {  	s0 =	sadd.s32 @!p0 $0x100000, s0;
	[bflag:$0x2] =	sbarrier.arrive $0xFFFF  }
0x32: {  	[sflag:s0] =	ssyncadd.tile.s32 @!p0 $0x1;
	_ =	shalt  }
.Lfunc_end2:
_tile_overlayer_lowered:
.L_overlay_start_2:
0x33: {  	(tag) =	ssettag $0x2  }
0x34: {  	s0 =	rddreg [dreg:$0x0];
	s2 =	stileid.u32  }
0x35: {  	s1 =	rddreg [dreg:$0x1];
	p0 =	sne.s32 s2, $0x0  }
0x36: {  	s3 =	rddreg [dreg:$0x2];
	[bflag:$0x3] =	sbarrier.arrive $0xFFFF;
	s2 =	simm.s32 @!p0 $0x1C01  }
0x37: {  	[timem:s3], [sflag:s2] =	dma.local @!p0 [hbm:s0], s1  }
0x38: {  	s0 =	simm.s32 @!p0 $0x1  }
0x39: {  	_ =	swait.ge @!p0 [sflag:s0], s1  }
0x3a: {  	s1 =	ssub.s32 @!p0 $0x0, s1;
	[sflag:s0] =	ssyncset.done @!p0 $0x0  }
0x3b: {  	[sflag:s0] =	ssyncadd.s32 @!p0 s1  }
0x3c: {  	[bflag:$0x3] =	sbarrier.arrive $0xFFFF  }
0x3d: {  	_ =	shalt  }

</sc_bundles>
